<compile_context>
chip_gen: v7x
topology: tpu7x:2x2x1
jax: 0.10.2.dev20260603
libtpu: 0.0.44.dev20260713+nightly
codegen_flags: <defaults>
</compile_context>

<pallas_src>
import functools

import jax
import jax.numpy as jnp
from jax import lax
from jax.experimental import pallas as pl
from jax.experimental.pallas import tpu as pltpu
from jax.experimental.pallas import tpu_sc as plsc

N = 10000
E = 320000
IN = 128
HID = 16

NC = 2
NS = 16
NW = NC * NS
EPT = E // NW
EB = 100
NBLK = EPT // EB
CH = 20
NCH = NBLK // CH
RPT = 624

NB = 400
NG = N // NB



def _elu(x):
    return jnp.where(x > 0, x, jnp.exp(x) - 1.0)


def _pack_tables(h, a_src, a_dst, H, tab_ref, dtab_ref, cm_ref, k):
    nb = h.shape[0]
    h3 = h.reshape(nb, H, HID)
    As = jnp.sum(h3 * a_src[None, :, :], axis=-1)
    Ad = jnp.sum(h3 * a_dst[None, :, :], axis=-1)
    pad = jnp.zeros((nb, 16 - H), dtype=jnp.float32)
    tab_ref[...] = jnp.concatenate([h, As, pad], axis=1)
    dtab_ref[...] = jnp.concatenate([Ad, pad], axis=1)
    if H == 8:
        parts = [jnp.max(As, axis=0), jnp.max(Ad, axis=0)]
    else:
        z8 = jnp.zeros((8 - H,), dtype=jnp.float32)
        parts = [jnp.max(As, axis=0), z8, jnp.max(Ad, axis=0), z8]
    bm = jnp.concatenate(parts).reshape(1, 16)

    @pl.when(k == 0)
    def _():
        cm_ref[...] = bm

    @pl.when(k > 0)
    def _():
        cm_ref[...] = jnp.maximum(cm_ref[...], bm)


def _pre_first_body(x_ref, W_ref, as_ref, ad_ref, tab_ref, dtab_ref, cm_ref):
    k = pl.program_id(0)
    h = jnp.dot(x_ref[...], W_ref[...], preferred_element_type=jnp.float32)
    _pack_tables(h, as_ref[...], ad_ref[...], 8, tab_ref, dtab_ref, cm_ref, k)


def _pre_mid_body(H, acc_ref, b_ref, W_ref, as_ref, ad_ref,
                  tab_ref, dtab_ref, cm_ref):
    k = pl.program_id(0)
    a = acc_ref[0] + acc_ref[1]
    den = a[:, IN:IN + 8]
    den16 = jnp.broadcast_to(den[:, :, None], (NB, 8, 16)).reshape(NB, IN)
    x = _elu(a[:, :IN] / (den16 + 1e-16) + b_ref[...])
    h = jnp.dot(x, W_ref[...], preferred_element_type=jnp.float32)
    _pack_tables(h, as_ref[...], ad_ref[...], H, tab_ref, dtab_ref, cm_ref, k)


def _fin_body(acc_ref, b_ref, wc_ref, bc_ref, out_ref):
    a = acc_ref[0] + acc_ref[1]
    den = jnp.broadcast_to(a[:, HID:HID + 1], (NB, HID))
    x = _elu(a[:, :HID] / (den + 1e-16) + b_ref[...])
    logits = jnp.sum(x * wc_ref[...], axis=1, keepdims=True) + bc_ref[...]
    out_ref[...] = jax.nn.sigmoid(logits)


def _tc_pre_first(x, W, a_src, a_dst):
    return pl.pallas_call(
        _pre_first_body,
        grid=(NG,),
        in_specs=[
            pl.BlockSpec((NB, IN), lambda k: (k, 0)),
            pl.BlockSpec((IN, IN), lambda k: (0, 0)),
            pl.BlockSpec((8, HID), lambda k: (0, 0)),
            pl.BlockSpec((8, HID), lambda k: (0, 0)),
        ],
        out_specs=[
            pl.BlockSpec((NB, IN + 16), lambda k: (k, 0)),
            pl.BlockSpec((NB, 16), lambda k: (k, 0)),
            pl.BlockSpec((1, 16), lambda k: (0, 0)),
        ],
        out_shape=[
            jax.ShapeDtypeStruct((N, IN + 16), jnp.float32),
            jax.ShapeDtypeStruct((N, 16), jnp.float32),
            jax.ShapeDtypeStruct((1, 16), jnp.float32),
        ],
    )(x, W, a_src, a_dst)


def _tc_pre_mid(acc, b_prev, W, a_src, a_dst, H):
    HC = H * HID
    TW = HC + 16
    return pl.pallas_call(
        functools.partial(_pre_mid_body, H),
        grid=(NG,),
        in_specs=[
            pl.BlockSpec((2, NB, IN + 16), lambda k: (0, k, 0)),
            pl.BlockSpec((1, IN), lambda k: (0, 0)),
            pl.BlockSpec((IN, HC), lambda k: (0, 0)),
            pl.BlockSpec((H, HID), lambda k: (0, 0)),
            pl.BlockSpec((H, HID), lambda k: (0, 0)),
        ],
        out_specs=[
            pl.BlockSpec((NB, TW), lambda k: (k, 0)),
            pl.BlockSpec((NB, 16), lambda k: (k, 0)),
            pl.BlockSpec((1, 16), lambda k: (0, 0)),
        ],
        out_shape=[
            jax.ShapeDtypeStruct((N, TW), jnp.float32),
            jax.ShapeDtypeStruct((N, 16), jnp.float32),
            jax.ShapeDtypeStruct((1, 16), jnp.float32),
        ],
    )(acc, b_prev, W, a_src, a_dst)


def _tc_fin(acc, b3, wcT, bc):
    return pl.pallas_call(
        _fin_body,
        grid=(NG,),
        in_specs=[
            pl.BlockSpec((2, NB, HID + 16), lambda k: (0, k, 0)),
            pl.BlockSpec((1, HID), lambda k: (0, 0)),
            pl.BlockSpec((1, HID), lambda k: (0, 0)),
            pl.BlockSpec((1, 1), lambda k: (0, 0)),
        ],
        out_specs=pl.BlockSpec((NB, 1), lambda k: (k, 0)),
        out_shape=jax.ShapeDtypeStruct((N, 1), jnp.float32),
    )(acc, b3, wcT, bc)



def _sc_body(H, tab_hbm, dtab_hbm, esrc_hbm, edst_hbm, c16_hbm, z_hbm,
             out_hbm, rows0, rows1, arows0, arows1, sidx2, didx2,
             c16v, acc, gsem0, gsem1, asem0, asem1, ssem0, ssem1):
    HC = H * HID
    cid = lax.axis_index("c")
    sid = lax.axis_index("s")
    wid = sid * NC + cid
    rows_b = (rows0, rows1)
    arows_b = (arows0, arows1)
    gsem_b = (gsem0, gsem1)
    asem_b = (asem0, asem1)
    ssem_b = (ssem0, ssem1)

    @pl.when(sid < NS - 1)
    def _():
        pltpu.sync_copy(z_hbm.at[pl.ds(0, RPT)], acc.at[pl.ds(sid * RPT, RPT)])

    @pl.when(sid == NS - 1)
    def _():
        pltpu.sync_copy(z_hbm, acc.at[pl.ds((NS - 1) * RPT, N - (NS - 1) * RPT)])

    pltpu.sync_copy(c16_hbm, c16v)
    plsc.subcore_barrier()

    cvec = c16v[...]

    def stage(b, k):
        pltpu.async_copy(tab_hbm.at[sidx2.at[b]], rows_b[k], gsem_b[k])
        pltpu.async_copy(dtab_hbm.at[didx2.at[b]], arows_b[k], asem_b[k])

    def consume(b, k):
        rows = rows_b[k]
        arows = arows_b[k]
        pltpu.make_async_copy(tab_hbm.at[sidx2.at[b]], rows,
                              gsem_b[k]).wait()
        pltpu.make_async_copy(dtab_hbm.at[didx2.at[b]], arows,
                              asem_b[k]).wait()

        @pl.loop(0, EB, unroll=4)
        def edge(e):
            s16 = rows[e, pl.ds(HC, 16)] + arows[e, :]
            s16 = jnp.where(s16 >= 0, s16, 0.2 * s16)
            w16 = jnp.exp(s16 - cvec)
            rows[e, pl.ds(HC, 16)] = w16
            for j in range(H):
                rows[e, pl.ds(HID * j, HID)] = (
                    rows[e, pl.ds(HID * j, HID)] * w16[j])

        pltpu.async_copy(rows, acc.at[didx2.at[b]], ssem_b[k], add=True)

    def wait_scat(b, k):
        pltpu.make_async_copy(rows_b[k], acc.at[didx2.at[b]],
                              ssem_b[k]).wait()

    def chunk(q, carry):
        pltpu.sync_copy(esrc_hbm.at[wid, q], sidx2)
        pltpu.sync_copy(edst_hbm.at[wid, q], didx2)
        stage(0, 0)
        stage(1, 1)

        def pair(p, c2):
            b = p * 2
            consume(b, 0)
            consume(b + 1, 1)
            wait_scat(b, 0)

            @pl.when(b + 2 < CH)
            def _():
                stage(b + 2, 0)

            wait_scat(b + 1, 1)

            @pl.when(b + 3 < CH)
            def _():
                stage(b + 3, 1)

            return c2

        lax.fori_loop(0, CH // 2, pair, 0)
        return carry

    lax.fori_loop(0, NCH, chunk, 0)
    plsc.subcore_barrier()

    @pl.when(sid < NS - 1)
    def _():
        pltpu.sync_copy(acc.at[pl.ds(sid * RPT, RPT)],
                        out_hbm.at[cid, pl.ds(sid * RPT, RPT)])

    @pl.when(sid == NS - 1)
    def _():
        rem = N - (NS - 1) * RPT
        pltpu.sync_copy(acc.at[pl.ds((NS - 1) * RPT, rem)],
                        out_hbm.at[cid, pl.ds((NS - 1) * RPT, rem)])


def _sc_layer(tab, dtab, esrc, edst, c16, zeros, H):
    TW = H * HID + 16
    mesh = plsc.VectorSubcoreMesh(core_axis_name="c", subcore_axis_name="s")
    return pl.kernel(
        functools.partial(_sc_body, H),
        out_type=jax.ShapeDtypeStruct((2, N, TW), jnp.float32),
        mesh=mesh,
        compiler_params=pltpu.CompilerParams(use_tc_tiling_on_sc=False),
        scratch_types=[
            pltpu.VMEM((EB, TW), jnp.float32),
            pltpu.VMEM((EB, TW), jnp.float32),
            pltpu.VMEM((EB, 16), jnp.float32),
            pltpu.VMEM((EB, 16), jnp.float32),
            pltpu.VMEM((CH, EB), jnp.int32),
            pltpu.VMEM((CH, EB), jnp.int32),
            pltpu.VMEM((16,), jnp.float32),
            pltpu.VMEM_SHARED((N, TW), jnp.float32),
            pltpu.SemaphoreType.DMA,
            pltpu.SemaphoreType.DMA,
            pltpu.SemaphoreType.DMA,
            pltpu.SemaphoreType.DMA,
            pltpu.SemaphoreType.DMA,
            pltpu.SemaphoreType.DMA,
        ],
    )(tab, dtab, esrc, edst, c16, zeros)


def _cvec(cm):
    ch = jnp.maximum(cm[0, :8] + cm[0, 8:], 0.0)
    return jnp.concatenate([ch, jnp.zeros((8,), jnp.float32)])


def kernel(x, edge_index, W1, a_src1, a_dst1, b1, W2, a_src2, a_dst2, b2,
           W3, a_src3, a_dst3, b3, Wc, bc):
    esrc = edge_index[0].reshape(NW, NCH, CH, EB)
    edst = edge_index[1].reshape(NW, NCH, CH, EB)
    z144 = jnp.zeros((N - (NS - 1) * RPT, IN + 16), jnp.float32)
    z32 = jnp.zeros((N - (NS - 1) * RPT, HID + 16), jnp.float32)

    tab1, dtab1, cm1 = _tc_pre_first(x, W1, a_src1, a_dst1)
    acc1 = _sc_layer(tab1, dtab1, esrc, edst, _cvec(cm1), z144, 8)

    tab2, dtab2, cm2 = _tc_pre_mid(acc1, b1.reshape(1, IN), W2,
                                   a_src2, a_dst2, 8)
    acc2 = _sc_layer(tab2, dtab2, esrc, edst, _cvec(cm2), z144, 8)

    tab3, dtab3, cm3 = _tc_pre_mid(acc2, b2.reshape(1, IN), W3,
                                   a_src3, a_dst3, 1)
    acc3 = _sc_layer(tab3, dtab3, esrc, edst, _cvec(cm3), z32, 1)

    probs = _tc_fin(acc3, b3.reshape(1, HID), Wc.reshape(1, HID),
                    bc.reshape(1, 1))
    return probs.squeeze(-1)

# --- scband reference (transcript-rebuilt; emitter-appended) ---
"""Pipeline reference for scband-fraud-gat-19945828123269 (READ-ONLY COPY).

The authoritative reference and input builder live on the scoring server;
editing this copy changes nothing except your own understanding.
"""

import jax, jax.numpy as jnp
import numpy as np

N = 10000
E = 320000
IN = 128
HID = 16
HEADS = 8


def gat_conv(x, edge_index, W, a_src, a_dst, bias, H, C):
    n = x.shape[0]
    h = (x @ W).reshape(n, H, C)
    src = edge_index[0]
    dst = edge_index[1]
    alpha_src = jnp.sum(h * a_src[None, :, :], axis=-1)  # [N, H]
    alpha_dst = jnp.sum(h * a_dst[None, :, :], axis=-1)  # [N, H]
    e = jax.nn.leaky_relu(alpha_src[src] + alpha_dst[dst], 0.2)  # [E, H]
    e_max = jax.ops.segment_max(e, dst, num_segments=n)  # [N, H]
    e_exp = jnp.exp(e - e_max[dst])
    denom = jax.ops.segment_sum(e_exp, dst, num_segments=n)
    alpha = e_exp / (denom[dst] + 1e-16)  # [E, H]
    msg = h[src] * alpha[:, :, None]  # [E, H, C]
    out = jax.ops.segment_sum(msg, dst, num_segments=n)  # [N, H, C]
    return out.reshape(n, H * C) + bias


def setup_inputs(seed: int = 0):
    key = jax.random.key(seed)
    ks = jax.random.split(key, 20)
    x = jax.random.normal(ks[0], (N, IN), dtype=jnp.float32)
    edge_index = jax.random.randint(ks[1], (2, E), 0, N, dtype=jnp.int32)
    W1 = jax.random.normal(ks[2], (IN, HEADS * HID), dtype=jnp.float32) / np.sqrt(IN)
    a_src1 = jax.random.normal(ks[3], (HEADS, HID), dtype=jnp.float32) * 0.1
    a_dst1 = jax.random.normal(ks[4], (HEADS, HID), dtype=jnp.float32) * 0.1
    b1 = jnp.zeros((HEADS * HID,), dtype=jnp.float32)
    W2 = jax.random.normal(ks[5], (HEADS * HID, HEADS * HID), dtype=jnp.float32) / np.sqrt(HEADS * HID)
    a_src2 = jax.random.normal(ks[6], (HEADS, HID), dtype=jnp.float32) * 0.1
    a_dst2 = jax.random.normal(ks[7], (HEADS, HID), dtype=jnp.float32) * 0.1
    b2 = jnp.zeros((HEADS * HID,), dtype=jnp.float32)
    W3 = jax.random.normal(ks[8], (HEADS * HID, HID), dtype=jnp.float32) / np.sqrt(HEADS * HID)
    a_src3 = jax.random.normal(ks[9], (1, HID), dtype=jnp.float32) * 0.1
    a_dst3 = jax.random.normal(ks[10], (1, HID), dtype=jnp.float32) * 0.1
    b3 = jnp.zeros((HID,), dtype=jnp.float32)
    Wc = jax.random.normal(ks[11], (HID, 1), dtype=jnp.float32) / np.sqrt(HID)
    bc = jnp.zeros((1,), dtype=jnp.float32)
    return {"x": x, "edge_index": edge_index, "W1": W1, "a_src1": a_src1, "a_dst1": a_dst1, "b1": b1, "W2": W2, "a_src2": a_src2, "a_dst2": a_dst2, "b2": b2, "W3": W3, "a_src3": a_src3, "a_dst3": a_dst3, "b3": b3, "Wc": Wc, "bc": bc}


def reference(x, edge_index, W1, a_src1, a_dst1, b1, W2, a_src2, a_dst2, b2, W3, a_src3, a_dst3, b3, Wc, bc):
    h1 = jax.nn.elu(gat_conv(x, edge_index, W1, a_src1, a_dst1, b1, HEADS, HID))
    # dropout is identity in eval mode
    h2 = jax.nn.elu(gat_conv(h1, edge_index, W2, a_src2, a_dst2, b2, HEADS, HID))
    h3 = jax.nn.elu(gat_conv(h2, edge_index, W3, a_src3, a_dst3, b3, 1, HID))
    logits = h3 @ Wc + bc
    return jax.nn.sigmoid(logits).squeeze(-1)

if __name__ == "__main__":
    import jax
    _d = setup_inputs()
    print(jax.jit(kernel)(*tuple(_d.values())))

</pallas_src>

<mosaic_0001>
#map = affine_map<(d0, d1) -> (0, 0)>
#map1 = affine_map<(d0, d1) -> (0, 0, 0, 0)>
#map2 = affine_map<(d0, d1) -> (0)>
#map3 = affine_map<(d0, d1) -> (0, 0, 0)>
module attributes {stable_mosaic.version = 14 : i64} {
  func.func @_sc_body(%arg0: i32, %arg1: i32, %arg2: memref<10000x144xf32, #tpu.memory_space<hbm>>, %arg3: memref<10000x16xf32, #tpu.memory_space<hbm>>, %arg4: memref<32x5x20x100xi32, #tpu.memory_space<hbm>>, %arg5: memref<32x5x20x100xi32, #tpu.memory_space<hbm>>, %arg6: memref<16xf32, #tpu.memory_space<hbm>>, %arg7: memref<640x144xf32, #tpu.memory_space<hbm>>, %arg8: memref<2x10000x144xf32, #tpu.memory_space<hbm>>, %arg9: memref<100x144xf32, #tpu.memory_space<vmem>>, %arg10: memref<100x144xf32, #tpu.memory_space<vmem>>, %arg11: memref<100x16xf32, #tpu.memory_space<vmem>>, %arg12: memref<100x16xf32, #tpu.memory_space<vmem>>, %arg13: memref<20x100xi32, #tpu.memory_space<vmem>>, %arg14: memref<20x100xi32, #tpu.memory_space<vmem>>, %arg15: memref<16xf32, #tpu.memory_space<vmem>>, %arg16: memref<10000x144xf32, #tpu.memory_space<vmem_shared>>, %arg17: memref<!tpu.dma_semaphore, #tpu.memory_space<semaphore_mem>>, %arg18: memref<!tpu.dma_semaphore, #tpu.memory_space<semaphore_mem>>, %arg19: memref<!tpu.dma_semaphore, #tpu.memory_space<semaphore_mem>>, %arg20: memref<!tpu.dma_semaphore, #tpu.memory_space<semaphore_mem>>, %arg21: memref<!tpu.dma_semaphore, #tpu.memory_space<semaphore_mem>>, %arg22: memref<!tpu.dma_semaphore, #tpu.memory_space<semaphore_mem>>) attributes {dimension_semantics = [#tpu.dimension_semantics<core_parallel>, #tpu.dimension_semantics<subcore_parallel>], iteration_bounds = array<i64: 2, 16>, scalar_prefetch = 0 : i64, scratch_operands = 14 : i64, tpu.core_type = #tpu.core_type<sc_vector_subcore>, window_params = [{transform_indices = #map}, {transform_indices = #map}, {transform_indices = #map1}, {transform_indices = #map1}, {transform_indices = #map2}, {transform_indices = #map}, {transform_indices = #map3}]} {
    %mul3A = arith.constant 2 : i32
    %mul3A_0 = arith.muli %arg1, %mul3A : i32
    %add3A = arith.addi %mul3A_0, %arg0 : i32
    %lt3A = arith.constant 15 : i32
    %lt3A_1 = arith.cmpi slt, %arg1, %lt3A : i32
    %convert_element_type3A = arith.extui %lt3A_1 : i1 to i32
    %cond3A = arith.constant 0 : i32
    %cond3A_2 = arith.cmpi ne, %convert_element_type3A, %cond3A : i32
    scf.if %cond3A_2 {
      %mul3A_25 = arith.constant 624 : i32
      %mul3A_26 = arith.muli %arg1, %mul3A_25 : i32
      "tpu.region"() ({
        %run_scoped3A = tpu.sem_alloc : memref<!tpu.dma_semaphore, #tpu.memory_space<semaphore_mem>>
        %dma_start3A = arith.constant 0 : i32
        %dma_start3A_27 = tpu.memref_slice %arg16[%mul3A_26, %dma_start3A] : memref<10000x144xf32, #tpu.memory_space<vmem_shared>> -> memref<624x144xf32, #tpu.memory_space<vmem_shared>>
        %dma_start3A_28 = arith.constant 0 : i32
        %dma_start3A_29 = arith.constant 0 : i32
        %dma_start3A_30 = tpu.memref_slice %arg7[%dma_start3A_28, %dma_start3A_29] : memref<640x144xf32, #tpu.memory_space<hbm>> -> memref<624x144xf32, #tpu.memory_space<hbm>>
        tpu.enqueue_dma source(%dma_start3A_30 : memref<624x144xf32, #tpu.memory_space<hbm>>) target(%dma_start3A_27 : memref<624x144xf32, #tpu.memory_space<vmem_shared>>) target_semaphore(%run_scoped3A : memref<!tpu.dma_semaphore, #tpu.memory_space<semaphore_mem>>)
        %dma_wait3A = arith.constant 0 : i32
        %dma_wait3A_31 = tpu.memref_slice %arg16[%mul3A_26, %dma_wait3A] : memref<10000x144xf32, #tpu.memory_space<vmem_shared>> -> memref<624x144xf32, #tpu.memory_space<vmem_shared>>
        %dma_wait3A_32 = arith.constant 0 : i32
        %dma_wait3A_33 = arith.constant 0 : i32
        %dma_wait3A_34 = tpu.memref_slice %arg7[%dma_wait3A_32, %dma_wait3A_33] : memref<640x144xf32, #tpu.memory_space<hbm>> -> memref<624x144xf32, #tpu.memory_space<hbm>>
        tpu.wait_dma2 semaphore(%run_scoped3A : memref<!tpu.dma_semaphore, #tpu.memory_space<semaphore_mem>>) src(%dma_wait3A_34 : memref<624x144xf32, #tpu.memory_space<hbm>>) dst(%dma_wait3A_31 : memref<624x144xf32, #tpu.memory_space<vmem_shared>>)
        tpu.yield
      }) : () -> ()
    } else {
    }
    %eq3A = arith.constant 15 : i32
    %eq3A_3 = arith.cmpi eq, %arg1, %eq3A : i32
    %convert_element_type3A_4 = arith.extui %eq3A_3 : i1 to i32
    %cond3A_5 = arith.constant 0 : i32
    %cond3A_6 = arith.cmpi ne, %convert_element_type3A_4, %cond3A_5 : i32
    scf.if %cond3A_6 {
      "tpu.region"() ({
        %run_scoped3A = tpu.sem_alloc : memref<!tpu.dma_semaphore, #tpu.memory_space<semaphore_mem>>
        %dma_start3A = arith.constant 9360 : i32
        %dma_start3A_25 = arith.constant 0 : i32
        %dma_start3A_26 = tpu.memref_slice %arg16[%dma_start3A, %dma_start3A_25] : memref<10000x144xf32, #tpu.memory_space<vmem_shared>> -> memref<640x144xf32, #tpu.memory_space<vmem_shared>>
        tpu.enqueue_dma source(%arg7 : memref<640x144xf32, #tpu.memory_space<hbm>>) target(%dma_start3A_26 : memref<640x144xf32, #tpu.memory_space<vmem_shared>>) target_semaphore(%run_scoped3A : memref<!tpu.dma_semaphore, #tpu.memory_space<semaphore_mem>>)
        %dma_wait3A = arith.constant 9360 : i32
        %dma_wait3A_27 = arith.constant 0 : i32
        %dma_wait3A_28 = tpu.memref_slice %arg16[%dma_wait3A, %dma_wait3A_27] : memref<10000x144xf32, #tpu.memory_space<vmem_shared>> -> memref<640x144xf32, #tpu.memory_space<vmem_shared>>
        tpu.wait_dma2 semaphore(%run_scoped3A : memref<!tpu.dma_semaphore, #tpu.memory_space<semaphore_mem>>) src(%arg7 : memref<640x144xf32, #tpu.memory_space<hbm>>) dst(%dma_wait3A_28 : memref<640x144xf32, #tpu.memory_space<vmem_shared>>)
        tpu.yield
      }) : () -> ()
    } else {
    }
    "tpu.region"() ({
      %run_scoped3A = tpu.sem_alloc : memref<!tpu.dma_semaphore, #tpu.memory_space<semaphore_mem>>
      tpu.enqueue_dma source(%arg6 : memref<16xf32, #tpu.memory_space<hbm>>) target(%arg15 : memref<16xf32, #tpu.memory_space<vmem>>) target_semaphore(%run_scoped3A : memref<!tpu.dma_semaphore, #tpu.memory_space<semaphore_mem>>)
      tpu.wait_dma2 semaphore(%run_scoped3A : memref<!tpu.dma_semaphore, #tpu.memory_space<semaphore_mem>>) src(%arg6 : memref<16xf32, #tpu.memory_space<hbm>>) dst(%arg15 : memref<16xf32, #tpu.memory_space<vmem>>)
      tpu.yield
    }) : () -> ()
    %barrier3A = arith.constant 0 : index
    tpu.barrier barrier_id(%barrier3A)
    %get3A = arith.constant 0 : index
    %get3A_7 = tpu.vector_load %arg15[%get3A] {strides = array<i32>} : memref<16xf32, #tpu.memory_space<vmem>>, vector<16xf32>,
    %get3A_8 = vector.shape_cast %get3A_7 : vector<16xf32> to vector<16xf32>
    %scan3A = arith.constant 0 : i32
    %scan3A_9 = arith.constant 0 : i32
    %scan3A_10 = arith.constant 5 : i32
    %scan3A_11 = arith.addi %scan3A_9, %scan3A_10 : i32
    %scan3A_12 = arith.constant 1 : i32
    scf.for %scan3A_25 = %scan3A_9 to %scan3A_11 step %scan3A_12  : i32 {
      "tpu.region"() ({
        %run_scoped3A = tpu.sem_alloc : memref<!tpu.dma_semaphore, #tpu.memory_space<semaphore_mem>>
        %dma_start3A_59 = arith.constant 0 : i32
        %dma_start3A_60 = arith.constant 0 : i32
        %dma_start3A_61 = tpu.memref_slice %arg4[%add3A, %scan3A_25, %dma_start3A_59, %dma_start3A_60] : memref<32x5x20x100xi32, #tpu.memory_space<hbm>> -> memref<1x1x20x100xi32, #tpu.memory_space<hbm>>
        %dma_start3A_62 = tpu.memref_squeeze %dma_start3A_61 : memref<1x1x20x100xi32, #tpu.memory_space<hbm>> -> memref<20x100xi32, #tpu.memory_space<hbm>>
        %dma_start3A_63 = arith.constant 0 : i32
        %dma_start3A_64 = arith.constant 0 : i32
        %dma_start3A_65 = tpu.memref_slice %arg4[%add3A, %scan3A_25, %dma_start3A_63, %dma_start3A_64] : memref<32x5x20x100xi32, #tpu.memory_space<hbm>> -> memref<1x1x20x100xi32, #tpu.memory_space<hbm>>
        %dma_start3A_66 = tpu.memref_squeeze %dma_start3A_65 : memref<1x1x20x100xi32, #tpu.memory_space<hbm>> -> memref<20x100xi32, #tpu.memory_space<hbm>>
        tpu.enqueue_dma source(%dma_start3A_66 : memref<20x100xi32, #tpu.memory_space<hbm>>) target(%arg13 : memref<20x100xi32, #tpu.memory_space<vmem>>) target_semaphore(%run_scoped3A : memref<!tpu.dma_semaphore, #tpu.memory_space<semaphore_mem>>)
        %dma_wait3A = arith.constant 0 : i32
        %dma_wait3A_67 = arith.constant 0 : i32
        %dma_wait3A_68 = tpu.memref_slice %arg4[%add3A, %scan3A_25, %dma_wait3A, %dma_wait3A_67] : memref<32x5x20x100xi32, #tpu.memory_space<hbm>> -> memref<1x1x20x100xi32, #tpu.memory_space<hbm>>
        %dma_wait3A_69 = tpu.memref_squeeze %dma_wait3A_68 : memref<1x1x20x100xi32, #tpu.memory_space<hbm>> -> memref<20x100xi32, #tpu.memory_space<hbm>>
        %dma_wait3A_70 = arith.constant 0 : i32
        %dma_wait3A_71 = arith.constant 0 : i32
        %dma_wait3A_72 = tpu.memref_slice %arg4[%add3A, %scan3A_25, %dma_wait3A_70, %dma_wait3A_71] : memref<32x5x20x100xi32, #tpu.memory_space<hbm>> -> memref<1x1x20x100xi32, #tpu.memory_space<hbm>>
        %dma_wait3A_73 = tpu.memref_squeeze %dma_wait3A_72 : memref<1x1x20x100xi32, #tpu.memory_space<hbm>> -> memref<20x100xi32, #tpu.memory_space<hbm>>
        tpu.wait_dma2 semaphore(%run_scoped3A : memref<!tpu.dma_semaphore, #tpu.memory_space<semaphore_mem>>) src(%dma_wait3A_73 : memref<20x100xi32, #tpu.memory_space<hbm>>) dst(%arg13 : memref<20x100xi32, #tpu.memory_space<vmem>>)
        tpu.yield
      }) : () -> ()
      "tpu.region"() ({
        %run_scoped3A = tpu.sem_alloc : memref<!tpu.dma_semaphore, #tpu.memory_space<semaphore_mem>>
        %dma_start3A_59 = arith.constant 0 : i32
        %dma_start3A_60 = arith.constant 0 : i32
        %dma_start3A_61 = tpu.memref_slice %arg5[%add3A, %scan3A_25, %dma_start3A_59, %dma_start3A_60] : memref<32x5x20x100xi32, #tpu.memory_space<hbm>> -> memref<1x1x20x100xi32, #tpu.memory_space<hbm>>
        %dma_start3A_62 = tpu.memref_squeeze %dma_start3A_61 : memref<1x1x20x100xi32, #tpu.memory_space<hbm>> -> memref<20x100xi32, #tpu.memory_space<hbm>>
        %dma_start3A_63 = arith.constant 0 : i32
        %dma_start3A_64 = arith.constant 0 : i32
        %dma_start3A_65 = tpu.memref_slice %arg5[%add3A, %scan3A_25, %dma_start3A_63, %dma_start3A_64] : memref<32x5x20x100xi32, #tpu.memory_space<hbm>> -> memref<1x1x20x100xi32, #tpu.memory_space<hbm>>
        %dma_start3A_66 = tpu.memref_squeeze %dma_start3A_65 : memref<1x1x20x100xi32, #tpu.memory_space<hbm>> -> memref<20x100xi32, #tpu.memory_space<hbm>>
        tpu.enqueue_dma source(%dma_start3A_66 : memref<20x100xi32, #tpu.memory_space<hbm>>) target(%arg14 : memref<20x100xi32, #tpu.memory_space<vmem>>) target_semaphore(%run_scoped3A : memref<!tpu.dma_semaphore, #tpu.memory_space<semaphore_mem>>)
        %dma_wait3A = arith.constant 0 : i32
        %dma_wait3A_67 = arith.constant 0 : i32
        %dma_wait3A_68 = tpu.memref_slice %arg5[%add3A, %scan3A_25, %dma_wait3A, %dma_wait3A_67] : memref<32x5x20x100xi32, #tpu.memory_space<hbm>> -> memref<1x1x20x100xi32, #tpu.memory_space<hbm>>
        %dma_wait3A_69 = tpu.memref_squeeze %dma_wait3A_68 : memref<1x1x20x100xi32, #tpu.memory_space<hbm>> -> memref<20x100xi32, #tpu.memory_space<hbm>>
        %dma_wait3A_70 = arith.constant 0 : i32
        %dma_wait3A_71 = arith.constant 0 : i32
        %dma_wait3A_72 = tpu.memref_slice %arg5[%add3A, %scan3A_25, %dma_wait3A_70, %dma_wait3A_71] : memref<32x5x20x100xi32, #tpu.memory_space<hbm>> -> memref<1x1x20x100xi32, #tpu.memory_space<hbm>>
        %dma_wait3A_73 = tpu.memref_squeeze %dma_wait3A_72 : memref<1x1x20x100xi32, #tpu.memory_space<hbm>> -> memref<20x100xi32, #tpu.memory_space<hbm>>
        tpu.wait_dma2 semaphore(%run_scoped3A : memref<!tpu.dma_semaphore, #tpu.memory_space<semaphore_mem>>) src(%dma_wait3A_73 : memref<20x100xi32, #tpu.memory_space<hbm>>) dst(%arg14 : memref<20x100xi32, #tpu.memory_space<vmem>>)
        tpu.yield
      }) : () -> ()
      %dma_start3A = arith.constant 0 : i32
      %dma_start3A_26 = arith.constant 0 : i32
      %dma_start3A_27 = tpu.memref_slice %arg13[%dma_start3A, %dma_start3A_26] : memref<20x100xi32, #tpu.memory_space<vmem>> -> memref<1x100xi32, #tpu.memory_space<vmem>>
      %dma_start3A_28 = tpu.memref_squeeze %dma_start3A_27 : memref<1x100xi32, #tpu.memory_space<vmem>> -> memref<100xi32, #tpu.memory_space<vmem>>
      %dma_start3A_29 = arith.constant 0 : i32
      %dma_start3A_30 = arith.constant 0 : i32
      %dma_start3A_31 = tpu.memref_slice %arg2[%dma_start3A_29, %dma_start3A_30] : memref<10000x144xf32, #tpu.memory_space<hbm>> -> memref<10000x144xf32, #tpu.memory_space<hbm>>
      tpu.enqueue_indirect_dma source(%dma_start3A_31 : memref<10000x144xf32, #tpu.memory_space<hbm>>) target(%arg9 : memref<100x144xf32, #tpu.memory_space<vmem>>) offsets(%dma_start3A_28 : memref<100xi32, #tpu.memory_space<vmem>>) semaphore(%arg17 : memref<!tpu.dma_semaphore, #tpu.memory_space<semaphore_mem>>)
      %dma_start3A_32 = arith.constant 0 : i32
      %dma_start3A_33 = arith.constant 0 : i32
      %dma_start3A_34 = tpu.memref_slice %arg14[%dma_start3A_32, %dma_start3A_33] : memref<20x100xi32, #tpu.memory_space<vmem>> -> memref<1x100xi32, #tpu.memory_space<vmem>>
      %dma_start3A_35 = tpu.memref_squeeze %dma_start3A_34 : memref<1x100xi32, #tpu.memory_space<vmem>> -> memref<100xi32, #tpu.memory_space<vmem>>
      %dma_start3A_36 = arith.constant 0 : i32
      %dma_start3A_37 = arith.constant 0 : i32
      %dma_start3A_38 = tpu.memref_slice %arg3[%dma_start3A_36, %dma_start3A_37] : memref<10000x16xf32, #tpu.memory_space<hbm>> -> memref<10000x16xf32, #tpu.memory_space<hbm>>
      tpu.enqueue_indirect_dma source(%dma_start3A_38 : memref<10000x16xf32, #tpu.memory_space<hbm>>) target(%arg11 : memref<100x16xf32, #tpu.memory_space<vmem>>) offsets(%dma_start3A_35 : memref<100xi32, #tpu.memory_space<vmem>>) semaphore(%arg19 : memref<!tpu.dma_semaphore, #tpu.memory_space<semaphore_mem>>)
      %dma_start3A_39 = arith.constant 1 : i32
      %dma_start3A_40 = arith.constant 0 : i32
      %dma_start3A_41 = tpu.memref_slice %arg13[%dma_start3A_39, %dma_start3A_40] : memref<20x100xi32, #tpu.memory_space<vmem>> -> memref<1x100xi32, #tpu.memory_space<vmem>>
      %dma_start3A_42 = tpu.memref_squeeze %dma_start3A_41 : memref<1x100xi32, #tpu.memory_space<vmem>> -> memref<100xi32, #tpu.memory_space<vmem>>
      %dma_start3A_43 = arith.constant 0 : i32
      %dma_start3A_44 = arith.constant 0 : i32
      %dma_start3A_45 = tpu.memref_slice %arg2[%dma_start3A_43, %dma_start3A_44] : memref<10000x144xf32, #tpu.memory_space<hbm>> -> memref<10000x144xf32, #tpu.memory_space<hbm>>
      tpu.enqueue_indirect_dma source(%dma_start3A_45 : memref<10000x144xf32, #tpu.memory_space<hbm>>) target(%arg10 : memref<100x144xf32, #tpu.memory_space<vmem>>) offsets(%dma_start3A_42 : memref<100xi32, #tpu.memory_space<vmem>>) semaphore(%arg18 : memref<!tpu.dma_semaphore, #tpu.memory_space<semaphore_mem>>)
      %dma_start3A_46 = arith.constant 1 : i32
      %dma_start3A_47 = arith.constant 0 : i32
      %dma_start3A_48 = tpu.memref_slice %arg14[%dma_start3A_46, %dma_start3A_47] : memref<20x100xi32, #tpu.memory_space<vmem>> -> memref<1x100xi32, #tpu.memory_space<vmem>>
      %dma_start3A_49 = tpu.memref_squeeze %dma_start3A_48 : memref<1x100xi32, #tpu.memory_space<vmem>> -> memref<100xi32, #tpu.memory_space<vmem>>
      %dma_start3A_50 = arith.constant 0 : i32
      %dma_start3A_51 = arith.constant 0 : i32
      %dma_start3A_52 = tpu.memref_slice %arg3[%dma_start3A_50, %dma_start3A_51] : memref<10000x16xf32, #tpu.memory_space<hbm>> -> memref<10000x16xf32, #tpu.memory_space<hbm>>
      tpu.enqueue_indirect_dma source(%dma_start3A_52 : memref<10000x16xf32, #tpu.memory_space<hbm>>) target(%arg12 : memref<100x16xf32, #tpu.memory_space<vmem>>) offsets(%dma_start3A_49 : memref<100xi32, #tpu.memory_space<vmem>>) semaphore(%arg20 : memref<!tpu.dma_semaphore, #tpu.memory_space<semaphore_mem>>)
      %scan3A_53 = arith.constant 0 : i32
      %scan3A_54 = arith.constant 0 : i32
      %scan3A_55 = arith.constant 10 : i32
      %scan3A_56 = arith.addi %scan3A_54, %scan3A_55 : i32
      %scan3A_57 = arith.constant 1 : i32
      scf.for %scan3A_59 = %scan3A_54 to %scan3A_56 step %scan3A_57  : i32 {
        %mul3A_60 = arith.constant 2 : i32
        %mul3A_61 = arith.muli %scan3A_59, %mul3A_60 : i32
        %dma_wait3A = arith.constant 0 : i32
        %dma_wait3A_62 = tpu.memref_slice %arg13[%mul3A_61, %dma_wait3A] : memref<20x100xi32, #tpu.memory_space<vmem>> -> memref<1x100xi32, #tpu.memory_space<vmem>>
        %dma_wait3A_63 = tpu.memref_squeeze %dma_wait3A_62 : memref<1x100xi32, #tpu.memory_space<vmem>> -> memref<100xi32, #tpu.memory_space<vmem>>
        %dma_wait3A_64 = arith.constant 0 : i32
        %dma_wait3A_65 = arith.constant 0 : i32
        %dma_wait3A_66 = tpu.memref_slice %arg2[%dma_wait3A_64, %dma_wait3A_65] : memref<10000x144xf32, #tpu.memory_space<hbm>> -> memref<10000x144xf32, #tpu.memory_space<hbm>>
        tpu.wait_indirect_dma semaphore(%arg17 : memref<!tpu.dma_semaphore, #tpu.memory_space<semaphore_mem>>) src(%dma_wait3A_66 : memref<10000x144xf32, #tpu.memory_space<hbm>>) dst(%arg9 : memref<100x144xf32, #tpu.memory_space<vmem>>)
        %dma_wait3A_67 = arith.constant 0 : i32
        %dma_wait3A_68 = tpu.memref_slice %arg14[%mul3A_61, %dma_wait3A_67] : memref<20x100xi32, #tpu.memory_space<vmem>> -> memref<1x100xi32, #tpu.memory_space<vmem>>
        %dma_wait3A_69 = tpu.memref_squeeze %dma_wait3A_68 : memref<1x100xi32, #tpu.memory_space<vmem>> -> memref<100xi32, #tpu.memory_space<vmem>>
        %dma_wait3A_70 = arith.constant 0 : i32
        %dma_wait3A_71 = arith.constant 0 : i32
        %dma_wait3A_72 = tpu.memref_slice %arg3[%dma_wait3A_70, %dma_wait3A_71] : memref<10000x16xf32, #tpu.memory_space<hbm>> -> memref<10000x16xf32, #tpu.memory_space<hbm>>
        tpu.wait_indirect_dma semaphore(%arg19 : memref<!tpu.dma_semaphore, #tpu.memory_space<semaphore_mem>>) src(%dma_wait3A_72 : memref<10000x16xf32, #tpu.memory_space<hbm>>) dst(%arg11 : memref<100x16xf32, #tpu.memory_space<vmem>>)
        %scan3A_73 = arith.constant 0 : i32
        %scan3A_74 = arith.constant 100 : i32
        %scan3A_75 = arith.addi %scan3A_73, %scan3A_74 : i32
        %scan3A_76 = arith.constant 4 : i32
        scf.for %scan3A_137 = %scan3A_73 to %scan3A_75 step %scan3A_76  : i32 {
          %mul3A_138 = arith.constant 1 : i32
          %mul3A_139 = arith.muli %scan3A_137, %mul3A_138 : i32
          %add3A_140 = arith.constant 0 : i32
          %add3A_141 = arith.addi %add3A_140, %mul3A_139 : i32
          %get3A_142 = arith.index_cast %add3A_141 : i32 to index
          %get3A_143 = arith.constant 128 : index
          %get3A_144 = tpu.vector_load %arg9[%get3A_142, %get3A_143] {strides = array<i32>} : memref<100x144xf32, #tpu.memory_space<vmem>>, vector<1x16xf32>,
          %get3A_145 = vector.shape_cast %get3A_144 : vector<1x16xf32> to vector<16xf32>
          %get3A_146 = arith.index_cast %add3A_141 : i32 to index
          %get3A_147 = arith.constant 0 : index
          %get3A_148 = tpu.vector_load %arg11[%get3A_146, %get3A_147] {strides = array<i32>} : memref<100x16xf32, #tpu.memory_space<vmem>>, vector<1x16xf32>,
          %get3A_149 = vector.shape_cast %get3A_148 : vector<1x16xf32> to vector<16xf32>
          %add3A_150 = arith.addf %get3A_145, %get3A_149 : vector<16xf32>
          %ge3A = arith.constant 0.000000e+00 : f32
          %ge3A_151 = vector.broadcast %ge3A : f32 to vector<16xf32>
          %ge3A_152 = arith.cmpf oge, %add3A_150, %ge3A_151 : vector<16xf32>
          %mul3A_153 = arith.constant 2.000000e-01 : f32
          %mul3A_154 = vector.broadcast %mul3A_153 : f32 to vector<16xf32>
          %mul3A_155 = arith.mulf %mul3A_154, %add3A_150 : vector<16xf32>
          %select_n3A = arith.select %ge3A_152, %add3A_150, %mul3A_155 : vector<16xi1>, vector<16xf32>
          %sub3A = arith.subf %select_n3A, %get3A_8 : vector<16xf32>
          %exp3A = math.exp %sub3A : vector<16xf32>
          %swap3A = arith.index_cast %add3A_141 : i32 to index
          %swap3A_156 = arith.constant 128 : index
          %swap3A_157 = tpu.vector_load %arg9[%swap3A, %swap3A_156] {strides = array<i32>} : memref<100x144xf32, #tpu.memory_space<vmem>>, vector<1x16xf32>,
          %swap3A_158 = vector.shape_cast %swap3A_157 : vector<1x16xf32> to vector<16xf32>
          %swap3A_159 = vector.shape_cast %exp3A : vector<16xf32> to vector<1x16xf32>
          tpu.vector_store %arg9[%swap3A, %swap3A_156], %swap3A_159 {strides = array<i32>} : memref<100x144xf32, #tpu.memory_space<vmem>>, vector<1x16xf32>,
          %get3A_160 = arith.index_cast %add3A_141 : i32 to index
          %get3A_161 = arith.constant 0 : index
          %get3A_162 = tpu.vector_load %arg9[%get3A_160, %get3A_161] {strides = array<i32>} : memref<100x144xf32, #tpu.memory_space<vmem>>, vector<1x16xf32>,
          %get3A_163 = vector.shape_cast %get3A_162 : vector<1x16xf32> to vector<16xf32>
          %slice3A = vector.extract_strided_slice %exp3A {offsets = [0], sizes = [1], strides = [1]} : vector<16xf32> to vector<1xf32>
          %squeeze3A = vector.extract %slice3A[0] : f32 from vector<1xf32>
          %mul3A_164 = vector.broadcast %squeeze3A : f32 to vector<16xf32>
          %mul3A_165 = arith.mulf %get3A_163, %mul3A_164 : vector<16xf32>
          %swap3A_166 = arith.index_cast %add3A_141 : i32 to index
          %swap3A_167 = arith.constant 0 : index
          %swap3A_168 = tpu.vector_load %arg9[%swap3A_166, %swap3A_167] {strides = array<i32>} : memref<100x144xf32, #tpu.memory_space<vmem>>, vector<1x16xf32>,
          %swap3A_169 = vector.shape_cast %swap3A_168 : vector<1x16xf32> to vector<16xf32>
          %swap3A_170 = vector.shape_cast %mul3A_165 : vector<16xf32> to vector<1x16xf32>
          tpu.vector_store %arg9[%swap3A_166, %swap3A_167], %swap3A_170 {strides = array<i32>} : memref<100x144xf32, #tpu.memory_space<vmem>>, vector<1x16xf32>,
          %get3A_171 = arith.index_cast %add3A_141 : i32 to index
          %get3A_172 = arith.constant 16 : index
          %get3A_173 = tpu.vector_load %arg9[%get3A_171, %get3A_172] {strides = array<i32>} : memref<100x144xf32, #tpu.memory_space<vmem>>, vector<1x16xf32>,
          %get3A_174 = vector.shape_cast %get3A_173 : vector<1x16xf32> to vector<16xf32>
          %slice3A_175 = vector.extract_strided_slice %exp3A {offsets = [1], sizes = [1], strides = [1]} : vector<16xf32> to vector<1xf32>
          %squeeze3A_176 = vector.extract %slice3A_175[0] : f32 from vector<1xf32>
          %mul3A_177 = vector.broadcast %squeeze3A_176 : f32 to vector<16xf32>
          %mul3A_178 = arith.mulf %get3A_174, %mul3A_177 : vector<16xf32>
          %swap3A_179 = arith.index_cast %add3A_141 : i32 to index
          %swap3A_180 = arith.constant 16 : index
          %swap3A_181 = tpu.vector_load %arg9[%swap3A_179, %swap3A_180] {strides = array<i32>} : memref<100x144xf32, #tpu.memory_space<vmem>>, vector<1x16xf32>,
          %swap3A_182 = vector.shape_cast %swap3A_181 : vector<1x16xf32> to vector<16xf32>
          %swap3A_183 = vector.shape_cast %mul3A_178 : vector<16xf32> to vector<1x16xf32>
          tpu.vector_store %arg9[%swap3A_179, %swap3A_180], %swap3A_183 {strides = array<i32>} : memref<100x144xf32, #tpu.memory_space<vmem>>, vector<1x16xf32>,
          %get3A_184 = arith.index_cast %add3A_141 : i32 to index
          %get3A_185 = arith.constant 32 : index
          %get3A_186 = tpu.vector_load %arg9[%get3A_184, %get3A_185] {strides = array<i32>} : memref<100x144xf32, #tpu.memory_space<vmem>>, vector<1x16xf32>,
          %get3A_187 = vector.shape_cast %get3A_186 : vector<1x16xf32> to vector<16xf32>
          %slice3A_188 = vector.extract_strided_slice %exp3A {offsets = [2], sizes = [1], strides = [1]} : vector<16xf32> to vector<1xf32>
          %squeeze3A_189 = vector.extract %slice3A_188[0] : f32 from vector<1xf32>
          %mul3A_190 = vector.broadcast %squeeze3A_189 : f32 to vector<16xf32>
          %mul3A_191 = arith.mulf %get3A_187, %mul3A_190 : vector<16xf32>
          %swap3A_192 = arith.index_cast %add3A_141 : i32 to index
          %swap3A_193 = arith.constant 32 : index
          %swap3A_194 = tpu.vector_load %arg9[%swap3A_192, %swap3A_193] {strides = array<i32>} : memref<100x144xf32, #tpu.memory_space<vmem>>, vector<1x16xf32>,
          %swap3A_195 = vector.shape_cast %swap3A_194 : vector<1x16xf32> to vector<16xf32>
          %swap3A_196 = vector.shape_cast %mul3A_191 : vector<16xf32> to vector<1x16xf32>
          tpu.vector_store %arg9[%swap3A_192, %swap3A_193], %swap3A_196 {strides = array<i32>} : memref<100x144xf32, #tpu.memory_space<vmem>>, vector<1x16xf32>,
          %get3A_197 = arith.index_cast %add3A_141 : i32 to index
          %get3A_198 = arith.constant 48 : index
          %get3A_199 = tpu.vector_load %arg9[%get3A_197, %get3A_198] {strides = array<i32>} : memref<100x144xf32, #tpu.memory_space<vmem>>, vector<1x16xf32>,
          %get3A_200 = vector.shape_cast %get3A_199 : vector<1x16xf32> to vector<16xf32>
          %slice3A_201 = vector.extract_strided_slice %exp3A {offsets = [3], sizes = [1], strides = [1]} : vector<16xf32> to vector<1xf32>
          %squeeze3A_202 = vector.extract %slice3A_201[0] : f32 from vector<1xf32>
          %mul3A_203 = vector.broadcast %squeeze3A_202 : f32 to vector<16xf32>
          %mul3A_204 = arith.mulf %get3A_200, %mul3A_203 : vector<16xf32>
          %swap3A_205 = arith.index_cast %add3A_141 : i32 to index
          %swap3A_206 = arith.constant 48 : index
          %swap3A_207 = tpu.vector_load %arg9[%swap3A_205, %swap3A_206] {strides = array<i32>} : memref<100x144xf32, #tpu.memory_space<vmem>>, vector<1x16xf32>,
          %swap3A_208 = vector.shape_cast %swap3A_207 : vector<1x16xf32> to vector<16xf32>
          %swap3A_209 = vector.shape_cast %mul3A_204 : vector<16xf32> to vector<1x16xf32>
          tpu.vector_store %arg9[%swap3A_205, %swap3A_206], %swap3A_209 {strides = array<i32>} : memref<100x144xf32, #tpu.memory_space<vmem>>, vector<1x16xf32>,
          %get3A_210 = arith.index_cast %add3A_141 : i32 to index
          %get3A_211 = arith.constant 64 : index
          %get3A_212 = tpu.vector_load %arg9[%get3A_210, %get3A_211] {strides = array<i32>} : memref<100x144xf32, #tpu.memory_space<vmem>>, vector<1x16xf32>,
          %get3A_213 = vector.shape_cast %get3A_212 : vector<1x16xf32> to vector<16xf32>
          %slice3A_214 = vector.extract_strided_slice %exp3A {offsets = [4], sizes = [1], strides = [1]} : vector<16xf32> to vector<1xf32>
          %squeeze3A_215 = vector.extract %slice3A_214[0] : f32 from vector<1xf32>
          %mul3A_216 = vector.broadcast %squeeze3A_215 : f32 to vector<16xf32>
          %mul3A_217 = arith.mulf %get3A_213, %mul3A_216 : vector<16xf32>
          %swap3A_218 = arith.index_cast %add3A_141 : i32 to index
          %swap3A_219 = arith.constant 64 : index
          %swap3A_220 = tpu.vector_load %arg9[%swap3A_218, %swap3A_219] {strides = array<i32>} : memref<100x144xf32, #tpu.memory_space<vmem>>, vector<1x16xf32>,
          %swap3A_221 = vector.shape_cast %swap3A_220 : vector<1x16xf32> to vector<16xf32>
          %swap3A_222 = vector.shape_cast %mul3A_217 : vector<16xf32> to vector<1x16xf32>
          tpu.vector_store %arg9[%swap3A_218, %swap3A_219], %swap3A_222 {strides = array<i32>} : memref<100x144xf32, #tpu.memory_space<vmem>>, vector<1x16xf32>,
          %get3A_223 = arith.index_cast %add3A_141 : i32 to index
          %get3A_224 = arith.constant 80 : index
          %get3A_225 = tpu.vector_load %arg9[%get3A_223, %get3A_224] {strides = array<i32>} : memref<100x144xf32, #tpu.memory_space<vmem>>, vector<1x16xf32>,
          %get3A_226 = vector.shape_cast %get3A_225 : vector<1x16xf32> to vector<16xf32>
          %slice3A_227 = vector.extract_strided_slice %exp3A {offsets = [5], sizes = [1], strides = [1]} : vector<16xf32> to vector<1xf32>
          %squeeze3A_228 = vector.extract %slice3A_227[0] : f32 from vector<1xf32>
          %mul3A_229 = vector.broadcast %squeeze3A_228 : f32 to vector<16xf32>
          %mul3A_230 = arith.mulf %get3A_226, %mul3A_229 : vector<16xf32>
          %swap3A_231 = arith.index_cast %add3A_141 : i32 to index
          %swap3A_232 = arith.constant 80 : index
          %swap3A_233 = tpu.vector_load %arg9[%swap3A_231, %swap3A_232] {strides = array<i32>} : memref<100x144xf32, #tpu.memory_space<vmem>>, vector<1x16xf32>,
          %swap3A_234 = vector.shape_cast %swap3A_233 : vector<1x16xf32> to vector<16xf32>
          %swap3A_235 = vector.shape_cast %mul3A_230 : vector<16xf32> to vector<1x16xf32>
          tpu.vector_store %arg9[%swap3A_231, %swap3A_232], %swap3A_235 {strides = array<i32>} : memref<100x144xf32, #tpu.memory_space<vmem>>, vector<1x16xf32>,
          %get3A_236 = arith.index_cast %add3A_141 : i32 to index
          %get3A_237 = arith.constant 96 : index
          %get3A_238 = tpu.vector_load %arg9[%get3A_236, %get3A_237] {strides = array<i32>} : memref<100x144xf32, #tpu.memory_space<vmem>>, vector<1x16xf32>,
          %get3A_239 = vector.shape_cast %get3A_238 : vector<1x16xf32> to vector<16xf32>
          %slice3A_240 = vector.extract_strided_slice %exp3A {offsets = [6], sizes = [1], strides = [1]} : vector<16xf32> to vector<1xf32>
          %squeeze3A_241 = vector.extract %slice3A_240[0] : f32 from vector<1xf32>
          %mul3A_242 = vector.broadcast %squeeze3A_241 : f32 to vector<16xf32>
          %mul3A_243 = arith.mulf %get3A_239, %mul3A_242 : vector<16xf32>
          %swap3A_244 = arith.index_cast %add3A_141 : i32 to index
          %swap3A_245 = arith.constant 96 : index
          %swap3A_246 = tpu.vector_load %arg9[%swap3A_244, %swap3A_245] {strides = array<i32>} : memref<100x144xf32, #tpu.memory_space<vmem>>, vector<1x16xf32>,
          %swap3A_247 = vector.shape_cast %swap3A_246 : vector<1x16xf32> to vector<16xf32>
          %swap3A_248 = vector.shape_cast %mul3A_243 : vector<16xf32> to vector<1x16xf32>
          tpu.vector_store %arg9[%swap3A_244, %swap3A_245], %swap3A_248 {strides = array<i32>} : memref<100x144xf32, #tpu.memory_space<vmem>>, vector<1x16xf32>,
          %get3A_249 = arith.index_cast %add3A_141 : i32 to index
          %get3A_250 = arith.constant 112 : index
          %get3A_251 = tpu.vector_load %arg9[%get3A_249, %get3A_250] {strides = array<i32>} : memref<100x144xf32, #tpu.memory_space<vmem>>, vector<1x16xf32>,
          %get3A_252 = vector.shape_cast %get3A_251 : vector<1x16xf32> to vector<16xf32>
          %slice3A_253 = vector.extract_strided_slice %exp3A {offsets = [7], sizes = [1], strides = [1]} : vector<16xf32> to vector<1xf32>
          %squeeze3A_254 = vector.extract %slice3A_253[0] : f32 from vector<1xf32>
          %mul3A_255 = vector.broadcast %squeeze3A_254 : f32 to vector<16xf32>
          %mul3A_256 = arith.mulf %get3A_252, %mul3A_255 : vector<16xf32>
          %swap3A_257 = arith.index_cast %add3A_141 : i32 to index
          %swap3A_258 = arith.constant 112 : index
          %swap3A_259 = tpu.vector_load %arg9[%swap3A_257, %swap3A_258] {strides = array<i32>} : memref<100x144xf32, #tpu.memory_space<vmem>>, vector<1x16xf32>,
          %swap3A_260 = vector.shape_cast %swap3A_259 : vector<1x16xf32> to vector<16xf32>
          %swap3A_261 = vector.shape_cast %mul3A_256 : vector<16xf32> to vector<1x16xf32>
          tpu.vector_store %arg9[%swap3A_257, %swap3A_258], %swap3A_261 {strides = array<i32>} : memref<100x144xf32, #tpu.memory_space<vmem>>, vector<1x16xf32>,
          %scan3A_262 = arith.constant 1 : i32
          %scan3A_263 = arith.addi %scan3A_137, %scan3A_262 : i32
          %mul3A_264 = arith.constant 1 : i32
          %mul3A_265 = arith.muli %scan3A_263, %mul3A_264 : i32
          %add3A_266 = arith.constant 0 : i32
          %add3A_267 = arith.addi %add3A_266, %mul3A_265 : i32
          %get3A_268 = arith.index_cast %add3A_267 : i32 to index
          %get3A_269 = arith.constant 128 : index
          %get3A_270 = tpu.vector_load %arg9[%get3A_268, %get3A_269] {strides = array<i32>} : memref<100x144xf32, #tpu.memory_space<vmem>>, vector<1x16xf32>,
          %get3A_271 = vector.shape_cast %get3A_270 : vector<1x16xf32> to vector<16xf32>
          %get3A_272 = arith.index_cast %add3A_267 : i32 to index
          %get3A_273 = arith.constant 0 : index
          %get3A_274 = tpu.vector_load %arg11[%get3A_272, %get3A_273] {strides = array<i32>} : memref<100x16xf32, #tpu.memory_space<vmem>>, vector<1x16xf32>,
          %get3A_275 = vector.shape_cast %get3A_274 : vector<1x16xf32> to vector<16xf32>
          %add3A_276 = arith.addf %get3A_271, %get3A_275 : vector<16xf32>
          %ge3A_277 = arith.constant 0.000000e+00 : f32
          %ge3A_278 = vector.broadcast %ge3A_277 : f32 to vector<16xf32>
          %ge3A_279 = arith.cmpf oge, %add3A_276, %ge3A_278 : vector<16xf32>
          %mul3A_280 = arith.constant 2.000000e-01 : f32
          %mul3A_281 = vector.broadcast %mul3A_280 : f32 to vector<16xf32>
          %mul3A_282 = arith.mulf %mul3A_281, %add3A_276 : vector<16xf32>
          %select_n3A_283 = arith.select %ge3A_279, %add3A_276, %mul3A_282 : vector<16xi1>, vector<16xf32>
          %sub3A_284 = arith.subf %select_n3A_283, %get3A_8 : vector<16xf32>
          %exp3A_285 = math.exp %sub3A_284 : vector<16xf32>
          %swap3A_286 = arith.index_cast %add3A_267 : i32 to index
          %swap3A_287 = arith.constant 128 : index
          %swap3A_288 = tpu.vector_load %arg9[%swap3A_286, %swap3A_287] {strides = array<i32>} : memref<100x144xf32, #tpu.memory_space<vmem>>, vector<1x16xf32>,
          %swap3A_289 = vector.shape_cast %swap3A_288 : vector<1x16xf32> to vector<16xf32>
          %swap3A_290 = vector.shape_cast %exp3A_285 : vector<16xf32> to vector<1x16xf32>
          tpu.vector_store %arg9[%swap3A_286, %swap3A_287], %swap3A_290 {strides = array<i32>} : memref<100x144xf32, #tpu.memory_space<vmem>>, vector<1x16xf32>,
          %get3A_291 = arith.index_cast %add3A_267 : i32 to index
          %get3A_292 = arith.constant 0 : index
          %get3A_293 = tpu.vector_load %arg9[%get3A_291, %get3A_292] {strides = array<i32>} : memref<100x144xf32, #tpu.memory_space<vmem>>, vector<1x16xf32>,
          %get3A_294 = vector.shape_cast %get3A_293 : vector<1x16xf32> to vector<16xf32>
          %slice3A_295 = vector.extract_strided_slice %exp3A_285 {offsets = [0], sizes = [1], strides = [1]} : vector<16xf32> to vector<1xf32>
          %squeeze3A_296 = vector.extract %slice3A_295[0] : f32 from vector<1xf32>
          %mul3A_297 = vector.broadcast %squeeze3A_296 : f32 to vector<16xf32>
          %mul3A_298 = arith.mulf %get3A_294, %mul3A_297 : vector<16xf32>
          %swap3A_299 = arith.index_cast %add3A_267 : i32 to index
          %swap3A_300 = arith.constant 0 : index
          %swap3A_301 = tpu.vector_load %arg9[%swap3A_299, %swap3A_300] {strides = array<i32>} : memref<100x144xf32, #tpu.memory_space<vmem>>, vector<1x16xf32>,
          %swap3A_302 = vector.shape_cast %swap3A_301 : vector<1x16xf32> to vector<16xf32>
          %swap3A_303 = vector.shape_cast %mul3A_298 : vector<16xf32> to vector<1x16xf32>
          tpu.vector_store %arg9[%swap3A_299, %swap3A_300], %swap3A_303 {strides = array<i32>} : memref<100x144xf32, #tpu.memory_space<vmem>>, vector<1x16xf32>,
          %get3A_304 = arith.index_cast %add3A_267 : i32 to index
          %get3A_305 = arith.constant 16 : index
          %get3A_306 = tpu.vector_load %arg9[%get3A_304, %get3A_305] {strides = array<i32>} : memref<100x144xf32, #tpu.memory_space<vmem>>, vector<1x16xf32>,
          %get3A_307 = vector.shape_cast %get3A_306 : vector<1x16xf32> to vector<16xf32>
          %slice3A_308 = vector.extract_strided_slice %exp3A_285 {offsets = [1], sizes = [1], strides = [1]} : vector<16xf32> to vector<1xf32>
          %squeeze3A_309 = vector.extract %slice3A_308[0] : f32 from vector<1xf32>
          %mul3A_310 = vector.broadcast %squeeze3A_309 : f32 to vector<16xf32>
          %mul3A_311 = arith.mulf %get3A_307, %mul3A_310 : vector<16xf32>
          %swap3A_312 = arith.index_cast %add3A_267 : i32 to index
          %swap3A_313 = arith.constant 16 : index
          %swap3A_314 = tpu.vector_load %arg9[%swap3A_312, %swap3A_313] {strides = array<i32>} : memref<100x144xf32, #tpu.memory_space<vmem>>, vector<1x16xf32>,
          %swap3A_315 = vector.shape_cast %swap3A_314 : vector<1x16xf32> to vector<16xf32>
          %swap3A_316 = vector.shape_cast %mul3A_311 : vector<16xf32> to vector<1x16xf32>
          tpu.vector_store %arg9[%swap3A_312, %swap3A_313], %swap3A_316 {strides = array<i32>} : memref<100x144xf32, #tpu.memory_space<vmem>>, vector<1x16xf32>,
          %get3A_317 = arith.index_cast %add3A_267 : i32 to index
          %get3A_318 = arith.constant 32 : index
          %get3A_319 = tpu.vector_load %arg9[%get3A_317, %get3A_318] {strides = array<i32>} : memref<100x144xf32, #tpu.memory_space<vmem>>, vector<1x16xf32>,
          %get3A_320 = vector.shape_cast %get3A_319 : vector<1x16xf32> to vector<16xf32>
          %slice3A_321 = vector.extract_strided_slice %exp3A_285 {offsets = [2], sizes = [1], strides = [1]} : vector<16xf32> to vector<1xf32>
          %squeeze3A_322 = vector.extract %slice3A_321[0] : f32 from vector<1xf32>
          %mul3A_323 = vector.broadcast %squeeze3A_322 : f32 to vector<16xf32>
          %mul3A_324 = arith.mulf %get3A_320, %mul3A_323 : vector<16xf32>
          %swap3A_325 = arith.index_cast %add3A_267 : i32 to index
          %swap3A_326 = arith.constant 32 : index
          %swap3A_327 = tpu.vector_load %arg9[%swap3A_325, %swap3A_326] {strides = array<i32>} : memref<100x144xf32, #tpu.memory_space<vmem>>, vector<1x16xf32>,
          %swap3A_328 = vector.shape_cast %swap3A_327 : vector<1x16xf32> to vector<16xf32>
          %swap3A_329 = vector.shape_cast %mul3A_324 : vector<16xf32> to vector<1x16xf32>
          tpu.vector_store %arg9[%swap3A_325, %swap3A_326], %swap3A_329 {strides = array<i32>} : memref<100x144xf32, #tpu.memory_space<vmem>>, vector<1x16xf32>,
          %get3A_330 = arith.index_cast %add3A_267 : i32 to index
          %get3A_331 = arith.constant 48 : index
          %get3A_332 = tpu.vector_load %arg9[%get3A_330, %get3A_331] {strides = array<i32>} : memref<100x144xf32, #tpu.memory_space<vmem>>, vector<1x16xf32>,
          %get3A_333 = vector.shape_cast %get3A_332 : vector<1x16xf32> to vector<16xf32>
          %slice3A_334 = vector.extract_strided_slice %exp3A_285 {offsets = [3], sizes = [1], strides = [1]} : vector<16xf32> to vector<1xf32>
          %squeeze3A_335 = vector.extract %slice3A_334[0] : f32 from vector<1xf32>
          %mul3A_336 = vector.broadcast %squeeze3A_335 : f32 to vector<16xf32>
          %mul3A_337 = arith.mulf %get3A_333, %mul3A_336 : vector<16xf32>
          %swap3A_338 = arith.index_cast %add3A_267 : i32 to index
          %swap3A_339 = arith.constant 48 : index
          %swap3A_340 = tpu.vector_load %arg9[%swap3A_338, %swap3A_339] {strides = array<i32>} : memref<100x144xf32, #tpu.memory_space<vmem>>, vector<1x16xf32>,
          %swap3A_341 = vector.shape_cast %swap3A_340 : vector<1x16xf32> to vector<16xf32>
          %swap3A_342 = vector.shape_cast %mul3A_337 : vector<16xf32> to vector<1x16xf32>
          tpu.vector_store %arg9[%swap3A_338, %swap3A_339], %swap3A_342 {strides = array<i32>} : memref<100x144xf32, #tpu.memory_space<vmem>>, vector<1x16xf32>,
          %get3A_343 = arith.index_cast %add3A_267 : i32 to index
          %get3A_344 = arith.constant 64 : index
          %get3A_345 = tpu.vector_load %arg9[%get3A_343, %get3A_344] {strides = array<i32>} : memref<100x144xf32, #tpu.memory_space<vmem>>, vector<1x16xf32>,
          %get3A_346 = vector.shape_cast %get3A_345 : vector<1x16xf32> to vector<16xf32>
          %slice3A_347 = vector.extract_strided_slice %exp3A_285 {offsets = [4], sizes = [1], strides = [1]} : vector<16xf32> to vector<1xf32>
          %squeeze3A_348 = vector.extract %slice3A_347[0] : f32 from vector<1xf32>
          %mul3A_349 = vector.broadcast %squeeze3A_348 : f32 to vector<16xf32>
          %mul3A_350 = arith.mulf %get3A_346, %mul3A_349 : vector<16xf32>
          %swap3A_351 = arith.index_cast %add3A_267 : i32 to index
          %swap3A_352 = arith.constant 64 : index
          %swap3A_353 = tpu.vector_load %arg9[%swap3A_351, %swap3A_352] {strides = array<i32>} : memref<100x144xf32, #tpu.memory_space<vmem>>, vector<1x16xf32>,
          %swap3A_354 = vector.shape_cast %swap3A_353 : vector<1x16xf32> to vector<16xf32>
          %swap3A_355 = vector.shape_cast %mul3A_350 : vector<16xf32> to vector<1x16xf32>
          tpu.vector_store %arg9[%swap3A_351, %swap3A_352], %swap3A_355 {strides = array<i32>} : memref<100x144xf32, #tpu.memory_space<vmem>>, vector<1x16xf32>,
          %get3A_356 = arith.index_cast %add3A_267 : i32 to index
          %get3A_357 = arith.constant 80 : index
          %get3A_358 = tpu.vector_load %arg9[%get3A_356, %get3A_357] {strides = array<i32>} : memref<100x144xf32, #tpu.memory_space<vmem>>, vector<1x16xf32>,
          %get3A_359 = vector.shape_cast %get3A_358 : vector<1x16xf32> to vector<16xf32>
          %slice3A_360 = vector.extract_strided_slice %exp3A_285 {offsets = [5], sizes = [1], strides = [1]} : vector<16xf32> to vector<1xf32>
          %squeeze3A_361 = vector.extract %slice3A_360[0] : f32 from vector<1xf32>
          %mul3A_362 = vector.broadcast %squeeze3A_361 : f32 to vector<16xf32>
          %mul3A_363 = arith.mulf %get3A_359, %mul3A_362 : vector<16xf32>
          %swap3A_364 = arith.index_cast %add3A_267 : i32 to index
          %swap3A_365 = arith.constant 80 : index
          %swap3A_366 = tpu.vector_load %arg9[%swap3A_364, %swap3A_365] {strides = array<i32>} : memref<100x144xf32, #tpu.memory_space<vmem>>, vector<1x16xf32>,
          %swap3A_367 = vector.shape_cast %swap3A_366 : vector<1x16xf32> to vector<16xf32>
          %swap3A_368 = vector.shape_cast %mul3A_363 : vector<16xf32> to vector<1x16xf32>
          tpu.vector_store %arg9[%swap3A_364, %swap3A_365], %swap3A_368 {strides = array<i32>} : memref<100x144xf32, #tpu.memory_space<vmem>>, vector<1x16xf32>,
          %get3A_369 = arith.index_cast %add3A_267 : i32 to index
          %get3A_370 = arith.constant 96 : index
          %get3A_371 = tpu.vector_load %arg9[%get3A_369, %get3A_370] {strides = array<i32>} : memref<100x144xf32, #tpu.memory_space<vmem>>, vector<1x16xf32>,
          %get3A_372 = vector.shape_cast %get3A_371 : vector<1x16xf32> to vector<16xf32>
          %slice3A_373 = vector.extract_strided_slice %exp3A_285 {offsets = [6], sizes = [1], strides = [1]} : vector<16xf32> to vector<1xf32>
          %squeeze3A_374 = vector.extract %slice3A_373[0] : f32 from vector<1xf32>
          %mul3A_375 = vector.broadcast %squeeze3A_374 : f32 to vector<16xf32>
          %mul3A_376 = arith.mulf %get3A_372, %mul3A_375 : vector<16xf32>
          %swap3A_377 = arith.index_cast %add3A_267 : i32 to index
          %swap3A_378 = arith.constant 96 : index
          %swap3A_379 = tpu.vector_load %arg9[%swap3A_377, %swap3A_378] {strides = array<i32>} : memref<100x144xf32, #tpu.memory_space<vmem>>, vector<1x16xf32>,
          %swap3A_380 = vector.shape_cast %swap3A_379 : vector<1x16xf32> to vector<16xf32>
          %swap3A_381 = vector.shape_cast %mul3A_376 : vector<16xf32> to vector<1x16xf32>
          tpu.vector_store %arg9[%swap3A_377, %swap3A_378], %swap3A_381 {strides = array<i32>} : memref<100x144xf32, #tpu.memory_space<vmem>>, vector<1x16xf32>,
          %get3A_382 = arith.index_cast %add3A_267 : i32 to index
          %get3A_383 = arith.constant 112 : index
          %get3A_384 = tpu.vector_load %arg9[%get3A_382, %get3A_383] {strides = array<i32>} : memref<100x144xf32, #tpu.memory_space<vmem>>, vector<1x16xf32>,
          %get3A_385 = vector.shape_cast %get3A_384 : vector<1x16xf32> to vector<16xf32>
          %slice3A_386 = vector.extract_strided_slice %exp3A_285 {offsets = [7], sizes = [1], strides = [1]} : vector<16xf32> to vector<1xf32>
          %squeeze3A_387 = vector.extract %slice3A_386[0] : f32 from vector<1xf32>
          %mul3A_388 = vector.broadcast %squeeze3A_387 : f32 to vector<16xf32>
          %mul3A_389 = arith.mulf %get3A_385, %mul3A_388 : vector<16xf32>
          %swap3A_390 = arith.index_cast %add3A_267 : i32 to index
          %swap3A_391 = arith.constant 112 : index
          %swap3A_392 = tpu.vector_load %arg9[%swap3A_390, %swap3A_391] {strides = array<i32>} : memref<100x144xf32, #tpu.memory_space<vmem>>, vector<1x16xf32>,
          %swap3A_393 = vector.shape_cast %swap3A_392 : vector<1x16xf32> to vector<16xf32>
          %swap3A_394 = vector.shape_cast %mul3A_389 : vector<16xf32> to vector<1x16xf32>
          tpu.vector_store %arg9[%swap3A_390, %swap3A_391], %swap3A_394 {strides = array<i32>} : memref<100x144xf32, #tpu.memory_space<vmem>>, vector<1x16xf32>,
          %scan3A_395 = arith.constant 2 : i32
          %scan3A_396 = arith.addi %scan3A_137, %scan3A_395 : i32
          %mul3A_397 = arith.constant 1 : i32
          %mul3A_398 = arith.muli %scan3A_396, %mul3A_397 : i32
          %add3A_399 = arith.constant 0 : i32
          %add3A_400 = arith.addi %add3A_399, %mul3A_398 : i32
          %get3A_401 = arith.index_cast %add3A_400 : i32 to index
          %get3A_402 = arith.constant 128 : index
          %get3A_403 = tpu.vector_load %arg9[%get3A_401, %get3A_402] {strides = array<i32>} : memref<100x144xf32, #tpu.memory_space<vmem>>, vector<1x16xf32>,
          %get3A_404 = vector.shape_cast %get3A_403 : vector<1x16xf32> to vector<16xf32>
          %get3A_405 = arith.index_cast %add3A_400 : i32 to index
          %get3A_406 = arith.constant 0 : index
          %get3A_407 = tpu.vector_load %arg11[%get3A_405, %get3A_406] {strides = array<i32>} : memref<100x16xf32, #tpu.memory_space<vmem>>, vector<1x16xf32>,
          %get3A_408 = vector.shape_cast %get3A_407 : vector<1x16xf32> to vector<16xf32>
          %add3A_409 = arith.addf %get3A_404, %get3A_408 : vector<16xf32>
          %ge3A_410 = arith.constant 0.000000e+00 : f32
          %ge3A_411 = vector.broadcast %ge3A_410 : f32 to vector<16xf32>
          %ge3A_412 = arith.cmpf oge, %add3A_409, %ge3A_411 : vector<16xf32>
          %mul3A_413 = arith.constant 2.000000e-01 : f32
          %mul3A_414 = vector.broadcast %mul3A_413 : f32 to vector<16xf32>
          %mul3A_415 = arith.mulf %mul3A_414, %add3A_409 : vector<16xf32>
          %select_n3A_416 = arith.select %ge3A_412, %add3A_409, %mul3A_415 : vector<16xi1>, vector<16xf32>
          %sub3A_417 = arith.subf %select_n3A_416, %get3A_8 : vector<16xf32>
          %exp3A_418 = math.exp %sub3A_417 : vector<16xf32>
          %swap3A_419 = arith.index_cast %add3A_400 : i32 to index
          %swap3A_420 = arith.constant 128 : index
          %swap3A_421 = tpu.vector_load %arg9[%swap3A_419, %swap3A_420] {strides = array<i32>} : memref<100x144xf32, #tpu.memory_space<vmem>>, vector<1x16xf32>,
          %swap3A_422 = vector.shape_cast %swap3A_421 : vector<1x16xf32> to vector<16xf32>
          %swap3A_423 = vector.shape_cast %exp3A_418 : vector<16xf32> to vector<1x16xf32>
          tpu.vector_store %arg9[%swap3A_419, %swap3A_420], %swap3A_423 {strides = array<i32>} : memref<100x144xf32, #tpu.memory_space<vmem>>, vector<1x16xf32>,
          %get3A_424 = arith.index_cast %add3A_400 : i32 to index
          %get3A_425 = arith.constant 0 : index
          %get3A_426 = tpu.vector_load %arg9[%get3A_424, %get3A_425] {strides = array<i32>} : memref<100x144xf32, #tpu.memory_space<vmem>>, vector<1x16xf32>,
          %get3A_427 = vector.shape_cast %get3A_426 : vector<1x16xf32> to vector<16xf32>
          %slice3A_428 = vector.extract_strided_slice %exp3A_418 {offsets = [0], sizes = [1], strides = [1]} : vector<16xf32> to vector<1xf32>
          %squeeze3A_429 = vector.extract %slice3A_428[0] : f32 from vector<1xf32>
          %mul3A_430 = vector.broadcast %squeeze3A_429 : f32 to vector<16xf32>
          %mul3A_431 = arith.mulf %get3A_427, %mul3A_430 : vector<16xf32>
          %swap3A_432 = arith.index_cast %add3A_400 : i32 to index
          %swap3A_433 = arith.constant 0 : index
          %swap3A_434 = tpu.vector_load %arg9[%swap3A_432, %swap3A_433] {strides = array<i32>} : memref<100x144xf32, #tpu.memory_space<vmem>>, vector<1x16xf32>,
          %swap3A_435 = vector.shape_cast %swap3A_434 : vector<1x16xf32> to vector<16xf32>
          %swap3A_436 = vector.shape_cast %mul3A_431 : vector<16xf32> to vector<1x16xf32>
          tpu.vector_store %arg9[%swap3A_432, %swap3A_433], %swap3A_436 {strides = array<i32>} : memref<100x144xf32, #tpu.memory_space<vmem>>, vector<1x16xf32>,
          %get3A_437 = arith.index_cast %add3A_400 : i32 to index
          %get3A_438 = arith.constant 16 : index
          %get3A_439 = tpu.vector_load %arg9[%get3A_437, %get3A_438] {strides = array<i32>} : memref<100x144xf32, #tpu.memory_space<vmem>>, vector<1x16xf32>,
          %get3A_440 = vector.shape_cast %get3A_439 : vector<1x16xf32> to vector<16xf32>
          %slice3A_441 = vector.extract_strided_slice %exp3A_418 {offsets = [1], sizes = [1], strides = [1]} : vector<16xf32> to vector<1xf32>
          %squeeze3A_442 = vector.extract %slice3A_441[0] : f32 from vector<1xf32>
          %mul3A_443 = vector.broadcast %squeeze3A_442 : f32 to vector<16xf32>
          %mul3A_444 = arith.mulf %get3A_440, %mul3A_443 : vector<16xf32>
          %swap3A_445 = arith.index_cast %add3A_400 : i32 to index
          %swap3A_446 = arith.constant 16 : index
          %swap3A_447 = tpu.vector_load %arg9[%swap3A_445, %swap3A_446] {strides = array<i32>} : memref<100x144xf32, #tpu.memory_space<vmem>>, vector<1x16xf32>,
          %swap3A_448 = vector.shape_cast %swap3A_447 : vector<1x16xf32> to vector<16xf32>
          %swap3A_449 = vector.shape_cast %mul3A_444 : vector<16xf32> to vector<1x16xf32>
          tpu.vector_store %arg9[%swap3A_445, %swap3A_446], %swap3A_449 {strides = array<i32>} : memref<100x144xf32, #tpu.memory_space<vmem>>, vector<1x16xf32>,
          %get3A_450 = arith.index_cast %add3A_400 : i32 to index
          %get3A_451 = arith.constant 32 : index
          %get3A_452 = tpu.vector_load %arg9[%get3A_450, %get3A_451] {strides = array<i32>} : memref<100x144xf32, #tpu.memory_space<vmem>>, vector<1x16xf32>,
          %get3A_453 = vector.shape_cast %get3A_452 : vector<1x16xf32> to vector<16xf32>
          %slice3A_454 = vector.extract_strided_slice %exp3A_418 {offsets = [2], sizes = [1], strides = [1]} : vector<16xf32> to vector<1xf32>
          %squeeze3A_455 = vector.extract %slice3A_454[0] : f32 from vector<1xf32>
          %mul3A_456 = vector.broadcast %squeeze3A_455 : f32 to vector<16xf32>
          %mul3A_457 = arith.mulf %get3A_453, %mul3A_456 : vector<16xf32>
          %swap3A_458 = arith.index_cast %add3A_400 : i32 to index
          %swap3A_459 = arith.constant 32 : index
          %swap3A_460 = tpu.vector_load %arg9[%swap3A_458, %swap3A_459] {strides = array<i32>} : memref<100x144xf32, #tpu.memory_space<vmem>>, vector<1x16xf32>,
          %swap3A_461 = vector.shape_cast %swap3A_460 : vector<1x16xf32> to vector<16xf32>
          %swap3A_462 = vector.shape_cast %mul3A_457 : vector<16xf32> to vector<1x16xf32>
          tpu.vector_store %arg9[%swap3A_458, %swap3A_459], %swap3A_462 {strides = array<i32>} : memref<100x144xf32, #tpu.memory_space<vmem>>, vector<1x16xf32>,
          %get3A_463 = arith.index_cast %add3A_400 : i32 to index
          %get3A_464 = arith.constant 48 : index
          %get3A_465 = tpu.vector_load %arg9[%get3A_463, %get3A_464] {strides = array<i32>} : memref<100x144xf32, #tpu.memory_space<vmem>>, vector<1x16xf32>,
          %get3A_466 = vector.shape_cast %get3A_465 : vector<1x16xf32> to vector<16xf32>
          %slice3A_467 = vector.extract_strided_slice %exp3A_418 {offsets = [3], sizes = [1], strides = [1]} : vector<16xf32> to vector<1xf32>
          %squeeze3A_468 = vector.extract %slice3A_467[0] : f32 from vector<1xf32>
          %mul3A_469 = vector.broadcast %squeeze3A_468 : f32 to vector<16xf32>
          %mul3A_470 = arith.mulf %get3A_466, %mul3A_469 : vector<16xf32>
          %swap3A_471 = arith.index_cast %add3A_400 : i32 to index
          %swap3A_472 = arith.constant 48 : index
          %swap3A_473 = tpu.vector_load %arg9[%swap3A_471, %swap3A_472] {strides = array<i32>} : memref<100x144xf32, #tpu.memory_space<vmem>>, vector<1x16xf32>,
          %swap3A_474 = vector.shape_cast %swap3A_473 : vector<1x16xf32> to vector<16xf32>
          %swap3A_475 = vector.shape_cast %mul3A_470 : vector<16xf32> to vector<1x16xf32>
          tpu.vector_store %arg9[%swap3A_471, %swap3A_472], %swap3A_475 {strides = array<i32>} : memref<100x144xf32, #tpu.memory_space<vmem>>, vector<1x16xf32>,
          %get3A_476 = arith.index_cast %add3A_400 : i32 to index
          %get3A_477 = arith.constant 64 : index
          %get3A_478 = tpu.vector_load %arg9[%get3A_476, %get3A_477] {strides = array<i32>} : memref<100x144xf32, #tpu.memory_space<vmem>>, vector<1x16xf32>,
          %get3A_479 = vector.shape_cast %get3A_478 : vector<1x16xf32> to vector<16xf32>
          %slice3A_480 = vector.extract_strided_slice %exp3A_418 {offsets = [4], sizes = [1], strides = [1]} : vector<16xf32> to vector<1xf32>
          %squeeze3A_481 = vector.extract %slice3A_480[0] : f32 from vector<1xf32>
          %mul3A_482 = vector.broadcast %squeeze3A_481 : f32 to vector<16xf32>
          %mul3A_483 = arith.mulf %get3A_479, %mul3A_482 : vector<16xf32>
          %swap3A_484 = arith.index_cast %add3A_400 : i32 to index
          %swap3A_485 = arith.constant 64 : index
          %swap3A_486 = tpu.vector_load %arg9[%swap3A_484, %swap3A_485] {strides = array<i32>} : memref<100x144xf32, #tpu.memory_space<vmem>>, vector<1x16xf32>,
          %swap3A_487 = vector.shape_cast %swap3A_486 : vector<1x16xf32> to vector<16xf32>
          %swap3A_488 = vector.shape_cast %mul3A_483 : vector<16xf32> to vector<1x16xf32>
          tpu.vector_store %arg9[%swap3A_484, %swap3A_485], %swap3A_488 {strides = array<i32>} : memref<100x144xf32, #tpu.memory_space<vmem>>, vector<1x16xf32>,
          %get3A_489 = arith.index_cast %add3A_400 : i32 to index
          %get3A_490 = arith.constant 80 : index
          %get3A_491 = tpu.vector_load %arg9[%get3A_489, %get3A_490] {strides = array<i32>} : memref<100x144xf32, #tpu.memory_space<vmem>>, vector<1x16xf32>,
          %get3A_492 = vector.shape_cast %get3A_491 : vector<1x16xf32> to vector<16xf32>
          %slice3A_493 = vector.extract_strided_slice %exp3A_418 {offsets = [5], sizes = [1], strides = [1]} : vector<16xf32> to vector<1xf32>
          %squeeze3A_494 = vector.extract %slice3A_493[0] : f32 from vector<1xf32>
          %mul3A_495 = vector.broadcast %squeeze3A_494 : f32 to vector<16xf32>
          %mul3A_496 = arith.mulf %get3A_492, %mul3A_495 : vector<16xf32>
          %swap3A_497 = arith.index_cast %add3A_400 : i32 to index
          %swap3A_498 = arith.constant 80 : index
          %swap3A_499 = tpu.vector_load %arg9[%swap3A_497, %swap3A_498] {strides = array<i32>} : memref<100x144xf32, #tpu.memory_space<vmem>>, vector<1x16xf32>,
          %swap3A_500 = vector.shape_cast %swap3A_499 : vector<1x16xf32> to vector<16xf32>
          %swap3A_501 = vector.shape_cast %mul3A_496 : vector<16xf32> to vector<1x16xf32>
          tpu.vector_store %arg9[%swap3A_497, %swap3A_498], %swap3A_501 {strides = array<i32>} : memref<100x144xf32, #tpu.memory_space<vmem>>, vector<1x16xf32>,
          %get3A_502 = arith.index_cast %add3A_400 : i32 to index
          %get3A_503 = arith.constant 96 : index
          %get3A_504 = tpu.vector_load %arg9[%get3A_502, %get3A_503] {strides = array<i32>} : memref<100x144xf32, #tpu.memory_space<vmem>>, vector<1x16xf32>,
          %get3A_505 = vector.shape_cast %get3A_504 : vector<1x16xf32> to vector<16xf32>
          %slice3A_506 = vector.extract_strided_slice %exp3A_418 {offsets = [6], sizes = [1], strides = [1]} : vector<16xf32> to vector<1xf32>
          %squeeze3A_507 = vector.extract %slice3A_506[0] : f32 from vector<1xf32>
          %mul3A_508 = vector.broadcast %squeeze3A_507 : f32 to vector<16xf32>
          %mul3A_509 = arith.mulf %get3A_505, %mul3A_508 : vector<16xf32>
          %swap3A_510 = arith.index_cast %add3A_400 : i32 to index
          %swap3A_511 = arith.constant 96 : index
          %swap3A_512 = tpu.vector_load %arg9[%swap3A_510, %swap3A_511] {strides = array<i32>} : memref<100x144xf32, #tpu.memory_space<vmem>>, vector<1x16xf32>,
          %swap3A_513 = vector.shape_cast %swap3A_512 : vector<1x16xf32> to vector<16xf32>
          %swap3A_514 = vector.shape_cast %mul3A_509 : vector<16xf32> to vector<1x16xf32>
          tpu.vector_store %arg9[%swap3A_510, %swap3A_511], %swap3A_514 {strides = array<i32>} : memref<100x144xf32, #tpu.memory_space<vmem>>, vector<1x16xf32>,
          %get3A_515 = arith.index_cast %add3A_400 : i32 to index
          %get3A_516 = arith.constant 112 : index
          %get3A_517 = tpu.vector_load %arg9[%get3A_515, %get3A_516] {strides = array<i32>} : memref<100x144xf32, #tpu.memory_space<vmem>>, vector<1x16xf32>,
          %get3A_518 = vector.shape_cast %get3A_517 : vector<1x16xf32> to vector<16xf32>
          %slice3A_519 = vector.extract_strided_slice %exp3A_418 {offsets = [7], sizes = [1], strides = [1]} : vector<16xf32> to vector<1xf32>
          %squeeze3A_520 = vector.extract %slice3A_519[0] : f32 from vector<1xf32>
          %mul3A_521 = vector.broadcast %squeeze3A_520 : f32 to vector<16xf32>
          %mul3A_522 = arith.mulf %get3A_518, %mul3A_521 : vector<16xf32>
          %swap3A_523 = arith.index_cast %add3A_400 : i32 to index
          %swap3A_524 = arith.constant 112 : index
          %swap3A_525 = tpu.vector_load %arg9[%swap3A_523, %swap3A_524] {strides = array<i32>} : memref<100x144xf32, #tpu.memory_space<vmem>>, vector<1x16xf32>,
          %swap3A_526 = vector.shape_cast %swap3A_525 : vector<1x16xf32> to vector<16xf32>
          %swap3A_527 = vector.shape_cast %mul3A_522 : vector<16xf32> to vector<1x16xf32>
          tpu.vector_store %arg9[%swap3A_523, %swap3A_524], %swap3A_527 {strides = array<i32>} : memref<100x144xf32, #tpu.memory_space<vmem>>, vector<1x16xf32>,
          %scan3A_528 = arith.constant 3 : i32
          %scan3A_529 = arith.addi %scan3A_137, %scan3A_528 : i32
          %mul3A_530 = arith.constant 1 : i32
          %mul3A_531 = arith.muli %scan3A_529, %mul3A_530 : i32
          %add3A_532 = arith.constant 0 : i32
          %add3A_533 = arith.addi %add3A_532, %mul3A_531 : i32
          %get3A_534 = arith.index_cast %add3A_533 : i32 to index
          %get3A_535 = arith.constant 128 : index
          %get3A_536 = tpu.vector_load %arg9[%get3A_534, %get3A_535] {strides = array<i32>} : memref<100x144xf32, #tpu.memory_space<vmem>>, vector<1x16xf32>,
          %get3A_537 = vector.shape_cast %get3A_536 : vector<1x16xf32> to vector<16xf32>
          %get3A_538 = arith.index_cast %add3A_533 : i32 to index
          %get3A_539 = arith.constant 0 : index
          %get3A_540 = tpu.vector_load %arg11[%get3A_538, %get3A_539] {strides = array<i32>} : memref<100x16xf32, #tpu.memory_space<vmem>>, vector<1x16xf32>,
          %get3A_541 = vector.shape_cast %get3A_540 : vector<1x16xf32> to vector<16xf32>
          %add3A_542 = arith.addf %get3A_537, %get3A_541 : vector<16xf32>
          %ge3A_543 = arith.constant 0.000000e+00 : f32
          %ge3A_544 = vector.broadcast %ge3A_543 : f32 to vector<16xf32>
          %ge3A_545 = arith.cmpf oge, %add3A_542, %ge3A_544 : vector<16xf32>
          %mul3A_546 = arith.constant 2.000000e-01 : f32
          %mul3A_547 = vector.broadcast %mul3A_546 : f32 to vector<16xf32>
          %mul3A_548 = arith.mulf %mul3A_547, %add3A_542 : vector<16xf32>
          %select_n3A_549 = arith.select %ge3A_545, %add3A_542, %mul3A_548 : vector<16xi1>, vector<16xf32>
          %sub3A_550 = arith.subf %select_n3A_549, %get3A_8 : vector<16xf32>
          %exp3A_551 = math.exp %sub3A_550 : vector<16xf32>
          %swap3A_552 = arith.index_cast %add3A_533 : i32 to index
          %swap3A_553 = arith.constant 128 : index
          %swap3A_554 = tpu.vector_load %arg9[%swap3A_552, %swap3A_553] {strides = array<i32>} : memref<100x144xf32, #tpu.memory_space<vmem>>, vector<1x16xf32>,
          %swap3A_555 = vector.shape_cast %swap3A_554 : vector<1x16xf32> to vector<16xf32>
          %swap3A_556 = vector.shape_cast %exp3A_551 : vector<16xf32> to vector<1x16xf32>
          tpu.vector_store %arg9[%swap3A_552, %swap3A_553], %swap3A_556 {strides = array<i32>} : memref<100x144xf32, #tpu.memory_space<vmem>>, vector<1x16xf32>,
          %get3A_557 = arith.index_cast %add3A_533 : i32 to index
          %get3A_558 = arith.constant 0 : index
          %get3A_559 = tpu.vector_load %arg9[%get3A_557, %get3A_558] {strides = array<i32>} : memref<100x144xf32, #tpu.memory_space<vmem>>, vector<1x16xf32>,
          %get3A_560 = vector.shape_cast %get3A_559 : vector<1x16xf32> to vector<16xf32>
          %slice3A_561 = vector.extract_strided_slice %exp3A_551 {offsets = [0], sizes = [1], strides = [1]} : vector<16xf32> to vector<1xf32>
          %squeeze3A_562 = vector.extract %slice3A_561[0] : f32 from vector<1xf32>
          %mul3A_563 = vector.broadcast %squeeze3A_562 : f32 to vector<16xf32>
          %mul3A_564 = arith.mulf %get3A_560, %mul3A_563 : vector<16xf32>
          %swap3A_565 = arith.index_cast %add3A_533 : i32 to index
          %swap3A_566 = arith.constant 0 : index
          %swap3A_567 = tpu.vector_load %arg9[%swap3A_565, %swap3A_566] {strides = array<i32>} : memref<100x144xf32, #tpu.memory_space<vmem>>, vector<1x16xf32>,
          %swap3A_568 = vector.shape_cast %swap3A_567 : vector<1x16xf32> to vector<16xf32>
          %swap3A_569 = vector.shape_cast %mul3A_564 : vector<16xf32> to vector<1x16xf32>
          tpu.vector_store %arg9[%swap3A_565, %swap3A_566], %swap3A_569 {strides = array<i32>} : memref<100x144xf32, #tpu.memory_space<vmem>>, vector<1x16xf32>,
          %get3A_570 = arith.index_cast %add3A_533 : i32 to index
          %get3A_571 = arith.constant 16 : index
          %get3A_572 = tpu.vector_load %arg9[%get3A_570, %get3A_571] {strides = array<i32>} : memref<100x144xf32, #tpu.memory_space<vmem>>, vector<1x16xf32>,
          %get3A_573 = vector.shape_cast %get3A_572 : vector<1x16xf32> to vector<16xf32>
          %slice3A_574 = vector.extract_strided_slice %exp3A_551 {offsets = [1], sizes = [1], strides = [1]} : vector<16xf32> to vector<1xf32>
          %squeeze3A_575 = vector.extract %slice3A_574[0] : f32 from vector<1xf32>
          %mul3A_576 = vector.broadcast %squeeze3A_575 : f32 to vector<16xf32>
          %mul3A_577 = arith.mulf %get3A_573, %mul3A_576 : vector<16xf32>
          %swap3A_578 = arith.index_cast %add3A_533 : i32 to index
          %swap3A_579 = arith.constant 16 : index
          %swap3A_580 = tpu.vector_load %arg9[%swap3A_578, %swap3A_579] {strides = array<i32>} : memref<100x144xf32, #tpu.memory_space<vmem>>, vector<1x16xf32>,
          %swap3A_581 = vector.shape_cast %swap3A_580 : vector<1x16xf32> to vector<16xf32>
          %swap3A_582 = vector.shape_cast %mul3A_577 : vector<16xf32> to vector<1x16xf32>
          tpu.vector_store %arg9[%swap3A_578, %swap3A_579], %swap3A_582 {strides = array<i32>} : memref<100x144xf32, #tpu.memory_space<vmem>>, vector<1x16xf32>,
          %get3A_583 = arith.index_cast %add3A_533 : i32 to index
          %get3A_584 = arith.constant 32 : index
          %get3A_585 = tpu.vector_load %arg9[%get3A_583, %get3A_584] {strides = array<i32>} : memref<100x144xf32, #tpu.memory_space<vmem>>, vector<1x16xf32>,
          %get3A_586 = vector.shape_cast %get3A_585 : vector<1x16xf32> to vector<16xf32>
          %slice3A_587 = vector.extract_strided_slice %exp3A_551 {offsets = [2], sizes = [1], strides = [1]} : vector<16xf32> to vector<1xf32>
          %squeeze3A_588 = vector.extract %slice3A_587[0] : f32 from vector<1xf32>
          %mul3A_589 = vector.broadcast %squeeze3A_588 : f32 to vector<16xf32>
          %mul3A_590 = arith.mulf %get3A_586, %mul3A_589 : vector<16xf32>
          %swap3A_591 = arith.index_cast %add3A_533 : i32 to index
          %swap3A_592 = arith.constant 32 : index
          %swap3A_593 = tpu.vector_load %arg9[%swap3A_591, %swap3A_592] {strides = array<i32>} : memref<100x144xf32, #tpu.memory_space<vmem>>, vector<1x16xf32>,
          %swap3A_594 = vector.shape_cast %swap3A_593 : vector<1x16xf32> to vector<16xf32>
          %swap3A_595 = vector.shape_cast %mul3A_590 : vector<16xf32> to vector<1x16xf32>
          tpu.vector_store %arg9[%swap3A_591, %swap3A_592], %swap3A_595 {strides = array<i32>} : memref<100x144xf32, #tpu.memory_space<vmem>>, vector<1x16xf32>,
          %get3A_596 = arith.index_cast %add3A_533 : i32 to index
          %get3A_597 = arith.constant 48 : index
          %get3A_598 = tpu.vector_load %arg9[%get3A_596, %get3A_597] {strides = array<i32>} : memref<100x144xf32, #tpu.memory_space<vmem>>, vector<1x16xf32>,
          %get3A_599 = vector.shape_cast %get3A_598 : vector<1x16xf32> to vector<16xf32>
          %slice3A_600 = vector.extract_strided_slice %exp3A_551 {offsets = [3], sizes = [1], strides = [1]} : vector<16xf32> to vector<1xf32>
          %squeeze3A_601 = vector.extract %slice3A_600[0] : f32 from vector<1xf32>
          %mul3A_602 = vector.broadcast %squeeze3A_601 : f32 to vector<16xf32>
          %mul3A_603 = arith.mulf %get3A_599, %mul3A_602 : vector<16xf32>
          %swap3A_604 = arith.index_cast %add3A_533 : i32 to index
          %swap3A_605 = arith.constant 48 : index
          %swap3A_606 = tpu.vector_load %arg9[%swap3A_604, %swap3A_605] {strides = array<i32>} : memref<100x144xf32, #tpu.memory_space<vmem>>, vector<1x16xf32>,
          %swap3A_607 = vector.shape_cast %swap3A_606 : vector<1x16xf32> to vector<16xf32>
          %swap3A_608 = vector.shape_cast %mul3A_603 : vector<16xf32> to vector<1x16xf32>
          tpu.vector_store %arg9[%swap3A_604, %swap3A_605], %swap3A_608 {strides = array<i32>} : memref<100x144xf32, #tpu.memory_space<vmem>>, vector<1x16xf32>,
          %get3A_609 = arith.index_cast %add3A_533 : i32 to index
          %get3A_610 = arith.constant 64 : index
          %get3A_611 = tpu.vector_load %arg9[%get3A_609, %get3A_610] {strides = array<i32>} : memref<100x144xf32, #tpu.memory_space<vmem>>, vector<1x16xf32>,
          %get3A_612 = vector.shape_cast %get3A_611 : vector<1x16xf32> to vector<16xf32>
          %slice3A_613 = vector.extract_strided_slice %exp3A_551 {offsets = [4], sizes = [1], strides = [1]} : vector<16xf32> to vector<1xf32>
          %squeeze3A_614 = vector.extract %slice3A_613[0] : f32 from vector<1xf32>
          %mul3A_615 = vector.broadcast %squeeze3A_614 : f32 to vector<16xf32>
          %mul3A_616 = arith.mulf %get3A_612, %mul3A_615 : vector<16xf32>
          %swap3A_617 = arith.index_cast %add3A_533 : i32 to index
          %swap3A_618 = arith.constant 64 : index
          %swap3A_619 = tpu.vector_load %arg9[%swap3A_617, %swap3A_618] {strides = array<i32>} : memref<100x144xf32, #tpu.memory_space<vmem>>, vector<1x16xf32>,
          %swap3A_620 = vector.shape_cast %swap3A_619 : vector<1x16xf32> to vector<16xf32>
          %swap3A_621 = vector.shape_cast %mul3A_616 : vector<16xf32> to vector<1x16xf32>
          tpu.vector_store %arg9[%swap3A_617, %swap3A_618], %swap3A_621 {strides = array<i32>} : memref<100x144xf32, #tpu.memory_space<vmem>>, vector<1x16xf32>,
          %get3A_622 = arith.index_cast %add3A_533 : i32 to index
          %get3A_623 = arith.constant 80 : index
          %get3A_624 = tpu.vector_load %arg9[%get3A_622, %get3A_623] {strides = array<i32>} : memref<100x144xf32, #tpu.memory_space<vmem>>, vector<1x16xf32>,
          %get3A_625 = vector.shape_cast %get3A_624 : vector<1x16xf32> to vector<16xf32>
          %slice3A_626 = vector.extract_strided_slice %exp3A_551 {offsets = [5], sizes = [1], strides = [1]} : vector<16xf32> to vector<1xf32>
          %squeeze3A_627 = vector.extract %slice3A_626[0] : f32 from vector<1xf32>
          %mul3A_628 = vector.broadcast %squeeze3A_627 : f32 to vector<16xf32>
          %mul3A_629 = arith.mulf %get3A_625, %mul3A_628 : vector<16xf32>
          %swap3A_630 = arith.index_cast %add3A_533 : i32 to index
          %swap3A_631 = arith.constant 80 : index
          %swap3A_632 = tpu.vector_load %arg9[%swap3A_630, %swap3A_631] {strides = array<i32>} : memref<100x144xf32, #tpu.memory_space<vmem>>, vector<1x16xf32>,
          %swap3A_633 = vector.shape_cast %swap3A_632 : vector<1x16xf32> to vector<16xf32>
          %swap3A_634 = vector.shape_cast %mul3A_629 : vector<16xf32> to vector<1x16xf32>
          tpu.vector_store %arg9[%swap3A_630, %swap3A_631], %swap3A_634 {strides = array<i32>} : memref<100x144xf32, #tpu.memory_space<vmem>>, vector<1x16xf32>,
          %get3A_635 = arith.index_cast %add3A_533 : i32 to index
          %get3A_636 = arith.constant 96 : index
          %get3A_637 = tpu.vector_load %arg9[%get3A_635, %get3A_636] {strides = array<i32>} : memref<100x144xf32, #tpu.memory_space<vmem>>, vector<1x16xf32>,
          %get3A_638 = vector.shape_cast %get3A_637 : vector<1x16xf32> to vector<16xf32>
          %slice3A_639 = vector.extract_strided_slice %exp3A_551 {offsets = [6], sizes = [1], strides = [1]} : vector<16xf32> to vector<1xf32>
          %squeeze3A_640 = vector.extract %slice3A_639[0] : f32 from vector<1xf32>
          %mul3A_641 = vector.broadcast %squeeze3A_640 : f32 to vector<16xf32>
          %mul3A_642 = arith.mulf %get3A_638, %mul3A_641 : vector<16xf32>
          %swap3A_643 = arith.index_cast %add3A_533 : i32 to index
          %swap3A_644 = arith.constant 96 : index
          %swap3A_645 = tpu.vector_load %arg9[%swap3A_643, %swap3A_644] {strides = array<i32>} : memref<100x144xf32, #tpu.memory_space<vmem>>, vector<1x16xf32>,
          %swap3A_646 = vector.shape_cast %swap3A_645 : vector<1x16xf32> to vector<16xf32>
          %swap3A_647 = vector.shape_cast %mul3A_642 : vector<16xf32> to vector<1x16xf32>
          tpu.vector_store %arg9[%swap3A_643, %swap3A_644], %swap3A_647 {strides = array<i32>} : memref<100x144xf32, #tpu.memory_space<vmem>>, vector<1x16xf32>,
          %get3A_648 = arith.index_cast %add3A_533 : i32 to index
          %get3A_649 = arith.constant 112 : index
          %get3A_650 = tpu.vector_load %arg9[%get3A_648, %get3A_649] {strides = array<i32>} : memref<100x144xf32, #tpu.memory_space<vmem>>, vector<1x16xf32>,
          %get3A_651 = vector.shape_cast %get3A_650 : vector<1x16xf32> to vector<16xf32>
          %slice3A_652 = vector.extract_strided_slice %exp3A_551 {offsets = [7], sizes = [1], strides = [1]} : vector<16xf32> to vector<1xf32>
          %squeeze3A_653 = vector.extract %slice3A_652[0] : f32 from vector<1xf32>
          %mul3A_654 = vector.broadcast %squeeze3A_653 : f32 to vector<16xf32>
          %mul3A_655 = arith.mulf %get3A_651, %mul3A_654 : vector<16xf32>
          %swap3A_656 = arith.index_cast %add3A_533 : i32 to index
          %swap3A_657 = arith.constant 112 : index
          %swap3A_658 = tpu.vector_load %arg9[%swap3A_656, %swap3A_657] {strides = array<i32>} : memref<100x144xf32, #tpu.memory_space<vmem>>, vector<1x16xf32>,
          %swap3A_659 = vector.shape_cast %swap3A_658 : vector<1x16xf32> to vector<16xf32>
          %swap3A_660 = vector.shape_cast %mul3A_655 : vector<16xf32> to vector<1x16xf32>
          tpu.vector_store %arg9[%swap3A_656, %swap3A_657], %swap3A_660 {strides = array<i32>} : memref<100x144xf32, #tpu.memory_space<vmem>>, vector<1x16xf32>,
        }
        %scan3A_77 = arith.constant 100 : i32
        %dma_start3A_78 = arith.constant 0 : i32
        %dma_start3A_79 = tpu.memref_slice %arg14[%mul3A_61, %dma_start3A_78] : memref<20x100xi32, #tpu.memory_space<vmem>> -> memref<1x100xi32, #tpu.memory_space<vmem>>
        %dma_start3A_80 = tpu.memref_squeeze %dma_start3A_79 : memref<1x100xi32, #tpu.memory_space<vmem>> -> memref<100xi32, #tpu.memory_space<vmem>>
        %dma_start3A_81 = arith.constant 0 : i32
        %dma_start3A_82 = arith.constant 0 : i32
        %dma_start3A_83 = tpu.memref_slice %arg16[%dma_start3A_81, %dma_start3A_82] : memref<10000x144xf32, #tpu.memory_space<vmem_shared>> -> memref<10000x144xf32, #tpu.memory_space<vmem_shared>>
        tpu.enqueue_indirect_dma source(%arg9 : memref<100x144xf32, #tpu.memory_space<vmem>>) target(%dma_start3A_83 : memref<10000x144xf32, #tpu.memory_space<vmem_shared>>) offsets(%dma_start3A_80 : memref<100xi32, #tpu.memory_space<vmem>>) semaphore(%arg21 : memref<!tpu.dma_semaphore, #tpu.memory_space<semaphore_mem>>) {add = true}
        %add3A_84 = arith.constant 1 : i32
        %add3A_85 = arith.addi %mul3A_61, %add3A_84 : i32
        %dma_wait3A_86 = arith.constant 0 : i32
        %dma_wait3A_87 = tpu.memref_slice %arg13[%add3A_85, %dma_wait3A_86] : memref<20x100xi32, #tpu.memory_space<vmem>> -> memref<1x100xi32, #tpu.memory_space<vmem>>
        %dma_wait3A_88 = tpu.memref_squeeze %dma_wait3A_87 : memref<1x100xi32, #tpu.memory_space<vmem>> -> memref<100xi32, #tpu.memory_space<vmem>>
        %dma_wait3A_89 = arith.constant 0 : i32
        %dma_wait3A_90 = arith.constant 0 : i32
        %dma_wait3A_91 = tpu.memref_slice %arg2[%dma_wait3A_89, %dma_wait3A_90] : memref<10000x144xf32, #tpu.memory_space<hbm>> -> memref<10000x144xf32, #tpu.memory_space<hbm>>
        tpu.wait_indirect_dma semaphore(%arg18 : memref<!tpu.dma_semaphore, #tpu.memory_space<semaphore_mem>>) src(%dma_wait3A_91 : memref<10000x144xf32, #tpu.memory_space<hbm>>) dst(%arg10 : memref<100x144xf32, #tpu.memory_space<vmem>>)
        %dma_wait3A_92 = arith.constant 0 : i32
        %dma_wait3A_93 = tpu.memref_slice %arg14[%add3A_85, %dma_wait3A_92] : memref<20x100xi32, #tpu.memory_space<vmem>> -> memref<1x100xi32, #tpu.memory_space<vmem>>
        %dma_wait3A_94 = tpu.memref_squeeze %dma_wait3A_93 : memref<1x100xi32, #tpu.memory_space<vmem>> -> memref<100xi32, #tpu.memory_space<vmem>>
        %dma_wait3A_95 = arith.constant 0 : i32
        %dma_wait3A_96 = arith.constant 0 : i32
        %dma_wait3A_97 = tpu.memref_slice %arg3[%dma_wait3A_95, %dma_wait3A_96] : memref<10000x16xf32, #tpu.memory_space<hbm>> -> memref<10000x16xf32, #tpu.memory_space<hbm>>
        tpu.wait_indirect_dma semaphore(%arg20 : memref<!tpu.dma_semaphore, #tpu.memory_space<semaphore_mem>>) src(%dma_wait3A_97 : memref<10000x16xf32, #tpu.memory_space<hbm>>) dst(%arg12 : memref<100x16xf32, #tpu.memory_space<vmem>>)
        %scan3A_98 = arith.constant 0 : i32
        %scan3A_99 = arith.constant 100 : i32
        %scan3A_100 = arith.addi %scan3A_98, %scan3A_99 : i32
        %scan3A_101 = arith.constant 4 : i32
        scf.for %scan3A_137 = %scan3A_98 to %scan3A_100 step %scan3A_101  : i32 {
          %mul3A_138 = arith.constant 1 : i32
          %mul3A_139 = arith.muli %scan3A_137, %mul3A_138 : i32
          %add3A_140 = arith.constant 0 : i32
          %add3A_141 = arith.addi %add3A_140, %mul3A_139 : i32
          %get3A_142 = arith.index_cast %add3A_141 : i32 to index
          %get3A_143 = arith.constant 128 : index
          %get3A_144 = tpu.vector_load %arg10[%get3A_142, %get3A_143] {strides = array<i32>} : memref<100x144xf32, #tpu.memory_space<vmem>>, vector<1x16xf32>,
          %get3A_145 = vector.shape_cast %get3A_144 : vector<1x16xf32> to vector<16xf32>
          %get3A_146 = arith.index_cast %add3A_141 : i32 to index
          %get3A_147 = arith.constant 0 : index
          %get3A_148 = tpu.vector_load %arg12[%get3A_146, %get3A_147] {strides = array<i32>} : memref<100x16xf32, #tpu.memory_space<vmem>>, vector<1x16xf32>,
          %get3A_149 = vector.shape_cast %get3A_148 : vector<1x16xf32> to vector<16xf32>
          %add3A_150 = arith.addf %get3A_145, %get3A_149 : vector<16xf32>
          %ge3A = arith.constant 0.000000e+00 : f32
          %ge3A_151 = vector.broadcast %ge3A : f32 to vector<16xf32>
          %ge3A_152 = arith.cmpf oge, %add3A_150, %ge3A_151 : vector<16xf32>
          %mul3A_153 = arith.constant 2.000000e-01 : f32
          %mul3A_154 = vector.broadcast %mul3A_153 : f32 to vector<16xf32>
          %mul3A_155 = arith.mulf %mul3A_154, %add3A_150 : vector<16xf32>
          %select_n3A = arith.select %ge3A_152, %add3A_150, %mul3A_155 : vector<16xi1>, vector<16xf32>
          %sub3A = arith.subf %select_n3A, %get3A_8 : vector<16xf32>
          %exp3A = math.exp %sub3A : vector<16xf32>
          %swap3A = arith.index_cast %add3A_141 : i32 to index
          %swap3A_156 = arith.constant 128 : index
          %swap3A_157 = tpu.vector_load %arg10[%swap3A, %swap3A_156] {strides = array<i32>} : memref<100x144xf32, #tpu.memory_space<vmem>>, vector<1x16xf32>,
          %swap3A_158 = vector.shape_cast %swap3A_157 : vector<1x16xf32> to vector<16xf32>
          %swap3A_159 = vector.shape_cast %exp3A : vector<16xf32> to vector<1x16xf32>
          tpu.vector_store %arg10[%swap3A, %swap3A_156], %swap3A_159 {strides = array<i32>} : memref<100x144xf32, #tpu.memory_space<vmem>>, vector<1x16xf32>,
          %get3A_160 = arith.index_cast %add3A_141 : i32 to index
          %get3A_161 = arith.constant 0 : index
          %get3A_162 = tpu.vector_load %arg10[%get3A_160, %get3A_161] {strides = array<i32>} : memref<100x144xf32, #tpu.memory_space<vmem>>, vector<1x16xf32>,
          %get3A_163 = vector.shape_cast %get3A_162 : vector<1x16xf32> to vector<16xf32>
          %slice3A = vector.extract_strided_slice %exp3A {offsets = [0], sizes = [1], strides = [1]} : vector<16xf32> to vector<1xf32>
          %squeeze3A = vector.extract %slice3A[0] : f32 from vector<1xf32>
          %mul3A_164 = vector.broadcast %squeeze3A : f32 to vector<16xf32>
          %mul3A_165 = arith.mulf %get3A_163, %mul3A_164 : vector<16xf32>
          %swap3A_166 = arith.index_cast %add3A_141 : i32 to index
          %swap3A_167 = arith.constant 0 : index
          %swap3A_168 = tpu.vector_load %arg10[%swap3A_166, %swap3A_167] {strides = array<i32>} : memref<100x144xf32, #tpu.memory_space<vmem>>, vector<1x16xf32>,
          %swap3A_169 = vector.shape_cast %swap3A_168 : vector<1x16xf32> to vector<16xf32>
          %swap3A_170 = vector.shape_cast %mul3A_165 : vector<16xf32> to vector<1x16xf32>
          tpu.vector_store %arg10[%swap3A_166, %swap3A_167], %swap3A_170 {strides = array<i32>} : memref<100x144xf32, #tpu.memory_space<vmem>>, vector<1x16xf32>,
          %get3A_171 = arith.index_cast %add3A_141 : i32 to index
          %get3A_172 = arith.constant 16 : index
          %get3A_173 = tpu.vector_load %arg10[%get3A_171, %get3A_172] {strides = array<i32>} : memref<100x144xf32, #tpu.memory_space<vmem>>, vector<1x16xf32>,
          %get3A_174 = vector.shape_cast %get3A_173 : vector<1x16xf32> to vector<16xf32>
          %slice3A_175 = vector.extract_strided_slice %exp3A {offsets = [1], sizes = [1], strides = [1]} : vector<16xf32> to vector<1xf32>
          %squeeze3A_176 = vector.extract %slice3A_175[0] : f32 from vector<1xf32>
          %mul3A_177 = vector.broadcast %squeeze3A_176 : f32 to vector<16xf32>
          %mul3A_178 = arith.mulf %get3A_174, %mul3A_177 : vector<16xf32>
          %swap3A_179 = arith.index_cast %add3A_141 : i32 to index
          %swap3A_180 = arith.constant 16 : index
          %swap3A_181 = tpu.vector_load %arg10[%swap3A_179, %swap3A_180] {strides = array<i32>} : memref<100x144xf32, #tpu.memory_space<vmem>>, vector<1x16xf32>,
          %swap3A_182 = vector.shape_cast %swap3A_181 : vector<1x16xf32> to vector<16xf32>
          %swap3A_183 = vector.shape_cast %mul3A_178 : vector<16xf32> to vector<1x16xf32>
          tpu.vector_store %arg10[%swap3A_179, %swap3A_180], %swap3A_183 {strides = array<i32>} : memref<100x144xf32, #tpu.memory_space<vmem>>, vector<1x16xf32>,
          %get3A_184 = arith.index_cast %add3A_141 : i32 to index
          %get3A_185 = arith.constant 32 : index
          %get3A_186 = tpu.vector_load %arg10[%get3A_184, %get3A_185] {strides = array<i32>} : memref<100x144xf32, #tpu.memory_space<vmem>>, vector<1x16xf32>,
          %get3A_187 = vector.shape_cast %get3A_186 : vector<1x16xf32> to vector<16xf32>
          %slice3A_188 = vector.extract_strided_slice %exp3A {offsets = [2], sizes = [1], strides = [1]} : vector<16xf32> to vector<1xf32>
          %squeeze3A_189 = vector.extract %slice3A_188[0] : f32 from vector<1xf32>
          %mul3A_190 = vector.broadcast %squeeze3A_189 : f32 to vector<16xf32>
          %mul3A_191 = arith.mulf %get3A_187, %mul3A_190 : vector<16xf32>
          %swap3A_192 = arith.index_cast %add3A_141 : i32 to index
          %swap3A_193 = arith.constant 32 : index
          %swap3A_194 = tpu.vector_load %arg10[%swap3A_192, %swap3A_193] {strides = array<i32>} : memref<100x144xf32, #tpu.memory_space<vmem>>, vector<1x16xf32>,
          %swap3A_195 = vector.shape_cast %swap3A_194 : vector<1x16xf32> to vector<16xf32>
          %swap3A_196 = vector.shape_cast %mul3A_191 : vector<16xf32> to vector<1x16xf32>
          tpu.vector_store %arg10[%swap3A_192, %swap3A_193], %swap3A_196 {strides = array<i32>} : memref<100x144xf32, #tpu.memory_space<vmem>>, vector<1x16xf32>,
          %get3A_197 = arith.index_cast %add3A_141 : i32 to index
          %get3A_198 = arith.constant 48 : index
          %get3A_199 = tpu.vector_load %arg10[%get3A_197, %get3A_198] {strides = array<i32>} : memref<100x144xf32, #tpu.memory_space<vmem>>, vector<1x16xf32>,
          %get3A_200 = vector.shape_cast %get3A_199 : vector<1x16xf32> to vector<16xf32>
          %slice3A_201 = vector.extract_strided_slice %exp3A {offsets = [3], sizes = [1], strides = [1]} : vector<16xf32> to vector<1xf32>
          %squeeze3A_202 = vector.extract %slice3A_201[0] : f32 from vector<1xf32>
          %mul3A_203 = vector.broadcast %squeeze3A_202 : f32 to vector<16xf32>
          %mul3A_204 = arith.mulf %get3A_200, %mul3A_203 : vector<16xf32>
          %swap3A_205 = arith.index_cast %add3A_141 : i32 to index
          %swap3A_206 = arith.constant 48 : index
          %swap3A_207 = tpu.vector_load %arg10[%swap3A_205, %swap3A_206] {strides = array<i32>} : memref<100x144xf32, #tpu.memory_space<vmem>>, vector<1x16xf32>,
          %swap3A_208 = vector.shape_cast %swap3A_207 : vector<1x16xf32> to vector<16xf32>
          %swap3A_209 = vector.shape_cast %mul3A_204 : vector<16xf32> to vector<1x16xf32>
          tpu.vector_store %arg10[%swap3A_205, %swap3A_206], %swap3A_209 {strides = array<i32>} : memref<100x144xf32, #tpu.memory_space<vmem>>, vector<1x16xf32>,
          %get3A_210 = arith.index_cast %add3A_141 : i32 to index
          %get3A_211 = arith.constant 64 : index
          %get3A_212 = tpu.vector_load %arg10[%get3A_210, %get3A_211] {strides = array<i32>} : memref<100x144xf32, #tpu.memory_space<vmem>>, vector<1x16xf32>,
          %get3A_213 = vector.shape_cast %get3A_212 : vector<1x16xf32> to vector<16xf32>
          %slice3A_214 = vector.extract_strided_slice %exp3A {offsets = [4], sizes = [1], strides = [1]} : vector<16xf32> to vector<1xf32>
          %squeeze3A_215 = vector.extract %slice3A_214[0] : f32 from vector<1xf32>
          %mul3A_216 = vector.broadcast %squeeze3A_215 : f32 to vector<16xf32>
          %mul3A_217 = arith.mulf %get3A_213, %mul3A_216 : vector<16xf32>
          %swap3A_218 = arith.index_cast %add3A_141 : i32 to index
          %swap3A_219 = arith.constant 64 : index
          %swap3A_220 = tpu.vector_load %arg10[%swap3A_218, %swap3A_219] {strides = array<i32>} : memref<100x144xf32, #tpu.memory_space<vmem>>, vector<1x16xf32>,
          %swap3A_221 = vector.shape_cast %swap3A_220 : vector<1x16xf32> to vector<16xf32>
          %swap3A_222 = vector.shape_cast %mul3A_217 : vector<16xf32> to vector<1x16xf32>
          tpu.vector_store %arg10[%swap3A_218, %swap3A_219], %swap3A_222 {strides = array<i32>} : memref<100x144xf32, #tpu.memory_space<vmem>>, vector<1x16xf32>,
          %get3A_223 = arith.index_cast %add3A_141 : i32 to index
          %get3A_224 = arith.constant 80 : index
          %get3A_225 = tpu.vector_load %arg10[%get3A_223, %get3A_224] {strides = array<i32>} : memref<100x144xf32, #tpu.memory_space<vmem>>, vector<1x16xf32>,
          %get3A_226 = vector.shape_cast %get3A_225 : vector<1x16xf32> to vector<16xf32>
          %slice3A_227 = vector.extract_strided_slice %exp3A {offsets = [5], sizes = [1], strides = [1]} : vector<16xf32> to vector<1xf32>
          %squeeze3A_228 = vector.extract %slice3A_227[0] : f32 from vector<1xf32>
          %mul3A_229 = vector.broadcast %squeeze3A_228 : f32 to vector<16xf32>
          %mul3A_230 = arith.mulf %get3A_226, %mul3A_229 : vector<16xf32>
          %swap3A_231 = arith.index_cast %add3A_141 : i32 to index
          %swap3A_232 = arith.constant 80 : index
          %swap3A_233 = tpu.vector_load %arg10[%swap3A_231, %swap3A_232] {strides = array<i32>} : memref<100x144xf32, #tpu.memory_space<vmem>>, vector<1x16xf32>,
          %swap3A_234 = vector.shape_cast %swap3A_233 : vector<1x16xf32> to vector<16xf32>
          %swap3A_235 = vector.shape_cast %mul3A_230 : vector<16xf32> to vector<1x16xf32>
          tpu.vector_store %arg10[%swap3A_231, %swap3A_232], %swap3A_235 {strides = array<i32>} : memref<100x144xf32, #tpu.memory_space<vmem>>, vector<1x16xf32>,
          %get3A_236 = arith.index_cast %add3A_141 : i32 to index
          %get3A_237 = arith.constant 96 : index
          %get3A_238 = tpu.vector_load %arg10[%get3A_236, %get3A_237] {strides = array<i32>} : memref<100x144xf32, #tpu.memory_space<vmem>>, vector<1x16xf32>,
          %get3A_239 = vector.shape_cast %get3A_238 : vector<1x16xf32> to vector<16xf32>
          %slice3A_240 = vector.extract_strided_slice %exp3A {offsets = [6], sizes = [1], strides = [1]} : vector<16xf32> to vector<1xf32>
          %squeeze3A_241 = vector.extract %slice3A_240[0] : f32 from vector<1xf32>
          %mul3A_242 = vector.broadcast %squeeze3A_241 : f32 to vector<16xf32>
          %mul3A_243 = arith.mulf %get3A_239, %mul3A_242 : vector<16xf32>
          %swap3A_244 = arith.index_cast %add3A_141 : i32 to index
          %swap3A_245 = arith.constant 96 : index
          %swap3A_246 = tpu.vector_load %arg10[%swap3A_244, %swap3A_245] {strides = array<i32>} : memref<100x144xf32, #tpu.memory_space<vmem>>, vector<1x16xf32>,
          %swap3A_247 = vector.shape_cast %swap3A_246 : vector<1x16xf32> to vector<16xf32>
          %swap3A_248 = vector.shape_cast %mul3A_243 : vector<16xf32> to vector<1x16xf32>
          tpu.vector_store %arg10[%swap3A_244, %swap3A_245], %swap3A_248 {strides = array<i32>} : memref<100x144xf32, #tpu.memory_space<vmem>>, vector<1x16xf32>,
          %get3A_249 = arith.index_cast %add3A_141 : i32 to index
          %get3A_250 = arith.constant 112 : index
          %get3A_251 = tpu.vector_load %arg10[%get3A_249, %get3A_250] {strides = array<i32>} : memref<100x144xf32, #tpu.memory_space<vmem>>, vector<1x16xf32>,
          %get3A_252 = vector.shape_cast %get3A_251 : vector<1x16xf32> to vector<16xf32>
          %slice3A_253 = vector.extract_strided_slice %exp3A {offsets = [7], sizes = [1], strides = [1]} : vector<16xf32> to vector<1xf32>
          %squeeze3A_254 = vector.extract %slice3A_253[0] : f32 from vector<1xf32>
          %mul3A_255 = vector.broadcast %squeeze3A_254 : f32 to vector<16xf32>
          %mul3A_256 = arith.mulf %get3A_252, %mul3A_255 : vector<16xf32>
          %swap3A_257 = arith.index_cast %add3A_141 : i32 to index
          %swap3A_258 = arith.constant 112 : index
          %swap3A_259 = tpu.vector_load %arg10[%swap3A_257, %swap3A_258] {strides = array<i32>} : memref<100x144xf32, #tpu.memory_space<vmem>>, vector<1x16xf32>,
          %swap3A_260 = vector.shape_cast %swap3A_259 : vector<1x16xf32> to vector<16xf32>
          %swap3A_261 = vector.shape_cast %mul3A_256 : vector<16xf32> to vector<1x16xf32>
          tpu.vector_store %arg10[%swap3A_257, %swap3A_258], %swap3A_261 {strides = array<i32>} : memref<100x144xf32, #tpu.memory_space<vmem>>, vector<1x16xf32>,
          %scan3A_262 = arith.constant 1 : i32
          %scan3A_263 = arith.addi %scan3A_137, %scan3A_262 : i32
          %mul3A_264 = arith.constant 1 : i32
          %mul3A_265 = arith.muli %scan3A_263, %mul3A_264 : i32
          %add3A_266 = arith.constant 0 : i32
          %add3A_267 = arith.addi %add3A_266, %mul3A_265 : i32
          %get3A_268 = arith.index_cast %add3A_267 : i32 to index
          %get3A_269 = arith.constant 128 : index
          %get3A_270 = tpu.vector_load %arg10[%get3A_268, %get3A_269] {strides = array<i32>} : memref<100x144xf32, #tpu.memory_space<vmem>>, vector<1x16xf32>,
          %get3A_271 = vector.shape_cast %get3A_270 : vector<1x16xf32> to vector<16xf32>
          %get3A_272 = arith.index_cast %add3A_267 : i32 to index
          %get3A_273 = arith.constant 0 : index
          %get3A_274 = tpu.vector_load %arg12[%get3A_272, %get3A_273] {strides = array<i32>} : memref<100x16xf32, #tpu.memory_space<vmem>>, vector<1x16xf32>,
          %get3A_275 = vector.shape_cast %get3A_274 : vector<1x16xf32> to vector<16xf32>
          %add3A_276 = arith.addf %get3A_271, %get3A_275 : vector<16xf32>
          %ge3A_277 = arith.constant 0.000000e+00 : f32
          %ge3A_278 = vector.broadcast %ge3A_277 : f32 to vector<16xf32>
          %ge3A_279 = arith.cmpf oge, %add3A_276, %ge3A_278 : vector<16xf32>
          %mul3A_280 = arith.constant 2.000000e-01 : f32
          %mul3A_281 = vector.broadcast %mul3A_280 : f32 to vector<16xf32>
          %mul3A_282 = arith.mulf %mul3A_281, %add3A_276 : vector<16xf32>
          %select_n3A_283 = arith.select %ge3A_279, %add3A_276, %mul3A_282 : vector<16xi1>, vector<16xf32>
          %sub3A_284 = arith.subf %select_n3A_283, %get3A_8 : vector<16xf32>
          %exp3A_285 = math.exp %sub3A_284 : vector<16xf32>
          %swap3A_286 = arith.index_cast %add3A_267 : i32 to index
          %swap3A_287 = arith.constant 128 : index
          %swap3A_288 = tpu.vector_load %arg10[%swap3A_286, %swap3A_287] {strides = array<i32>} : memref<100x144xf32, #tpu.memory_space<vmem>>, vector<1x16xf32>,
          %swap3A_289 = vector.shape_cast %swap3A_288 : vector<1x16xf32> to vector<16xf32>
          %swap3A_290 = vector.shape_cast %exp3A_285 : vector<16xf32> to vector<1x16xf32>
          tpu.vector_store %arg10[%swap3A_286, %swap3A_287], %swap3A_290 {strides = array<i32>} : memref<100x144xf32, #tpu.memory_space<vmem>>, vector<1x16xf32>,
          %get3A_291 = arith.index_cast %add3A_267 : i32 to index
          %get3A_292 = arith.constant 0 : index
          %get3A_293 = tpu.vector_load %arg10[%get3A_291, %get3A_292] {strides = array<i32>} : memref<100x144xf32, #tpu.memory_space<vmem>>, vector<1x16xf32>,
          %get3A_294 = vector.shape_cast %get3A_293 : vector<1x16xf32> to vector<16xf32>
          %slice3A_295 = vector.extract_strided_slice %exp3A_285 {offsets = [0], sizes = [1], strides = [1]} : vector<16xf32> to vector<1xf32>
          %squeeze3A_296 = vector.extract %slice3A_295[0] : f32 from vector<1xf32>
          %mul3A_297 = vector.broadcast %squeeze3A_296 : f32 to vector<16xf32>
          %mul3A_298 = arith.mulf %get3A_294, %mul3A_297 : vector<16xf32>
          %swap3A_299 = arith.index_cast %add3A_267 : i32 to index
          %swap3A_300 = arith.constant 0 : index
          %swap3A_301 = tpu.vector_load %arg10[%swap3A_299, %swap3A_300] {strides = array<i32>} : memref<100x144xf32, #tpu.memory_space<vmem>>, vector<1x16xf32>,
          %swap3A_302 = vector.shape_cast %swap3A_301 : vector<1x16xf32> to vector<16xf32>
          %swap3A_303 = vector.shape_cast %mul3A_298 : vector<16xf32> to vector<1x16xf32>
          tpu.vector_store %arg10[%swap3A_299, %swap3A_300], %swap3A_303 {strides = array<i32>} : memref<100x144xf32, #tpu.memory_space<vmem>>, vector<1x16xf32>,
          %get3A_304 = arith.index_cast %add3A_267 : i32 to index
          %get3A_305 = arith.constant 16 : index
          %get3A_306 = tpu.vector_load %arg10[%get3A_304, %get3A_305] {strides = array<i32>} : memref<100x144xf32, #tpu.memory_space<vmem>>, vector<1x16xf32>,
          %get3A_307 = vector.shape_cast %get3A_306 : vector<1x16xf32> to vector<16xf32>
          %slice3A_308 = vector.extract_strided_slice %exp3A_285 {offsets = [1], sizes = [1], strides = [1]} : vector<16xf32> to vector<1xf32>
          %squeeze3A_309 = vector.extract %slice3A_308[0] : f32 from vector<1xf32>
          %mul3A_310 = vector.broadcast %squeeze3A_309 : f32 to vector<16xf32>
          %mul3A_311 = arith.mulf %get3A_307, %mul3A_310 : vector<16xf32>
          %swap3A_312 = arith.index_cast %add3A_267 : i32 to index
          %swap3A_313 = arith.constant 16 : index
          %swap3A_314 = tpu.vector_load %arg10[%swap3A_312, %swap3A_313] {strides = array<i32>} : memref<100x144xf32, #tpu.memory_space<vmem>>, vector<1x16xf32>,
          %swap3A_315 = vector.shape_cast %swap3A_314 : vector<1x16xf32> to vector<16xf32>
          %swap3A_316 = vector.shape_cast %mul3A_311 : vector<16xf32> to vector<1x16xf32>
          tpu.vector_store %arg10[%swap3A_312, %swap3A_313], %swap3A_316 {strides = array<i32>} : memref<100x144xf32, #tpu.memory_space<vmem>>, vector<1x16xf32>,
          %get3A_317 = arith.index_cast %add3A_267 : i32 to index
          %get3A_318 = arith.constant 32 : index
          %get3A_319 = tpu.vector_load %arg10[%get3A_317, %get3A_318] {strides = array<i32>} : memref<100x144xf32, #tpu.memory_space<vmem>>, vector<1x16xf32>,
          %get3A_320 = vector.shape_cast %get3A_319 : vector<1x16xf32> to vector<16xf32>
          %slice3A_321 = vector.extract_strided_slice %exp3A_285 {offsets = [2], sizes = [1], strides = [1]} : vector<16xf32> to vector<1xf32>
          %squeeze3A_322 = vector.extract %slice3A_321[0] : f32 from vector<1xf32>
          %mul3A_323 = vector.broadcast %squeeze3A_322 : f32 to vector<16xf32>
          %mul3A_324 = arith.mulf %get3A_320, %mul3A_323 : vector<16xf32>
          %swap3A_325 = arith.index_cast %add3A_267 : i32 to index
          %swap3A_326 = arith.constant 32 : index
          %swap3A_327 = tpu.vector_load %arg10[%swap3A_325, %swap3A_326] {strides = array<i32>} : memref<100x144xf32, #tpu.memory_space<vmem>>, vector<1x16xf32>,
          %swap3A_328 = vector.shape_cast %swap3A_327 : vector<1x16xf32> to vector<16xf32>
          %swap3A_329 = vector.shape_cast %mul3A_324 : vector<16xf32> to vector<1x16xf32>
          tpu.vector_store %arg10[%swap3A_325, %swap3A_326], %swap3A_329 {strides = array<i32>} : memref<100x144xf32, #tpu.memory_space<vmem>>, vector<1x16xf32>,
          %get3A_330 = arith.index_cast %add3A_267 : i32 to index
          %get3A_331 = arith.constant 48 : index
          %get3A_332 = tpu.vector_load %arg10[%get3A_330, %get3A_331] {strides = array<i32>} : memref<100x144xf32, #tpu.memory_space<vmem>>, vector<1x16xf32>,
          %get3A_333 = vector.shape_cast %get3A_332 : vector<1x16xf32> to vector<16xf32>
          %slice3A_334 = vector.extract_strided_slice %exp3A_285 {offsets = [3], sizes = [1], strides = [1]} : vector<16xf32> to vector<1xf32>
          %squeeze3A_335 = vector.extract %slice3A_334[0] : f32 from vector<1xf32>
          %mul3A_336 = vector.broadcast %squeeze3A_335 : f32 to vector<16xf32>
          %mul3A_337 = arith.mulf %get3A_333, %mul3A_336 : vector<16xf32>
          %swap3A_338 = arith.index_cast %add3A_267 : i32 to index
          %swap3A_339 = arith.constant 48 : index
          %swap3A_340 = tpu.vector_load %arg10[%swap3A_338, %swap3A_339] {strides = array<i32>} : memref<100x144xf32, #tpu.memory_space<vmem>>, vector<1x16xf32>,
          %swap3A_341 = vector.shape_cast %swap3A_340 : vector<1x16xf32> to vector<16xf32>
          %swap3A_342 = vector.shape_cast %mul3A_337 : vector<16xf32> to vector<1x16xf32>
          tpu.vector_store %arg10[%swap3A_338, %swap3A_339], %swap3A_342 {strides = array<i32>} : memref<100x144xf32, #tpu.memory_space<vmem>>, vector<1x16xf32>,
          %get3A_343 = arith.index_cast %add3A_267 : i32 to index
          %get3A_344 = arith.constant 64 : index
          %get3A_345 = tpu.vector_load %arg10[%get3A_343, %get3A_344] {strides = array<i32>} : memref<100x144xf32, #tpu.memory_space<vmem>>, vector<1x16xf32>,
          %get3A_346 = vector.shape_cast %get3A_345 : vector<1x16xf32> to vector<16xf32>
          %slice3A_347 = vector.extract_strided_slice %exp3A_285 {offsets = [4], sizes = [1], strides = [1]} : vector<16xf32> to vector<1xf32>
          %squeeze3A_348 = vector.extract %slice3A_347[0] : f32 from vector<1xf32>
          %mul3A_349 = vector.broadcast %squeeze3A_348 : f32 to vector<16xf32>
          %mul3A_350 = arith.mulf %get3A_346, %mul3A_349 : vector<16xf32>
          %swap3A_351 = arith.index_cast %add3A_267 : i32 to index
          %swap3A_352 = arith.constant 64 : index
          %swap3A_353 = tpu.vector_load %arg10[%swap3A_351, %swap3A_352] {strides = array<i32>} : memref<100x144xf32, #tpu.memory_space<vmem>>, vector<1x16xf32>,
          %swap3A_354 = vector.shape_cast %swap3A_353 : vector<1x16xf32> to vector<16xf32>
          %swap3A_355 = vector.shape_cast %mul3A_350 : vector<16xf32> to vector<1x16xf32>
          tpu.vector_store %arg10[%swap3A_351, %swap3A_352], %swap3A_355 {strides = array<i32>} : memref<100x144xf32, #tpu.memory_space<vmem>>, vector<1x16xf32>,
          %get3A_356 = arith.index_cast %add3A_267 : i32 to index
          %get3A_357 = arith.constant 80 : index
          %get3A_358 = tpu.vector_load %arg10[%get3A_356, %get3A_357] {strides = array<i32>} : memref<100x144xf32, #tpu.memory_space<vmem>>, vector<1x16xf32>,
          %get3A_359 = vector.shape_cast %get3A_358 : vector<1x16xf32> to vector<16xf32>
          %slice3A_360 = vector.extract_strided_slice %exp3A_285 {offsets = [5], sizes = [1], strides = [1]} : vector<16xf32> to vector<1xf32>
          %squeeze3A_361 = vector.extract %slice3A_360[0] : f32 from vector<1xf32>
          %mul3A_362 = vector.broadcast %squeeze3A_361 : f32 to vector<16xf32>
          %mul3A_363 = arith.mulf %get3A_359, %mul3A_362 : vector<16xf32>
          %swap3A_364 = arith.index_cast %add3A_267 : i32 to index
          %swap3A_365 = arith.constant 80 : index
          %swap3A_366 = tpu.vector_load %arg10[%swap3A_364, %swap3A_365] {strides = array<i32>} : memref<100x144xf32, #tpu.memory_space<vmem>>, vector<1x16xf32>,
          %swap3A_367 = vector.shape_cast %swap3A_366 : vector<1x16xf32> to vector<16xf32>
          %swap3A_368 = vector.shape_cast %mul3A_363 : vector<16xf32> to vector<1x16xf32>
          tpu.vector_store %arg10[%swap3A_364, %swap3A_365], %swap3A_368 {strides = array<i32>} : memref<100x144xf32, #tpu.memory_space<vmem>>, vector<1x16xf32>,
          %get3A_369 = arith.index_cast %add3A_267 : i32 to index
          %get3A_370 = arith.constant 96 : index
          %get3A_371 = tpu.vector_load %arg10[%get3A_369, %get3A_370] {strides = array<i32>} : memref<100x144xf32, #tpu.memory_space<vmem>>, vector<1x16xf32>,
          %get3A_372 = vector.shape_cast %get3A_371 : vector<1x16xf32> to vector<16xf32>
          %slice3A_373 = vector.extract_strided_slice %exp3A_285 {offsets = [6], sizes = [1], strides = [1]} : vector<16xf32> to vector<1xf32>
          %squeeze3A_374 = vector.extract %slice3A_373[0] : f32 from vector<1xf32>
          %mul3A_375 = vector.broadcast %squeeze3A_374 : f32 to vector<16xf32>
          %mul3A_376 = arith.mulf %get3A_372, %mul3A_375 : vector<16xf32>
          %swap3A_377 = arith.index_cast %add3A_267 : i32 to index
          %swap3A_378 = arith.constant 96 : index
          %swap3A_379 = tpu.vector_load %arg10[%swap3A_377, %swap3A_378] {strides = array<i32>} : memref<100x144xf32, #tpu.memory_space<vmem>>, vector<1x16xf32>,
          %swap3A_380 = vector.shape_cast %swap3A_379 : vector<1x16xf32> to vector<16xf32>
          %swap3A_381 = vector.shape_cast %mul3A_376 : vector<16xf32> to vector<1x16xf32>
          tpu.vector_store %arg10[%swap3A_377, %swap3A_378], %swap3A_381 {strides = array<i32>} : memref<100x144xf32, #tpu.memory_space<vmem>>, vector<1x16xf32>,
          %get3A_382 = arith.index_cast %add3A_267 : i32 to index
          %get3A_383 = arith.constant 112 : index
          %get3A_384 = tpu.vector_load %arg10[%get3A_382, %get3A_383] {strides = array<i32>} : memref<100x144xf32, #tpu.memory_space<vmem>>, vector<1x16xf32>,
          %get3A_385 = vector.shape_cast %get3A_384 : vector<1x16xf32> to vector<16xf32>
          %slice3A_386 = vector.extract_strided_slice %exp3A_285 {offsets = [7], sizes = [1], strides = [1]} : vector<16xf32> to vector<1xf32>
          %squeeze3A_387 = vector.extract %slice3A_386[0] : f32 from vector<1xf32>
          %mul3A_388 = vector.broadcast %squeeze3A_387 : f32 to vector<16xf32>
          %mul3A_389 = arith.mulf %get3A_385, %mul3A_388 : vector<16xf32>
          %swap3A_390 = arith.index_cast %add3A_267 : i32 to index
          %swap3A_391 = arith.constant 112 : index
          %swap3A_392 = tpu.vector_load %arg10[%swap3A_390, %swap3A_391] {strides = array<i32>} : memref<100x144xf32, #tpu.memory_space<vmem>>, vector<1x16xf32>,
          %swap3A_393 = vector.shape_cast %swap3A_392 : vector<1x16xf32> to vector<16xf32>
          %swap3A_394 = vector.shape_cast %mul3A_389 : vector<16xf32> to vector<1x16xf32>
          tpu.vector_store %arg10[%swap3A_390, %swap3A_391], %swap3A_394 {strides = array<i32>} : memref<100x144xf32, #tpu.memory_space<vmem>>, vector<1x16xf32>,
          %scan3A_395 = arith.constant 2 : i32
          %scan3A_396 = arith.addi %scan3A_137, %scan3A_395 : i32
          %mul3A_397 = arith.constant 1 : i32
          %mul3A_398 = arith.muli %scan3A_396, %mul3A_397 : i32
          %add3A_399 = arith.constant 0 : i32
          %add3A_400 = arith.addi %add3A_399, %mul3A_398 : i32
          %get3A_401 = arith.index_cast %add3A_400 : i32 to index
          %get3A_402 = arith.constant 128 : index
          %get3A_403 = tpu.vector_load %arg10[%get3A_401, %get3A_402] {strides = array<i32>} : memref<100x144xf32, #tpu.memory_space<vmem>>, vector<1x16xf32>,
          %get3A_404 = vector.shape_cast %get3A_403 : vector<1x16xf32> to vector<16xf32>
          %get3A_405 = arith.index_cast %add3A_400 : i32 to index
          %get3A_406 = arith.constant 0 : index
          %get3A_407 = tpu.vector_load %arg12[%get3A_405, %get3A_406] {strides = array<i32>} : memref<100x16xf32, #tpu.memory_space<vmem>>, vector<1x16xf32>,
          %get3A_408 = vector.shape_cast %get3A_407 : vector<1x16xf32> to vector<16xf32>
          %add3A_409 = arith.addf %get3A_404, %get3A_408 : vector<16xf32>
          %ge3A_410 = arith.constant 0.000000e+00 : f32
          %ge3A_411 = vector.broadcast %ge3A_410 : f32 to vector<16xf32>
          %ge3A_412 = arith.cmpf oge, %add3A_409, %ge3A_411 : vector<16xf32>
          %mul3A_413 = arith.constant 2.000000e-01 : f32
          %mul3A_414 = vector.broadcast %mul3A_413 : f32 to vector<16xf32>
          %mul3A_415 = arith.mulf %mul3A_414, %add3A_409 : vector<16xf32>
          %select_n3A_416 = arith.select %ge3A_412, %add3A_409, %mul3A_415 : vector<16xi1>, vector<16xf32>
          %sub3A_417 = arith.subf %select_n3A_416, %get3A_8 : vector<16xf32>
          %exp3A_418 = math.exp %sub3A_417 : vector<16xf32>
          %swap3A_419 = arith.index_cast %add3A_400 : i32 to index
          %swap3A_420 = arith.constant 128 : index
          %swap3A_421 = tpu.vector_load %arg10[%swap3A_419, %swap3A_420] {strides = array<i32>} : memref<100x144xf32, #tpu.memory_space<vmem>>, vector<1x16xf32>,
          %swap3A_422 = vector.shape_cast %swap3A_421 : vector<1x16xf32> to vector<16xf32>
          %swap3A_423 = vector.shape_cast %exp3A_418 : vector<16xf32> to vector<1x16xf32>
          tpu.vector_store %arg10[%swap3A_419, %swap3A_420], %swap3A_423 {strides = array<i32>} : memref<100x144xf32, #tpu.memory_space<vmem>>, vector<1x16xf32>,
          %get3A_424 = arith.index_cast %add3A_400 : i32 to index
          %get3A_425 = arith.constant 0 : index
          %get3A_426 = tpu.vector_load %arg10[%get3A_424, %get3A_425] {strides = array<i32>} : memref<100x144xf32, #tpu.memory_space<vmem>>, vector<1x16xf32>,
          %get3A_427 = vector.shape_cast %get3A_426 : vector<1x16xf32> to vector<16xf32>
          %slice3A_428 = vector.extract_strided_slice %exp3A_418 {offsets = [0], sizes = [1], strides = [1]} : vector<16xf32> to vector<1xf32>
          %squeeze3A_429 = vector.extract %slice3A_428[0] : f32 from vector<1xf32>
          %mul3A_430 = vector.broadcast %squeeze3A_429 : f32 to vector<16xf32>
          %mul3A_431 = arith.mulf %get3A_427, %mul3A_430 : vector<16xf32>
          %swap3A_432 = arith.index_cast %add3A_400 : i32 to index
          %swap3A_433 = arith.constant 0 : index
          %swap3A_434 = tpu.vector_load %arg10[%swap3A_432, %swap3A_433] {strides = array<i32>} : memref<100x144xf32, #tpu.memory_space<vmem>>, vector<1x16xf32>,
          %swap3A_435 = vector.shape_cast %swap3A_434 : vector<1x16xf32> to vector<16xf32>
          %swap3A_436 = vector.shape_cast %mul3A_431 : vector<16xf32> to vector<1x16xf32>
          tpu.vector_store %arg10[%swap3A_432, %swap3A_433], %swap3A_436 {strides = array<i32>} : memref<100x144xf32, #tpu.memory_space<vmem>>, vector<1x16xf32>,
          %get3A_437 = arith.index_cast %add3A_400 : i32 to index
          %get3A_438 = arith.constant 16 : index
          %get3A_439 = tpu.vector_load %arg10[%get3A_437, %get3A_438] {strides = array<i32>} : memref<100x144xf32, #tpu.memory_space<vmem>>, vector<1x16xf32>,
          %get3A_440 = vector.shape_cast %get3A_439 : vector<1x16xf32> to vector<16xf32>
          %slice3A_441 = vector.extract_strided_slice %exp3A_418 {offsets = [1], sizes = [1], strides = [1]} : vector<16xf32> to vector<1xf32>
          %squeeze3A_442 = vector.extract %slice3A_441[0] : f32 from vector<1xf32>
          %mul3A_443 = vector.broadcast %squeeze3A_442 : f32 to vector<16xf32>
          %mul3A_444 = arith.mulf %get3A_440, %mul3A_443 : vector<16xf32>
          %swap3A_445 = arith.index_cast %add3A_400 : i32 to index
          %swap3A_446 = arith.constant 16 : index
          %swap3A_447 = tpu.vector_load %arg10[%swap3A_445, %swap3A_446] {strides = array<i32>} : memref<100x144xf32, #tpu.memory_space<vmem>>, vector<1x16xf32>,
          %swap3A_448 = vector.shape_cast %swap3A_447 : vector<1x16xf32> to vector<16xf32>
          %swap3A_449 = vector.shape_cast %mul3A_444 : vector<16xf32> to vector<1x16xf32>
          tpu.vector_store %arg10[%swap3A_445, %swap3A_446], %swap3A_449 {strides = array<i32>} : memref<100x144xf32, #tpu.memory_space<vmem>>, vector<1x16xf32>,
          %get3A_450 = arith.index_cast %add3A_400 : i32 to index
          %get3A_451 = arith.constant 32 : index
          %get3A_452 = tpu.vector_load %arg10[%get3A_450, %get3A_451] {strides = array<i32>} : memref<100x144xf32, #tpu.memory_space<vmem>>, vector<1x16xf32>,
          %get3A_453 = vector.shape_cast %get3A_452 : vector<1x16xf32> to vector<16xf32>
          %slice3A_454 = vector.extract_strided_slice %exp3A_418 {offsets = [2], sizes = [1], strides = [1]} : vector<16xf32> to vector<1xf32>
          %squeeze3A_455 = vector.extract %slice3A_454[0] : f32 from vector<1xf32>
          %mul3A_456 = vector.broadcast %squeeze3A_455 : f32 to vector<16xf32>
          %mul3A_457 = arith.mulf %get3A_453, %mul3A_456 : vector<16xf32>
          %swap3A_458 = arith.index_cast %add3A_400 : i32 to index
          %swap3A_459 = arith.constant 32 : index
          %swap3A_460 = tpu.vector_load %arg10[%swap3A_458, %swap3A_459] {strides = array<i32>} : memref<100x144xf32, #tpu.memory_space<vmem>>, vector<1x16xf32>,
          %swap3A_461 = vector.shape_cast %swap3A_460 : vector<1x16xf32> to vector<16xf32>
          %swap3A_462 = vector.shape_cast %mul3A_457 : vector<16xf32> to vector<1x16xf32>
          tpu.vector_store %arg10[%swap3A_458, %swap3A_459], %swap3A_462 {strides = array<i32>} : memref<100x144xf32, #tpu.memory_space<vmem>>, vector<1x16xf32>,
          %get3A_463 = arith.index_cast %add3A_400 : i32 to index
          %get3A_464 = arith.constant 48 : index
          %get3A_465 = tpu.vector_load %arg10[%get3A_463, %get3A_464] {strides = array<i32>} : memref<100x144xf32, #tpu.memory_space<vmem>>, vector<1x16xf32>,
          %get3A_466 = vector.shape_cast %get3A_465 : vector<1x16xf32> to vector<16xf32>
          %slice3A_467 = vector.extract_strided_slice %exp3A_418 {offsets = [3], sizes = [1], strides = [1]} : vector<16xf32> to vector<1xf32>
          %squeeze3A_468 = vector.extract %slice3A_467[0] : f32 from vector<1xf32>
          %mul3A_469 = vector.broadcast %squeeze3A_468 : f32 to vector<16xf32>
          %mul3A_470 = arith.mulf %get3A_466, %mul3A_469 : vector<16xf32>
          %swap3A_471 = arith.index_cast %add3A_400 : i32 to index
          %swap3A_472 = arith.constant 48 : index
          %swap3A_473 = tpu.vector_load %arg10[%swap3A_471, %swap3A_472] {strides = array<i32>} : memref<100x144xf32, #tpu.memory_space<vmem>>, vector<1x16xf32>,
          %swap3A_474 = vector.shape_cast %swap3A_473 : vector<1x16xf32> to vector<16xf32>
          %swap3A_475 = vector.shape_cast %mul3A_470 : vector<16xf32> to vector<1x16xf32>
          tpu.vector_store %arg10[%swap3A_471, %swap3A_472], %swap3A_475 {strides = array<i32>} : memref<100x144xf32, #tpu.memory_space<vmem>>, vector<1x16xf32>,
          %get3A_476 = arith.index_cast %add3A_400 : i32 to index
          %get3A_477 = arith.constant 64 : index
          %get3A_478 = tpu.vector_load %arg10[%get3A_476, %get3A_477] {strides = array<i32>} : memref<100x144xf32, #tpu.memory_space<vmem>>, vector<1x16xf32>,
          %get3A_479 = vector.shape_cast %get3A_478 : vector<1x16xf32> to vector<16xf32>
          %slice3A_480 = vector.extract_strided_slice %exp3A_418 {offsets = [4], sizes = [1], strides = [1]} : vector<16xf32> to vector<1xf32>
          %squeeze3A_481 = vector.extract %slice3A_480[0] : f32 from vector<1xf32>
          %mul3A_482 = vector.broadcast %squeeze3A_481 : f32 to vector<16xf32>
          %mul3A_483 = arith.mulf %get3A_479, %mul3A_482 : vector<16xf32>
          %swap3A_484 = arith.index_cast %add3A_400 : i32 to index
          %swap3A_485 = arith.constant 64 : index
          %swap3A_486 = tpu.vector_load %arg10[%swap3A_484, %swap3A_485] {strides = array<i32>} : memref<100x144xf32, #tpu.memory_space<vmem>>, vector<1x16xf32>,
          %swap3A_487 = vector.shape_cast %swap3A_486 : vector<1x16xf32> to vector<16xf32>
          %swap3A_488 = vector.shape_cast %mul3A_483 : vector<16xf32> to vector<1x16xf32>
          tpu.vector_store %arg10[%swap3A_484, %swap3A_485], %swap3A_488 {strides = array<i32>} : memref<100x144xf32, #tpu.memory_space<vmem>>, vector<1x16xf32>,
          %get3A_489 = arith.index_cast %add3A_400 : i32 to index
          %get3A_490 = arith.constant 80 : index
          %get3A_491 = tpu.vector_load %arg10[%get3A_489, %get3A_490] {strides = array<i32>} : memref<100x144xf32, #tpu.memory_space<vmem>>, vector<1x16xf32>,
          %get3A_492 = vector.shape_cast %get3A_491 : vector<1x16xf32> to vector<16xf32>
          %slice3A_493 = vector.extract_strided_slice %exp3A_418 {offsets = [5], sizes = [1], strides = [1]} : vector<16xf32> to vector<1xf32>
          %squeeze3A_494 = vector.extract %slice3A_493[0] : f32 from vector<1xf32>
          %mul3A_495 = vector.broadcast %squeeze3A_494 : f32 to vector<16xf32>
          %mul3A_496 = arith.mulf %get3A_492, %mul3A_495 : vector<16xf32>
          %swap3A_497 = arith.index_cast %add3A_400 : i32 to index
          %swap3A_498 = arith.constant 80 : index
          %swap3A_499 = tpu.vector_load %arg10[%swap3A_497, %swap3A_498] {strides = array<i32>} : memref<100x144xf32, #tpu.memory_space<vmem>>, vector<1x16xf32>,
          %swap3A_500 = vector.shape_cast %swap3A_499 : vector<1x16xf32> to vector<16xf32>
          %swap3A_501 = vector.shape_cast %mul3A_496 : vector<16xf32> to vector<1x16xf32>
          tpu.vector_store %arg10[%swap3A_497, %swap3A_498], %swap3A_501 {strides = array<i32>} : memref<100x144xf32, #tpu.memory_space<vmem>>, vector<1x16xf32>,
          %get3A_502 = arith.index_cast %add3A_400 : i32 to index
          %get3A_503 = arith.constant 96 : index
          %get3A_504 = tpu.vector_load %arg10[%get3A_502, %get3A_503] {strides = array<i32>} : memref<100x144xf32, #tpu.memory_space<vmem>>, vector<1x16xf32>,
          %get3A_505 = vector.shape_cast %get3A_504 : vector<1x16xf32> to vector<16xf32>
          %slice3A_506 = vector.extract_strided_slice %exp3A_418 {offsets = [6], sizes = [1], strides = [1]} : vector<16xf32> to vector<1xf32>
          %squeeze3A_507 = vector.extract %slice3A_506[0] : f32 from vector<1xf32>
          %mul3A_508 = vector.broadcast %squeeze3A_507 : f32 to vector<16xf32>
          %mul3A_509 = arith.mulf %get3A_505, %mul3A_508 : vector<16xf32>
          %swap3A_510 = arith.index_cast %add3A_400 : i32 to index
          %swap3A_511 = arith.constant 96 : index
          %swap3A_512 = tpu.vector_load %arg10[%swap3A_510, %swap3A_511] {strides = array<i32>} : memref<100x144xf32, #tpu.memory_space<vmem>>, vector<1x16xf32>,
          %swap3A_513 = vector.shape_cast %swap3A_512 : vector<1x16xf32> to vector<16xf32>
          %swap3A_514 = vector.shape_cast %mul3A_509 : vector<16xf32> to vector<1x16xf32>
          tpu.vector_store %arg10[%swap3A_510, %swap3A_511], %swap3A_514 {strides = array<i32>} : memref<100x144xf32, #tpu.memory_space<vmem>>, vector<1x16xf32>,
          %get3A_515 = arith.index_cast %add3A_400 : i32 to index
          %get3A_516 = arith.constant 112 : index
          %get3A_517 = tpu.vector_load %arg10[%get3A_515, %get3A_516] {strides = array<i32>} : memref<100x144xf32, #tpu.memory_space<vmem>>, vector<1x16xf32>,
          %get3A_518 = vector.shape_cast %get3A_517 : vector<1x16xf32> to vector<16xf32>
          %slice3A_519 = vector.extract_strided_slice %exp3A_418 {offsets = [7], sizes = [1], strides = [1]} : vector<16xf32> to vector<1xf32>
          %squeeze3A_520 = vector.extract %slice3A_519[0] : f32 from vector<1xf32>
          %mul3A_521 = vector.broadcast %squeeze3A_520 : f32 to vector<16xf32>
          %mul3A_522 = arith.mulf %get3A_518, %mul3A_521 : vector<16xf32>
          %swap3A_523 = arith.index_cast %add3A_400 : i32 to index
          %swap3A_524 = arith.constant 112 : index
          %swap3A_525 = tpu.vector_load %arg10[%swap3A_523, %swap3A_524] {strides = array<i32>} : memref<100x144xf32, #tpu.memory_space<vmem>>, vector<1x16xf32>,
          %swap3A_526 = vector.shape_cast %swap3A_525 : vector<1x16xf32> to vector<16xf32>
          %swap3A_527 = vector.shape_cast %mul3A_522 : vector<16xf32> to vector<1x16xf32>
          tpu.vector_store %arg10[%swap3A_523, %swap3A_524], %swap3A_527 {strides = array<i32>} : memref<100x144xf32, #tpu.memory_space<vmem>>, vector<1x16xf32>,
          %scan3A_528 = arith.constant 3 : i32
          %scan3A_529 = arith.addi %scan3A_137, %scan3A_528 : i32
          %mul3A_530 = arith.constant 1 : i32
          %mul3A_531 = arith.muli %scan3A_529, %mul3A_530 : i32
          %add3A_532 = arith.constant 0 : i32
          %add3A_533 = arith.addi %add3A_532, %mul3A_531 : i32
          %get3A_534 = arith.index_cast %add3A_533 : i32 to index
          %get3A_535 = arith.constant 128 : index
          %get3A_536 = tpu.vector_load %arg10[%get3A_534, %get3A_535] {strides = array<i32>} : memref<100x144xf32, #tpu.memory_space<vmem>>, vector<1x16xf32>,
          %get3A_537 = vector.shape_cast %get3A_536 : vector<1x16xf32> to vector<16xf32>
          %get3A_538 = arith.index_cast %add3A_533 : i32 to index
          %get3A_539 = arith.constant 0 : index
          %get3A_540 = tpu.vector_load %arg12[%get3A_538, %get3A_539] {strides = array<i32>} : memref<100x16xf32, #tpu.memory_space<vmem>>, vector<1x16xf32>,
          %get3A_541 = vector.shape_cast %get3A_540 : vector<1x16xf32> to vector<16xf32>
          %add3A_542 = arith.addf %get3A_537, %get3A_541 : vector<16xf32>
          %ge3A_543 = arith.constant 0.000000e+00 : f32
          %ge3A_544 = vector.broadcast %ge3A_543 : f32 to vector<16xf32>
          %ge3A_545 = arith.cmpf oge, %add3A_542, %ge3A_544 : vector<16xf32>
          %mul3A_546 = arith.constant 2.000000e-01 : f32
          %mul3A_547 = vector.broadcast %mul3A_546 : f32 to vector<16xf32>
          %mul3A_548 = arith.mulf %mul3A_547, %add3A_542 : vector<16xf32>
          %select_n3A_549 = arith.select %ge3A_545, %add3A_542, %mul3A_548 : vector<16xi1>, vector<16xf32>
          %sub3A_550 = arith.subf %select_n3A_549, %get3A_8 : vector<16xf32>
          %exp3A_551 = math.exp %sub3A_550 : vector<16xf32>
          %swap3A_552 = arith.index_cast %add3A_533 : i32 to index
          %swap3A_553 = arith.constant 128 : index
          %swap3A_554 = tpu.vector_load %arg10[%swap3A_552, %swap3A_553] {strides = array<i32>} : memref<100x144xf32, #tpu.memory_space<vmem>>, vector<1x16xf32>,
          %swap3A_555 = vector.shape_cast %swap3A_554 : vector<1x16xf32> to vector<16xf32>
          %swap3A_556 = vector.shape_cast %exp3A_551 : vector<16xf32> to vector<1x16xf32>
          tpu.vector_store %arg10[%swap3A_552, %swap3A_553], %swap3A_556 {strides = array<i32>} : memref<100x144xf32, #tpu.memory_space<vmem>>, vector<1x16xf32>,
          %get3A_557 = arith.index_cast %add3A_533 : i32 to index
          %get3A_558 = arith.constant 0 : index
          %get3A_559 = tpu.vector_load %arg10[%get3A_557, %get3A_558] {strides = array<i32>} : memref<100x144xf32, #tpu.memory_space<vmem>>, vector<1x16xf32>,
          %get3A_560 = vector.shape_cast %get3A_559 : vector<1x16xf32> to vector<16xf32>
          %slice3A_561 = vector.extract_strided_slice %exp3A_551 {offsets = [0], sizes = [1], strides = [1]} : vector<16xf32> to vector<1xf32>
          %squeeze3A_562 = vector.extract %slice3A_561[0] : f32 from vector<1xf32>
          %mul3A_563 = vector.broadcast %squeeze3A_562 : f32 to vector<16xf32>
          %mul3A_564 = arith.mulf %get3A_560, %mul3A_563 : vector<16xf32>
          %swap3A_565 = arith.index_cast %add3A_533 : i32 to index
          %swap3A_566 = arith.constant 0 : index
          %swap3A_567 = tpu.vector_load %arg10[%swap3A_565, %swap3A_566] {strides = array<i32>} : memref<100x144xf32, #tpu.memory_space<vmem>>, vector<1x16xf32>,
          %swap3A_568 = vector.shape_cast %swap3A_567 : vector<1x16xf32> to vector<16xf32>
          %swap3A_569 = vector.shape_cast %mul3A_564 : vector<16xf32> to vector<1x16xf32>
          tpu.vector_store %arg10[%swap3A_565, %swap3A_566], %swap3A_569 {strides = array<i32>} : memref<100x144xf32, #tpu.memory_space<vmem>>, vector<1x16xf32>,
          %get3A_570 = arith.index_cast %add3A_533 : i32 to index
          %get3A_571 = arith.constant 16 : index
          %get3A_572 = tpu.vector_load %arg10[%get3A_570, %get3A_571] {strides = array<i32>} : memref<100x144xf32, #tpu.memory_space<vmem>>, vector<1x16xf32>,
          %get3A_573 = vector.shape_cast %get3A_572 : vector<1x16xf32> to vector<16xf32>
          %slice3A_574 = vector.extract_strided_slice %exp3A_551 {offsets = [1], sizes = [1], strides = [1]} : vector<16xf32> to vector<1xf32>
          %squeeze3A_575 = vector.extract %slice3A_574[0] : f32 from vector<1xf32>
          %mul3A_576 = vector.broadcast %squeeze3A_575 : f32 to vector<16xf32>
          %mul3A_577 = arith.mulf %get3A_573, %mul3A_576 : vector<16xf32>
          %swap3A_578 = arith.index_cast %add3A_533 : i32 to index
          %swap3A_579 = arith.constant 16 : index
          %swap3A_580 = tpu.vector_load %arg10[%swap3A_578, %swap3A_579] {strides = array<i32>} : memref<100x144xf32, #tpu.memory_space<vmem>>, vector<1x16xf32>,
          %swap3A_581 = vector.shape_cast %swap3A_580 : vector<1x16xf32> to vector<16xf32>
          %swap3A_582 = vector.shape_cast %mul3A_577 : vector<16xf32> to vector<1x16xf32>
          tpu.vector_store %arg10[%swap3A_578, %swap3A_579], %swap3A_582 {strides = array<i32>} : memref<100x144xf32, #tpu.memory_space<vmem>>, vector<1x16xf32>,
          %get3A_583 = arith.index_cast %add3A_533 : i32 to index
          %get3A_584 = arith.constant 32 : index
          %get3A_585 = tpu.vector_load %arg10[%get3A_583, %get3A_584] {strides = array<i32>} : memref<100x144xf32, #tpu.memory_space<vmem>>, vector<1x16xf32>,
          %get3A_586 = vector.shape_cast %get3A_585 : vector<1x16xf32> to vector<16xf32>
          %slice3A_587 = vector.extract_strided_slice %exp3A_551 {offsets = [2], sizes = [1], strides = [1]} : vector<16xf32> to vector<1xf32>
          %squeeze3A_588 = vector.extract %slice3A_587[0] : f32 from vector<1xf32>
          %mul3A_589 = vector.broadcast %squeeze3A_588 : f32 to vector<16xf32>
          %mul3A_590 = arith.mulf %get3A_586, %mul3A_589 : vector<16xf32>
          %swap3A_591 = arith.index_cast %add3A_533 : i32 to index
          %swap3A_592 = arith.constant 32 : index
          %swap3A_593 = tpu.vector_load %arg10[%swap3A_591, %swap3A_592] {strides = array<i32>} : memref<100x144xf32, #tpu.memory_space<vmem>>, vector<1x16xf32>,
          %swap3A_594 = vector.shape_cast %swap3A_593 : vector<1x16xf32> to vector<16xf32>
          %swap3A_595 = vector.shape_cast %mul3A_590 : vector<16xf32> to vector<1x16xf32>
          tpu.vector_store %arg10[%swap3A_591, %swap3A_592], %swap3A_595 {strides = array<i32>} : memref<100x144xf32, #tpu.memory_space<vmem>>, vector<1x16xf32>,
          %get3A_596 = arith.index_cast %add3A_533 : i32 to index
          %get3A_597 = arith.constant 48 : index
          %get3A_598 = tpu.vector_load %arg10[%get3A_596, %get3A_597] {strides = array<i32>} : memref<100x144xf32, #tpu.memory_space<vmem>>, vector<1x16xf32>,
          %get3A_599 = vector.shape_cast %get3A_598 : vector<1x16xf32> to vector<16xf32>
          %slice3A_600 = vector.extract_strided_slice %exp3A_551 {offsets = [3], sizes = [1], strides = [1]} : vector<16xf32> to vector<1xf32>
          %squeeze3A_601 = vector.extract %slice3A_600[0] : f32 from vector<1xf32>
          %mul3A_602 = vector.broadcast %squeeze3A_601 : f32 to vector<16xf32>
          %mul3A_603 = arith.mulf %get3A_599, %mul3A_602 : vector<16xf32>
          %swap3A_604 = arith.index_cast %add3A_533 : i32 to index
          %swap3A_605 = arith.constant 48 : index
          %swap3A_606 = tpu.vector_load %arg10[%swap3A_604, %swap3A_605] {strides = array<i32>} : memref<100x144xf32, #tpu.memory_space<vmem>>, vector<1x16xf32>,
          %swap3A_607 = vector.shape_cast %swap3A_606 : vector<1x16xf32> to vector<16xf32>
          %swap3A_608 = vector.shape_cast %mul3A_603 : vector<16xf32> to vector<1x16xf32>
          tpu.vector_store %arg10[%swap3A_604, %swap3A_605], %swap3A_608 {strides = array<i32>} : memref<100x144xf32, #tpu.memory_space<vmem>>, vector<1x16xf32>,
          %get3A_609 = arith.index_cast %add3A_533 : i32 to index
          %get3A_610 = arith.constant 64 : index
          %get3A_611 = tpu.vector_load %arg10[%get3A_609, %get3A_610] {strides = array<i32>} : memref<100x144xf32, #tpu.memory_space<vmem>>, vector<1x16xf32>,
          %get3A_612 = vector.shape_cast %get3A_611 : vector<1x16xf32> to vector<16xf32>
          %slice3A_613 = vector.extract_strided_slice %exp3A_551 {offsets = [4], sizes = [1], strides = [1]} : vector<16xf32> to vector<1xf32>
          %squeeze3A_614 = vector.extract %slice3A_613[0] : f32 from vector<1xf32>
          %mul3A_615 = vector.broadcast %squeeze3A_614 : f32 to vector<16xf32>
          %mul3A_616 = arith.mulf %get3A_612, %mul3A_615 : vector<16xf32>
          %swap3A_617 = arith.index_cast %add3A_533 : i32 to index
          %swap3A_618 = arith.constant 64 : index
          %swap3A_619 = tpu.vector_load %arg10[%swap3A_617, %swap3A_618] {strides = array<i32>} : memref<100x144xf32, #tpu.memory_space<vmem>>, vector<1x16xf32>,
          %swap3A_620 = vector.shape_cast %swap3A_619 : vector<1x16xf32> to vector<16xf32>
          %swap3A_621 = vector.shape_cast %mul3A_616 : vector<16xf32> to vector<1x16xf32>
          tpu.vector_store %arg10[%swap3A_617, %swap3A_618], %swap3A_621 {strides = array<i32>} : memref<100x144xf32, #tpu.memory_space<vmem>>, vector<1x16xf32>,
          %get3A_622 = arith.index_cast %add3A_533 : i32 to index
          %get3A_623 = arith.constant 80 : index
          %get3A_624 = tpu.vector_load %arg10[%get3A_622, %get3A_623] {strides = array<i32>} : memref<100x144xf32, #tpu.memory_space<vmem>>, vector<1x16xf32>,
          %get3A_625 = vector.shape_cast %get3A_624 : vector<1x16xf32> to vector<16xf32>
          %slice3A_626 = vector.extract_strided_slice %exp3A_551 {offsets = [5], sizes = [1], strides = [1]} : vector<16xf32> to vector<1xf32>
          %squeeze3A_627 = vector.extract %slice3A_626[0] : f32 from vector<1xf32>
          %mul3A_628 = vector.broadcast %squeeze3A_627 : f32 to vector<16xf32>
          %mul3A_629 = arith.mulf %get3A_625, %mul3A_628 : vector<16xf32>
          %swap3A_630 = arith.index_cast %add3A_533 : i32 to index
          %swap3A_631 = arith.constant 80 : index
          %swap3A_632 = tpu.vector_load %arg10[%swap3A_630, %swap3A_631] {strides = array<i32>} : memref<100x144xf32, #tpu.memory_space<vmem>>, vector<1x16xf32>,
          %swap3A_633 = vector.shape_cast %swap3A_632 : vector<1x16xf32> to vector<16xf32>
          %swap3A_634 = vector.shape_cast %mul3A_629 : vector<16xf32> to vector<1x16xf32>
          tpu.vector_store %arg10[%swap3A_630, %swap3A_631], %swap3A_634 {strides = array<i32>} : memref<100x144xf32, #tpu.memory_space<vmem>>, vector<1x16xf32>,
          %get3A_635 = arith.index_cast %add3A_533 : i32 to index
          %get3A_636 = arith.constant 96 : index
          %get3A_637 = tpu.vector_load %arg10[%get3A_635, %get3A_636] {strides = array<i32>} : memref<100x144xf32, #tpu.memory_space<vmem>>, vector<1x16xf32>,
          %get3A_638 = vector.shape_cast %get3A_637 : vector<1x16xf32> to vector<16xf32>
          %slice3A_639 = vector.extract_strided_slice %exp3A_551 {offsets = [6], sizes = [1], strides = [1]} : vector<16xf32> to vector<1xf32>
          %squeeze3A_640 = vector.extract %slice3A_639[0] : f32 from vector<1xf32>
          %mul3A_641 = vector.broadcast %squeeze3A_640 : f32 to vector<16xf32>
          %mul3A_642 = arith.mulf %get3A_638, %mul3A_641 : vector<16xf32>
          %swap3A_643 = arith.index_cast %add3A_533 : i32 to index
          %swap3A_644 = arith.constant 96 : index
          %swap3A_645 = tpu.vector_load %arg10[%swap3A_643, %swap3A_644] {strides = array<i32>} : memref<100x144xf32, #tpu.memory_space<vmem>>, vector<1x16xf32>,
          %swap3A_646 = vector.shape_cast %swap3A_645 : vector<1x16xf32> to vector<16xf32>
          %swap3A_647 = vector.shape_cast %mul3A_642 : vector<16xf32> to vector<1x16xf32>
          tpu.vector_store %arg10[%swap3A_643, %swap3A_644], %swap3A_647 {strides = array<i32>} : memref<100x144xf32, #tpu.memory_space<vmem>>, vector<1x16xf32>,
          %get3A_648 = arith.index_cast %add3A_533 : i32 to index
          %get3A_649 = arith.constant 112 : index
          %get3A_650 = tpu.vector_load %arg10[%get3A_648, %get3A_649] {strides = array<i32>} : memref<100x144xf32, #tpu.memory_space<vmem>>, vector<1x16xf32>,
          %get3A_651 = vector.shape_cast %get3A_650 : vector<1x16xf32> to vector<16xf32>
          %slice3A_652 = vector.extract_strided_slice %exp3A_551 {offsets = [7], sizes = [1], strides = [1]} : vector<16xf32> to vector<1xf32>
          %squeeze3A_653 = vector.extract %slice3A_652[0] : f32 from vector<1xf32>
          %mul3A_654 = vector.broadcast %squeeze3A_653 : f32 to vector<16xf32>
          %mul3A_655 = arith.mulf %get3A_651, %mul3A_654 : vector<16xf32>
          %swap3A_656 = arith.index_cast %add3A_533 : i32 to index
          %swap3A_657 = arith.constant 112 : index
          %swap3A_658 = tpu.vector_load %arg10[%swap3A_656, %swap3A_657] {strides = array<i32>} : memref<100x144xf32, #tpu.memory_space<vmem>>, vector<1x16xf32>,
          %swap3A_659 = vector.shape_cast %swap3A_658 : vector<1x16xf32> to vector<16xf32>
          %swap3A_660 = vector.shape_cast %mul3A_655 : vector<16xf32> to vector<1x16xf32>
          tpu.vector_store %arg10[%swap3A_656, %swap3A_657], %swap3A_660 {strides = array<i32>} : memref<100x144xf32, #tpu.memory_space<vmem>>, vector<1x16xf32>,
        }
        %scan3A_102 = arith.constant 100 : i32
        %dma_start3A_103 = arith.constant 0 : i32
        %dma_start3A_104 = tpu.memref_slice %arg14[%add3A_85, %dma_start3A_103] : memref<20x100xi32, #tpu.memory_space<vmem>> -> memref<1x100xi32, #tpu.memory_space<vmem>>
        %dma_start3A_105 = tpu.memref_squeeze %dma_start3A_104 : memref<1x100xi32, #tpu.memory_space<vmem>> -> memref<100xi32, #tpu.memory_space<vmem>>
        %dma_start3A_106 = arith.constant 0 : i32
        %dma_start3A_107 = arith.constant 0 : i32
        %dma_start3A_108 = tpu.memref_slice %arg16[%dma_start3A_106, %dma_start3A_107] : memref<10000x144xf32, #tpu.memory_space<vmem_shared>> -> memref<10000x144xf32, #tpu.memory_space<vmem_shared>>
        tpu.enqueue_indirect_dma source(%arg10 : memref<100x144xf32, #tpu.memory_space<vmem>>) target(%dma_start3A_108 : memref<10000x144xf32, #tpu.memory_space<vmem_shared>>) offsets(%dma_start3A_105 : memref<100xi32, #tpu.memory_space<vmem>>) semaphore(%arg22 : memref<!tpu.dma_semaphore, #tpu.memory_space<semaphore_mem>>) {add = true}
        %dma_wait3A_109 = arith.constant 0 : i32
        %dma_wait3A_110 = tpu.memref_slice %arg14[%mul3A_61, %dma_wait3A_109] : memref<20x100xi32, #tpu.memory_space<vmem>> -> memref<1x100xi32, #tpu.memory_space<vmem>>
        %dma_wait3A_111 = tpu.memref_squeeze %dma_wait3A_110 : memref<1x100xi32, #tpu.memory_space<vmem>> -> memref<100xi32, #tpu.memory_space<vmem>>
        %dma_wait3A_112 = arith.constant 0 : i32
        %dma_wait3A_113 = arith.constant 0 : i32
        %dma_wait3A_114 = tpu.memref_slice %arg16[%dma_wait3A_112, %dma_wait3A_113] : memref<10000x144xf32, #tpu.memory_space<vmem_shared>> -> memref<10000x144xf32, #tpu.memory_space<vmem_shared>>
        tpu.wait_indirect_dma semaphore(%arg21 : memref<!tpu.dma_semaphore, #tpu.memory_space<semaphore_mem>>) src(%arg9 : memref<100x144xf32, #tpu.memory_space<vmem>>) dst(%dma_wait3A_114 : memref<10000x144xf32, #tpu.memory_space<vmem_shared>>)
        %add3A_115 = arith.constant 2 : i32
        %add3A_116 = arith.addi %mul3A_61, %add3A_115 : i32
        %lt3A_117 = arith.constant 20 : i32
        %lt3A_118 = arith.cmpi slt, %add3A_116, %lt3A_117 : i32
        %convert_element_type3A_119 = arith.extui %lt3A_118 : i1 to i32
        %cond3A_120 = arith.constant 0 : i32
        %cond3A_121 = arith.cmpi ne, %convert_element_type3A_119, %cond3A_120 : i32
        scf.if %cond3A_121 {
          %add3A_137 = arith.constant 2 : i32
          %add3A_138 = arith.addi %mul3A_61, %add3A_137 : i32
          %dma_start3A_139 = arith.constant 0 : i32
          %dma_start3A_140 = tpu.memref_slice %arg13[%add3A_138, %dma_start3A_139] : memref<20x100xi32, #tpu.memory_space<vmem>> -> memref<1x100xi32, #tpu.memory_space<vmem>>
          %dma_start3A_141 = tpu.memref_squeeze %dma_start3A_140 : memref<1x100xi32, #tpu.memory_space<vmem>> -> memref<100xi32, #tpu.memory_space<vmem>>
          %dma_start3A_142 = arith.constant 0 : i32
          %dma_start3A_143 = arith.constant 0 : i32
          %dma_start3A_144 = tpu.memref_slice %arg2[%dma_start3A_142, %dma_start3A_143] : memref<10000x144xf32, #tpu.memory_space<hbm>> -> memref<10000x144xf32, #tpu.memory_space<hbm>>
          tpu.enqueue_indirect_dma source(%dma_start3A_144 : memref<10000x144xf32, #tpu.memory_space<hbm>>) target(%arg9 : memref<100x144xf32, #tpu.memory_space<vmem>>) offsets(%dma_start3A_141 : memref<100xi32, #tpu.memory_space<vmem>>) semaphore(%arg17 : memref<!tpu.dma_semaphore, #tpu.memory_space<semaphore_mem>>)
          %dma_start3A_145 = arith.constant 0 : i32
          %dma_start3A_146 = tpu.memref_slice %arg14[%add3A_138, %dma_start3A_145] : memref<20x100xi32, #tpu.memory_space<vmem>> -> memref<1x100xi32, #tpu.memory_space<vmem>>
          %dma_start3A_147 = tpu.memref_squeeze %dma_start3A_146 : memref<1x100xi32, #tpu.memory_space<vmem>> -> memref<100xi32, #tpu.memory_space<vmem>>
          %dma_start3A_148 = arith.constant 0 : i32
          %dma_start3A_149 = arith.constant 0 : i32
          %dma_start3A_150 = tpu.memref_slice %arg3[%dma_start3A_148, %dma_start3A_149] : memref<10000x16xf32, #tpu.memory_space<hbm>> -> memref<10000x16xf32, #tpu.memory_space<hbm>>
          tpu.enqueue_indirect_dma source(%dma_start3A_150 : memref<10000x16xf32, #tpu.memory_space<hbm>>) target(%arg11 : memref<100x16xf32, #tpu.memory_space<vmem>>) offsets(%dma_start3A_147 : memref<100xi32, #tpu.memory_space<vmem>>) semaphore(%arg19 : memref<!tpu.dma_semaphore, #tpu.memory_space<semaphore_mem>>)
        } else {
        }
        %add3A_122 = arith.constant 1 : i32
        %add3A_123 = arith.addi %mul3A_61, %add3A_122 : i32
        %dma_wait3A_124 = arith.constant 0 : i32
        %dma_wait3A_125 = tpu.memref_slice %arg14[%add3A_123, %dma_wait3A_124] : memref<20x100xi32, #tpu.memory_space<vmem>> -> memref<1x100xi32, #tpu.memory_space<vmem>>
        %dma_wait3A_126 = tpu.memref_squeeze %dma_wait3A_125 : memref<1x100xi32, #tpu.memory_space<vmem>> -> memref<100xi32, #tpu.memory_space<vmem>>
        %dma_wait3A_127 = arith.constant 0 : i32
        %dma_wait3A_128 = arith.constant 0 : i32
        %dma_wait3A_129 = tpu.memref_slice %arg16[%dma_wait3A_127, %dma_wait3A_128] : memref<10000x144xf32, #tpu.memory_space<vmem_shared>> -> memref<10000x144xf32, #tpu.memory_space<vmem_shared>>
        tpu.wait_indirect_dma semaphore(%arg22 : memref<!tpu.dma_semaphore, #tpu.memory_space<semaphore_mem>>) src(%arg10 : memref<100x144xf32, #tpu.memory_space<vmem>>) dst(%dma_wait3A_129 : memref<10000x144xf32, #tpu.memory_space<vmem_shared>>)
        %add3A_130 = arith.constant 3 : i32
        %add3A_131 = arith.addi %mul3A_61, %add3A_130 : i32
        %lt3A_132 = arith.constant 20 : i32
        %lt3A_133 = arith.cmpi slt, %add3A_131, %lt3A_132 : i32
        %convert_element_type3A_134 = arith.extui %lt3A_133 : i1 to i32
        %cond3A_135 = arith.constant 0 : i32
        %cond3A_136 = arith.cmpi ne, %convert_element_type3A_134, %cond3A_135 : i32
        scf.if %cond3A_136 {
          %add3A_137 = arith.constant 3 : i32
          %add3A_138 = arith.addi %mul3A_61, %add3A_137 : i32
          %dma_start3A_139 = arith.constant 0 : i32
          %dma_start3A_140 = tpu.memref_slice %arg13[%add3A_138, %dma_start3A_139] : memref<20x100xi32, #tpu.memory_space<vmem>> -> memref<1x100xi32, #tpu.memory_space<vmem>>
          %dma_start3A_141 = tpu.memref_squeeze %dma_start3A_140 : memref<1x100xi32, #tpu.memory_space<vmem>> -> memref<100xi32, #tpu.memory_space<vmem>>
          %dma_start3A_142 = arith.constant 0 : i32
          %dma_start3A_143 = arith.constant 0 : i32
          %dma_start3A_144 = tpu.memref_slice %arg2[%dma_start3A_142, %dma_start3A_143] : memref<10000x144xf32, #tpu.memory_space<hbm>> -> memref<10000x144xf32, #tpu.memory_space<hbm>>
          tpu.enqueue_indirect_dma source(%dma_start3A_144 : memref<10000x144xf32, #tpu.memory_space<hbm>>) target(%arg10 : memref<100x144xf32, #tpu.memory_space<vmem>>) offsets(%dma_start3A_141 : memref<100xi32, #tpu.memory_space<vmem>>) semaphore(%arg18 : memref<!tpu.dma_semaphore, #tpu.memory_space<semaphore_mem>>)
          %dma_start3A_145 = arith.constant 0 : i32
          %dma_start3A_146 = tpu.memref_slice %arg14[%add3A_138, %dma_start3A_145] : memref<20x100xi32, #tpu.memory_space<vmem>> -> memref<1x100xi32, #tpu.memory_space<vmem>>
          %dma_start3A_147 = tpu.memref_squeeze %dma_start3A_146 : memref<1x100xi32, #tpu.memory_space<vmem>> -> memref<100xi32, #tpu.memory_space<vmem>>
          %dma_start3A_148 = arith.constant 0 : i32
          %dma_start3A_149 = arith.constant 0 : i32
          %dma_start3A_150 = tpu.memref_slice %arg3[%dma_start3A_148, %dma_start3A_149] : memref<10000x16xf32, #tpu.memory_space<hbm>> -> memref<10000x16xf32, #tpu.memory_space<hbm>>
          tpu.enqueue_indirect_dma source(%dma_start3A_150 : memref<10000x16xf32, #tpu.memory_space<hbm>>) target(%arg12 : memref<100x16xf32, #tpu.memory_space<vmem>>) offsets(%dma_start3A_147 : memref<100xi32, #tpu.memory_space<vmem>>) semaphore(%arg20 : memref<!tpu.dma_semaphore, #tpu.memory_space<semaphore_mem>>)
        } else {
        }
      }
      %scan3A_58 = arith.constant 10 : i32
    }
    %scan3A_13 = arith.constant 5 : i32
    %barrier3A_14 = arith.constant 0 : index
    tpu.barrier barrier_id(%barrier3A_14)
    %lt3A_15 = arith.constant 15 : i32
    %lt3A_16 = arith.cmpi slt, %arg1, %lt3A_15 : i32
    %convert_element_type3A_17 = arith.extui %lt3A_16 : i1 to i32
    %cond3A_18 = arith.constant 0 : i32
    %cond3A_19 = arith.cmpi ne, %convert_element_type3A_17, %cond3A_18 : i32
    scf.if %cond3A_19 {
      %mul3A_25 = arith.constant 624 : i32
      %mul3A_26 = arith.muli %arg1, %mul3A_25 : i32
      %mul3A_27 = arith.constant 624 : i32
      %mul3A_28 = arith.muli %arg1, %mul3A_27 : i32
      "tpu.region"() ({
        %run_scoped3A = tpu.sem_alloc : memref<!tpu.dma_semaphore, #tpu.memory_space<semaphore_mem>>
        %dma_start3A = arith.constant 0 : i32
        %dma_start3A_29 = tpu.memref_slice %arg8[%arg0, %mul3A_28, %dma_start3A] : memref<2x10000x144xf32, #tpu.memory_space<hbm>> -> memref<1x624x144xf32, #tpu.memory_space<hbm>>
        %dma_start3A_30 = tpu.memref_squeeze %dma_start3A_29 : memref<1x624x144xf32, #tpu.memory_space<hbm>> -> memref<624x144xf32, #tpu.memory_space<hbm>>
        %dma_start3A_31 = arith.constant 0 : i32
        %dma_start3A_32 = tpu.memref_slice %arg16[%mul3A_26, %dma_start3A_31] : memref<10000x144xf32, #tpu.memory_space<vmem_shared>> -> memref<624x144xf32, #tpu.memory_space<vmem_shared>>
        tpu.enqueue_dma source(%dma_start3A_32 : memref<624x144xf32, #tpu.memory_space<vmem_shared>>) target(%dma_start3A_30 : memref<624x144xf32, #tpu.memory_space<hbm>>) target_semaphore(%run_scoped3A : memref<!tpu.dma_semaphore, #tpu.memory_space<semaphore_mem>>)
        %dma_wait3A = arith.constant 0 : i32
        %dma_wait3A_33 = tpu.memref_slice %arg8[%arg0, %mul3A_28, %dma_wait3A] : memref<2x10000x144xf32, #tpu.memory_space<hbm>> -> memref<1x624x144xf32, #tpu.memory_space<hbm>>
        %dma_wait3A_34 = tpu.memref_squeeze %dma_wait3A_33 : memref<1x624x144xf32, #tpu.memory_space<hbm>> -> memref<624x144xf32, #tpu.memory_space<hbm>>
        %dma_wait3A_35 = arith.constant 0 : i32
        %dma_wait3A_36 = tpu.memref_slice %arg16[%mul3A_26, %dma_wait3A_35] : memref<10000x144xf32, #tpu.memory_space<vmem_shared>> -> memref<624x144xf32, #tpu.memory_space<vmem_shared>>
        tpu.wait_dma2 semaphore(%run_scoped3A : memref<!tpu.dma_semaphore, #tpu.memory_space<semaphore_mem>>) src(%dma_wait3A_36 : memref<624x144xf32, #tpu.memory_space<vmem_shared>>) dst(%dma_wait3A_34 : memref<624x144xf32, #tpu.memory_space<hbm>>)
        tpu.yield
      }) : () -> ()
    } else {
    }
    %eq3A_20 = arith.constant 15 : i32
    %eq3A_21 = arith.cmpi eq, %arg1, %eq3A_20 : i32
    %convert_element_type3A_22 = arith.extui %eq3A_21 : i1 to i32
    %cond3A_23 = arith.constant 0 : i32
    %cond3A_24 = arith.cmpi ne, %convert_element_type3A_22, %cond3A_23 : i32
    scf.if %cond3A_24 {
      "tpu.region"() ({
        %run_scoped3A = tpu.sem_alloc : memref<!tpu.dma_semaphore, #tpu.memory_space<semaphore_mem>>
        %dma_start3A = arith.constant 9360 : i32
        %dma_start3A_25 = arith.constant 0 : i32
        %dma_start3A_26 = tpu.memref_slice %arg8[%arg0, %dma_start3A, %dma_start3A_25] : memref<2x10000x144xf32, #tpu.memory_space<hbm>> -> memref<1x640x144xf32, #tpu.memory_space<hbm>>
        %dma_start3A_27 = tpu.memref_squeeze %dma_start3A_26 : memref<1x640x144xf32, #tpu.memory_space<hbm>> -> memref<640x144xf32, #tpu.memory_space<hbm>>
        %dma_start3A_28 = arith.constant 9360 : i32
        %dma_start3A_29 = arith.constant 0 : i32
        %dma_start3A_30 = tpu.memref_slice %arg16[%dma_start3A_28, %dma_start3A_29] : memref<10000x144xf32, #tpu.memory_space<vmem_shared>> -> memref<640x144xf32, #tpu.memory_space<vmem_shared>>
        tpu.enqueue_dma source(%dma_start3A_30 : memref<640x144xf32, #tpu.memory_space<vmem_shared>>) target(%dma_start3A_27 : memref<640x144xf32, #tpu.memory_space<hbm>>) target_semaphore(%run_scoped3A : memref<!tpu.dma_semaphore, #tpu.memory_space<semaphore_mem>>)
        %dma_wait3A = arith.constant 9360 : i32
        %dma_wait3A_31 = arith.constant 0 : i32
        %dma_wait3A_32 = tpu.memref_slice %arg8[%arg0, %dma_wait3A, %dma_wait3A_31] : memref<2x10000x144xf32, #tpu.memory_space<hbm>> -> memref<1x640x144xf32, #tpu.memory_space<hbm>>
        %dma_wait3A_33 = tpu.memref_squeeze %dma_wait3A_32 : memref<1x640x144xf32, #tpu.memory_space<hbm>> -> memref<640x144xf32, #tpu.memory_space<hbm>>
        %dma_wait3A_34 = arith.constant 9360 : i32
        %dma_wait3A_35 = arith.constant 0 : i32
        %dma_wait3A_36 = tpu.memref_slice %arg16[%dma_wait3A_34, %dma_wait3A_35] : memref<10000x144xf32, #tpu.memory_space<vmem_shared>> -> memref<640x144xf32, #tpu.memory_space<vmem_shared>>
        tpu.wait_dma2 semaphore(%run_scoped3A : memref<!tpu.dma_semaphore, #tpu.memory_space<semaphore_mem>>) src(%dma_wait3A_36 : memref<640x144xf32, #tpu.memory_space<vmem_shared>>) dst(%dma_wait3A_33 : memref<640x144xf32, #tpu.memory_space<hbm>>)
        tpu.yield
      }) : () -> ()
    } else {
    }
    return
  }
}

#map = affine_map<(d0, d1) -> (0, 0)>
#map1 = affine_map<(d0, d1) -> (0, 0, 0, 0)>
#map2 = affine_map<(d0, d1) -> (0)>
#map3 = affine_map<(d0, d1) -> (0, 0, 0)>
module attributes {stable_mosaic.version = 14 : i64} {
  func.func @_sc_body(%arg0: i32, %arg1: i32, %arg2: memref<10000x144xf32, #tpu.memory_space<hbm>>, %arg3: memref<10000x16xf32, #tpu.memory_space<hbm>>, %arg4: memref<32x5x20x100xi32, #tpu.memory_space<hbm>>, %arg5: memref<32x5x20x100xi32, #tpu.memory_space<hbm>>, %arg6: memref<16xf32, #tpu.memory_space<hbm>>, %arg7: memref<640x144xf32, #tpu.memory_space<hbm>>, %arg8: memref<2x10000x144xf32, #tpu.memory_space<hbm>>, %arg9: memref<100x144xf32, #tpu.memory_space<vmem>>, %arg10: memref<100x144xf32, #tpu.memory_space<vmem>>, %arg11: memref<100x16xf32, #tpu.memory_space<vmem>>, %arg12: memref<100x16xf32, #tpu.memory_space<vmem>>, %arg13: memref<20x100xi32, #tpu.memory_space<vmem>>, %arg14: memref<20x100xi32, #tpu.memory_space<vmem>>, %arg15: memref<16xf32, #tpu.memory_space<vmem>>, %arg16: memref<10000x144xf32, #tpu.memory_space<vmem_shared>>, %arg17: memref<!tpu.dma_semaphore, #tpu.memory_space<semaphore_mem>>, %arg18: memref<!tpu.dma_semaphore, #tpu.memory_space<semaphore_mem>>, %arg19: memref<!tpu.dma_semaphore, #tpu.memory_space<semaphore_mem>>, %arg20: memref<!tpu.dma_semaphore, #tpu.memory_space<semaphore_mem>>, %arg21: memref<!tpu.dma_semaphore, #tpu.memory_space<semaphore_mem>>, %arg22: memref<!tpu.dma_semaphore, #tpu.memory_space<semaphore_mem>>) attributes {dimension_semantics = [#tpu.dimension_semantics<core_parallel>, #tpu.dimension_semantics<subcore_parallel>], iteration_bounds = array<i64: 2, 16>, scalar_prefetch = 0 : i64, scratch_operands = 14 : i64, tpu.core_type = #tpu.core_type<sc_vector_subcore>, window_params = [{transform_indices = #map}, {transform_indices = #map}, {transform_indices = #map1}, {transform_indices = #map1}, {transform_indices = #map2}, {transform_indices = #map}, {transform_indices = #map3}]} {
    %mul3A = arith.constant 2 : i32
    %mul3A_0 = arith.muli %arg1, %mul3A : i32
    %add3A = arith.addi %mul3A_0, %arg0 : i32
    %lt3A = arith.constant 15 : i32
    %lt3A_1 = arith.cmpi slt, %arg1, %lt3A : i32
    %convert_element_type3A = arith.extui %lt3A_1 : i1 to i32
    %cond3A = arith.constant 0 : i32
    %cond3A_2 = arith.cmpi ne, %convert_element_type3A, %cond3A : i32
    scf.if %cond3A_2 {
      %mul3A_25 = arith.constant 624 : i32
      %mul3A_26 = arith.muli %arg1, %mul3A_25 : i32
      "tpu.region"() ({
        %run_scoped3A = tpu.sem_alloc : memref<!tpu.dma_semaphore, #tpu.memory_space<semaphore_mem>>
        %dma_start3A = arith.constant 0 : i32
        %dma_start3A_27 = tpu.memref_slice %arg16[%mul3A_26, %dma_start3A] : memref<10000x144xf32, #tpu.memory_space<vmem_shared>> -> memref<624x144xf32, #tpu.memory_space<vmem_shared>>
        %dma_start3A_28 = arith.constant 0 : i32
        %dma_start3A_29 = arith.constant 0 : i32
        %dma_start3A_30 = tpu.memref_slice %arg7[%dma_start3A_28, %dma_start3A_29] : memref<640x144xf32, #tpu.memory_space<hbm>> -> memref<624x144xf32, #tpu.memory_space<hbm>>
        tpu.enqueue_dma source(%dma_start3A_30 : memref<624x144xf32, #tpu.memory_space<hbm>>) target(%dma_start3A_27 : memref<624x144xf32, #tpu.memory_space<vmem_shared>>) target_semaphore(%run_scoped3A : memref<!tpu.dma_semaphore, #tpu.memory_space<semaphore_mem>>)
        %dma_wait3A = arith.constant 0 : i32
        %dma_wait3A_31 = tpu.memref_slice %arg16[%mul3A_26, %dma_wait3A] : memref<10000x144xf32, #tpu.memory_space<vmem_shared>> -> memref<624x144xf32, #tpu.memory_space<vmem_shared>>
        %dma_wait3A_32 = arith.constant 0 : i32
        %dma_wait3A_33 = arith.constant 0 : i32
        %dma_wait3A_34 = tpu.memref_slice %arg7[%dma_wait3A_32, %dma_wait3A_33] : memref<640x144xf32, #tpu.memory_space<hbm>> -> memref<624x144xf32, #tpu.memory_space<hbm>>
        tpu.wait_dma2 semaphore(%run_scoped3A : memref<!tpu.dma_semaphore, #tpu.memory_space<semaphore_mem>>) src(%dma_wait3A_34 : memref<624x144xf32, #tpu.memory_space<hbm>>) dst(%dma_wait3A_31 : memref<624x144xf32, #tpu.memory_space<vmem_shared>>)
        tpu.yield
      }) : () -> ()
    } else {
    }
    %eq3A = arith.constant 15 : i32
    %eq3A_3 = arith.cmpi eq, %arg1, %eq3A : i32
    %convert_element_type3A_4 = arith.extui %eq3A_3 : i1 to i32
    %cond3A_5 = arith.constant 0 : i32
    %cond3A_6 = arith.cmpi ne, %convert_element_type3A_4, %cond3A_5 : i32
    scf.if %cond3A_6 {
      "tpu.region"() ({
        %run_scoped3A = tpu.sem_alloc : memref<!tpu.dma_semaphore, #tpu.memory_space<semaphore_mem>>
        %dma_start3A = arith.constant 9360 : i32
        %dma_start3A_25 = arith.constant 0 : i32
        %dma_start3A_26 = tpu.memref_slice %arg16[%dma_start3A, %dma_start3A_25] : memref<10000x144xf32, #tpu.memory_space<vmem_shared>> -> memref<640x144xf32, #tpu.memory_space<vmem_shared>>
        tpu.enqueue_dma source(%arg7 : memref<640x144xf32, #tpu.memory_space<hbm>>) target(%dma_start3A_26 : memref<640x144xf32, #tpu.memory_space<vmem_shared>>) target_semaphore(%run_scoped3A : memref<!tpu.dma_semaphore, #tpu.memory_space<semaphore_mem>>)
        %dma_wait3A = arith.constant 9360 : i32
        %dma_wait3A_27 = arith.constant 0 : i32
        %dma_wait3A_28 = tpu.memref_slice %arg16[%dma_wait3A, %dma_wait3A_27] : memref<10000x144xf32, #tpu.memory_space<vmem_shared>> -> memref<640x144xf32, #tpu.memory_space<vmem_shared>>
        tpu.wait_dma2 semaphore(%run_scoped3A : memref<!tpu.dma_semaphore, #tpu.memory_space<semaphore_mem>>) src(%arg7 : memref<640x144xf32, #tpu.memory_space<hbm>>) dst(%dma_wait3A_28 : memref<640x144xf32, #tpu.memory_space<vmem_shared>>)
        tpu.yield
      }) : () -> ()
    } else {
    }
    "tpu.region"() ({
      %run_scoped3A = tpu.sem_alloc : memref<!tpu.dma_semaphore, #tpu.memory_space<semaphore_mem>>
      tpu.enqueue_dma source(%arg6 : memref<16xf32, #tpu.memory_space<hbm>>) target(%arg15 : memref<16xf32, #tpu.memory_space<vmem>>) target_semaphore(%run_scoped3A : memref<!tpu.dma_semaphore, #tpu.memory_space<semaphore_mem>>)
      tpu.wait_dma2 semaphore(%run_scoped3A : memref<!tpu.dma_semaphore, #tpu.memory_space<semaphore_mem>>) src(%arg6 : memref<16xf32, #tpu.memory_space<hbm>>) dst(%arg15 : memref<16xf32, #tpu.memory_space<vmem>>)
      tpu.yield
    }) : () -> ()
    %barrier3A = arith.constant 0 : index
    tpu.barrier barrier_id(%barrier3A)
    %get3A = arith.constant 0 : index
    %get3A_7 = tpu.vector_load %arg15[%get3A] {strides = array<i32>} : memref<16xf32, #tpu.memory_space<vmem>>, vector<16xf32>,
    %get3A_8 = vector.shape_cast %get3A_7 : vector<16xf32> to vector<16xf32>
    %scan3A = arith.constant 0 : i32
    %scan3A_9 = arith.constant 0 : i32
    %scan3A_10 = arith.constant 5 : i32
    %scan3A_11 = arith.addi %scan3A_9, %scan3A_10 : i32
    %scan3A_12 = arith.constant 1 : i32
    scf.for %scan3A_25 = %scan3A_9 to %scan3A_11 step %scan3A_12  : i32 {
      "tpu.region"() ({
        %run_scoped3A = tpu.sem_alloc : memref<!tpu.dma_semaphore, #tpu.memory_space<semaphore_mem>>
        %dma_start3A_59 = arith.constant 0 : i32
        %dma_start3A_60 = arith.constant 0 : i32
        %dma_start3A_61 = tpu.memref_slice %arg4[%add3A, %scan3A_25, %dma_start3A_59, %dma_start3A_60] : memref<32x5x20x100xi32, #tpu.memory_space<hbm>> -> memref<1x1x20x100xi32, #tpu.memory_space<hbm>>
        %dma_start3A_62 = tpu.memref_squeeze %dma_start3A_61 : memref<1x1x20x100xi32, #tpu.memory_space<hbm>> -> memref<20x100xi32, #tpu.memory_space<hbm>>
        %dma_start3A_63 = arith.constant 0 : i32
        %dma_start3A_64 = arith.constant 0 : i32
        %dma_start3A_65 = tpu.memref_slice %arg4[%add3A, %scan3A_25, %dma_start3A_63, %dma_start3A_64] : memref<32x5x20x100xi32, #tpu.memory_space<hbm>> -> memref<1x1x20x100xi32, #tpu.memory_space<hbm>>
        %dma_start3A_66 = tpu.memref_squeeze %dma_start3A_65 : memref<1x1x20x100xi32, #tpu.memory_space<hbm>> -> memref<20x100xi32, #tpu.memory_space<hbm>>
        tpu.enqueue_dma source(%dma_start3A_66 : memref<20x100xi32, #tpu.memory_space<hbm>>) target(%arg13 : memref<20x100xi32, #tpu.memory_space<vmem>>) target_semaphore(%run_scoped3A : memref<!tpu.dma_semaphore, #tpu.memory_space<semaphore_mem>>)
        %dma_wait3A = arith.constant 0 : i32
        %dma_wait3A_67 = arith.constant 0 : i32
        %dma_wait3A_68 = tpu.memref_slice %arg4[%add3A, %scan3A_25, %dma_wait3A, %dma_wait3A_67] : memref<32x5x20x100xi32, #tpu.memory_space<hbm>> -> memref<1x1x20x100xi32, #tpu.memory_space<hbm>>
        %dma_wait3A_69 = tpu.memref_squeeze %dma_wait3A_68 : memref<1x1x20x100xi32, #tpu.memory_space<hbm>> -> memref<20x100xi32, #tpu.memory_space<hbm>>
        %dma_wait3A_70 = arith.constant 0 : i32
        %dma_wait3A_71 = arith.constant 0 : i32
        %dma_wait3A_72 = tpu.memref_slice %arg4[%add3A, %scan3A_25, %dma_wait3A_70, %dma_wait3A_71] : memref<32x5x20x100xi32, #tpu.memory_space<hbm>> -> memref<1x1x20x100xi32, #tpu.memory_space<hbm>>
        %dma_wait3A_73 = tpu.memref_squeeze %dma_wait3A_72 : memref<1x1x20x100xi32, #tpu.memory_space<hbm>> -> memref<20x100xi32, #tpu.memory_space<hbm>>
        tpu.wait_dma2 semaphore(%run_scoped3A : memref<!tpu.dma_semaphore, #tpu.memory_space<semaphore_mem>>) src(%dma_wait3A_73 : memref<20x100xi32, #tpu.memory_space<hbm>>) dst(%arg13 : memref<20x100xi32, #tpu.memory_space<vmem>>)
        tpu.yield
      }) : () -> ()
      "tpu.region"() ({
        %run_scoped3A = tpu.sem_alloc : memref<!tpu.dma_semaphore, #tpu.memory_space<semaphore_mem>>
        %dma_start3A_59 = arith.constant 0 : i32
        %dma_start3A_60 = arith.constant 0 : i32
        %dma_start3A_61 = tpu.memref_slice %arg5[%add3A, %scan3A_25, %dma_start3A_59, %dma_start3A_60] : memref<32x5x20x100xi32, #tpu.memory_space<hbm>> -> memref<1x1x20x100xi32, #tpu.memory_space<hbm>>
        %dma_start3A_62 = tpu.memref_squeeze %dma_start3A_61 : memref<1x1x20x100xi32, #tpu.memory_space<hbm>> -> memref<20x100xi32, #tpu.memory_space<hbm>>
        %dma_start3A_63 = arith.constant 0 : i32
        %dma_start3A_64 = arith.constant 0 : i32
        %dma_start3A_65 = tpu.memref_slice %arg5[%add3A, %scan3A_25, %dma_start3A_63, %dma_start3A_64] : memref<32x5x20x100xi32, #tpu.memory_space<hbm>> -> memref<1x1x20x100xi32, #tpu.memory_space<hbm>>
        %dma_start3A_66 = tpu.memref_squeeze %dma_start3A_65 : memref<1x1x20x100xi32, #tpu.memory_space<hbm>> -> memref<20x100xi32, #tpu.memory_space<hbm>>
        tpu.enqueue_dma source(%dma_start3A_66 : memref<20x100xi32, #tpu.memory_space<hbm>>) target(%arg14 : memref<20x100xi32, #tpu.memory_space<vmem>>) target_semaphore(%run_scoped3A : memref<!tpu.dma_semaphore, #tpu.memory_space<semaphore_mem>>)
        %dma_wait3A = arith.constant 0 : i32
        %dma_wait3A_67 = arith.constant 0 : i32
        %dma_wait3A_68 = tpu.memref_slice %arg5[%add3A, %scan3A_25, %dma_wait3A, %dma_wait3A_67] : memref<32x5x20x100xi32, #tpu.memory_space<hbm>> -> memref<1x1x20x100xi32, #tpu.memory_space<hbm>>
        %dma_wait3A_69 = tpu.memref_squeeze %dma_wait3A_68 : memref<1x1x20x100xi32, #tpu.memory_space<hbm>> -> memref<20x100xi32, #tpu.memory_space<hbm>>
        %dma_wait3A_70 = arith.constant 0 : i32
        %dma_wait3A_71 = arith.constant 0 : i32
        %dma_wait3A_72 = tpu.memref_slice %arg5[%add3A, %scan3A_25, %dma_wait3A_70, %dma_wait3A_71] : memref<32x5x20x100xi32, #tpu.memory_space<hbm>> -> memref<1x1x20x100xi32, #tpu.memory_space<hbm>>
        %dma_wait3A_73 = tpu.memref_squeeze %dma_wait3A_72 : memref<1x1x20x100xi32, #tpu.memory_space<hbm>> -> memref<20x100xi32, #tpu.memory_space<hbm>>
        tpu.wait_dma2 semaphore(%run_scoped3A : memref<!tpu.dma_semaphore, #tpu.memory_space<semaphore_mem>>) src(%dma_wait3A_73 : memref<20x100xi32, #tpu.memory_space<hbm>>) dst(%arg14 : memref<20x100xi32, #tpu.memory_space<vmem>>)
        tpu.yield
      }) : () -> ()
      %dma_start3A = arith.constant 0 : i32
      %dma_start3A_26 = arith.constant 0 : i32
      %dma_start3A_27 = tpu.memref_slice %arg13[%dma_start3A, %dma_start3A_26] : memref<20x100xi32, #tpu.memory_space<vmem>> -> memref<1x100xi32, #tpu.memory_space<vmem>>
      %dma_start3A_28 = tpu.memref_squeeze %dma_start3A_27 : memref<1x100xi32, #tpu.memory_space<vmem>> -> memref<100xi32, #tpu.memory_space<vmem>>
      %dma_start3A_29 = arith.constant 0 : i32
      %dma_start3A_30 = arith.constant 0 : i32
      %dma_start3A_31 = tpu.memref_slice %arg2[%dma_start3A_29, %dma_start3A_30] : memref<10000x144xf32, #tpu.memory_space<hbm>> -> memref<10000x144xf32, #tpu.memory_space<hbm>>
      tpu.enqueue_indirect_dma source(%dma_start3A_31 : memref<10000x144xf32, #tpu.memory_space<hbm>>) target(%arg9 : memref<100x144xf32, #tpu.memory_space<vmem>>) offsets(%dma_start3A_28 : memref<100xi32, #tpu.memory_space<vmem>>) semaphore(%arg17 : memref<!tpu.dma_semaphore, #tpu.memory_space<semaphore_mem>>)
      %dma_start3A_32 = arith.constant 0 : i32
      %dma_start3A_33 = arith.constant 0 : i32
      %dma_start3A_34 = tpu.memref_slice %arg14[%dma_start3A_32, %dma_start3A_33] : memref<20x100xi32, #tpu.memory_space<vmem>> -> memref<1x100xi32, #tpu.memory_space<vmem>>
      %dma_start3A_35 = tpu.memref_squeeze %dma_start3A_34 : memref<1x100xi32, #tpu.memory_space<vmem>> -> memref<100xi32, #tpu.memory_space<vmem>>
      %dma_start3A_36 = arith.constant 0 : i32
      %dma_start3A_37 = arith.constant 0 : i32
      %dma_start3A_38 = tpu.memref_slice %arg3[%dma_start3A_36, %dma_start3A_37] : memref<10000x16xf32, #tpu.memory_space<hbm>> -> memref<10000x16xf32, #tpu.memory_space<hbm>>
      tpu.enqueue_indirect_dma source(%dma_start3A_38 : memref<10000x16xf32, #tpu.memory_space<hbm>>) target(%arg11 : memref<100x16xf32, #tpu.memory_space<vmem>>) offsets(%dma_start3A_35 : memref<100xi32, #tpu.memory_space<vmem>>) semaphore(%arg19 : memref<!tpu.dma_semaphore, #tpu.memory_space<semaphore_mem>>)
      %dma_start3A_39 = arith.constant 1 : i32
      %dma_start3A_40 = arith.constant 0 : i32
      %dma_start3A_41 = tpu.memref_slice %arg13[%dma_start3A_39, %dma_start3A_40] : memref<20x100xi32, #tpu.memory_space<vmem>> -> memref<1x100xi32, #tpu.memory_space<vmem>>
      %dma_start3A_42 = tpu.memref_squeeze %dma_start3A_41 : memref<1x100xi32, #tpu.memory_space<vmem>> -> memref<100xi32, #tpu.memory_space<vmem>>
      %dma_start3A_43 = arith.constant 0 : i32
      %dma_start3A_44 = arith.constant 0 : i32
      %dma_start3A_45 = tpu.memref_slice %arg2[%dma_start3A_43, %dma_start3A_44] : memref<10000x144xf32, #tpu.memory_space<hbm>> -> memref<10000x144xf32, #tpu.memory_space<hbm>>
      tpu.enqueue_indirect_dma source(%dma_start3A_45 : memref<10000x144xf32, #tpu.memory_space<hbm>>) target(%arg10 : memref<100x144xf32, #tpu.memory_space<vmem>>) offsets(%dma_start3A_42 : memref<100xi32, #tpu.memory_space<vmem>>) semaphore(%arg18 : memref<!tpu.dma_semaphore, #tpu.memory_space<semaphore_mem>>)
      %dma_start3A_46 = arith.constant 1 : i32
      %dma_start3A_47 = arith.constant 0 : i32
      %dma_start3A_48 = tpu.memref_slice %arg14[%dma_start3A_46, %dma_start3A_47] : memref<20x100xi32, #tpu.memory_space<vmem>> -> memref<1x100xi32, #tpu.memory_space<vmem>>
      %dma_start3A_49 = tpu.memref_squeeze %dma_start3A_48 : memref<1x100xi32, #tpu.memory_space<vmem>> -> memref<100xi32, #tpu.memory_space<vmem>>
      %dma_start3A_50 = arith.constant 0 : i32
      %dma_start3A_51 = arith.constant 0 : i32
      %dma_start3A_52 = tpu.memref_slice %arg3[%dma_start3A_50, %dma_start3A_51] : memref<10000x16xf32, #tpu.memory_space<hbm>> -> memref<10000x16xf32, #tpu.memory_space<hbm>>
      tpu.enqueue_indirect_dma source(%dma_start3A_52 : memref<10000x16xf32, #tpu.memory_space<hbm>>) target(%arg12 : memref<100x16xf32, #tpu.memory_space<vmem>>) offsets(%dma_start3A_49 : memref<100xi32, #tpu.memory_space<vmem>>) semaphore(%arg20 : memref<!tpu.dma_semaphore, #tpu.memory_space<semaphore_mem>>)
      %scan3A_53 = arith.constant 0 : i32
      %scan3A_54 = arith.constant 0 : i32
      %scan3A_55 = arith.constant 10 : i32
      %scan3A_56 = arith.addi %scan3A_54, %scan3A_55 : i32
      %scan3A_57 = arith.constant 1 : i32
      scf.for %scan3A_59 = %scan3A_54 to %scan3A_56 step %scan3A_57  : i32 {
        %mul3A_60 = arith.constant 2 : i32
        %mul3A_61 = arith.muli %scan3A_59, %mul3A_60 : i32
        %dma_wait3A = arith.constant 0 : i32
        %dma_wait3A_62 = tpu.memref_slice %arg13[%mul3A_61, %dma_wait3A] : memref<20x100xi32, #tpu.memory_space<vmem>> -> memref<1x100xi32, #tpu.memory_space<vmem>>
        %dma_wait3A_63 = tpu.memref_squeeze %dma_wait3A_62 : memref<1x100xi32, #tpu.memory_space<vmem>> -> memref<100xi32, #tpu.memory_space<vmem>>
        %dma_wait3A_64 = arith.constant 0 : i32
        %dma_wait3A_65 = arith.constant 0 : i32
        %dma_wait3A_66 = tpu.memref_slice %arg2[%dma_wait3A_64, %dma_wait3A_65] : memref<10000x144xf32, #tpu.memory_space<hbm>> -> memref<10000x144xf32, #tpu.memory_space<hbm>>
        tpu.wait_indirect_dma semaphore(%arg17 : memref<!tpu.dma_semaphore, #tpu.memory_space<semaphore_mem>>) src(%dma_wait3A_66 : memref<10000x144xf32, #tpu.memory_space<hbm>>) dst(%arg9 : memref<100x144xf32, #tpu.memory_space<vmem>>)
        %dma_wait3A_67 = arith.constant 0 : i32
        %dma_wait3A_68 = tpu.memref_slice %arg14[%mul3A_61, %dma_wait3A_67] : memref<20x100xi32, #tpu.memory_space<vmem>> -> memref<1x100xi32, #tpu.memory_space<vmem>>
        %dma_wait3A_69 = tpu.memref_squeeze %dma_wait3A_68 : memref<1x100xi32, #tpu.memory_space<vmem>> -> memref<100xi32, #tpu.memory_space<vmem>>
        %dma_wait3A_70 = arith.constant 0 : i32
        %dma_wait3A_71 = arith.constant 0 : i32
        %dma_wait3A_72 = tpu.memref_slice %arg3[%dma_wait3A_70, %dma_wait3A_71] : memref<10000x16xf32, #tpu.memory_space<hbm>> -> memref<10000x16xf32, #tpu.memory_space<hbm>>
        tpu.wait_indirect_dma semaphore(%arg19 : memref<!tpu.dma_semaphore, #tpu.memory_space<semaphore_mem>>) src(%dma_wait3A_72 : memref<10000x16xf32, #tpu.memory_space<hbm>>) dst(%arg11 : memref<100x16xf32, #tpu.memory_space<vmem>>)
        %scan3A_73 = arith.constant 0 : i32
        %scan3A_74 = arith.constant 100 : i32
        %scan3A_75 = arith.addi %scan3A_73, %scan3A_74 : i32
        %scan3A_76 = arith.constant 4 : i32
        scf.for %scan3A_137 = %scan3A_73 to %scan3A_75 step %scan3A_76  : i32 {
          %mul3A_138 = arith.constant 1 : i32
          %mul3A_139 = arith.muli %scan3A_137, %mul3A_138 : i32
          %add3A_140 = arith.constant 0 : i32
          %add3A_141 = arith.addi %add3A_140, %mul3A_139 : i32
          %get3A_142 = arith.index_cast %add3A_141 : i32 to index
          %get3A_143 = arith.constant 128 : index
          %get3A_144 = tpu.vector_load %arg9[%get3A_142, %get3A_143] {strides = array<i32>} : memref<100x144xf32, #tpu.memory_space<vmem>>, vector<1x16xf32>,
          %get3A_145 = vector.shape_cast %get3A_144 : vector<1x16xf32> to vector<16xf32>
          %get3A_146 = arith.index_cast %add3A_141 : i32 to index
          %get3A_147 = arith.constant 0 : index
          %get3A_148 = tpu.vector_load %arg11[%get3A_146, %get3A_147] {strides = array<i32>} : memref<100x16xf32, #tpu.memory_space<vmem>>, vector<1x16xf32>,
          %get3A_149 = vector.shape_cast %get3A_148 : vector<1x16xf32> to vector<16xf32>
          %add3A_150 = arith.addf %get3A_145, %get3A_149 : vector<16xf32>
          %ge3A = arith.constant 0.000000e+00 : f32
          %ge3A_151 = vector.broadcast %ge3A : f32 to vector<16xf32>
          %ge3A_152 = arith.cmpf oge, %add3A_150, %ge3A_151 : vector<16xf32>
          %mul3A_153 = arith.constant 2.000000e-01 : f32
          %mul3A_154 = vector.broadcast %mul3A_153 : f32 to vector<16xf32>
          %mul3A_155 = arith.mulf %mul3A_154, %add3A_150 : vector<16xf32>
          %select_n3A = arith.select %ge3A_152, %add3A_150, %mul3A_155 : vector<16xi1>, vector<16xf32>
          %sub3A = arith.subf %select_n3A, %get3A_8 : vector<16xf32>
          %exp3A = math.exp %sub3A : vector<16xf32>
          %swap3A = arith.index_cast %add3A_141 : i32 to index
          %swap3A_156 = arith.constant 128 : index
          %swap3A_157 = tpu.vector_load %arg9[%swap3A, %swap3A_156] {strides = array<i32>} : memref<100x144xf32, #tpu.memory_space<vmem>>, vector<1x16xf32>,
          %swap3A_158 = vector.shape_cast %swap3A_157 : vector<1x16xf32> to vector<16xf32>
          %swap3A_159 = vector.shape_cast %exp3A : vector<16xf32> to vector<1x16xf32>
          tpu.vector_store %arg9[%swap3A, %swap3A_156], %swap3A_159 {strides = array<i32>} : memref<100x144xf32, #tpu.memory_space<vmem>>, vector<1x16xf32>,
          %get3A_160 = arith.index_cast %add3A_141 : i32 to index
          %get3A_161 = arith.constant 0 : index
          %get3A_162 = tpu.vector_load %arg9[%get3A_160, %get3A_161] {strides = array<i32>} : memref<100x144xf32, #tpu.memory_space<vmem>>, vector<1x16xf32>,
          %get3A_163 = vector.shape_cast %get3A_162 : vector<1x16xf32> to vector<16xf32>
          %slice3A = vector.extract_strided_slice %exp3A {offsets = [0], sizes = [1], strides = [1]} : vector<16xf32> to vector<1xf32>
          %squeeze3A = vector.extract %slice3A[0] : f32 from vector<1xf32>
          %mul3A_164 = vector.broadcast %squeeze3A : f32 to vector<16xf32>
          %mul3A_165 = arith.mulf %get3A_163, %mul3A_164 : vector<16xf32>
          %swap3A_166 = arith.index_cast %add3A_141 : i32 to index
          %swap3A_167 = arith.constant 0 : index
          %swap3A_168 = tpu.vector_load %arg9[%swap3A_166, %swap3A_167] {strides = array<i32>} : memref<100x144xf32, #tpu.memory_space<vmem>>, vector<1x16xf32>,
          %swap3A_169 = vector.shape_cast %swap3A_168 : vector<1x16xf32> to vector<16xf32>
          %swap3A_170 = vector.shape_cast %mul3A_165 : vector<16xf32> to vector<1x16xf32>
          tpu.vector_store %arg9[%swap3A_166, %swap3A_167], %swap3A_170 {strides = array<i32>} : memref<100x144xf32, #tpu.memory_space<vmem>>, vector<1x16xf32>,
          %get3A_171 = arith.index_cast %add3A_141 : i32 to index
          %get3A_172 = arith.constant 16 : index
          %get3A_173 = tpu.vector_load %arg9[%get3A_171, %get3A_172] {strides = array<i32>} : memref<100x144xf32, #tpu.memory_space<vmem>>, vector<1x16xf32>,
          %get3A_174 = vector.shape_cast %get3A_173 : vector<1x16xf32> to vector<16xf32>
          %slice3A_175 = vector.extract_strided_slice %exp3A {offsets = [1], sizes = [1], strides = [1]} : vector<16xf32> to vector<1xf32>
          %squeeze3A_176 = vector.extract %slice3A_175[0] : f32 from vector<1xf32>
          %mul3A_177 = vector.broadcast %squeeze3A_176 : f32 to vector<16xf32>
          %mul3A_178 = arith.mulf %get3A_174, %mul3A_177 : vector<16xf32>
          %swap3A_179 = arith.index_cast %add3A_141 : i32 to index
          %swap3A_180 = arith.constant 16 : index
          %swap3A_181 = tpu.vector_load %arg9[%swap3A_179, %swap3A_180] {strides = array<i32>} : memref<100x144xf32, #tpu.memory_space<vmem>>, vector<1x16xf32>,
          %swap3A_182 = vector.shape_cast %swap3A_181 : vector<1x16xf32> to vector<16xf32>
          %swap3A_183 = vector.shape_cast %mul3A_178 : vector<16xf32> to vector<1x16xf32>
          tpu.vector_store %arg9[%swap3A_179, %swap3A_180], %swap3A_183 {strides = array<i32>} : memref<100x144xf32, #tpu.memory_space<vmem>>, vector<1x16xf32>,
          %get3A_184 = arith.index_cast %add3A_141 : i32 to index
          %get3A_185 = arith.constant 32 : index
          %get3A_186 = tpu.vector_load %arg9[%get3A_184, %get3A_185] {strides = array<i32>} : memref<100x144xf32, #tpu.memory_space<vmem>>, vector<1x16xf32>,
          %get3A_187 = vector.shape_cast %get3A_186 : vector<1x16xf32> to vector<16xf32>
          %slice3A_188 = vector.extract_strided_slice %exp3A {offsets = [2], sizes = [1], strides = [1]} : vector<16xf32> to vector<1xf32>
          %squeeze3A_189 = vector.extract %slice3A_188[0] : f32 from vector<1xf32>
          %mul3A_190 = vector.broadcast %squeeze3A_189 : f32 to vector<16xf32>
          %mul3A_191 = arith.mulf %get3A_187, %mul3A_190 : vector<16xf32>
          %swap3A_192 = arith.index_cast %add3A_141 : i32 to index
          %swap3A_193 = arith.constant 32 : index
          %swap3A_194 = tpu.vector_load %arg9[%swap3A_192, %swap3A_193] {strides = array<i32>} : memref<100x144xf32, #tpu.memory_space<vmem>>, vector<1x16xf32>,
          %swap3A_195 = vector.shape_cast %swap3A_194 : vector<1x16xf32> to vector<16xf32>
          %swap3A_196 = vector.shape_cast %mul3A_191 : vector<16xf32> to vector<1x16xf32>
          tpu.vector_store %arg9[%swap3A_192, %swap3A_193], %swap3A_196 {strides = array<i32>} : memref<100x144xf32, #tpu.memory_space<vmem>>, vector<1x16xf32>,
          %get3A_197 = arith.index_cast %add3A_141 : i32 to index
          %get3A_198 = arith.constant 48 : index
          %get3A_199 = tpu.vector_load %arg9[%get3A_197, %get3A_198] {strides = array<i32>} : memref<100x144xf32, #tpu.memory_space<vmem>>, vector<1x16xf32>,
          %get3A_200 = vector.shape_cast %get3A_199 : vector<1x16xf32> to vector<16xf32>
          %slice3A_201 = vector.extract_strided_slice %exp3A {offsets = [3], sizes = [1], strides = [1]} : vector<16xf32> to vector<1xf32>
          %squeeze3A_202 = vector.extract %slice3A_201[0] : f32 from vector<1xf32>
          %mul3A_203 = vector.broadcast %squeeze3A_202 : f32 to vector<16xf32>
          %mul3A_204 = arith.mulf %get3A_200, %mul3A_203 : vector<16xf32>
          %swap3A_205 = arith.index_cast %add3A_141 : i32 to index
          %swap3A_206 = arith.constant 48 : index
          %swap3A_207 = tpu.vector_load %arg9[%swap3A_205, %swap3A_206] {strides = array<i32>} : memref<100x144xf32, #tpu.memory_space<vmem>>, vector<1x16xf32>,
          %swap3A_208 = vector.shape_cast %swap3A_207 : vector<1x16xf32> to vector<16xf32>
          %swap3A_209 = vector.shape_cast %mul3A_204 : vector<16xf32> to vector<1x16xf32>
          tpu.vector_store %arg9[%swap3A_205, %swap3A_206], %swap3A_209 {strides = array<i32>} : memref<100x144xf32, #tpu.memory_space<vmem>>, vector<1x16xf32>,
          %get3A_210 = arith.index_cast %add3A_141 : i32 to index
          %get3A_211 = arith.constant 64 : index
          %get3A_212 = tpu.vector_load %arg9[%get3A_210, %get3A_211] {strides = array<i32>} : memref<100x144xf32, #tpu.memory_space<vmem>>, vector<1x16xf32>,
          %get3A_213 = vector.shape_cast %get3A_212 : vector<1x16xf32> to vector<16xf32>
          %slice3A_214 = vector.extract_strided_slice %exp3A {offsets = [4], sizes = [1], strides = [1]} : vector<16xf32> to vector<1xf32>
          %squeeze3A_215 = vector.extract %slice3A_214[0] : f32 from vector<1xf32>
          %mul3A_216 = vector.broadcast %squeeze3A_215 : f32 to vector<16xf32>
          %mul3A_217 = arith.mulf %get3A_213, %mul3A_216 : vector<16xf32>
          %swap3A_218 = arith.index_cast %add3A_141 : i32 to index
          %swap3A_219 = arith.constant 64 : index
          %swap3A_220 = tpu.vector_load %arg9[%swap3A_218, %swap3A_219] {strides = array<i32>} : memref<100x144xf32, #tpu.memory_space<vmem>>, vector<1x16xf32>,
          %swap3A_221 = vector.shape_cast %swap3A_220 : vector<1x16xf32> to vector<16xf32>
          %swap3A_222 = vector.shape_cast %mul3A_217 : vector<16xf32> to vector<1x16xf32>
          tpu.vector_store %arg9[%swap3A_218, %swap3A_219], %swap3A_222 {strides = array<i32>} : memref<100x144xf32, #tpu.memory_space<vmem>>, vector<1x16xf32>,
          %get3A_223 = arith.index_cast %add3A_141 : i32 to index
          %get3A_224 = arith.constant 80 : index
          %get3A_225 = tpu.vector_load %arg9[%get3A_223, %get3A_224] {strides = array<i32>} : memref<100x144xf32, #tpu.memory_space<vmem>>, vector<1x16xf32>,
          %get3A_226 = vector.shape_cast %get3A_225 : vector<1x16xf32> to vector<16xf32>
          %slice3A_227 = vector.extract_strided_slice %exp3A {offsets = [5], sizes = [1], strides = [1]} : vector<16xf32> to vector<1xf32>
          %squeeze3A_228 = vector.extract %slice3A_227[0] : f32 from vector<1xf32>
          %mul3A_229 = vector.broadcast %squeeze3A_228 : f32 to vector<16xf32>
          %mul3A_230 = arith.mulf %get3A_226, %mul3A_229 : vector<16xf32>
          %swap3A_231 = arith.index_cast %add3A_141 : i32 to index
          %swap3A_232 = arith.constant 80 : index
          %swap3A_233 = tpu.vector_load %arg9[%swap3A_231, %swap3A_232] {strides = array<i32>} : memref<100x144xf32, #tpu.memory_space<vmem>>, vector<1x16xf32>,
          %swap3A_234 = vector.shape_cast %swap3A_233 : vector<1x16xf32> to vector<16xf32>
          %swap3A_235 = vector.shape_cast %mul3A_230 : vector<16xf32> to vector<1x16xf32>
          tpu.vector_store %arg9[%swap3A_231, %swap3A_232], %swap3A_235 {strides = array<i32>} : memref<100x144xf32, #tpu.memory_space<vmem>>, vector<1x16xf32>,
          %get3A_236 = arith.index_cast %add3A_141 : i32 to index
          %get3A_237 = arith.constant 96 : index
          %get3A_238 = tpu.vector_load %arg9[%get3A_236, %get3A_237] {strides = array<i32>} : memref<100x144xf32, #tpu.memory_space<vmem>>, vector<1x16xf32>,
          %get3A_239 = vector.shape_cast %get3A_238 : vector<1x16xf32> to vector<16xf32>
          %slice3A_240 = vector.extract_strided_slice %exp3A {offsets = [6], sizes = [1], strides = [1]} : vector<16xf32> to vector<1xf32>
          %squeeze3A_241 = vector.extract %slice3A_240[0] : f32 from vector<1xf32>
          %mul3A_242 = vector.broadcast %squeeze3A_241 : f32 to vector<16xf32>
          %mul3A_243 = arith.mulf %get3A_239, %mul3A_242 : vector<16xf32>
          %swap3A_244 = arith.index_cast %add3A_141 : i32 to index
          %swap3A_245 = arith.constant 96 : index
          %swap3A_246 = tpu.vector_load %arg9[%swap3A_244, %swap3A_245] {strides = array<i32>} : memref<100x144xf32, #tpu.memory_space<vmem>>, vector<1x16xf32>,
          %swap3A_247 = vector.shape_cast %swap3A_246 : vector<1x16xf32> to vector<16xf32>
          %swap3A_248 = vector.shape_cast %mul3A_243 : vector<16xf32> to vector<1x16xf32>
          tpu.vector_store %arg9[%swap3A_244, %swap3A_245], %swap3A_248 {strides = array<i32>} : memref<100x144xf32, #tpu.memory_space<vmem>>, vector<1x16xf32>,
          %get3A_249 = arith.index_cast %add3A_141 : i32 to index
          %get3A_250 = arith.constant 112 : index
          %get3A_251 = tpu.vector_load %arg9[%get3A_249, %get3A_250] {strides = array<i32>} : memref<100x144xf32, #tpu.memory_space<vmem>>, vector<1x16xf32>,
          %get3A_252 = vector.shape_cast %get3A_251 : vector<1x16xf32> to vector<16xf32>
          %slice3A_253 = vector.extract_strided_slice %exp3A {offsets = [7], sizes = [1], strides = [1]} : vector<16xf32> to vector<1xf32>
          %squeeze3A_254 = vector.extract %slice3A_253[0] : f32 from vector<1xf32>
          %mul3A_255 = vector.broadcast %squeeze3A_254 : f32 to vector<16xf32>
          %mul3A_256 = arith.mulf %get3A_252, %mul3A_255 : vector<16xf32>
          %swap3A_257 = arith.index_cast %add3A_141 : i32 to index
          %swap3A_258 = arith.constant 112 : index
          %swap3A_259 = tpu.vector_load %arg9[%swap3A_257, %swap3A_258] {strides = array<i32>} : memref<100x144xf32, #tpu.memory_space<vmem>>, vector<1x16xf32>,
          %swap3A_260 = vector.shape_cast %swap3A_259 : vector<1x16xf32> to vector<16xf32>
          %swap3A_261 = vector.shape_cast %mul3A_256 : vector<16xf32> to vector<1x16xf32>
          tpu.vector_store %arg9[%swap3A_257, %swap3A_258], %swap3A_261 {strides = array<i32>} : memref<100x144xf32, #tpu.memory_space<vmem>>, vector<1x16xf32>,
          %scan3A_262 = arith.constant 1 : i32
          %scan3A_263 = arith.addi %scan3A_137, %scan3A_262 : i32
          %mul3A_264 = arith.constant 1 : i32
          %mul3A_265 = arith.muli %scan3A_263, %mul3A_264 : i32
          %add3A_266 = arith.constant 0 : i32
          %add3A_267 = arith.addi %add3A_266, %mul3A_265 : i32
          %get3A_268 = arith.index_cast %add3A_267 : i32 to index
          %get3A_269 = arith.constant 128 : index
          %get3A_270 = tpu.vector_load %arg9[%get3A_268, %get3A_269] {strides = array<i32>} : memref<100x144xf32, #tpu.memory_space<vmem>>, vector<1x16xf32>,
          %get3A_271 = vector.shape_cast %get3A_270 : vector<1x16xf32> to vector<16xf32>
          %get3A_272 = arith.index_cast %add3A_267 : i32 to index
          %get3A_273 = arith.constant 0 : index
          %get3A_274 = tpu.vector_load %arg11[%get3A_272, %get3A_273] {strides = array<i32>} : memref<100x16xf32, #tpu.memory_space<vmem>>, vector<1x16xf32>,
          %get3A_275 = vector.shape_cast %get3A_274 : vector<1x16xf32> to vector<16xf32>
          %add3A_276 = arith.addf %get3A_271, %get3A_275 : vector<16xf32>
          %ge3A_277 = arith.constant 0.000000e+00 : f32
          %ge3A_278 = vector.broadcast %ge3A_277 : f32 to vector<16xf32>
          %ge3A_279 = arith.cmpf oge, %add3A_276, %ge3A_278 : vector<16xf32>
          %mul3A_280 = arith.constant 2.000000e-01 : f32
          %mul3A_281 = vector.broadcast %mul3A_280 : f32 to vector<16xf32>
          %mul3A_282 = arith.mulf %mul3A_281, %add3A_276 : vector<16xf32>
          %select_n3A_283 = arith.select %ge3A_279, %add3A_276, %mul3A_282 : vector<16xi1>, vector<16xf32>
          %sub3A_284 = arith.subf %select_n3A_283, %get3A_8 : vector<16xf32>
          %exp3A_285 = math.exp %sub3A_284 : vector<16xf32>
          %swap3A_286 = arith.index_cast %add3A_267 : i32 to index
          %swap3A_287 = arith.constant 128 : index
          %swap3A_288 = tpu.vector_load %arg9[%swap3A_286, %swap3A_287] {strides = array<i32>} : memref<100x144xf32, #tpu.memory_space<vmem>>, vector<1x16xf32>,
          %swap3A_289 = vector.shape_cast %swap3A_288 : vector<1x16xf32> to vector<16xf32>
          %swap3A_290 = vector.shape_cast %exp3A_285 : vector<16xf32> to vector<1x16xf32>
          tpu.vector_store %arg9[%swap3A_286, %swap3A_287], %swap3A_290 {strides = array<i32>} : memref<100x144xf32, #tpu.memory_space<vmem>>, vector<1x16xf32>,
          %get3A_291 = arith.index_cast %add3A_267 : i32 to index
          %get3A_292 = arith.constant 0 : index
          %get3A_293 = tpu.vector_load %arg9[%get3A_291, %get3A_292] {strides = array<i32>} : memref<100x144xf32, #tpu.memory_space<vmem>>, vector<1x16xf32>,
          %get3A_294 = vector.shape_cast %get3A_293 : vector<1x16xf32> to vector<16xf32>
          %slice3A_295 = vector.extract_strided_slice %exp3A_285 {offsets = [0], sizes = [1], strides = [1]} : vector<16xf32> to vector<1xf32>
          %squeeze3A_296 = vector.extract %slice3A_295[0] : f32 from vector<1xf32>
          %mul3A_297 = vector.broadcast %squeeze3A_296 : f32 to vector<16xf32>
          %mul3A_298 = arith.mulf %get3A_294, %mul3A_297 : vector<16xf32>
          %swap3A_299 = arith.index_cast %add3A_267 : i32 to index
          %swap3A_300 = arith.constant 0 : index
          %swap3A_301 = tpu.vector_load %arg9[%swap3A_299, %swap3A_300] {strides = array<i32>} : memref<100x144xf32, #tpu.memory_space<vmem>>, vector<1x16xf32>,
          %swap3A_302 = vector.shape_cast %swap3A_301 : vector<1x16xf32> to vector<16xf32>
          %swap3A_303 = vector.shape_cast %mul3A_298 : vector<16xf32> to vector<1x16xf32>
          tpu.vector_store %arg9[%swap3A_299, %swap3A_300], %swap3A_303 {strides = array<i32>} : memref<100x144xf32, #tpu.memory_space<vmem>>, vector<1x16xf32>,
          %get3A_304 = arith.index_cast %add3A_267 : i32 to index
          %get3A_305 = arith.constant 16 : index
          %get3A_306 = tpu.vector_load %arg9[%get3A_304, %get3A_305] {strides = array<i32>} : memref<100x144xf32, #tpu.memory_space<vmem>>, vector<1x16xf32>,
          %get3A_307 = vector.shape_cast %get3A_306 : vector<1x16xf32> to vector<16xf32>
          %slice3A_308 = vector.extract_strided_slice %exp3A_285 {offsets = [1], sizes = [1], strides = [1]} : vector<16xf32> to vector<1xf32>
          %squeeze3A_309 = vector.extract %slice3A_308[0] : f32 from vector<1xf32>
          %mul3A_310 = vector.broadcast %squeeze3A_309 : f32 to vector<16xf32>
          %mul3A_311 = arith.mulf %get3A_307, %mul3A_310 : vector<16xf32>
          %swap3A_312 = arith.index_cast %add3A_267 : i32 to index
          %swap3A_313 = arith.constant 16 : index
          %swap3A_314 = tpu.vector_load %arg9[%swap3A_312, %swap3A_313] {strides = array<i32>} : memref<100x144xf32, #tpu.memory_space<vmem>>, vector<1x16xf32>,
          %swap3A_315 = vector.shape_cast %swap3A_314 : vector<1x16xf32> to vector<16xf32>
          %swap3A_316 = vector.shape_cast %mul3A_311 : vector<16xf32> to vector<1x16xf32>
          tpu.vector_store %arg9[%swap3A_312, %swap3A_313], %swap3A_316 {strides = array<i32>} : memref<100x144xf32, #tpu.memory_space<vmem>>, vector<1x16xf32>,
          %get3A_317 = arith.index_cast %add3A_267 : i32 to index
          %get3A_318 = arith.constant 32 : index
          %get3A_319 = tpu.vector_load %arg9[%get3A_317, %get3A_318] {strides = array<i32>} : memref<100x144xf32, #tpu.memory_space<vmem>>, vector<1x16xf32>,
          %get3A_320 = vector.shape_cast %get3A_319 : vector<1x16xf32> to vector<16xf32>
          %slice3A_321 = vector.extract_strided_slice %exp3A_285 {offsets = [2], sizes = [1], strides = [1]} : vector<16xf32> to vector<1xf32>
          %squeeze3A_322 = vector.extract %slice3A_321[0] : f32 from vector<1xf32>
          %mul3A_323 = vector.broadcast %squeeze3A_322 : f32 to vector<16xf32>
          %mul3A_324 = arith.mulf %get3A_320, %mul3A_323 : vector<16xf32>
          %swap3A_325 = arith.index_cast %add3A_267 : i32 to index
          %swap3A_326 = arith.constant 32 : index
          %swap3A_327 = tpu.vector_load %arg9[%swap3A_325, %swap3A_326] {strides = array<i32>} : memref<100x144xf32, #tpu.memory_space<vmem>>, vector<1x16xf32>,
          %swap3A_328 = vector.shape_cast %swap3A_327 : vector<1x16xf32> to vector<16xf32>
          %swap3A_329 = vector.shape_cast %mul3A_324 : vector<16xf32> to vector<1x16xf32>
          tpu.vector_store %arg9[%swap3A_325, %swap3A_326], %swap3A_329 {strides = array<i32>} : memref<100x144xf32, #tpu.memory_space<vmem>>, vector<1x16xf32>,
          %get3A_330 = arith.index_cast %add3A_267 : i32 to index
          %get3A_331 = arith.constant 48 : index
          %get3A_332 = tpu.vector_load %arg9[%get3A_330, %get3A_331] {strides = array<i32>} : memref<100x144xf32, #tpu.memory_space<vmem>>, vector<1x16xf32>,
          %get3A_333 = vector.shape_cast %get3A_332 : vector<1x16xf32> to vector<16xf32>
          %slice3A_334 = vector.extract_strided_slice %exp3A_285 {offsets = [3], sizes = [1], strides = [1]} : vector<16xf32> to vector<1xf32>
          %squeeze3A_335 = vector.extract %slice3A_334[0] : f32 from vector<1xf32>
          %mul3A_336 = vector.broadcast %squeeze3A_335 : f32 to vector<16xf32>
          %mul3A_337 = arith.mulf %get3A_333, %mul3A_336 : vector<16xf32>
          %swap3A_338 = arith.index_cast %add3A_267 : i32 to index
          %swap3A_339 = arith.constant 48 : index
          %swap3A_340 = tpu.vector_load %arg9[%swap3A_338, %swap3A_339] {strides = array<i32>} : memref<100x144xf32, #tpu.memory_space<vmem>>, vector<1x16xf32>,
          %swap3A_341 = vector.shape_cast %swap3A_340 : vector<1x16xf32> to vector<16xf32>
          %swap3A_342 = vector.shape_cast %mul3A_337 : vector<16xf32> to vector<1x16xf32>
          tpu.vector_store %arg9[%swap3A_338, %swap3A_339], %swap3A_342 {strides = array<i32>} : memref<100x144xf32, #tpu.memory_space<vmem>>, vector<1x16xf32>,
          %get3A_343 = arith.index_cast %add3A_267 : i32 to index
          %get3A_344 = arith.constant 64 : index
          %get3A_345 = tpu.vector_load %arg9[%get3A_343, %get3A_344] {strides = array<i32>} : memref<100x144xf32, #tpu.memory_space<vmem>>, vector<1x16xf32>,
          %get3A_346 = vector.shape_cast %get3A_345 : vector<1x16xf32> to vector<16xf32>
          %slice3A_347 = vector.extract_strided_slice %exp3A_285 {offsets = [4], sizes = [1], strides = [1]} : vector<16xf32> to vector<1xf32>
          %squeeze3A_348 = vector.extract %slice3A_347[0] : f32 from vector<1xf32>
          %mul3A_349 = vector.broadcast %squeeze3A_348 : f32 to vector<16xf32>
          %mul3A_350 = arith.mulf %get3A_346, %mul3A_349 : vector<16xf32>
          %swap3A_351 = arith.index_cast %add3A_267 : i32 to index
          %swap3A_352 = arith.constant 64 : index
          %swap3A_353 = tpu.vector_load %arg9[%swap3A_351, %swap3A_352] {strides = array<i32>} : memref<100x144xf32, #tpu.memory_space<vmem>>, vector<1x16xf32>,
          %swap3A_354 = vector.shape_cast %swap3A_353 : vector<1x16xf32> to vector<16xf32>
          %swap3A_355 = vector.shape_cast %mul3A_350 : vector<16xf32> to vector<1x16xf32>
          tpu.vector_store %arg9[%swap3A_351, %swap3A_352], %swap3A_355 {strides = array<i32>} : memref<100x144xf32, #tpu.memory_space<vmem>>, vector<1x16xf32>,
          %get3A_356 = arith.index_cast %add3A_267 : i32 to index
          %get3A_357 = arith.constant 80 : index
          %get3A_358 = tpu.vector_load %arg9[%get3A_356, %get3A_357] {strides = array<i32>} : memref<100x144xf32, #tpu.memory_space<vmem>>, vector<1x16xf32>,
          %get3A_359 = vector.shape_cast %get3A_358 : vector<1x16xf32> to vector<16xf32>
          %slice3A_360 = vector.extract_strided_slice %exp3A_285 {offsets = [5], sizes = [1], strides = [1]} : vector<16xf32> to vector<1xf32>
          %squeeze3A_361 = vector.extract %slice3A_360[0] : f32 from vector<1xf32>
          %mul3A_362 = vector.broadcast %squeeze3A_361 : f32 to vector<16xf32>
          %mul3A_363 = arith.mulf %get3A_359, %mul3A_362 : vector<16xf32>
          %swap3A_364 = arith.index_cast %add3A_267 : i32 to index
          %swap3A_365 = arith.constant 80 : index
          %swap3A_366 = tpu.vector_load %arg9[%swap3A_364, %swap3A_365] {strides = array<i32>} : memref<100x144xf32, #tpu.memory_space<vmem>>, vector<1x16xf32>,
          %swap3A_367 = vector.shape_cast %swap3A_366 : vector<1x16xf32> to vector<16xf32>
          %swap3A_368 = vector.shape_cast %mul3A_363 : vector<16xf32> to vector<1x16xf32>
          tpu.vector_store %arg9[%swap3A_364, %swap3A_365], %swap3A_368 {strides = array<i32>} : memref<100x144xf32, #tpu.memory_space<vmem>>, vector<1x16xf32>,
          %get3A_369 = arith.index_cast %add3A_267 : i32 to index
          %get3A_370 = arith.constant 96 : index
          %get3A_371 = tpu.vector_load %arg9[%get3A_369, %get3A_370] {strides = array<i32>} : memref<100x144xf32, #tpu.memory_space<vmem>>, vector<1x16xf32>,
          %get3A_372 = vector.shape_cast %get3A_371 : vector<1x16xf32> to vector<16xf32>
          %slice3A_373 = vector.extract_strided_slice %exp3A_285 {offsets = [6], sizes = [1], strides = [1]} : vector<16xf32> to vector<1xf32>
          %squeeze3A_374 = vector.extract %slice3A_373[0] : f32 from vector<1xf32>
          %mul3A_375 = vector.broadcast %squeeze3A_374 : f32 to vector<16xf32>
          %mul3A_376 = arith.mulf %get3A_372, %mul3A_375 : vector<16xf32>
          %swap3A_377 = arith.index_cast %add3A_267 : i32 to index
          %swap3A_378 = arith.constant 96 : index
          %swap3A_379 = tpu.vector_load %arg9[%swap3A_377, %swap3A_378] {strides = array<i32>} : memref<100x144xf32, #tpu.memory_space<vmem>>, vector<1x16xf32>,
          %swap3A_380 = vector.shape_cast %swap3A_379 : vector<1x16xf32> to vector<16xf32>
          %swap3A_381 = vector.shape_cast %mul3A_376 : vector<16xf32> to vector<1x16xf32>
          tpu.vector_store %arg9[%swap3A_377, %swap3A_378], %swap3A_381 {strides = array<i32>} : memref<100x144xf32, #tpu.memory_space<vmem>>, vector<1x16xf32>,
          %get3A_382 = arith.index_cast %add3A_267 : i32 to index
          %get3A_383 = arith.constant 112 : index
          %get3A_384 = tpu.vector_load %arg9[%get3A_382, %get3A_383] {strides = array<i32>} : memref<100x144xf32, #tpu.memory_space<vmem>>, vector<1x16xf32>,
          %get3A_385 = vector.shape_cast %get3A_384 : vector<1x16xf32> to vector<16xf32>
          %slice3A_386 = vector.extract_strided_slice %exp3A_285 {offsets = [7], sizes = [1], strides = [1]} : vector<16xf32> to vector<1xf32>
          %squeeze3A_387 = vector.extract %slice3A_386[0] : f32 from vector<1xf32>
          %mul3A_388 = vector.broadcast %squeeze3A_387 : f32 to vector<16xf32>
          %mul3A_389 = arith.mulf %get3A_385, %mul3A_388 : vector<16xf32>
          %swap3A_390 = arith.index_cast %add3A_267 : i32 to index
          %swap3A_391 = arith.constant 112 : index
          %swap3A_392 = tpu.vector_load %arg9[%swap3A_390, %swap3A_391] {strides = array<i32>} : memref<100x144xf32, #tpu.memory_space<vmem>>, vector<1x16xf32>,
          %swap3A_393 = vector.shape_cast %swap3A_392 : vector<1x16xf32> to vector<16xf32>
          %swap3A_394 = vector.shape_cast %mul3A_389 : vector<16xf32> to vector<1x16xf32>
          tpu.vector_store %arg9[%swap3A_390, %swap3A_391], %swap3A_394 {strides = array<i32>} : memref<100x144xf32, #tpu.memory_space<vmem>>, vector<1x16xf32>,
          %scan3A_395 = arith.constant 2 : i32
          %scan3A_396 = arith.addi %scan3A_137, %scan3A_395 : i32
          %mul3A_397 = arith.constant 1 : i32
          %mul3A_398 = arith.muli %scan3A_396, %mul3A_397 : i32
          %add3A_399 = arith.constant 0 : i32
          %add3A_400 = arith.addi %add3A_399, %mul3A_398 : i32
          %get3A_401 = arith.index_cast %add3A_400 : i32 to index
          %get3A_402 = arith.constant 128 : index
          %get3A_403 = tpu.vector_load %arg9[%get3A_401, %get3A_402] {strides = array<i32>} : memref<100x144xf32, #tpu.memory_space<vmem>>, vector<1x16xf32>,
          %get3A_404 = vector.shape_cast %get3A_403 : vector<1x16xf32> to vector<16xf32>
          %get3A_405 = arith.index_cast %add3A_400 : i32 to index
          %get3A_406 = arith.constant 0 : index
          %get3A_407 = tpu.vector_load %arg11[%get3A_405, %get3A_406] {strides = array<i32>} : memref<100x16xf32, #tpu.memory_space<vmem>>, vector<1x16xf32>,
          %get3A_408 = vector.shape_cast %get3A_407 : vector<1x16xf32> to vector<16xf32>
          %add3A_409 = arith.addf %get3A_404, %get3A_408 : vector<16xf32>
          %ge3A_410 = arith.constant 0.000000e+00 : f32
          %ge3A_411 = vector.broadcast %ge3A_410 : f32 to vector<16xf32>
          %ge3A_412 = arith.cmpf oge, %add3A_409, %ge3A_411 : vector<16xf32>
          %mul3A_413 = arith.constant 2.000000e-01 : f32
          %mul3A_414 = vector.broadcast %mul3A_413 : f32 to vector<16xf32>
          %mul3A_415 = arith.mulf %mul3A_414, %add3A_409 : vector<16xf32>
          %select_n3A_416 = arith.select %ge3A_412, %add3A_409, %mul3A_415 : vector<16xi1>, vector<16xf32>
          %sub3A_417 = arith.subf %select_n3A_416, %get3A_8 : vector<16xf32>
          %exp3A_418 = math.exp %sub3A_417 : vector<16xf32>
          %swap3A_419 = arith.index_cast %add3A_400 : i32 to index
          %swap3A_420 = arith.constant 128 : index
          %swap3A_421 = tpu.vector_load %arg9[%swap3A_419, %swap3A_420] {strides = array<i32>} : memref<100x144xf32, #tpu.memory_space<vmem>>, vector<1x16xf32>,
          %swap3A_422 = vector.shape_cast %swap3A_421 : vector<1x16xf32> to vector<16xf32>
          %swap3A_423 = vector.shape_cast %exp3A_418 : vector<16xf32> to vector<1x16xf32>
          tpu.vector_store %arg9[%swap3A_419, %swap3A_420], %swap3A_423 {strides = array<i32>} : memref<100x144xf32, #tpu.memory_space<vmem>>, vector<1x16xf32>,
          %get3A_424 = arith.index_cast %add3A_400 : i32 to index
          %get3A_425 = arith.constant 0 : index
          %get3A_426 = tpu.vector_load %arg9[%get3A_424, %get3A_425] {strides = array<i32>} : memref<100x144xf32, #tpu.memory_space<vmem>>, vector<1x16xf32>,
          %get3A_427 = vector.shape_cast %get3A_426 : vector<1x16xf32> to vector<16xf32>
          %slice3A_428 = vector.extract_strided_slice %exp3A_418 {offsets = [0], sizes = [1], strides = [1]} : vector<16xf32> to vector<1xf32>
          %squeeze3A_429 = vector.extract %slice3A_428[0] : f32 from vector<1xf32>
          %mul3A_430 = vector.broadcast %squeeze3A_429 : f32 to vector<16xf32>
          %mul3A_431 = arith.mulf %get3A_427, %mul3A_430 : vector<16xf32>
          %swap3A_432 = arith.index_cast %add3A_400 : i32 to index
          %swap3A_433 = arith.constant 0 : index
          %swap3A_434 = tpu.vector_load %arg9[%swap3A_432, %swap3A_433] {strides = array<i32>} : memref<100x144xf32, #tpu.memory_space<vmem>>, vector<1x16xf32>,
          %swap3A_435 = vector.shape_cast %swap3A_434 : vector<1x16xf32> to vector<16xf32>
          %swap3A_436 = vector.shape_cast %mul3A_431 : vector<16xf32> to vector<1x16xf32>
          tpu.vector_store %arg9[%swap3A_432, %swap3A_433], %swap3A_436 {strides = array<i32>} : memref<100x144xf32, #tpu.memory_space<vmem>>, vector<1x16xf32>,
          %get3A_437 = arith.index_cast %add3A_400 : i32 to index
          %get3A_438 = arith.constant 16 : index
          %get3A_439 = tpu.vector_load %arg9[%get3A_437, %get3A_438] {strides = array<i32>} : memref<100x144xf32, #tpu.memory_space<vmem>>, vector<1x16xf32>,
          %get3A_440 = vector.shape_cast %get3A_439 : vector<1x16xf32> to vector<16xf32>
          %slice3A_441 = vector.extract_strided_slice %exp3A_418 {offsets = [1], sizes = [1], strides = [1]} : vector<16xf32> to vector<1xf32>
          %squeeze3A_442 = vector.extract %slice3A_441[0] : f32 from vector<1xf32>
          %mul3A_443 = vector.broadcast %squeeze3A_442 : f32 to vector<16xf32>
          %mul3A_444 = arith.mulf %get3A_440, %mul3A_443 : vector<16xf32>
          %swap3A_445 = arith.index_cast %add3A_400 : i32 to index
          %swap3A_446 = arith.constant 16 : index
          %swap3A_447 = tpu.vector_load %arg9[%swap3A_445, %swap3A_446] {strides = array<i32>} : memref<100x144xf32, #tpu.memory_space<vmem>>, vector<1x16xf32>,
          %swap3A_448 = vector.shape_cast %swap3A_447 : vector<1x16xf32> to vector<16xf32>
          %swap3A_449 = vector.shape_cast %mul3A_444 : vector<16xf32> to vector<1x16xf32>
          tpu.vector_store %arg9[%swap3A_445, %swap3A_446], %swap3A_449 {strides = array<i32>} : memref<100x144xf32, #tpu.memory_space<vmem>>, vector<1x16xf32>,
          %get3A_450 = arith.index_cast %add3A_400 : i32 to index
          %get3A_451 = arith.constant 32 : index
          %get3A_452 = tpu.vector_load %arg9[%get3A_450, %get3A_451] {strides = array<i32>} : memref<100x144xf32, #tpu.memory_space<vmem>>, vector<1x16xf32>,
          %get3A_453 = vector.shape_cast %get3A_452 : vector<1x16xf32> to vector<16xf32>
          %slice3A_454 = vector.extract_strided_slice %exp3A_418 {offsets = [2], sizes = [1], strides = [1]} : vector<16xf32> to vector<1xf32>
          %squeeze3A_455 = vector.extract %slice3A_454[0] : f32 from vector<1xf32>
          %mul3A_456 = vector.broadcast %squeeze3A_455 : f32 to vector<16xf32>
          %mul3A_457 = arith.mulf %get3A_453, %mul3A_456 : vector<16xf32>
          %swap3A_458 = arith.index_cast %add3A_400 : i32 to index
          %swap3A_459 = arith.constant 32 : index
          %swap3A_460 = tpu.vector_load %arg9[%swap3A_458, %swap3A_459] {strides = array<i32>} : memref<100x144xf32, #tpu.memory_space<vmem>>, vector<1x16xf32>,
          %swap3A_461 = vector.shape_cast %swap3A_460 : vector<1x16xf32> to vector<16xf32>
          %swap3A_462 = vector.shape_cast %mul3A_457 : vector<16xf32> to vector<1x16xf32>
          tpu.vector_store %arg9[%swap3A_458, %swap3A_459], %swap3A_462 {strides = array<i32>} : memref<100x144xf32, #tpu.memory_space<vmem>>, vector<1x16xf32>,
          %get3A_463 = arith.index_cast %add3A_400 : i32 to index
          %get3A_464 = arith.constant 48 : index
          %get3A_465 = tpu.vector_load %arg9[%get3A_463, %get3A_464] {strides = array<i32>} : memref<100x144xf32, #tpu.memory_space<vmem>>, vector<1x16xf32>,
          %get3A_466 = vector.shape_cast %get3A_465 : vector<1x16xf32> to vector<16xf32>
          %slice3A_467 = vector.extract_strided_slice %exp3A_418 {offsets = [3], sizes = [1], strides = [1]} : vector<16xf32> to vector<1xf32>
          %squeeze3A_468 = vector.extract %slice3A_467[0] : f32 from vector<1xf32>
          %mul3A_469 = vector.broadcast %squeeze3A_468 : f32 to vector<16xf32>
          %mul3A_470 = arith.mulf %get3A_466, %mul3A_469 : vector<16xf32>
          %swap3A_471 = arith.index_cast %add3A_400 : i32 to index
          %swap3A_472 = arith.constant 48 : index
          %swap3A_473 = tpu.vector_load %arg9[%swap3A_471, %swap3A_472] {strides = array<i32>} : memref<100x144xf32, #tpu.memory_space<vmem>>, vector<1x16xf32>,
          %swap3A_474 = vector.shape_cast %swap3A_473 : vector<1x16xf32> to vector<16xf32>
          %swap3A_475 = vector.shape_cast %mul3A_470 : vector<16xf32> to vector<1x16xf32>
          tpu.vector_store %arg9[%swap3A_471, %swap3A_472], %swap3A_475 {strides = array<i32>} : memref<100x144xf32, #tpu.memory_space<vmem>>, vector<1x16xf32>,
          %get3A_476 = arith.index_cast %add3A_400 : i32 to index
          %get3A_477 = arith.constant 64 : index
          %get3A_478 = tpu.vector_load %arg9[%get3A_476, %get3A_477] {strides = array<i32>} : memref<100x144xf32, #tpu.memory_space<vmem>>, vector<1x16xf32>,
          %get3A_479 = vector.shape_cast %get3A_478 : vector<1x16xf32> to vector<16xf32>
          %slice3A_480 = vector.extract_strided_slice %exp3A_418 {offsets = [4], sizes = [1], strides = [1]} : vector<16xf32> to vector<1xf32>
          %squeeze3A_481 = vector.extract %slice3A_480[0] : f32 from vector<1xf32>
          %mul3A_482 = vector.broadcast %squeeze3A_481 : f32 to vector<16xf32>
          %mul3A_483 = arith.mulf %get3A_479, %mul3A_482 : vector<16xf32>
          %swap3A_484 = arith.index_cast %add3A_400 : i32 to index
          %swap3A_485 = arith.constant 64 : index
          %swap3A_486 = tpu.vector_load %arg9[%swap3A_484, %swap3A_485] {strides = array<i32>} : memref<100x144xf32, #tpu.memory_space<vmem>>, vector<1x16xf32>,
          %swap3A_487 = vector.shape_cast %swap3A_486 : vector<1x16xf32> to vector<16xf32>
          %swap3A_488 = vector.shape_cast %mul3A_483 : vector<16xf32> to vector<1x16xf32>
          tpu.vector_store %arg9[%swap3A_484, %swap3A_485], %swap3A_488 {strides = array<i32>} : memref<100x144xf32, #tpu.memory_space<vmem>>, vector<1x16xf32>,
          %get3A_489 = arith.index_cast %add3A_400 : i32 to index
          %get3A_490 = arith.constant 80 : index
          %get3A_491 = tpu.vector_load %arg9[%get3A_489, %get3A_490] {strides = array<i32>} : memref<100x144xf32, #tpu.memory_space<vmem>>, vector<1x16xf32>,
          %get3A_492 = vector.shape_cast %get3A_491 : vector<1x16xf32> to vector<16xf32>
          %slice3A_493 = vector.extract_strided_slice %exp3A_418 {offsets = [5], sizes = [1], strides = [1]} : vector<16xf32> to vector<1xf32>
          %squeeze3A_494 = vector.extract %slice3A_493[0] : f32 from vector<1xf32>
          %mul3A_495 = vector.broadcast %squeeze3A_494 : f32 to vector<16xf32>
          %mul3A_496 = arith.mulf %get3A_492, %mul3A_495 : vector<16xf32>
          %swap3A_497 = arith.index_cast %add3A_400 : i32 to index
          %swap3A_498 = arith.constant 80 : index
          %swap3A_499 = tpu.vector_load %arg9[%swap3A_497, %swap3A_498] {strides = array<i32>} : memref<100x144xf32, #tpu.memory_space<vmem>>, vector<1x16xf32>,
          %swap3A_500 = vector.shape_cast %swap3A_499 : vector<1x16xf32> to vector<16xf32>
          %swap3A_501 = vector.shape_cast %mul3A_496 : vector<16xf32> to vector<1x16xf32>
          tpu.vector_store %arg9[%swap3A_497, %swap3A_498], %swap3A_501 {strides = array<i32>} : memref<100x144xf32, #tpu.memory_space<vmem>>, vector<1x16xf32>,
          %get3A_502 = arith.index_cast %add3A_400 : i32 to index
          %get3A_503 = arith.constant 96 : index
          %get3A_504 = tpu.vector_load %arg9[%get3A_502, %get3A_503] {strides = array<i32>} : memref<100x144xf32, #tpu.memory_space<vmem>>, vector<1x16xf32>,
          %get3A_505 = vector.shape_cast %get3A_504 : vector<1x16xf32> to vector<16xf32>
          %slice3A_506 = vector.extract_strided_slice %exp3A_418 {offsets = [6], sizes = [1], strides = [1]} : vector<16xf32> to vector<1xf32>
          %squeeze3A_507 = vector.extract %slice3A_506[0] : f32 from vector<1xf32>
          %mul3A_508 = vector.broadcast %squeeze3A_507 : f32 to vector<16xf32>
          %mul3A_509 = arith.mulf %get3A_505, %mul3A_508 : vector<16xf32>
          %swap3A_510 = arith.index_cast %add3A_400 : i32 to index
          %swap3A_511 = arith.constant 96 : index
          %swap3A_512 = tpu.vector_load %arg9[%swap3A_510, %swap3A_511] {strides = array<i32>} : memref<100x144xf32, #tpu.memory_space<vmem>>, vector<1x16xf32>,
          %swap3A_513 = vector.shape_cast %swap3A_512 : vector<1x16xf32> to vector<16xf32>
          %swap3A_514 = vector.shape_cast %mul3A_509 : vector<16xf32> to vector<1x16xf32>
          tpu.vector_store %arg9[%swap3A_510, %swap3A_511], %swap3A_514 {strides = array<i32>} : memref<100x144xf32, #tpu.memory_space<vmem>>, vector<1x16xf32>,
          %get3A_515 = arith.index_cast %add3A_400 : i32 to index
          %get3A_516 = arith.constant 112 : index
          %get3A_517 = tpu.vector_load %arg9[%get3A_515, %get3A_516] {strides = array<i32>} : memref<100x144xf32, #tpu.memory_space<vmem>>, vector<1x16xf32>,
          %get3A_518 = vector.shape_cast %get3A_517 : vector<1x16xf32> to vector<16xf32>
          %slice3A_519 = vector.extract_strided_slice %exp3A_418 {offsets = [7], sizes = [1], strides = [1]} : vector<16xf32> to vector<1xf32>
          %squeeze3A_520 = vector.extract %slice3A_519[0] : f32 from vector<1xf32>
          %mul3A_521 = vector.broadcast %squeeze3A_520 : f32 to vector<16xf32>
          %mul3A_522 = arith.mulf %get3A_518, %mul3A_521 : vector<16xf32>
          %swap3A_523 = arith.index_cast %add3A_400 : i32 to index
          %swap3A_524 = arith.constant 112 : index
          %swap3A_525 = tpu.vector_load %arg9[%swap3A_523, %swap3A_524] {strides = array<i32>} : memref<100x144xf32, #tpu.memory_space<vmem>>, vector<1x16xf32>,
          %swap3A_526 = vector.shape_cast %swap3A_525 : vector<1x16xf32> to vector<16xf32>
          %swap3A_527 = vector.shape_cast %mul3A_522 : vector<16xf32> to vector<1x16xf32>
          tpu.vector_store %arg9[%swap3A_523, %swap3A_524], %swap3A_527 {strides = array<i32>} : memref<100x144xf32, #tpu.memory_space<vmem>>, vector<1x16xf32>,
          %scan3A_528 = arith.constant 3 : i32
          %scan3A_529 = arith.addi %scan3A_137, %scan3A_528 : i32
          %mul3A_530 = arith.constant 1 : i32
          %mul3A_531 = arith.muli %scan3A_529, %mul3A_530 : i32
          %add3A_532 = arith.constant 0 : i32
          %add3A_533 = arith.addi %add3A_532, %mul3A_531 : i32
          %get3A_534 = arith.index_cast %add3A_533 : i32 to index
          %get3A_535 = arith.constant 128 : index
          %get3A_536 = tpu.vector_load %arg9[%get3A_534, %get3A_535] {strides = array<i32>} : memref<100x144xf32, #tpu.memory_space<vmem>>, vector<1x16xf32>,
          %get3A_537 = vector.shape_cast %get3A_536 : vector<1x16xf32> to vector<16xf32>
          %get3A_538 = arith.index_cast %add3A_533 : i32 to index
          %get3A_539 = arith.constant 0 : index
          %get3A_540 = tpu.vector_load %arg11[%get3A_538, %get3A_539] {strides = array<i32>} : memref<100x16xf32, #tpu.memory_space<vmem>>, vector<1x16xf32>,
          %get3A_541 = vector.shape_cast %get3A_540 : vector<1x16xf32> to vector<16xf32>
          %add3A_542 = arith.addf %get3A_537, %get3A_541 : vector<16xf32>
          %ge3A_543 = arith.constant 0.000000e+00 : f32
          %ge3A_544 = vector.broadcast %ge3A_543 : f32 to vector<16xf32>
          %ge3A_545 = arith.cmpf oge, %add3A_542, %ge3A_544 : vector<16xf32>
          %mul3A_546 = arith.constant 2.000000e-01 : f32
          %mul3A_547 = vector.broadcast %mul3A_546 : f32 to vector<16xf32>
          %mul3A_548 = arith.mulf %mul3A_547, %add3A_542 : vector<16xf32>
          %select_n3A_549 = arith.select %ge3A_545, %add3A_542, %mul3A_548 : vector<16xi1>, vector<16xf32>
          %sub3A_550 = arith.subf %select_n3A_549, %get3A_8 : vector<16xf32>
          %exp3A_551 = math.exp %sub3A_550 : vector<16xf32>
          %swap3A_552 = arith.index_cast %add3A_533 : i32 to index
          %swap3A_553 = arith.constant 128 : index
          %swap3A_554 = tpu.vector_load %arg9[%swap3A_552, %swap3A_553] {strides = array<i32>} : memref<100x144xf32, #tpu.memory_space<vmem>>, vector<1x16xf32>,
          %swap3A_555 = vector.shape_cast %swap3A_554 : vector<1x16xf32> to vector<16xf32>
          %swap3A_556 = vector.shape_cast %exp3A_551 : vector<16xf32> to vector<1x16xf32>
          tpu.vector_store %arg9[%swap3A_552, %swap3A_553], %swap3A_556 {strides = array<i32>} : memref<100x144xf32, #tpu.memory_space<vmem>>, vector<1x16xf32>,
          %get3A_557 = arith.index_cast %add3A_533 : i32 to index
          %get3A_558 = arith.constant 0 : index
          %get3A_559 = tpu.vector_load %arg9[%get3A_557, %get3A_558] {strides = array<i32>} : memref<100x144xf32, #tpu.memory_space<vmem>>, vector<1x16xf32>,
          %get3A_560 = vector.shape_cast %get3A_559 : vector<1x16xf32> to vector<16xf32>
          %slice3A_561 = vector.extract_strided_slice %exp3A_551 {offsets = [0], sizes = [1], strides = [1]} : vector<16xf32> to vector<1xf32>
          %squeeze3A_562 = vector.extract %slice3A_561[0] : f32 from vector<1xf32>
          %mul3A_563 = vector.broadcast %squeeze3A_562 : f32 to vector<16xf32>
          %mul3A_564 = arith.mulf %get3A_560, %mul3A_563 : vector<16xf32>
          %swap3A_565 = arith.index_cast %add3A_533 : i32 to index
          %swap3A_566 = arith.constant 0 : index
          %swap3A_567 = tpu.vector_load %arg9[%swap3A_565, %swap3A_566] {strides = array<i32>} : memref<100x144xf32, #tpu.memory_space<vmem>>, vector<1x16xf32>,
          %swap3A_568 = vector.shape_cast %swap3A_567 : vector<1x16xf32> to vector<16xf32>
          %swap3A_569 = vector.shape_cast %mul3A_564 : vector<16xf32> to vector<1x16xf32>
          tpu.vector_store %arg9[%swap3A_565, %swap3A_566], %swap3A_569 {strides = array<i32>} : memref<100x144xf32, #tpu.memory_space<vmem>>, vector<1x16xf32>,
          %get3A_570 = arith.index_cast %add3A_533 : i32 to index
          %get3A_571 = arith.constant 16 : index
          %get3A_572 = tpu.vector_load %arg9[%get3A_570, %get3A_571] {strides = array<i32>} : memref<100x144xf32, #tpu.memory_space<vmem>>, vector<1x16xf32>,
          %get3A_573 = vector.shape_cast %get3A_572 : vector<1x16xf32> to vector<16xf32>
          %slice3A_574 = vector.extract_strided_slice %exp3A_551 {offsets = [1], sizes = [1], strides = [1]} : vector<16xf32> to vector<1xf32>
          %squeeze3A_575 = vector.extract %slice3A_574[0] : f32 from vector<1xf32>
          %mul3A_576 = vector.broadcast %squeeze3A_575 : f32 to vector<16xf32>
          %mul3A_577 = arith.mulf %get3A_573, %mul3A_576 : vector<16xf32>
          %swap3A_578 = arith.index_cast %add3A_533 : i32 to index
          %swap3A_579 = arith.constant 16 : index
          %swap3A_580 = tpu.vector_load %arg9[%swap3A_578, %swap3A_579] {strides = array<i32>} : memref<100x144xf32, #tpu.memory_space<vmem>>, vector<1x16xf32>,
          %swap3A_581 = vector.shape_cast %swap3A_580 : vector<1x16xf32> to vector<16xf32>
          %swap3A_582 = vector.shape_cast %mul3A_577 : vector<16xf32> to vector<1x16xf32>
          tpu.vector_store %arg9[%swap3A_578, %swap3A_579], %swap3A_582 {strides = array<i32>} : memref<100x144xf32, #tpu.memory_space<vmem>>, vector<1x16xf32>,
          %get3A_583 = arith.index_cast %add3A_533 : i32 to index
          %get3A_584 = arith.constant 32 : index
          %get3A_585 = tpu.vector_load %arg9[%get3A_583, %get3A_584] {strides = array<i32>} : memref<100x144xf32, #tpu.memory_space<vmem>>, vector<1x16xf32>,
          %get3A_586 = vector.shape_cast %get3A_585 : vector<1x16xf32> to vector<16xf32>
          %slice3A_587 = vector.extract_strided_slice %exp3A_551 {offsets = [2], sizes = [1], strides = [1]} : vector<16xf32> to vector<1xf32>
          %squeeze3A_588 = vector.extract %slice3A_587[0] : f32 from vector<1xf32>
          %mul3A_589 = vector.broadcast %squeeze3A_588 : f32 to vector<16xf32>
          %mul3A_590 = arith.mulf %get3A_586, %mul3A_589 : vector<16xf32>
          %swap3A_591 = arith.index_cast %add3A_533 : i32 to index
          %swap3A_592 = arith.constant 32 : index
          %swap3A_593 = tpu.vector_load %arg9[%swap3A_591, %swap3A_592] {strides = array<i32>} : memref<100x144xf32, #tpu.memory_space<vmem>>, vector<1x16xf32>,
          %swap3A_594 = vector.shape_cast %swap3A_593 : vector<1x16xf32> to vector<16xf32>
          %swap3A_595 = vector.shape_cast %mul3A_590 : vector<16xf32> to vector<1x16xf32>
          tpu.vector_store %arg9[%swap3A_591, %swap3A_592], %swap3A_595 {strides = array<i32>} : memref<100x144xf32, #tpu.memory_space<vmem>>, vector<1x16xf32>,
          %get3A_596 = arith.index_cast %add3A_533 : i32 to index
          %get3A_597 = arith.constant 48 : index
          %get3A_598 = tpu.vector_load %arg9[%get3A_596, %get3A_597] {strides = array<i32>} : memref<100x144xf32, #tpu.memory_space<vmem>>, vector<1x16xf32>,
          %get3A_599 = vector.shape_cast %get3A_598 : vector<1x16xf32> to vector<16xf32>
          %slice3A_600 = vector.extract_strided_slice %exp3A_551 {offsets = [3], sizes = [1], strides = [1]} : vector<16xf32> to vector<1xf32>
          %squeeze3A_601 = vector.extract %slice3A_600[0] : f32 from vector<1xf32>
          %mul3A_602 = vector.broadcast %squeeze3A_601 : f32 to vector<16xf32>
          %mul3A_603 = arith.mulf %get3A_599, %mul3A_602 : vector<16xf32>
          %swap3A_604 = arith.index_cast %add3A_533 : i32 to index
          %swap3A_605 = arith.constant 48 : index
          %swap3A_606 = tpu.vector_load %arg9[%swap3A_604, %swap3A_605] {strides = array<i32>} : memref<100x144xf32, #tpu.memory_space<vmem>>, vector<1x16xf32>,
          %swap3A_607 = vector.shape_cast %swap3A_606 : vector<1x16xf32> to vector<16xf32>
          %swap3A_608 = vector.shape_cast %mul3A_603 : vector<16xf32> to vector<1x16xf32>
          tpu.vector_store %arg9[%swap3A_604, %swap3A_605], %swap3A_608 {strides = array<i32>} : memref<100x144xf32, #tpu.memory_space<vmem>>, vector<1x16xf32>,
          %get3A_609 = arith.index_cast %add3A_533 : i32 to index
          %get3A_610 = arith.constant 64 : index
          %get3A_611 = tpu.vector_load %arg9[%get3A_609, %get3A_610] {strides = array<i32>} : memref<100x144xf32, #tpu.memory_space<vmem>>, vector<1x16xf32>,
          %get3A_612 = vector.shape_cast %get3A_611 : vector<1x16xf32> to vector<16xf32>
          %slice3A_613 = vector.extract_strided_slice %exp3A_551 {offsets = [4], sizes = [1], strides = [1]} : vector<16xf32> to vector<1xf32>
          %squeeze3A_614 = vector.extract %slice3A_613[0] : f32 from vector<1xf32>
          %mul3A_615 = vector.broadcast %squeeze3A_614 : f32 to vector<16xf32>
          %mul3A_616 = arith.mulf %get3A_612, %mul3A_615 : vector<16xf32>
          %swap3A_617 = arith.index_cast %add3A_533 : i32 to index
          %swap3A_618 = arith.constant 64 : index
          %swap3A_619 = tpu.vector_load %arg9[%swap3A_617, %swap3A_618] {strides = array<i32>} : memref<100x144xf32, #tpu.memory_space<vmem>>, vector<1x16xf32>,
          %swap3A_620 = vector.shape_cast %swap3A_619 : vector<1x16xf32> to vector<16xf32>
          %swap3A_621 = vector.shape_cast %mul3A_616 : vector<16xf32> to vector<1x16xf32>
          tpu.vector_store %arg9[%swap3A_617, %swap3A_618], %swap3A_621 {strides = array<i32>} : memref<100x144xf32, #tpu.memory_space<vmem>>, vector<1x16xf32>,
          %get3A_622 = arith.index_cast %add3A_533 : i32 to index
          %get3A_623 = arith.constant 80 : index
          %get3A_624 = tpu.vector_load %arg9[%get3A_622, %get3A_623] {strides = array<i32>} : memref<100x144xf32, #tpu.memory_space<vmem>>, vector<1x16xf32>,
          %get3A_625 = vector.shape_cast %get3A_624 : vector<1x16xf32> to vector<16xf32>
          %slice3A_626 = vector.extract_strided_slice %exp3A_551 {offsets = [5], sizes = [1], strides = [1]} : vector<16xf32> to vector<1xf32>
          %squeeze3A_627 = vector.extract %slice3A_626[0] : f32 from vector<1xf32>
          %mul3A_628 = vector.broadcast %squeeze3A_627 : f32 to vector<16xf32>
          %mul3A_629 = arith.mulf %get3A_625, %mul3A_628 : vector<16xf32>
          %swap3A_630 = arith.index_cast %add3A_533 : i32 to index
          %swap3A_631 = arith.constant 80 : index
          %swap3A_632 = tpu.vector_load %arg9[%swap3A_630, %swap3A_631] {strides = array<i32>} : memref<100x144xf32, #tpu.memory_space<vmem>>, vector<1x16xf32>,
          %swap3A_633 = vector.shape_cast %swap3A_632 : vector<1x16xf32> to vector<16xf32>
          %swap3A_634 = vector.shape_cast %mul3A_629 : vector<16xf32> to vector<1x16xf32>
          tpu.vector_store %arg9[%swap3A_630, %swap3A_631], %swap3A_634 {strides = array<i32>} : memref<100x144xf32, #tpu.memory_space<vmem>>, vector<1x16xf32>,
          %get3A_635 = arith.index_cast %add3A_533 : i32 to index
          %get3A_636 = arith.constant 96 : index
          %get3A_637 = tpu.vector_load %arg9[%get3A_635, %get3A_636] {strides = array<i32>} : memref<100x144xf32, #tpu.memory_space<vmem>>, vector<1x16xf32>,
          %get3A_638 = vector.shape_cast %get3A_637 : vector<1x16xf32> to vector<16xf32>
          %slice3A_639 = vector.extract_strided_slice %exp3A_551 {offsets = [6], sizes = [1], strides = [1]} : vector<16xf32> to vector<1xf32>
          %squeeze3A_640 = vector.extract %slice3A_639[0] : f32 from vector<1xf32>
          %mul3A_641 = vector.broadcast %squeeze3A_640 : f32 to vector<16xf32>
          %mul3A_642 = arith.mulf %get3A_638, %mul3A_641 : vector<16xf32>
          %swap3A_643 = arith.index_cast %add3A_533 : i32 to index
          %swap3A_644 = arith.constant 96 : index
          %swap3A_645 = tpu.vector_load %arg9[%swap3A_643, %swap3A_644] {strides = array<i32>} : memref<100x144xf32, #tpu.memory_space<vmem>>, vector<1x16xf32>,
          %swap3A_646 = vector.shape_cast %swap3A_645 : vector<1x16xf32> to vector<16xf32>
          %swap3A_647 = vector.shape_cast %mul3A_642 : vector<16xf32> to vector<1x16xf32>
          tpu.vector_store %arg9[%swap3A_643, %swap3A_644], %swap3A_647 {strides = array<i32>} : memref<100x144xf32, #tpu.memory_space<vmem>>, vector<1x16xf32>,
          %get3A_648 = arith.index_cast %add3A_533 : i32 to index
          %get3A_649 = arith.constant 112 : index
          %get3A_650 = tpu.vector_load %arg9[%get3A_648, %get3A_649] {strides = array<i32>} : memref<100x144xf32, #tpu.memory_space<vmem>>, vector<1x16xf32>,
          %get3A_651 = vector.shape_cast %get3A_650 : vector<1x16xf32> to vector<16xf32>
          %slice3A_652 = vector.extract_strided_slice %exp3A_551 {offsets = [7], sizes = [1], strides = [1]} : vector<16xf32> to vector<1xf32>
          %squeeze3A_653 = vector.extract %slice3A_652[0] : f32 from vector<1xf32>
          %mul3A_654 = vector.broadcast %squeeze3A_653 : f32 to vector<16xf32>
          %mul3A_655 = arith.mulf %get3A_651, %mul3A_654 : vector<16xf32>
          %swap3A_656 = arith.index_cast %add3A_533 : i32 to index
          %swap3A_657 = arith.constant 112 : index
          %swap3A_658 = tpu.vector_load %arg9[%swap3A_656, %swap3A_657] {strides = array<i32>} : memref<100x144xf32, #tpu.memory_space<vmem>>, vector<1x16xf32>,
          %swap3A_659 = vector.shape_cast %swap3A_658 : vector<1x16xf32> to vector<16xf32>
          %swap3A_660 = vector.shape_cast %mul3A_655 : vector<16xf32> to vector<1x16xf32>
          tpu.vector_store %arg9[%swap3A_656, %swap3A_657], %swap3A_660 {strides = array<i32>} : memref<100x144xf32, #tpu.memory_space<vmem>>, vector<1x16xf32>,
        }
        %scan3A_77 = arith.constant 100 : i32
        %dma_start3A_78 = arith.constant 0 : i32
        %dma_start3A_79 = tpu.memref_slice %arg14[%mul3A_61, %dma_start3A_78] : memref<20x100xi32, #tpu.memory_space<vmem>> -> memref<1x100xi32, #tpu.memory_space<vmem>>
        %dma_start3A_80 = tpu.memref_squeeze %dma_start3A_79 : memref<1x100xi32, #tpu.memory_space<vmem>> -> memref<100xi32, #tpu.memory_space<vmem>>
        %dma_start3A_81 = arith.constant 0 : i32
        %dma_start3A_82 = arith.constant 0 : i32
        %dma_start3A_83 = tpu.memref_slice %arg16[%dma_start3A_81, %dma_start3A_82] : memref<10000x144xf32, #tpu.memory_space<vmem_shared>> -> memref<10000x144xf32, #tpu.memory_space<vmem_shared>>
        tpu.enqueue_indirect_dma source(%arg9 : memref<100x144xf32, #tpu.memory_space<vmem>>) target(%dma_start3A_83 : memref<10000x144xf32, #tpu.memory_space<vmem_shared>>) offsets(%dma_start3A_80 : memref<100xi32, #tpu.memory_space<vmem>>) semaphore(%arg21 : memref<!tpu.dma_semaphore, #tpu.memory_space<semaphore_mem>>) {add = true}
        %add3A_84 = arith.constant 1 : i32
        %add3A_85 = arith.addi %mul3A_61, %add3A_84 : i32
        %dma_wait3A_86 = arith.constant 0 : i32
        %dma_wait3A_87 = tpu.memref_slice %arg13[%add3A_85, %dma_wait3A_86] : memref<20x100xi32, #tpu.memory_space<vmem>> -> memref<1x100xi32, #tpu.memory_space<vmem>>
        %dma_wait3A_88 = tpu.memref_squeeze %dma_wait3A_87 : memref<1x100xi32, #tpu.memory_space<vmem>> -> memref<100xi32, #tpu.memory_space<vmem>>
        %dma_wait3A_89 = arith.constant 0 : i32
        %dma_wait3A_90 = arith.constant 0 : i32
        %dma_wait3A_91 = tpu.memref_slice %arg2[%dma_wait3A_89, %dma_wait3A_90] : memref<10000x144xf32, #tpu.memory_space<hbm>> -> memref<10000x144xf32, #tpu.memory_space<hbm>>
        tpu.wait_indirect_dma semaphore(%arg18 : memref<!tpu.dma_semaphore, #tpu.memory_space<semaphore_mem>>) src(%dma_wait3A_91 : memref<10000x144xf32, #tpu.memory_space<hbm>>) dst(%arg10 : memref<100x144xf32, #tpu.memory_space<vmem>>)
        %dma_wait3A_92 = arith.constant 0 : i32
        %dma_wait3A_93 = tpu.memref_slice %arg14[%add3A_85, %dma_wait3A_92] : memref<20x100xi32, #tpu.memory_space<vmem>> -> memref<1x100xi32, #tpu.memory_space<vmem>>
        %dma_wait3A_94 = tpu.memref_squeeze %dma_wait3A_93 : memref<1x100xi32, #tpu.memory_space<vmem>> -> memref<100xi32, #tpu.memory_space<vmem>>
        %dma_wait3A_95 = arith.constant 0 : i32
        %dma_wait3A_96 = arith.constant 0 : i32
        %dma_wait3A_97 = tpu.memref_slice %arg3[%dma_wait3A_95, %dma_wait3A_96] : memref<10000x16xf32, #tpu.memory_space<hbm>> -> memref<10000x16xf32, #tpu.memory_space<hbm>>
        tpu.wait_indirect_dma semaphore(%arg20 : memref<!tpu.dma_semaphore, #tpu.memory_space<semaphore_mem>>) src(%dma_wait3A_97 : memref<10000x16xf32, #tpu.memory_space<hbm>>) dst(%arg12 : memref<100x16xf32, #tpu.memory_space<vmem>>)
        %scan3A_98 = arith.constant 0 : i32
        %scan3A_99 = arith.constant 100 : i32
        %scan3A_100 = arith.addi %scan3A_98, %scan3A_99 : i32
        %scan3A_101 = arith.constant 4 : i32
        scf.for %scan3A_137 = %scan3A_98 to %scan3A_100 step %scan3A_101  : i32 {
          %mul3A_138 = arith.constant 1 : i32
          %mul3A_139 = arith.muli %scan3A_137, %mul3A_138 : i32
          %add3A_140 = arith.constant 0 : i32
          %add3A_141 = arith.addi %add3A_140, %mul3A_139 : i32
          %get3A_142 = arith.index_cast %add3A_141 : i32 to index
          %get3A_143 = arith.constant 128 : index
          %get3A_144 = tpu.vector_load %arg10[%get3A_142, %get3A_143] {strides = array<i32>} : memref<100x144xf32, #tpu.memory_space<vmem>>, vector<1x16xf32>,
          %get3A_145 = vector.shape_cast %get3A_144 : vector<1x16xf32> to vector<16xf32>
          %get3A_146 = arith.index_cast %add3A_141 : i32 to index
          %get3A_147 = arith.constant 0 : index
          %get3A_148 = tpu.vector_load %arg12[%get3A_146, %get3A_147] {strides = array<i32>} : memref<100x16xf32, #tpu.memory_space<vmem>>, vector<1x16xf32>,
          %get3A_149 = vector.shape_cast %get3A_148 : vector<1x16xf32> to vector<16xf32>
          %add3A_150 = arith.addf %get3A_145, %get3A_149 : vector<16xf32>
          %ge3A = arith.constant 0.000000e+00 : f32
          %ge3A_151 = vector.broadcast %ge3A : f32 to vector<16xf32>
          %ge3A_152 = arith.cmpf oge, %add3A_150, %ge3A_151 : vector<16xf32>
          %mul3A_153 = arith.constant 2.000000e-01 : f32
          %mul3A_154 = vector.broadcast %mul3A_153 : f32 to vector<16xf32>
          %mul3A_155 = arith.mulf %mul3A_154, %add3A_150 : vector<16xf32>
          %select_n3A = arith.select %ge3A_152, %add3A_150, %mul3A_155 : vector<16xi1>, vector<16xf32>
          %sub3A = arith.subf %select_n3A, %get3A_8 : vector<16xf32>
          %exp3A = math.exp %sub3A : vector<16xf32>
          %swap3A = arith.index_cast %add3A_141 : i32 to index
          %swap3A_156 = arith.constant 128 : index
          %swap3A_157 = tpu.vector_load %arg10[%swap3A, %swap3A_156] {strides = array<i32>} : memref<100x144xf32, #tpu.memory_space<vmem>>, vector<1x16xf32>,
          %swap3A_158 = vector.shape_cast %swap3A_157 : vector<1x16xf32> to vector<16xf32>
          %swap3A_159 = vector.shape_cast %exp3A : vector<16xf32> to vector<1x16xf32>
          tpu.vector_store %arg10[%swap3A, %swap3A_156], %swap3A_159 {strides = array<i32>} : memref<100x144xf32, #tpu.memory_space<vmem>>, vector<1x16xf32>,
          %get3A_160 = arith.index_cast %add3A_141 : i32 to index
          %get3A_161 = arith.constant 0 : index
          %get3A_162 = tpu.vector_load %arg10[%get3A_160, %get3A_161] {strides = array<i32>} : memref<100x144xf32, #tpu.memory_space<vmem>>, vector<1x16xf32>,
          %get3A_163 = vector.shape_cast %get3A_162 : vector<1x16xf32> to vector<16xf32>
          %slice3A = vector.extract_strided_slice %exp3A {offsets = [0], sizes = [1], strides = [1]} : vector<16xf32> to vector<1xf32>
          %squeeze3A = vector.extract %slice3A[0] : f32 from vector<1xf32>
          %mul3A_164 = vector.broadcast %squeeze3A : f32 to vector<16xf32>
          %mul3A_165 = arith.mulf %get3A_163, %mul3A_164 : vector<16xf32>
          %swap3A_166 = arith.index_cast %add3A_141 : i32 to index
          %swap3A_167 = arith.constant 0 : index
          %swap3A_168 = tpu.vector_load %arg10[%swap3A_166, %swap3A_167] {strides = array<i32>} : memref<100x144xf32, #tpu.memory_space<vmem>>, vector<1x16xf32>,
          %swap3A_169 = vector.shape_cast %swap3A_168 : vector<1x16xf32> to vector<16xf32>
          %swap3A_170 = vector.shape_cast %mul3A_165 : vector<16xf32> to vector<1x16xf32>
          tpu.vector_store %arg10[%swap3A_166, %swap3A_167], %swap3A_170 {strides = array<i32>} : memref<100x144xf32, #tpu.memory_space<vmem>>, vector<1x16xf32>,
          %get3A_171 = arith.index_cast %add3A_141 : i32 to index
          %get3A_172 = arith.constant 16 : index
          %get3A_173 = tpu.vector_load %arg10[%get3A_171, %get3A_172] {strides = array<i32>} : memref<100x144xf32, #tpu.memory_space<vmem>>, vector<1x16xf32>,
          %get3A_174 = vector.shape_cast %get3A_173 : vector<1x16xf32> to vector<16xf32>
          %slice3A_175 = vector.extract_strided_slice %exp3A {offsets = [1], sizes = [1], strides = [1]} : vector<16xf32> to vector<1xf32>
          %squeeze3A_176 = vector.extract %slice3A_175[0] : f32 from vector<1xf32>
          %mul3A_177 = vector.broadcast %squeeze3A_176 : f32 to vector<16xf32>
          %mul3A_178 = arith.mulf %get3A_174, %mul3A_177 : vector<16xf32>
          %swap3A_179 = arith.index_cast %add3A_141 : i32 to index
          %swap3A_180 = arith.constant 16 : index
          %swap3A_181 = tpu.vector_load %arg10[%swap3A_179, %swap3A_180] {strides = array<i32>} : memref<100x144xf32, #tpu.memory_space<vmem>>, vector<1x16xf32>,
          %swap3A_182 = vector.shape_cast %swap3A_181 : vector<1x16xf32> to vector<16xf32>
          %swap3A_183 = vector.shape_cast %mul3A_178 : vector<16xf32> to vector<1x16xf32>
          tpu.vector_store %arg10[%swap3A_179, %swap3A_180], %swap3A_183 {strides = array<i32>} : memref<100x144xf32, #tpu.memory_space<vmem>>, vector<1x16xf32>,
          %get3A_184 = arith.index_cast %add3A_141 : i32 to index
          %get3A_185 = arith.constant 32 : index
          %get3A_186 = tpu.vector_load %arg10[%get3A_184, %get3A_185] {strides = array<i32>} : memref<100x144xf32, #tpu.memory_space<vmem>>, vector<1x16xf32>,
          %get3A_187 = vector.shape_cast %get3A_186 : vector<1x16xf32> to vector<16xf32>
          %slice3A_188 = vector.extract_strided_slice %exp3A {offsets = [2], sizes = [1], strides = [1]} : vector<16xf32> to vector<1xf32>
          %squeeze3A_189 = vector.extract %slice3A_188[0] : f32 from vector<1xf32>
          %mul3A_190 = vector.broadcast %squeeze3A_189 : f32 to vector<16xf32>
          %mul3A_191 = arith.mulf %get3A_187, %mul3A_190 : vector<16xf32>
          %swap3A_192 = arith.index_cast %add3A_141 : i32 to index
          %swap3A_193 = arith.constant 32 : index
          %swap3A_194 = tpu.vector_load %arg10[%swap3A_192, %swap3A_193] {strides = array<i32>} : memref<100x144xf32, #tpu.memory_space<vmem>>, vector<1x16xf32>,
          %swap3A_195 = vector.shape_cast %swap3A_194 : vector<1x16xf32> to vector<16xf32>
          %swap3A_196 = vector.shape_cast %mul3A_191 : vector<16xf32> to vector<1x16xf32>
          tpu.vector_store %arg10[%swap3A_192, %swap3A_193], %swap3A_196 {strides = array<i32>} : memref<100x144xf32, #tpu.memory_space<vmem>>, vector<1x16xf32>,
          %get3A_197 = arith.index_cast %add3A_141 : i32 to index
          %get3A_198 = arith.constant 48 : index
          %get3A_199 = tpu.vector_load %arg10[%get3A_197, %get3A_198] {strides = array<i32>} : memref<100x144xf32, #tpu.memory_space<vmem>>, vector<1x16xf32>,
          %get3A_200 = vector.shape_cast %get3A_199 : vector<1x16xf32> to vector<16xf32>
          %slice3A_201 = vector.extract_strided_slice %exp3A {offsets = [3], sizes = [1], strides = [1]} : vector<16xf32> to vector<1xf32>
          %squeeze3A_202 = vector.extract %slice3A_201[0] : f32 from vector<1xf32>
          %mul3A_203 = vector.broadcast %squeeze3A_202 : f32 to vector<16xf32>
          %mul3A_204 = arith.mulf %get3A_200, %mul3A_203 : vector<16xf32>
          %swap3A_205 = arith.index_cast %add3A_141 : i32 to index
          %swap3A_206 = arith.constant 48 : index
          %swap3A_207 = tpu.vector_load %arg10[%swap3A_205, %swap3A_206] {strides = array<i32>} : memref<100x144xf32, #tpu.memory_space<vmem>>, vector<1x16xf32>,
          %swap3A_208 = vector.shape_cast %swap3A_207 : vector<1x16xf32> to vector<16xf32>
          %swap3A_209 = vector.shape_cast %mul3A_204 : vector<16xf32> to vector<1x16xf32>
          tpu.vector_store %arg10[%swap3A_205, %swap3A_206], %swap3A_209 {strides = array<i32>} : memref<100x144xf32, #tpu.memory_space<vmem>>, vector<1x16xf32>,
          %get3A_210 = arith.index_cast %add3A_141 : i32 to index
          %get3A_211 = arith.constant 64 : index
          %get3A_212 = tpu.vector_load %arg10[%get3A_210, %get3A_211] {strides = array<i32>} : memref<100x144xf32, #tpu.memory_space<vmem>>, vector<1x16xf32>,
          %get3A_213 = vector.shape_cast %get3A_212 : vector<1x16xf32> to vector<16xf32>
          %slice3A_214 = vector.extract_strided_slice %exp3A {offsets = [4], sizes = [1], strides = [1]} : vector<16xf32> to vector<1xf32>
          %squeeze3A_215 = vector.extract %slice3A_214[0] : f32 from vector<1xf32>
          %mul3A_216 = vector.broadcast %squeeze3A_215 : f32 to vector<16xf32>
          %mul3A_217 = arith.mulf %get3A_213, %mul3A_216 : vector<16xf32>
          %swap3A_218 = arith.index_cast %add3A_141 : i32 to index
          %swap3A_219 = arith.constant 64 : index
          %swap3A_220 = tpu.vector_load %arg10[%swap3A_218, %swap3A_219] {strides = array<i32>} : memref<100x144xf32, #tpu.memory_space<vmem>>, vector<1x16xf32>,
          %swap3A_221 = vector.shape_cast %swap3A_220 : vector<1x16xf32> to vector<16xf32>
          %swap3A_222 = vector.shape_cast %mul3A_217 : vector<16xf32> to vector<1x16xf32>
          tpu.vector_store %arg10[%swap3A_218, %swap3A_219], %swap3A_222 {strides = array<i32>} : memref<100x144xf32, #tpu.memory_space<vmem>>, vector<1x16xf32>,
          %get3A_223 = arith.index_cast %add3A_141 : i32 to index
          %get3A_224 = arith.constant 80 : index
          %get3A_225 = tpu.vector_load %arg10[%get3A_223, %get3A_224] {strides = array<i32>} : memref<100x144xf32, #tpu.memory_space<vmem>>, vector<1x16xf32>,
          %get3A_226 = vector.shape_cast %get3A_225 : vector<1x16xf32> to vector<16xf32>
          %slice3A_227 = vector.extract_strided_slice %exp3A {offsets = [5], sizes = [1], strides = [1]} : vector<16xf32> to vector<1xf32>
          %squeeze3A_228 = vector.extract %slice3A_227[0] : f32 from vector<1xf32>
          %mul3A_229 = vector.broadcast %squeeze3A_228 : f32 to vector<16xf32>
          %mul3A_230 = arith.mulf %get3A_226, %mul3A_229 : vector<16xf32>
          %swap3A_231 = arith.index_cast %add3A_141 : i32 to index
          %swap3A_232 = arith.constant 80 : index
          %swap3A_233 = tpu.vector_load %arg10[%swap3A_231, %swap3A_232] {strides = array<i32>} : memref<100x144xf32, #tpu.memory_space<vmem>>, vector<1x16xf32>,
          %swap3A_234 = vector.shape_cast %swap3A_233 : vector<1x16xf32> to vector<16xf32>
          %swap3A_235 = vector.shape_cast %mul3A_230 : vector<16xf32> to vector<1x16xf32>
          tpu.vector_store %arg10[%swap3A_231, %swap3A_232], %swap3A_235 {strides = array<i32>} : memref<100x144xf32, #tpu.memory_space<vmem>>, vector<1x16xf32>,
          %get3A_236 = arith.index_cast %add3A_141 : i32 to index
          %get3A_237 = arith.constant 96 : index
          %get3A_238 = tpu.vector_load %arg10[%get3A_236, %get3A_237] {strides = array<i32>} : memref<100x144xf32, #tpu.memory_space<vmem>>, vector<1x16xf32>,
          %get3A_239 = vector.shape_cast %get3A_238 : vector<1x16xf32> to vector<16xf32>
          %slice3A_240 = vector.extract_strided_slice %exp3A {offsets = [6], sizes = [1], strides = [1]} : vector<16xf32> to vector<1xf32>
          %squeeze3A_241 = vector.extract %slice3A_240[0] : f32 from vector<1xf32>
          %mul3A_242 = vector.broadcast %squeeze3A_241 : f32 to vector<16xf32>
          %mul3A_243 = arith.mulf %get3A_239, %mul3A_242 : vector<16xf32>
          %swap3A_244 = arith.index_cast %add3A_141 : i32 to index
          %swap3A_245 = arith.constant 96 : index
          %swap3A_246 = tpu.vector_load %arg10[%swap3A_244, %swap3A_245] {strides = array<i32>} : memref<100x144xf32, #tpu.memory_space<vmem>>, vector<1x16xf32>,
          %swap3A_247 = vector.shape_cast %swap3A_246 : vector<1x16xf32> to vector<16xf32>
          %swap3A_248 = vector.shape_cast %mul3A_243 : vector<16xf32> to vector<1x16xf32>
          tpu.vector_store %arg10[%swap3A_244, %swap3A_245], %swap3A_248 {strides = array<i32>} : memref<100x144xf32, #tpu.memory_space<vmem>>, vector<1x16xf32>,
          %get3A_249 = arith.index_cast %add3A_141 : i32 to index
          %get3A_250 = arith.constant 112 : index
          %get3A_251 = tpu.vector_load %arg10[%get3A_249, %get3A_250] {strides = array<i32>} : memref<100x144xf32, #tpu.memory_space<vmem>>, vector<1x16xf32>,
          %get3A_252 = vector.shape_cast %get3A_251 : vector<1x16xf32> to vector<16xf32>
          %slice3A_253 = vector.extract_strided_slice %exp3A {offsets = [7], sizes = [1], strides = [1]} : vector<16xf32> to vector<1xf32>
          %squeeze3A_254 = vector.extract %slice3A_253[0] : f32 from vector<1xf32>
          %mul3A_255 = vector.broadcast %squeeze3A_254 : f32 to vector<16xf32>
          %mul3A_256 = arith.mulf %get3A_252, %mul3A_255 : vector<16xf32>
          %swap3A_257 = arith.index_cast %add3A_141 : i32 to index
          %swap3A_258 = arith.constant 112 : index
          %swap3A_259 = tpu.vector_load %arg10[%swap3A_257, %swap3A_258] {strides = array<i32>} : memref<100x144xf32, #tpu.memory_space<vmem>>, vector<1x16xf32>,
          %swap3A_260 = vector.shape_cast %swap3A_259 : vector<1x16xf32> to vector<16xf32>
          %swap3A_261 = vector.shape_cast %mul3A_256 : vector<16xf32> to vector<1x16xf32>
          tpu.vector_store %arg10[%swap3A_257, %swap3A_258], %swap3A_261 {strides = array<i32>} : memref<100x144xf32, #tpu.memory_space<vmem>>, vector<1x16xf32>,
          %scan3A_262 = arith.constant 1 : i32
          %scan3A_263 = arith.addi %scan3A_137, %scan3A_262 : i32
          %mul3A_264 = arith.constant 1 : i32
          %mul3A_265 = arith.muli %scan3A_263, %mul3A_264 : i32
          %add3A_266 = arith.constant 0 : i32
          %add3A_267 = arith.addi %add3A_266, %mul3A_265 : i32
          %get3A_268 = arith.index_cast %add3A_267 : i32 to index
          %get3A_269 = arith.constant 128 : index
          %get3A_270 = tpu.vector_load %arg10[%get3A_268, %get3A_269] {strides = array<i32>} : memref<100x144xf32, #tpu.memory_space<vmem>>, vector<1x16xf32>,
          %get3A_271 = vector.shape_cast %get3A_270 : vector<1x16xf32> to vector<16xf32>
          %get3A_272 = arith.index_cast %add3A_267 : i32 to index
          %get3A_273 = arith.constant 0 : index
          %get3A_274 = tpu.vector_load %arg12[%get3A_272, %get3A_273] {strides = array<i32>} : memref<100x16xf32, #tpu.memory_space<vmem>>, vector<1x16xf32>,
          %get3A_275 = vector.shape_cast %get3A_274 : vector<1x16xf32> to vector<16xf32>
          %add3A_276 = arith.addf %get3A_271, %get3A_275 : vector<16xf32>
          %ge3A_277 = arith.constant 0.000000e+00 : f32
          %ge3A_278 = vector.broadcast %ge3A_277 : f32 to vector<16xf32>
          %ge3A_279 = arith.cmpf oge, %add3A_276, %ge3A_278 : vector<16xf32>
          %mul3A_280 = arith.constant 2.000000e-01 : f32
          %mul3A_281 = vector.broadcast %mul3A_280 : f32 to vector<16xf32>
          %mul3A_282 = arith.mulf %mul3A_281, %add3A_276 : vector<16xf32>
          %select_n3A_283 = arith.select %ge3A_279, %add3A_276, %mul3A_282 : vector<16xi1>, vector<16xf32>
          %sub3A_284 = arith.subf %select_n3A_283, %get3A_8 : vector<16xf32>
          %exp3A_285 = math.exp %sub3A_284 : vector<16xf32>
          %swap3A_286 = arith.index_cast %add3A_267 : i32 to index
          %swap3A_287 = arith.constant 128 : index
          %swap3A_288 = tpu.vector_load %arg10[%swap3A_286, %swap3A_287] {strides = array<i32>} : memref<100x144xf32, #tpu.memory_space<vmem>>, vector<1x16xf32>,
          %swap3A_289 = vector.shape_cast %swap3A_288 : vector<1x16xf32> to vector<16xf32>
          %swap3A_290 = vector.shape_cast %exp3A_285 : vector<16xf32> to vector<1x16xf32>
          tpu.vector_store %arg10[%swap3A_286, %swap3A_287], %swap3A_290 {strides = array<i32>} : memref<100x144xf32, #tpu.memory_space<vmem>>, vector<1x16xf32>,
          %get3A_291 = arith.index_cast %add3A_267 : i32 to index
          %get3A_292 = arith.constant 0 : index
          %get3A_293 = tpu.vector_load %arg10[%get3A_291, %get3A_292] {strides = array<i32>} : memref<100x144xf32, #tpu.memory_space<vmem>>, vector<1x16xf32>,
          %get3A_294 = vector.shape_cast %get3A_293 : vector<1x16xf32> to vector<16xf32>
          %slice3A_295 = vector.extract_strided_slice %exp3A_285 {offsets = [0], sizes = [1], strides = [1]} : vector<16xf32> to vector<1xf32>
          %squeeze3A_296 = vector.extract %slice3A_295[0] : f32 from vector<1xf32>
          %mul3A_297 = vector.broadcast %squeeze3A_296 : f32 to vector<16xf32>
          %mul3A_298 = arith.mulf %get3A_294, %mul3A_297 : vector<16xf32>
          %swap3A_299 = arith.index_cast %add3A_267 : i32 to index
          %swap3A_300 = arith.constant 0 : index
          %swap3A_301 = tpu.vector_load %arg10[%swap3A_299, %swap3A_300] {strides = array<i32>} : memref<100x144xf32, #tpu.memory_space<vmem>>, vector<1x16xf32>,
          %swap3A_302 = vector.shape_cast %swap3A_301 : vector<1x16xf32> to vector<16xf32>
          %swap3A_303 = vector.shape_cast %mul3A_298 : vector<16xf32> to vector<1x16xf32>
          tpu.vector_store %arg10[%swap3A_299, %swap3A_300], %swap3A_303 {strides = array<i32>} : memref<100x144xf32, #tpu.memory_space<vmem>>, vector<1x16xf32>,
          %get3A_304 = arith.index_cast %add3A_267 : i32 to index
          %get3A_305 = arith.constant 16 : index
          %get3A_306 = tpu.vector_load %arg10[%get3A_304, %get3A_305] {strides = array<i32>} : memref<100x144xf32, #tpu.memory_space<vmem>>, vector<1x16xf32>,
          %get3A_307 = vector.shape_cast %get3A_306 : vector<1x16xf32> to vector<16xf32>
          %slice3A_308 = vector.extract_strided_slice %exp3A_285 {offsets = [1], sizes = [1], strides = [1]} : vector<16xf32> to vector<1xf32>
          %squeeze3A_309 = vector.extract %slice3A_308[0] : f32 from vector<1xf32>
          %mul3A_310 = vector.broadcast %squeeze3A_309 : f32 to vector<16xf32>
          %mul3A_311 = arith.mulf %get3A_307, %mul3A_310 : vector<16xf32>
          %swap3A_312 = arith.index_cast %add3A_267 : i32 to index
          %swap3A_313 = arith.constant 16 : index
          %swap3A_314 = tpu.vector_load %arg10[%swap3A_312, %swap3A_313] {strides = array<i32>} : memref<100x144xf32, #tpu.memory_space<vmem>>, vector<1x16xf32>,
          %swap3A_315 = vector.shape_cast %swap3A_314 : vector<1x16xf32> to vector<16xf32>
          %swap3A_316 = vector.shape_cast %mul3A_311 : vector<16xf32> to vector<1x16xf32>
          tpu.vector_store %arg10[%swap3A_312, %swap3A_313], %swap3A_316 {strides = array<i32>} : memref<100x144xf32, #tpu.memory_space<vmem>>, vector<1x16xf32>,
          %get3A_317 = arith.index_cast %add3A_267 : i32 to index
          %get3A_318 = arith.constant 32 : index
          %get3A_319 = tpu.vector_load %arg10[%get3A_317, %get3A_318] {strides = array<i32>} : memref<100x144xf32, #tpu.memory_space<vmem>>, vector<1x16xf32>,
          %get3A_320 = vector.shape_cast %get3A_319 : vector<1x16xf32> to vector<16xf32>
          %slice3A_321 = vector.extract_strided_slice %exp3A_285 {offsets = [2], sizes = [1], strides = [1]} : vector<16xf32> to vector<1xf32>
          %squeeze3A_322 = vector.extract %slice3A_321[0] : f32 from vector<1xf32>
          %mul3A_323 = vector.broadcast %squeeze3A_322 : f32 to vector<16xf32>
          %mul3A_324 = arith.mulf %get3A_320, %mul3A_323 : vector<16xf32>
          %swap3A_325 = arith.index_cast %add3A_267 : i32 to index
          %swap3A_326 = arith.constant 32 : index
          %swap3A_327 = tpu.vector_load %arg10[%swap3A_325, %swap3A_326] {strides = array<i32>} : memref<100x144xf32, #tpu.memory_space<vmem>>, vector<1x16xf32>,
          %swap3A_328 = vector.shape_cast %swap3A_327 : vector<1x16xf32> to vector<16xf32>
          %swap3A_329 = vector.shape_cast %mul3A_324 : vector<16xf32> to vector<1x16xf32>
          tpu.vector_store %arg10[%swap3A_325, %swap3A_326], %swap3A_329 {strides = array<i32>} : memref<100x144xf32, #tpu.memory_space<vmem>>, vector<1x16xf32>,
          %get3A_330 = arith.index_cast %add3A_267 : i32 to index
          %get3A_331 = arith.constant 48 : index
          %get3A_332 = tpu.vector_load %arg10[%get3A_330, %get3A_331] {strides = array<i32>} : memref<100x144xf32, #tpu.memory_space<vmem>>, vector<1x16xf32>,
          %get3A_333 = vector.shape_cast %get3A_332 : vector<1x16xf32> to vector<16xf32>
          %slice3A_334 = vector.extract_strided_slice %exp3A_285 {offsets = [3], sizes = [1], strides = [1]} : vector<16xf32> to vector<1xf32>
          %squeeze3A_335 = vector.extract %slice3A_334[0] : f32 from vector<1xf32>
          %mul3A_336 = vector.broadcast %squeeze3A_335 : f32 to vector<16xf32>
          %mul3A_337 = arith.mulf %get3A_333, %mul3A_336 : vector<16xf32>
          %swap3A_338 = arith.index_cast %add3A_267 : i32 to index
          %swap3A_339 = arith.constant 48 : index
          %swap3A_340 = tpu.vector_load %arg10[%swap3A_338, %swap3A_339] {strides = array<i32>} : memref<100x144xf32, #tpu.memory_space<vmem>>, vector<1x16xf32>,
          %swap3A_341 = vector.shape_cast %swap3A_340 : vector<1x16xf32> to vector<16xf32>
          %swap3A_342 = vector.shape_cast %mul3A_337 : vector<16xf32> to vector<1x16xf32>
          tpu.vector_store %arg10[%swap3A_338, %swap3A_339], %swap3A_342 {strides = array<i32>} : memref<100x144xf32, #tpu.memory_space<vmem>>, vector<1x16xf32>,
          %get3A_343 = arith.index_cast %add3A_267 : i32 to index
          %get3A_344 = arith.constant 64 : index
          %get3A_345 = tpu.vector_load %arg10[%get3A_343, %get3A_344] {strides = array<i32>} : memref<100x144xf32, #tpu.memory_space<vmem>>, vector<1x16xf32>,
          %get3A_346 = vector.shape_cast %get3A_345 : vector<1x16xf32> to vector<16xf32>
          %slice3A_347 = vector.extract_strided_slice %exp3A_285 {offsets = [4], sizes = [1], strides = [1]} : vector<16xf32> to vector<1xf32>
          %squeeze3A_348 = vector.extract %slice3A_347[0] : f32 from vector<1xf32>
          %mul3A_349 = vector.broadcast %squeeze3A_348 : f32 to vector<16xf32>
          %mul3A_350 = arith.mulf %get3A_346, %mul3A_349 : vector<16xf32>
          %swap3A_351 = arith.index_cast %add3A_267 : i32 to index
          %swap3A_352 = arith.constant 64 : index
          %swap3A_353 = tpu.vector_load %arg10[%swap3A_351, %swap3A_352] {strides = array<i32>} : memref<100x144xf32, #tpu.memory_space<vmem>>, vector<1x16xf32>,
          %swap3A_354 = vector.shape_cast %swap3A_353 : vector<1x16xf32> to vector<16xf32>
          %swap3A_355 = vector.shape_cast %mul3A_350 : vector<16xf32> to vector<1x16xf32>
          tpu.vector_store %arg10[%swap3A_351, %swap3A_352], %swap3A_355 {strides = array<i32>} : memref<100x144xf32, #tpu.memory_space<vmem>>, vector<1x16xf32>,
          %get3A_356 = arith.index_cast %add3A_267 : i32 to index
          %get3A_357 = arith.constant 80 : index
          %get3A_358 = tpu.vector_load %arg10[%get3A_356, %get3A_357] {strides = array<i32>} : memref<100x144xf32, #tpu.memory_space<vmem>>, vector<1x16xf32>,
          %get3A_359 = vector.shape_cast %get3A_358 : vector<1x16xf32> to vector<16xf32>
          %slice3A_360 = vector.extract_strided_slice %exp3A_285 {offsets = [5], sizes = [1], strides = [1]} : vector<16xf32> to vector<1xf32>
          %squeeze3A_361 = vector.extract %slice3A_360[0] : f32 from vector<1xf32>
          %mul3A_362 = vector.broadcast %squeeze3A_361 : f32 to vector<16xf32>
          %mul3A_363 = arith.mulf %get3A_359, %mul3A_362 : vector<16xf32>
          %swap3A_364 = arith.index_cast %add3A_267 : i32 to index
          %swap3A_365 = arith.constant 80 : index
          %swap3A_366 = tpu.vector_load %arg10[%swap3A_364, %swap3A_365] {strides = array<i32>} : memref<100x144xf32, #tpu.memory_space<vmem>>, vector<1x16xf32>,
          %swap3A_367 = vector.shape_cast %swap3A_366 : vector<1x16xf32> to vector<16xf32>
          %swap3A_368 = vector.shape_cast %mul3A_363 : vector<16xf32> to vector<1x16xf32>
          tpu.vector_store %arg10[%swap3A_364, %swap3A_365], %swap3A_368 {strides = array<i32>} : memref<100x144xf32, #tpu.memory_space<vmem>>, vector<1x16xf32>,
          %get3A_369 = arith.index_cast %add3A_267 : i32 to index
          %get3A_370 = arith.constant 96 : index
          %get3A_371 = tpu.vector_load %arg10[%get3A_369, %get3A_370] {strides = array<i32>} : memref<100x144xf32, #tpu.memory_space<vmem>>, vector<1x16xf32>,
          %get3A_372 = vector.shape_cast %get3A_371 : vector<1x16xf32> to vector<16xf32>
          %slice3A_373 = vector.extract_strided_slice %exp3A_285 {offsets = [6], sizes = [1], strides = [1]} : vector<16xf32> to vector<1xf32>
          %squeeze3A_374 = vector.extract %slice3A_373[0] : f32 from vector<1xf32>
          %mul3A_375 = vector.broadcast %squeeze3A_374 : f32 to vector<16xf32>
          %mul3A_376 = arith.mulf %get3A_372, %mul3A_375 : vector<16xf32>
          %swap3A_377 = arith.index_cast %add3A_267 : i32 to index
          %swap3A_378 = arith.constant 96 : index
          %swap3A_379 = tpu.vector_load %arg10[%swap3A_377, %swap3A_378] {strides = array<i32>} : memref<100x144xf32, #tpu.memory_space<vmem>>, vector<1x16xf32>,
          %swap3A_380 = vector.shape_cast %swap3A_379 : vector<1x16xf32> to vector<16xf32>
          %swap3A_381 = vector.shape_cast %mul3A_376 : vector<16xf32> to vector<1x16xf32>
          tpu.vector_store %arg10[%swap3A_377, %swap3A_378], %swap3A_381 {strides = array<i32>} : memref<100x144xf32, #tpu.memory_space<vmem>>, vector<1x16xf32>,
          %get3A_382 = arith.index_cast %add3A_267 : i32 to index
          %get3A_383 = arith.constant 112 : index
          %get3A_384 = tpu.vector_load %arg10[%get3A_382, %get3A_383] {strides = array<i32>} : memref<100x144xf32, #tpu.memory_space<vmem>>, vector<1x16xf32>,
          %get3A_385 = vector.shape_cast %get3A_384 : vector<1x16xf32> to vector<16xf32>
          %slice3A_386 = vector.extract_strided_slice %exp3A_285 {offsets = [7], sizes = [1], strides = [1]} : vector<16xf32> to vector<1xf32>
          %squeeze3A_387 = vector.extract %slice3A_386[0] : f32 from vector<1xf32>
          %mul3A_388 = vector.broadcast %squeeze3A_387 : f32 to vector<16xf32>
          %mul3A_389 = arith.mulf %get3A_385, %mul3A_388 : vector<16xf32>
          %swap3A_390 = arith.index_cast %add3A_267 : i32 to index
          %swap3A_391 = arith.constant 112 : index
          %swap3A_392 = tpu.vector_load %arg10[%swap3A_390, %swap3A_391] {strides = array<i32>} : memref<100x144xf32, #tpu.memory_space<vmem>>, vector<1x16xf32>,
          %swap3A_393 = vector.shape_cast %swap3A_392 : vector<1x16xf32> to vector<16xf32>
          %swap3A_394 = vector.shape_cast %mul3A_389 : vector<16xf32> to vector<1x16xf32>
          tpu.vector_store %arg10[%swap3A_390, %swap3A_391], %swap3A_394 {strides = array<i32>} : memref<100x144xf32, #tpu.memory_space<vmem>>, vector<1x16xf32>,
          %scan3A_395 = arith.constant 2 : i32
          %scan3A_396 = arith.addi %scan3A_137, %scan3A_395 : i32
          %mul3A_397 = arith.constant 1 : i32
          %mul3A_398 = arith.muli %scan3A_396, %mul3A_397 : i32
          %add3A_399 = arith.constant 0 : i32
          %add3A_400 = arith.addi %add3A_399, %mul3A_398 : i32
          %get3A_401 = arith.index_cast %add3A_400 : i32 to index
          %get3A_402 = arith.constant 128 : index
          %get3A_403 = tpu.vector_load %arg10[%get3A_401, %get3A_402] {strides = array<i32>} : memref<100x144xf32, #tpu.memory_space<vmem>>, vector<1x16xf32>,
          %get3A_404 = vector.shape_cast %get3A_403 : vector<1x16xf32> to vector<16xf32>
          %get3A_405 = arith.index_cast %add3A_400 : i32 to index
          %get3A_406 = arith.constant 0 : index
          %get3A_407 = tpu.vector_load %arg12[%get3A_405, %get3A_406] {strides = array<i32>} : memref<100x16xf32, #tpu.memory_space<vmem>>, vector<1x16xf32>,
          %get3A_408 = vector.shape_cast %get3A_407 : vector<1x16xf32> to vector<16xf32>
          %add3A_409 = arith.addf %get3A_404, %get3A_408 : vector<16xf32>
          %ge3A_410 = arith.constant 0.000000e+00 : f32
          %ge3A_411 = vector.broadcast %ge3A_410 : f32 to vector<16xf32>
          %ge3A_412 = arith.cmpf oge, %add3A_409, %ge3A_411 : vector<16xf32>
          %mul3A_413 = arith.constant 2.000000e-01 : f32
          %mul3A_414 = vector.broadcast %mul3A_413 : f32 to vector<16xf32>
          %mul3A_415 = arith.mulf %mul3A_414, %add3A_409 : vector<16xf32>
          %select_n3A_416 = arith.select %ge3A_412, %add3A_409, %mul3A_415 : vector<16xi1>, vector<16xf32>
          %sub3A_417 = arith.subf %select_n3A_416, %get3A_8 : vector<16xf32>
          %exp3A_418 = math.exp %sub3A_417 : vector<16xf32>
          %swap3A_419 = arith.index_cast %add3A_400 : i32 to index
          %swap3A_420 = arith.constant 128 : index
          %swap3A_421 = tpu.vector_load %arg10[%swap3A_419, %swap3A_420] {strides = array<i32>} : memref<100x144xf32, #tpu.memory_space<vmem>>, vector<1x16xf32>,
          %swap3A_422 = vector.shape_cast %swap3A_421 : vector<1x16xf32> to vector<16xf32>
          %swap3A_423 = vector.shape_cast %exp3A_418 : vector<16xf32> to vector<1x16xf32>
          tpu.vector_store %arg10[%swap3A_419, %swap3A_420], %swap3A_423 {strides = array<i32>} : memref<100x144xf32, #tpu.memory_space<vmem>>, vector<1x16xf32>,
          %get3A_424 = arith.index_cast %add3A_400 : i32 to index
          %get3A_425 = arith.constant 0 : index
          %get3A_426 = tpu.vector_load %arg10[%get3A_424, %get3A_425] {strides = array<i32>} : memref<100x144xf32, #tpu.memory_space<vmem>>, vector<1x16xf32>,
          %get3A_427 = vector.shape_cast %get3A_426 : vector<1x16xf32> to vector<16xf32>
          %slice3A_428 = vector.extract_strided_slice %exp3A_418 {offsets = [0], sizes = [1], strides = [1]} : vector<16xf32> to vector<1xf32>
          %squeeze3A_429 = vector.extract %slice3A_428[0] : f32 from vector<1xf32>
          %mul3A_430 = vector.broadcast %squeeze3A_429 : f32 to vector<16xf32>
          %mul3A_431 = arith.mulf %get3A_427, %mul3A_430 : vector<16xf32>
          %swap3A_432 = arith.index_cast %add3A_400 : i32 to index
          %swap3A_433 = arith.constant 0 : index
          %swap3A_434 = tpu.vector_load %arg10[%swap3A_432, %swap3A_433] {strides = array<i32>} : memref<100x144xf32, #tpu.memory_space<vmem>>, vector<1x16xf32>,
          %swap3A_435 = vector.shape_cast %swap3A_434 : vector<1x16xf32> to vector<16xf32>
          %swap3A_436 = vector.shape_cast %mul3A_431 : vector<16xf32> to vector<1x16xf32>
          tpu.vector_store %arg10[%swap3A_432, %swap3A_433], %swap3A_436 {strides = array<i32>} : memref<100x144xf32, #tpu.memory_space<vmem>>, vector<1x16xf32>,
          %get3A_437 = arith.index_cast %add3A_400 : i32 to index
          %get3A_438 = arith.constant 16 : index
          %get3A_439 = tpu.vector_load %arg10[%get3A_437, %get3A_438] {strides = array<i32>} : memref<100x144xf32, #tpu.memory_space<vmem>>, vector<1x16xf32>,
          %get3A_440 = vector.shape_cast %get3A_439 : vector<1x16xf32> to vector<16xf32>
          %slice3A_441 = vector.extract_strided_slice %exp3A_418 {offsets = [1], sizes = [1], strides = [1]} : vector<16xf32> to vector<1xf32>
          %squeeze3A_442 = vector.extract %slice3A_441[0] : f32 from vector<1xf32>
          %mul3A_443 = vector.broadcast %squeeze3A_442 : f32 to vector<16xf32>
          %mul3A_444 = arith.mulf %get3A_440, %mul3A_443 : vector<16xf32>
          %swap3A_445 = arith.index_cast %add3A_400 : i32 to index
          %swap3A_446 = arith.constant 16 : index
          %swap3A_447 = tpu.vector_load %arg10[%swap3A_445, %swap3A_446] {strides = array<i32>} : memref<100x144xf32, #tpu.memory_space<vmem>>, vector<1x16xf32>,
          %swap3A_448 = vector.shape_cast %swap3A_447 : vector<1x16xf32> to vector<16xf32>
          %swap3A_449 = vector.shape_cast %mul3A_444 : vector<16xf32> to vector<1x16xf32>
          tpu.vector_store %arg10[%swap3A_445, %swap3A_446], %swap3A_449 {strides = array<i32>} : memref<100x144xf32, #tpu.memory_space<vmem>>, vector<1x16xf32>,
          %get3A_450 = arith.index_cast %add3A_400 : i32 to index
          %get3A_451 = arith.constant 32 : index
          %get3A_452 = tpu.vector_load %arg10[%get3A_450, %get3A_451] {strides = array<i32>} : memref<100x144xf32, #tpu.memory_space<vmem>>, vector<1x16xf32>,
          %get3A_453 = vector.shape_cast %get3A_452 : vector<1x16xf32> to vector<16xf32>
          %slice3A_454 = vector.extract_strided_slice %exp3A_418 {offsets = [2], sizes = [1], strides = [1]} : vector<16xf32> to vector<1xf32>
          %squeeze3A_455 = vector.extract %slice3A_454[0] : f32 from vector<1xf32>
          %mul3A_456 = vector.broadcast %squeeze3A_455 : f32 to vector<16xf32>
          %mul3A_457 = arith.mulf %get3A_453, %mul3A_456 : vector<16xf32>
          %swap3A_458 = arith.index_cast %add3A_400 : i32 to index
          %swap3A_459 = arith.constant 32 : index
          %swap3A_460 = tpu.vector_load %arg10[%swap3A_458, %swap3A_459] {strides = array<i32>} : memref<100x144xf32, #tpu.memory_space<vmem>>, vector<1x16xf32>,
          %swap3A_461 = vector.shape_cast %swap3A_460 : vector<1x16xf32> to vector<16xf32>
          %swap3A_462 = vector.shape_cast %mul3A_457 : vector<16xf32> to vector<1x16xf32>
          tpu.vector_store %arg10[%swap3A_458, %swap3A_459], %swap3A_462 {strides = array<i32>} : memref<100x144xf32, #tpu.memory_space<vmem>>, vector<1x16xf32>,
          %get3A_463 = arith.index_cast %add3A_400 : i32 to index
          %get3A_464 = arith.constant 48 : index
          %get3A_465 = tpu.vector_load %arg10[%get3A_463, %get3A_464] {strides = array<i32>} : memref<100x144xf32, #tpu.memory_space<vmem>>, vector<1x16xf32>,
          %get3A_466 = vector.shape_cast %get3A_465 : vector<1x16xf32> to vector<16xf32>
          %slice3A_467 = vector.extract_strided_slice %exp3A_418 {offsets = [3], sizes = [1], strides = [1]} : vector<16xf32> to vector<1xf32>
          %squeeze3A_468 = vector.extract %slice3A_467[0] : f32 from vector<1xf32>
          %mul3A_469 = vector.broadcast %squeeze3A_468 : f32 to vector<16xf32>
          %mul3A_470 = arith.mulf %get3A_466, %mul3A_469 : vector<16xf32>
          %swap3A_471 = arith.index_cast %add3A_400 : i32 to index
          %swap3A_472 = arith.constant 48 : index
          %swap3A_473 = tpu.vector_load %arg10[%swap3A_471, %swap3A_472] {strides = array<i32>} : memref<100x144xf32, #tpu.memory_space<vmem>>, vector<1x16xf32>,
          %swap3A_474 = vector.shape_cast %swap3A_473 : vector<1x16xf32> to vector<16xf32>
          %swap3A_475 = vector.shape_cast %mul3A_470 : vector<16xf32> to vector<1x16xf32>
          tpu.vector_store %arg10[%swap3A_471, %swap3A_472], %swap3A_475 {strides = array<i32>} : memref<100x144xf32, #tpu.memory_space<vmem>>, vector<1x16xf32>,
          %get3A_476 = arith.index_cast %add3A_400 : i32 to index
          %get3A_477 = arith.constant 64 : index
          %get3A_478 = tpu.vector_load %arg10[%get3A_476, %get3A_477] {strides = array<i32>} : memref<100x144xf32, #tpu.memory_space<vmem>>, vector<1x16xf32>,
          %get3A_479 = vector.shape_cast %get3A_478 : vector<1x16xf32> to vector<16xf32>
          %slice3A_480 = vector.extract_strided_slice %exp3A_418 {offsets = [4], sizes = [1], strides = [1]} : vector<16xf32> to vector<1xf32>
          %squeeze3A_481 = vector.extract %slice3A_480[0] : f32 from vector<1xf32>
          %mul3A_482 = vector.broadcast %squeeze3A_481 : f32 to vector<16xf32>
          %mul3A_483 = arith.mulf %get3A_479, %mul3A_482 : vector<16xf32>
          %swap3A_484 = arith.index_cast %add3A_400 : i32 to index
          %swap3A_485 = arith.constant 64 : index
          %swap3A_486 = tpu.vector_load %arg10[%swap3A_484, %swap3A_485] {strides = array<i32>} : memref<100x144xf32, #tpu.memory_space<vmem>>, vector<1x16xf32>,
          %swap3A_487 = vector.shape_cast %swap3A_486 : vector<1x16xf32> to vector<16xf32>
          %swap3A_488 = vector.shape_cast %mul3A_483 : vector<16xf32> to vector<1x16xf32>
          tpu.vector_store %arg10[%swap3A_484, %swap3A_485], %swap3A_488 {strides = array<i32>} : memref<100x144xf32, #tpu.memory_space<vmem>>, vector<1x16xf32>,
          %get3A_489 = arith.index_cast %add3A_400 : i32 to index
          %get3A_490 = arith.constant 80 : index
          %get3A_491 = tpu.vector_load %arg10[%get3A_489, %get3A_490] {strides = array<i32>} : memref<100x144xf32, #tpu.memory_space<vmem>>, vector<1x16xf32>,
          %get3A_492 = vector.shape_cast %get3A_491 : vector<1x16xf32> to vector<16xf32>
          %slice3A_493 = vector.extract_strided_slice %exp3A_418 {offsets = [5], sizes = [1], strides = [1]} : vector<16xf32> to vector<1xf32>
          %squeeze3A_494 = vector.extract %slice3A_493[0] : f32 from vector<1xf32>
          %mul3A_495 = vector.broadcast %squeeze3A_494 : f32 to vector<16xf32>
          %mul3A_496 = arith.mulf %get3A_492, %mul3A_495 : vector<16xf32>
          %swap3A_497 = arith.index_cast %add3A_400 : i32 to index
          %swap3A_498 = arith.constant 80 : index
          %swap3A_499 = tpu.vector_load %arg10[%swap3A_497, %swap3A_498] {strides = array<i32>} : memref<100x144xf32, #tpu.memory_space<vmem>>, vector<1x16xf32>,
          %swap3A_500 = vector.shape_cast %swap3A_499 : vector<1x16xf32> to vector<16xf32>
          %swap3A_501 = vector.shape_cast %mul3A_496 : vector<16xf32> to vector<1x16xf32>
          tpu.vector_store %arg10[%swap3A_497, %swap3A_498], %swap3A_501 {strides = array<i32>} : memref<100x144xf32, #tpu.memory_space<vmem>>, vector<1x16xf32>,
          %get3A_502 = arith.index_cast %add3A_400 : i32 to index
          %get3A_503 = arith.constant 96 : index
          %get3A_504 = tpu.vector_load %arg10[%get3A_502, %get3A_503] {strides = array<i32>} : memref<100x144xf32, #tpu.memory_space<vmem>>, vector<1x16xf32>,
          %get3A_505 = vector.shape_cast %get3A_504 : vector<1x16xf32> to vector<16xf32>
          %slice3A_506 = vector.extract_strided_slice %exp3A_418 {offsets = [6], sizes = [1], strides = [1]} : vector<16xf32> to vector<1xf32>
          %squeeze3A_507 = vector.extract %slice3A_506[0] : f32 from vector<1xf32>
          %mul3A_508 = vector.broadcast %squeeze3A_507 : f32 to vector<16xf32>
          %mul3A_509 = arith.mulf %get3A_505, %mul3A_508 : vector<16xf32>
          %swap3A_510 = arith.index_cast %add3A_400 : i32 to index
          %swap3A_511 = arith.constant 96 : index
          %swap3A_512 = tpu.vector_load %arg10[%swap3A_510, %swap3A_511] {strides = array<i32>} : memref<100x144xf32, #tpu.memory_space<vmem>>, vector<1x16xf32>,
          %swap3A_513 = vector.shape_cast %swap3A_512 : vector<1x16xf32> to vector<16xf32>
          %swap3A_514 = vector.shape_cast %mul3A_509 : vector<16xf32> to vector<1x16xf32>
          tpu.vector_store %arg10[%swap3A_510, %swap3A_511], %swap3A_514 {strides = array<i32>} : memref<100x144xf32, #tpu.memory_space<vmem>>, vector<1x16xf32>,
          %get3A_515 = arith.index_cast %add3A_400 : i32 to index
          %get3A_516 = arith.constant 112 : index
          %get3A_517 = tpu.vector_load %arg10[%get3A_515, %get3A_516] {strides = array<i32>} : memref<100x144xf32, #tpu.memory_space<vmem>>, vector<1x16xf32>,
          %get3A_518 = vector.shape_cast %get3A_517 : vector<1x16xf32> to vector<16xf32>
          %slice3A_519 = vector.extract_strided_slice %exp3A_418 {offsets = [7], sizes = [1], strides = [1]} : vector<16xf32> to vector<1xf32>
          %squeeze3A_520 = vector.extract %slice3A_519[0] : f32 from vector<1xf32>
          %mul3A_521 = vector.broadcast %squeeze3A_520 : f32 to vector<16xf32>
          %mul3A_522 = arith.mulf %get3A_518, %mul3A_521 : vector<16xf32>
          %swap3A_523 = arith.index_cast %add3A_400 : i32 to index
          %swap3A_524 = arith.constant 112 : index
          %swap3A_525 = tpu.vector_load %arg10[%swap3A_523, %swap3A_524] {strides = array<i32>} : memref<100x144xf32, #tpu.memory_space<vmem>>, vector<1x16xf32>,
          %swap3A_526 = vector.shape_cast %swap3A_525 : vector<1x16xf32> to vector<16xf32>
          %swap3A_527 = vector.shape_cast %mul3A_522 : vector<16xf32> to vector<1x16xf32>
          tpu.vector_store %arg10[%swap3A_523, %swap3A_524], %swap3A_527 {strides = array<i32>} : memref<100x144xf32, #tpu.memory_space<vmem>>, vector<1x16xf32>,
          %scan3A_528 = arith.constant 3 : i32
          %scan3A_529 = arith.addi %scan3A_137, %scan3A_528 : i32
          %mul3A_530 = arith.constant 1 : i32
          %mul3A_531 = arith.muli %scan3A_529, %mul3A_530 : i32
          %add3A_532 = arith.constant 0 : i32
          %add3A_533 = arith.addi %add3A_532, %mul3A_531 : i32
          %get3A_534 = arith.index_cast %add3A_533 : i32 to index
          %get3A_535 = arith.constant 128 : index
          %get3A_536 = tpu.vector_load %arg10[%get3A_534, %get3A_535] {strides = array<i32>} : memref<100x144xf32, #tpu.memory_space<vmem>>, vector<1x16xf32>,
          %get3A_537 = vector.shape_cast %get3A_536 : vector<1x16xf32> to vector<16xf32>
          %get3A_538 = arith.index_cast %add3A_533 : i32 to index
          %get3A_539 = arith.constant 0 : index
          %get3A_540 = tpu.vector_load %arg12[%get3A_538, %get3A_539] {strides = array<i32>} : memref<100x16xf32, #tpu.memory_space<vmem>>, vector<1x16xf32>,
          %get3A_541 = vector.shape_cast %get3A_540 : vector<1x16xf32> to vector<16xf32>
          %add3A_542 = arith.addf %get3A_537, %get3A_541 : vector<16xf32>
          %ge3A_543 = arith.constant 0.000000e+00 : f32
          %ge3A_544 = vector.broadcast %ge3A_543 : f32 to vector<16xf32>
          %ge3A_545 = arith.cmpf oge, %add3A_542, %ge3A_544 : vector<16xf32>
          %mul3A_546 = arith.constant 2.000000e-01 : f32
          %mul3A_547 = vector.broadcast %mul3A_546 : f32 to vector<16xf32>
          %mul3A_548 = arith.mulf %mul3A_547, %add3A_542 : vector<16xf32>
          %select_n3A_549 = arith.select %ge3A_545, %add3A_542, %mul3A_548 : vector<16xi1>, vector<16xf32>
          %sub3A_550 = arith.subf %select_n3A_549, %get3A_8 : vector<16xf32>
          %exp3A_551 = math.exp %sub3A_550 : vector<16xf32>
          %swap3A_552 = arith.index_cast %add3A_533 : i32 to index
          %swap3A_553 = arith.constant 128 : index
          %swap3A_554 = tpu.vector_load %arg10[%swap3A_552, %swap3A_553] {strides = array<i32>} : memref<100x144xf32, #tpu.memory_space<vmem>>, vector<1x16xf32>,
          %swap3A_555 = vector.shape_cast %swap3A_554 : vector<1x16xf32> to vector<16xf32>
          %swap3A_556 = vector.shape_cast %exp3A_551 : vector<16xf32> to vector<1x16xf32>
          tpu.vector_store %arg10[%swap3A_552, %swap3A_553], %swap3A_556 {strides = array<i32>} : memref<100x144xf32, #tpu.memory_space<vmem>>, vector<1x16xf32>,
          %get3A_557 = arith.index_cast %add3A_533 : i32 to index
          %get3A_558 = arith.constant 0 : index
          %get3A_559 = tpu.vector_load %arg10[%get3A_557, %get3A_558] {strides = array<i32>} : memref<100x144xf32, #tpu.memory_space<vmem>>, vector<1x16xf32>,
          %get3A_560 = vector.shape_cast %get3A_559 : vector<1x16xf32> to vector<16xf32>
          %slice3A_561 = vector.extract_strided_slice %exp3A_551 {offsets = [0], sizes = [1], strides = [1]} : vector<16xf32> to vector<1xf32>
          %squeeze3A_562 = vector.extract %slice3A_561[0] : f32 from vector<1xf32>
          %mul3A_563 = vector.broadcast %squeeze3A_562 : f32 to vector<16xf32>
          %mul3A_564 = arith.mulf %get3A_560, %mul3A_563 : vector<16xf32>
          %swap3A_565 = arith.index_cast %add3A_533 : i32 to index
          %swap3A_566 = arith.constant 0 : index
          %swap3A_567 = tpu.vector_load %arg10[%swap3A_565, %swap3A_566] {strides = array<i32>} : memref<100x144xf32, #tpu.memory_space<vmem>>, vector<1x16xf32>,
          %swap3A_568 = vector.shape_cast %swap3A_567 : vector<1x16xf32> to vector<16xf32>
          %swap3A_569 = vector.shape_cast %mul3A_564 : vector<16xf32> to vector<1x16xf32>
          tpu.vector_store %arg10[%swap3A_565, %swap3A_566], %swap3A_569 {strides = array<i32>} : memref<100x144xf32, #tpu.memory_space<vmem>>, vector<1x16xf32>,
          %get3A_570 = arith.index_cast %add3A_533 : i32 to index
          %get3A_571 = arith.constant 16 : index
          %get3A_572 = tpu.vector_load %arg10[%get3A_570, %get3A_571] {strides = array<i32>} : memref<100x144xf32, #tpu.memory_space<vmem>>, vector<1x16xf32>,
          %get3A_573 = vector.shape_cast %get3A_572 : vector<1x16xf32> to vector<16xf32>
          %slice3A_574 = vector.extract_strided_slice %exp3A_551 {offsets = [1], sizes = [1], strides = [1]} : vector<16xf32> to vector<1xf32>
          %squeeze3A_575 = vector.extract %slice3A_574[0] : f32 from vector<1xf32>
          %mul3A_576 = vector.broadcast %squeeze3A_575 : f32 to vector<16xf32>
          %mul3A_577 = arith.mulf %get3A_573, %mul3A_576 : vector<16xf32>
          %swap3A_578 = arith.index_cast %add3A_533 : i32 to index
          %swap3A_579 = arith.constant 16 : index
          %swap3A_580 = tpu.vector_load %arg10[%swap3A_578, %swap3A_579] {strides = array<i32>} : memref<100x144xf32, #tpu.memory_space<vmem>>, vector<1x16xf32>,
          %swap3A_581 = vector.shape_cast %swap3A_580 : vector<1x16xf32> to vector<16xf32>
          %swap3A_582 = vector.shape_cast %mul3A_577 : vector<16xf32> to vector<1x16xf32>
          tpu.vector_store %arg10[%swap3A_578, %swap3A_579], %swap3A_582 {strides = array<i32>} : memref<100x144xf32, #tpu.memory_space<vmem>>, vector<1x16xf32>,
          %get3A_583 = arith.index_cast %add3A_533 : i32 to index
          %get3A_584 = arith.constant 32 : index
          %get3A_585 = tpu.vector_load %arg10[%get3A_583, %get3A_584] {strides = array<i32>} : memref<100x144xf32, #tpu.memory_space<vmem>>, vector<1x16xf32>,
          %get3A_586 = vector.shape_cast %get3A_585 : vector<1x16xf32> to vector<16xf32>
          %slice3A_587 = vector.extract_strided_slice %exp3A_551 {offsets = [2], sizes = [1], strides = [1]} : vector<16xf32> to vector<1xf32>
          %squeeze3A_588 = vector.extract %slice3A_587[0] : f32 from vector<1xf32>
          %mul3A_589 = vector.broadcast %squeeze3A_588 : f32 to vector<16xf32>
          %mul3A_590 = arith.mulf %get3A_586, %mul3A_589 : vector<16xf32>
          %swap3A_591 = arith.index_cast %add3A_533 : i32 to index
          %swap3A_592 = arith.constant 32 : index
          %swap3A_593 = tpu.vector_load %arg10[%swap3A_591, %swap3A_592] {strides = array<i32>} : memref<100x144xf32, #tpu.memory_space<vmem>>, vector<1x16xf32>,
          %swap3A_594 = vector.shape_cast %swap3A_593 : vector<1x16xf32> to vector<16xf32>
          %swap3A_595 = vector.shape_cast %mul3A_590 : vector<16xf32> to vector<1x16xf32>
          tpu.vector_store %arg10[%swap3A_591, %swap3A_592], %swap3A_595 {strides = array<i32>} : memref<100x144xf32, #tpu.memory_space<vmem>>, vector<1x16xf32>,
          %get3A_596 = arith.index_cast %add3A_533 : i32 to index
          %get3A_597 = arith.constant 48 : index
          %get3A_598 = tpu.vector_load %arg10[%get3A_596, %get3A_597] {strides = array<i32>} : memref<100x144xf32, #tpu.memory_space<vmem>>, vector<1x16xf32>,
          %get3A_599 = vector.shape_cast %get3A_598 : vector<1x16xf32> to vector<16xf32>
          %slice3A_600 = vector.extract_strided_slice %exp3A_551 {offsets = [3], sizes = [1], strides = [1]} : vector<16xf32> to vector<1xf32>
          %squeeze3A_601 = vector.extract %slice3A_600[0] : f32 from vector<1xf32>
          %mul3A_602 = vector.broadcast %squeeze3A_601 : f32 to vector<16xf32>
          %mul3A_603 = arith.mulf %get3A_599, %mul3A_602 : vector<16xf32>
          %swap3A_604 = arith.index_cast %add3A_533 : i32 to index
          %swap3A_605 = arith.constant 48 : index
          %swap3A_606 = tpu.vector_load %arg10[%swap3A_604, %swap3A_605] {strides = array<i32>} : memref<100x144xf32, #tpu.memory_space<vmem>>, vector<1x16xf32>,
          %swap3A_607 = vector.shape_cast %swap3A_606 : vector<1x16xf32> to vector<16xf32>
          %swap3A_608 = vector.shape_cast %mul3A_603 : vector<16xf32> to vector<1x16xf32>
          tpu.vector_store %arg10[%swap3A_604, %swap3A_605], %swap3A_608 {strides = array<i32>} : memref<100x144xf32, #tpu.memory_space<vmem>>, vector<1x16xf32>,
          %get3A_609 = arith.index_cast %add3A_533 : i32 to index
          %get3A_610 = arith.constant 64 : index
          %get3A_611 = tpu.vector_load %arg10[%get3A_609, %get3A_610] {strides = array<i32>} : memref<100x144xf32, #tpu.memory_space<vmem>>, vector<1x16xf32>,
          %get3A_612 = vector.shape_cast %get3A_611 : vector<1x16xf32> to vector<16xf32>
          %slice3A_613 = vector.extract_strided_slice %exp3A_551 {offsets = [4], sizes = [1], strides = [1]} : vector<16xf32> to vector<1xf32>
          %squeeze3A_614 = vector.extract %slice3A_613[0] : f32 from vector<1xf32>
          %mul3A_615 = vector.broadcast %squeeze3A_614 : f32 to vector<16xf32>
          %mul3A_616 = arith.mulf %get3A_612, %mul3A_615 : vector<16xf32>
          %swap3A_617 = arith.index_cast %add3A_533 : i32 to index
          %swap3A_618 = arith.constant 64 : index
          %swap3A_619 = tpu.vector_load %arg10[%swap3A_617, %swap3A_618] {strides = array<i32>} : memref<100x144xf32, #tpu.memory_space<vmem>>, vector<1x16xf32>,
          %swap3A_620 = vector.shape_cast %swap3A_619 : vector<1x16xf32> to vector<16xf32>
          %swap3A_621 = vector.shape_cast %mul3A_616 : vector<16xf32> to vector<1x16xf32>
          tpu.vector_store %arg10[%swap3A_617, %swap3A_618], %swap3A_621 {strides = array<i32>} : memref<100x144xf32, #tpu.memory_space<vmem>>, vector<1x16xf32>,
          %get3A_622 = arith.index_cast %add3A_533 : i32 to index
          %get3A_623 = arith.constant 80 : index
          %get3A_624 = tpu.vector_load %arg10[%get3A_622, %get3A_623] {strides = array<i32>} : memref<100x144xf32, #tpu.memory_space<vmem>>, vector<1x16xf32>,
          %get3A_625 = vector.shape_cast %get3A_624 : vector<1x16xf32> to vector<16xf32>
          %slice3A_626 = vector.extract_strided_slice %exp3A_551 {offsets = [5], sizes = [1], strides = [1]} : vector<16xf32> to vector<1xf32>
          %squeeze3A_627 = vector.extract %slice3A_626[0] : f32 from vector<1xf32>
          %mul3A_628 = vector.broadcast %squeeze3A_627 : f32 to vector<16xf32>
          %mul3A_629 = arith.mulf %get3A_625, %mul3A_628 : vector<16xf32>
          %swap3A_630 = arith.index_cast %add3A_533 : i32 to index
          %swap3A_631 = arith.constant 80 : index
          %swap3A_632 = tpu.vector_load %arg10[%swap3A_630, %swap3A_631] {strides = array<i32>} : memref<100x144xf32, #tpu.memory_space<vmem>>, vector<1x16xf32>,
          %swap3A_633 = vector.shape_cast %swap3A_632 : vector<1x16xf32> to vector<16xf32>
          %swap3A_634 = vector.shape_cast %mul3A_629 : vector<16xf32> to vector<1x16xf32>
          tpu.vector_store %arg10[%swap3A_630, %swap3A_631], %swap3A_634 {strides = array<i32>} : memref<100x144xf32, #tpu.memory_space<vmem>>, vector<1x16xf32>,
          %get3A_635 = arith.index_cast %add3A_533 : i32 to index
          %get3A_636 = arith.constant 96 : index
          %get3A_637 = tpu.vector_load %arg10[%get3A_635, %get3A_636] {strides = array<i32>} : memref<100x144xf32, #tpu.memory_space<vmem>>, vector<1x16xf32>,
          %get3A_638 = vector.shape_cast %get3A_637 : vector<1x16xf32> to vector<16xf32>
          %slice3A_639 = vector.extract_strided_slice %exp3A_551 {offsets = [6], sizes = [1], strides = [1]} : vector<16xf32> to vector<1xf32>
          %squeeze3A_640 = vector.extract %slice3A_639[0] : f32 from vector<1xf32>
          %mul3A_641 = vector.broadcast %squeeze3A_640 : f32 to vector<16xf32>
          %mul3A_642 = arith.mulf %get3A_638, %mul3A_641 : vector<16xf32>
          %swap3A_643 = arith.index_cast %add3A_533 : i32 to index
          %swap3A_644 = arith.constant 96 : index
          %swap3A_645 = tpu.vector_load %arg10[%swap3A_643, %swap3A_644] {strides = array<i32>} : memref<100x144xf32, #tpu.memory_space<vmem>>, vector<1x16xf32>,
          %swap3A_646 = vector.shape_cast %swap3A_645 : vector<1x16xf32> to vector<16xf32>
          %swap3A_647 = vector.shape_cast %mul3A_642 : vector<16xf32> to vector<1x16xf32>
          tpu.vector_store %arg10[%swap3A_643, %swap3A_644], %swap3A_647 {strides = array<i32>} : memref<100x144xf32, #tpu.memory_space<vmem>>, vector<1x16xf32>,
          %get3A_648 = arith.index_cast %add3A_533 : i32 to index
          %get3A_649 = arith.constant 112 : index
          %get3A_650 = tpu.vector_load %arg10[%get3A_648, %get3A_649] {strides = array<i32>} : memref<100x144xf32, #tpu.memory_space<vmem>>, vector<1x16xf32>,
          %get3A_651 = vector.shape_cast %get3A_650 : vector<1x16xf32> to vector<16xf32>
          %slice3A_652 = vector.extract_strided_slice %exp3A_551 {offsets = [7], sizes = [1], strides = [1]} : vector<16xf32> to vector<1xf32>
          %squeeze3A_653 = vector.extract %slice3A_652[0] : f32 from vector<1xf32>
          %mul3A_654 = vector.broadcast %squeeze3A_653 : f32 to vector<16xf32>
          %mul3A_655 = arith.mulf %get3A_651, %mul3A_654 : vector<16xf32>
          %swap3A_656 = arith.index_cast %add3A_533 : i32 to index
          %swap3A_657 = arith.constant 112 : index
          %swap3A_658 = tpu.vector_load %arg10[%swap3A_656, %swap3A_657] {strides = array<i32>} : memref<100x144xf32, #tpu.memory_space<vmem>>, vector<1x16xf32>,
          %swap3A_659 = vector.shape_cast %swap3A_658 : vector<1x16xf32> to vector<16xf32>
          %swap3A_660 = vector.shape_cast %mul3A_655 : vector<16xf32> to vector<1x16xf32>
          tpu.vector_store %arg10[%swap3A_656, %swap3A_657], %swap3A_660 {strides = array<i32>} : memref<100x144xf32, #tpu.memory_space<vmem>>, vector<1x16xf32>,
        }
        %scan3A_102 = arith.constant 100 : i32
        %dma_start3A_103 = arith.constant 0 : i32
        %dma_start3A_104 = tpu.memref_slice %arg14[%add3A_85, %dma_start3A_103] : memref<20x100xi32, #tpu.memory_space<vmem>> -> memref<1x100xi32, #tpu.memory_space<vmem>>
        %dma_start3A_105 = tpu.memref_squeeze %dma_start3A_104 : memref<1x100xi32, #tpu.memory_space<vmem>> -> memref<100xi32, #tpu.memory_space<vmem>>
        %dma_start3A_106 = arith.constant 0 : i32
        %dma_start3A_107 = arith.constant 0 : i32
        %dma_start3A_108 = tpu.memref_slice %arg16[%dma_start3A_106, %dma_start3A_107] : memref<10000x144xf32, #tpu.memory_space<vmem_shared>> -> memref<10000x144xf32, #tpu.memory_space<vmem_shared>>
        tpu.enqueue_indirect_dma source(%arg10 : memref<100x144xf32, #tpu.memory_space<vmem>>) target(%dma_start3A_108 : memref<10000x144xf32, #tpu.memory_space<vmem_shared>>) offsets(%dma_start3A_105 : memref<100xi32, #tpu.memory_space<vmem>>) semaphore(%arg22 : memref<!tpu.dma_semaphore, #tpu.memory_space<semaphore_mem>>) {add = true}
        %dma_wait3A_109 = arith.constant 0 : i32
        %dma_wait3A_110 = tpu.memref_slice %arg14[%mul3A_61, %dma_wait3A_109] : memref<20x100xi32, #tpu.memory_space<vmem>> -> memref<1x100xi32, #tpu.memory_space<vmem>>
        %dma_wait3A_111 = tpu.memref_squeeze %dma_wait3A_110 : memref<1x100xi32, #tpu.memory_space<vmem>> -> memref<100xi32, #tpu.memory_space<vmem>>
        %dma_wait3A_112 = arith.constant 0 : i32
        %dma_wait3A_113 = arith.constant 0 : i32
        %dma_wait3A_114 = tpu.memref_slice %arg16[%dma_wait3A_112, %dma_wait3A_113] : memref<10000x144xf32, #tpu.memory_space<vmem_shared>> -> memref<10000x144xf32, #tpu.memory_space<vmem_shared>>
        tpu.wait_indirect_dma semaphore(%arg21 : memref<!tpu.dma_semaphore, #tpu.memory_space<semaphore_mem>>) src(%arg9 : memref<100x144xf32, #tpu.memory_space<vmem>>) dst(%dma_wait3A_114 : memref<10000x144xf32, #tpu.memory_space<vmem_shared>>)
        %add3A_115 = arith.constant 2 : i32
        %add3A_116 = arith.addi %mul3A_61, %add3A_115 : i32
        %lt3A_117 = arith.constant 20 : i32
        %lt3A_118 = arith.cmpi slt, %add3A_116, %lt3A_117 : i32
        %convert_element_type3A_119 = arith.extui %lt3A_118 : i1 to i32
        %cond3A_120 = arith.constant 0 : i32
        %cond3A_121 = arith.cmpi ne, %convert_element_type3A_119, %cond3A_120 : i32
        scf.if %cond3A_121 {
          %add3A_137 = arith.constant 2 : i32
          %add3A_138 = arith.addi %mul3A_61, %add3A_137 : i32
          %dma_start3A_139 = arith.constant 0 : i32
          %dma_start3A_140 = tpu.memref_slice %arg13[%add3A_138, %dma_start3A_139] : memref<20x100xi32, #tpu.memory_space<vmem>> -> memref<1x100xi32, #tpu.memory_space<vmem>>
          %dma_start3A_141 = tpu.memref_squeeze %dma_start3A_140 : memref<1x100xi32, #tpu.memory_space<vmem>> -> memref<100xi32, #tpu.memory_space<vmem>>
          %dma_start3A_142 = arith.constant 0 : i32
          %dma_start3A_143 = arith.constant 0 : i32
          %dma_start3A_144 = tpu.memref_slice %arg2[%dma_start3A_142, %dma_start3A_143] : memref<10000x144xf32, #tpu.memory_space<hbm>> -> memref<10000x144xf32, #tpu.memory_space<hbm>>
          tpu.enqueue_indirect_dma source(%dma_start3A_144 : memref<10000x144xf32, #tpu.memory_space<hbm>>) target(%arg9 : memref<100x144xf32, #tpu.memory_space<vmem>>) offsets(%dma_start3A_141 : memref<100xi32, #tpu.memory_space<vmem>>) semaphore(%arg17 : memref<!tpu.dma_semaphore, #tpu.memory_space<semaphore_mem>>)
          %dma_start3A_145 = arith.constant 0 : i32
          %dma_start3A_146 = tpu.memref_slice %arg14[%add3A_138, %dma_start3A_145] : memref<20x100xi32, #tpu.memory_space<vmem>> -> memref<1x100xi32, #tpu.memory_space<vmem>>
          %dma_start3A_147 = tpu.memref_squeeze %dma_start3A_146 : memref<1x100xi32, #tpu.memory_space<vmem>> -> memref<100xi32, #tpu.memory_space<vmem>>
          %dma_start3A_148 = arith.constant 0 : i32
          %dma_start3A_149 = arith.constant 0 : i32
          %dma_start3A_150 = tpu.memref_slice %arg3[%dma_start3A_148, %dma_start3A_149] : memref<10000x16xf32, #tpu.memory_space<hbm>> -> memref<10000x16xf32, #tpu.memory_space<hbm>>
          tpu.enqueue_indirect_dma source(%dma_start3A_150 : memref<10000x16xf32, #tpu.memory_space<hbm>>) target(%arg11 : memref<100x16xf32, #tpu.memory_space<vmem>>) offsets(%dma_start3A_147 : memref<100xi32, #tpu.memory_space<vmem>>) semaphore(%arg19 : memref<!tpu.dma_semaphore, #tpu.memory_space<semaphore_mem>>)
        } else {
        }
        %add3A_122 = arith.constant 1 : i32
        %add3A_123 = arith.addi %mul3A_61, %add3A_122 : i32
        %dma_wait3A_124 = arith.constant 0 : i32
        %dma_wait3A_125 = tpu.memref_slice %arg14[%add3A_123, %dma_wait3A_124] : memref<20x100xi32, #tpu.memory_space<vmem>> -> memref<1x100xi32, #tpu.memory_space<vmem>>
        %dma_wait3A_126 = tpu.memref_squeeze %dma_wait3A_125 : memref<1x100xi32, #tpu.memory_space<vmem>> -> memref<100xi32, #tpu.memory_space<vmem>>
        %dma_wait3A_127 = arith.constant 0 : i32
        %dma_wait3A_128 = arith.constant 0 : i32
        %dma_wait3A_129 = tpu.memref_slice %arg16[%dma_wait3A_127, %dma_wait3A_128] : memref<10000x144xf32, #tpu.memory_space<vmem_shared>> -> memref<10000x144xf32, #tpu.memory_space<vmem_shared>>
        tpu.wait_indirect_dma semaphore(%arg22 : memref<!tpu.dma_semaphore, #tpu.memory_space<semaphore_mem>>) src(%arg10 : memref<100x144xf32, #tpu.memory_space<vmem>>) dst(%dma_wait3A_129 : memref<10000x144xf32, #tpu.memory_space<vmem_shared>>)
        %add3A_130 = arith.constant 3 : i32
        %add3A_131 = arith.addi %mul3A_61, %add3A_130 : i32
        %lt3A_132 = arith.constant 20 : i32
        %lt3A_133 = arith.cmpi slt, %add3A_131, %lt3A_132 : i32
        %convert_element_type3A_134 = arith.extui %lt3A_133 : i1 to i32
        %cond3A_135 = arith.constant 0 : i32
        %cond3A_136 = arith.cmpi ne, %convert_element_type3A_134, %cond3A_135 : i32
        scf.if %cond3A_136 {
          %add3A_137 = arith.constant 3 : i32
          %add3A_138 = arith.addi %mul3A_61, %add3A_137 : i32
          %dma_start3A_139 = arith.constant 0 : i32
          %dma_start3A_140 = tpu.memref_slice %arg13[%add3A_138, %dma_start3A_139] : memref<20x100xi32, #tpu.memory_space<vmem>> -> memref<1x100xi32, #tpu.memory_space<vmem>>
          %dma_start3A_141 = tpu.memref_squeeze %dma_start3A_140 : memref<1x100xi32, #tpu.memory_space<vmem>> -> memref<100xi32, #tpu.memory_space<vmem>>
          %dma_start3A_142 = arith.constant 0 : i32
          %dma_start3A_143 = arith.constant 0 : i32
          %dma_start3A_144 = tpu.memref_slice %arg2[%dma_start3A_142, %dma_start3A_143] : memref<10000x144xf32, #tpu.memory_space<hbm>> -> memref<10000x144xf32, #tpu.memory_space<hbm>>
          tpu.enqueue_indirect_dma source(%dma_start3A_144 : memref<10000x144xf32, #tpu.memory_space<hbm>>) target(%arg10 : memref<100x144xf32, #tpu.memory_space<vmem>>) offsets(%dma_start3A_141 : memref<100xi32, #tpu.memory_space<vmem>>) semaphore(%arg18 : memref<!tpu.dma_semaphore, #tpu.memory_space<semaphore_mem>>)
          %dma_start3A_145 = arith.constant 0 : i32
          %dma_start3A_146 = tpu.memref_slice %arg14[%add3A_138, %dma_start3A_145] : memref<20x100xi32, #tpu.memory_space<vmem>> -> memref<1x100xi32, #tpu.memory_space<vmem>>
          %dma_start3A_147 = tpu.memref_squeeze %dma_start3A_146 : memref<1x100xi32, #tpu.memory_space<vmem>> -> memref<100xi32, #tpu.memory_space<vmem>>
          %dma_start3A_148 = arith.constant 0 : i32
          %dma_start3A_149 = arith.constant 0 : i32
          %dma_start3A_150 = tpu.memref_slice %arg3[%dma_start3A_148, %dma_start3A_149] : memref<10000x16xf32, #tpu.memory_space<hbm>> -> memref<10000x16xf32, #tpu.memory_space<hbm>>
          tpu.enqueue_indirect_dma source(%dma_start3A_150 : memref<10000x16xf32, #tpu.memory_space<hbm>>) target(%arg12 : memref<100x16xf32, #tpu.memory_space<vmem>>) offsets(%dma_start3A_147 : memref<100xi32, #tpu.memory_space<vmem>>) semaphore(%arg20 : memref<!tpu.dma_semaphore, #tpu.memory_space<semaphore_mem>>)
        } else {
        }
      }
      %scan3A_58 = arith.constant 10 : i32
    }
    %scan3A_13 = arith.constant 5 : i32
    %barrier3A_14 = arith.constant 0 : index
    tpu.barrier barrier_id(%barrier3A_14)
    %lt3A_15 = arith.constant 15 : i32
    %lt3A_16 = arith.cmpi slt, %arg1, %lt3A_15 : i32
    %convert_element_type3A_17 = arith.extui %lt3A_16 : i1 to i32
    %cond3A_18 = arith.constant 0 : i32
    %cond3A_19 = arith.cmpi ne, %convert_element_type3A_17, %cond3A_18 : i32
    scf.if %cond3A_19 {
      %mul3A_25 = arith.constant 624 : i32
      %mul3A_26 = arith.muli %arg1, %mul3A_25 : i32
      %mul3A_27 = arith.constant 624 : i32
      %mul3A_28 = arith.muli %arg1, %mul3A_27 : i32
      "tpu.region"() ({
        %run_scoped3A = tpu.sem_alloc : memref<!tpu.dma_semaphore, #tpu.memory_space<semaphore_mem>>
        %dma_start3A = arith.constant 0 : i32
        %dma_start3A_29 = tpu.memref_slice %arg8[%arg0, %mul3A_28, %dma_start3A] : memref<2x10000x144xf32, #tpu.memory_space<hbm>> -> memref<1x624x144xf32, #tpu.memory_space<hbm>>
        %dma_start3A_30 = tpu.memref_squeeze %dma_start3A_29 : memref<1x624x144xf32, #tpu.memory_space<hbm>> -> memref<624x144xf32, #tpu.memory_space<hbm>>
        %dma_start3A_31 = arith.constant 0 : i32
        %dma_start3A_32 = tpu.memref_slice %arg16[%mul3A_26, %dma_start3A_31] : memref<10000x144xf32, #tpu.memory_space<vmem_shared>> -> memref<624x144xf32, #tpu.memory_space<vmem_shared>>
        tpu.enqueue_dma source(%dma_start3A_32 : memref<624x144xf32, #tpu.memory_space<vmem_shared>>) target(%dma_start3A_30 : memref<624x144xf32, #tpu.memory_space<hbm>>) target_semaphore(%run_scoped3A : memref<!tpu.dma_semaphore, #tpu.memory_space<semaphore_mem>>)
        %dma_wait3A = arith.constant 0 : i32
        %dma_wait3A_33 = tpu.memref_slice %arg8[%arg0, %mul3A_28, %dma_wait3A] : memref<2x10000x144xf32, #tpu.memory_space<hbm>> -> memref<1x624x144xf32, #tpu.memory_space<hbm>>
        %dma_wait3A_34 = tpu.memref_squeeze %dma_wait3A_33 : memref<1x624x144xf32, #tpu.memory_space<hbm>> -> memref<624x144xf32, #tpu.memory_space<hbm>>
        %dma_wait3A_35 = arith.constant 0 : i32
        %dma_wait3A_36 = tpu.memref_slice %arg16[%mul3A_26, %dma_wait3A_35] : memref<10000x144xf32, #tpu.memory_space<vmem_shared>> -> memref<624x144xf32, #tpu.memory_space<vmem_shared>>
        tpu.wait_dma2 semaphore(%run_scoped3A : memref<!tpu.dma_semaphore, #tpu.memory_space<semaphore_mem>>) src(%dma_wait3A_36 : memref<624x144xf32, #tpu.memory_space<vmem_shared>>) dst(%dma_wait3A_34 : memref<624x144xf32, #tpu.memory_space<hbm>>)
        tpu.yield
      }) : () -> ()
    } else {
    }
    %eq3A_20 = arith.constant 15 : i32
    %eq3A_21 = arith.cmpi eq, %arg1, %eq3A_20 : i32
    %convert_element_type3A_22 = arith.extui %eq3A_21 : i1 to i32
    %cond3A_23 = arith.constant 0 : i32
    %cond3A_24 = arith.cmpi ne, %convert_element_type3A_22, %cond3A_23 : i32
    scf.if %cond3A_24 {
      "tpu.region"() ({
        %run_scoped3A = tpu.sem_alloc : memref<!tpu.dma_semaphore, #tpu.memory_space<semaphore_mem>>
        %dma_start3A = arith.constant 9360 : i32
        %dma_start3A_25 = arith.constant 0 : i32
        %dma_start3A_26 = tpu.memref_slice %arg8[%arg0, %dma_start3A, %dma_start3A_25] : memref<2x10000x144xf32, #tpu.memory_space<hbm>> -> memref<1x640x144xf32, #tpu.memory_space<hbm>>
        %dma_start3A_27 = tpu.memref_squeeze %dma_start3A_26 : memref<1x640x144xf32, #tpu.memory_space<hbm>> -> memref<640x144xf32, #tpu.memory_space<hbm>>
        %dma_start3A_28 = arith.constant 9360 : i32
        %dma_start3A_29 = arith.constant 0 : i32
        %dma_start3A_30 = tpu.memref_slice %arg16[%dma_start3A_28, %dma_start3A_29] : memref<10000x144xf32, #tpu.memory_space<vmem_shared>> -> memref<640x144xf32, #tpu.memory_space<vmem_shared>>
        tpu.enqueue_dma source(%dma_start3A_30 : memref<640x144xf32, #tpu.memory_space<vmem_shared>>) target(%dma_start3A_27 : memref<640x144xf32, #tpu.memory_space<hbm>>) target_semaphore(%run_scoped3A : memref<!tpu.dma_semaphore, #tpu.memory_space<semaphore_mem>>)
        %dma_wait3A = arith.constant 9360 : i32
        %dma_wait3A_31 = arith.constant 0 : i32
        %dma_wait3A_32 = tpu.memref_slice %arg8[%arg0, %dma_wait3A, %dma_wait3A_31] : memref<2x10000x144xf32, #tpu.memory_space<hbm>> -> memref<1x640x144xf32, #tpu.memory_space<hbm>>
        %dma_wait3A_33 = tpu.memref_squeeze %dma_wait3A_32 : memref<1x640x144xf32, #tpu.memory_space<hbm>> -> memref<640x144xf32, #tpu.memory_space<hbm>>
        %dma_wait3A_34 = arith.constant 9360 : i32
        %dma_wait3A_35 = arith.constant 0 : i32
        %dma_wait3A_36 = tpu.memref_slice %arg16[%dma_wait3A_34, %dma_wait3A_35] : memref<10000x144xf32, #tpu.memory_space<vmem_shared>> -> memref<640x144xf32, #tpu.memory_space<vmem_shared>>
        tpu.wait_dma2 semaphore(%run_scoped3A : memref<!tpu.dma_semaphore, #tpu.memory_space<semaphore_mem>>) src(%dma_wait3A_36 : memref<640x144xf32, #tpu.memory_space<vmem_shared>>) dst(%dma_wait3A_33 : memref<640x144xf32, #tpu.memory_space<hbm>>)
        tpu.yield
      }) : () -> ()
    } else {
    }
    return
  }
}

#map = affine_map<(d0, d1) -> (0, 0)>
#map1 = affine_map<(d0, d1) -> (0, 0, 0, 0)>
#map2 = affine_map<(d0, d1) -> (0)>
#map3 = affine_map<(d0, d1) -> (0, 0, 0)>
module attributes {stable_mosaic.version = 14 : i64} {
  func.func @_sc_body(%arg0: i32, %arg1: i32, %arg2: memref<10000x32xf32, #tpu.memory_space<hbm>>, %arg3: memref<10000x16xf32, #tpu.memory_space<hbm>>, %arg4: memref<32x5x20x100xi32, #tpu.memory_space<hbm>>, %arg5: memref<32x5x20x100xi32, #tpu.memory_space<hbm>>, %arg6: memref<16xf32, #tpu.memory_space<hbm>>, %arg7: memref<640x32xf32, #tpu.memory_space<hbm>>, %arg8: memref<2x10000x32xf32, #tpu.memory_space<hbm>>, %arg9: memref<100x32xf32, #tpu.memory_space<vmem>>, %arg10: memref<100x32xf32, #tpu.memory_space<vmem>>, %arg11: memref<100x16xf32, #tpu.memory_space<vmem>>, %arg12: memref<100x16xf32, #tpu.memory_space<vmem>>, %arg13: memref<20x100xi32, #tpu.memory_space<vmem>>, %arg14: memref<20x100xi32, #tpu.memory_space<vmem>>, %arg15: memref<16xf32, #tpu.memory_space<vmem>>, %arg16: memref<10000x32xf32, #tpu.memory_space<vmem_shared>>, %arg17: memref<!tpu.dma_semaphore, #tpu.memory_space<semaphore_mem>>, %arg18: memref<!tpu.dma_semaphore, #tpu.memory_space<semaphore_mem>>, %arg19: memref<!tpu.dma_semaphore, #tpu.memory_space<semaphore_mem>>, %arg20: memref<!tpu.dma_semaphore, #tpu.memory_space<semaphore_mem>>, %arg21: memref<!tpu.dma_semaphore, #tpu.memory_space<semaphore_mem>>, %arg22: memref<!tpu.dma_semaphore, #tpu.memory_space<semaphore_mem>>) attributes {dimension_semantics = [#tpu.dimension_semantics<core_parallel>, #tpu.dimension_semantics<subcore_parallel>], iteration_bounds = array<i64: 2, 16>, scalar_prefetch = 0 : i64, scratch_operands = 14 : i64, tpu.core_type = #tpu.core_type<sc_vector_subcore>, window_params = [{transform_indices = #map}, {transform_indices = #map}, {transform_indices = #map1}, {transform_indices = #map1}, {transform_indices = #map2}, {transform_indices = #map}, {transform_indices = #map3}]} {
    %mul3A = arith.constant 2 : i32
    %mul3A_0 = arith.muli %arg1, %mul3A : i32
    %add3A = arith.addi %mul3A_0, %arg0 : i32
    %lt3A = arith.constant 15 : i32
    %lt3A_1 = arith.cmpi slt, %arg1, %lt3A : i32
    %convert_element_type3A = arith.extui %lt3A_1 : i1 to i32
    %cond3A = arith.constant 0 : i32
    %cond3A_2 = arith.cmpi ne, %convert_element_type3A, %cond3A : i32
    scf.if %cond3A_2 {
      %mul3A_25 = arith.constant 624 : i32
      %mul3A_26 = arith.muli %arg1, %mul3A_25 : i32
      "tpu.region"() ({
        %run_scoped3A = tpu.sem_alloc : memref<!tpu.dma_semaphore, #tpu.memory_space<semaphore_mem>>
        %dma_start3A = arith.constant 0 : i32
        %dma_start3A_27 = tpu.memref_slice %arg16[%mul3A_26, %dma_start3A] : memref<10000x32xf32, #tpu.memory_space<vmem_shared>> -> memref<624x32xf32, #tpu.memory_space<vmem_shared>>
        %dma_start3A_28 = arith.constant 0 : i32
        %dma_start3A_29 = arith.constant 0 : i32
        %dma_start3A_30 = tpu.memref_slice %arg7[%dma_start3A_28, %dma_start3A_29] : memref<640x32xf32, #tpu.memory_space<hbm>> -> memref<624x32xf32, #tpu.memory_space<hbm>>
        tpu.enqueue_dma source(%dma_start3A_30 : memref<624x32xf32, #tpu.memory_space<hbm>>) target(%dma_start3A_27 : memref<624x32xf32, #tpu.memory_space<vmem_shared>>) target_semaphore(%run_scoped3A : memref<!tpu.dma_semaphore, #tpu.memory_space<semaphore_mem>>)
        %dma_wait3A = arith.constant 0 : i32
        %dma_wait3A_31 = tpu.memref_slice %arg16[%mul3A_26, %dma_wait3A] : memref<10000x32xf32, #tpu.memory_space<vmem_shared>> -> memref<624x32xf32, #tpu.memory_space<vmem_shared>>
        %dma_wait3A_32 = arith.constant 0 : i32
        %dma_wait3A_33 = arith.constant 0 : i32
        %dma_wait3A_34 = tpu.memref_slice %arg7[%dma_wait3A_32, %dma_wait3A_33] : memref<640x32xf32, #tpu.memory_space<hbm>> -> memref<624x32xf32, #tpu.memory_space<hbm>>
        tpu.wait_dma2 semaphore(%run_scoped3A : memref<!tpu.dma_semaphore, #tpu.memory_space<semaphore_mem>>) src(%dma_wait3A_34 : memref<624x32xf32, #tpu.memory_space<hbm>>) dst(%dma_wait3A_31 : memref<624x32xf32, #tpu.memory_space<vmem_shared>>)
        tpu.yield
      }) : () -> ()
    } else {
    }
    %eq3A = arith.constant 15 : i32
    %eq3A_3 = arith.cmpi eq, %arg1, %eq3A : i32
    %convert_element_type3A_4 = arith.extui %eq3A_3 : i1 to i32
    %cond3A_5 = arith.constant 0 : i32
    %cond3A_6 = arith.cmpi ne, %convert_element_type3A_4, %cond3A_5 : i32
    scf.if %cond3A_6 {
      "tpu.region"() ({
        %run_scoped3A = tpu.sem_alloc : memref<!tpu.dma_semaphore, #tpu.memory_space<semaphore_mem>>
        %dma_start3A = arith.constant 9360 : i32
        %dma_start3A_25 = arith.constant 0 : i32
        %dma_start3A_26 = tpu.memref_slice %arg16[%dma_start3A, %dma_start3A_25] : memref<10000x32xf32, #tpu.memory_space<vmem_shared>> -> memref<640x32xf32, #tpu.memory_space<vmem_shared>>
        tpu.enqueue_dma source(%arg7 : memref<640x32xf32, #tpu.memory_space<hbm>>) target(%dma_start3A_26 : memref<640x32xf32, #tpu.memory_space<vmem_shared>>) target_semaphore(%run_scoped3A : memref<!tpu.dma_semaphore, #tpu.memory_space<semaphore_mem>>)
        %dma_wait3A = arith.constant 9360 : i32
        %dma_wait3A_27 = arith.constant 0 : i32
        %dma_wait3A_28 = tpu.memref_slice %arg16[%dma_wait3A, %dma_wait3A_27] : memref<10000x32xf32, #tpu.memory_space<vmem_shared>> -> memref<640x32xf32, #tpu.memory_space<vmem_shared>>
        tpu.wait_dma2 semaphore(%run_scoped3A : memref<!tpu.dma_semaphore, #tpu.memory_space<semaphore_mem>>) src(%arg7 : memref<640x32xf32, #tpu.memory_space<hbm>>) dst(%dma_wait3A_28 : memref<640x32xf32, #tpu.memory_space<vmem_shared>>)
        tpu.yield
      }) : () -> ()
    } else {
    }
    "tpu.region"() ({
      %run_scoped3A = tpu.sem_alloc : memref<!tpu.dma_semaphore, #tpu.memory_space<semaphore_mem>>
      tpu.enqueue_dma source(%arg6 : memref<16xf32, #tpu.memory_space<hbm>>) target(%arg15 : memref<16xf32, #tpu.memory_space<vmem>>) target_semaphore(%run_scoped3A : memref<!tpu.dma_semaphore, #tpu.memory_space<semaphore_mem>>)
      tpu.wait_dma2 semaphore(%run_scoped3A : memref<!tpu.dma_semaphore, #tpu.memory_space<semaphore_mem>>) src(%arg6 : memref<16xf32, #tpu.memory_space<hbm>>) dst(%arg15 : memref<16xf32, #tpu.memory_space<vmem>>)
      tpu.yield
    }) : () -> ()
    %barrier3A = arith.constant 0 : index
    tpu.barrier barrier_id(%barrier3A)
    %get3A = arith.constant 0 : index
    %get3A_7 = tpu.vector_load %arg15[%get3A] {strides = array<i32>} : memref<16xf32, #tpu.memory_space<vmem>>, vector<16xf32>,
    %get3A_8 = vector.shape_cast %get3A_7 : vector<16xf32> to vector<16xf32>
    %scan3A = arith.constant 0 : i32
    %scan3A_9 = arith.constant 0 : i32
    %scan3A_10 = arith.constant 5 : i32
    %scan3A_11 = arith.addi %scan3A_9, %scan3A_10 : i32
    %scan3A_12 = arith.constant 1 : i32
    scf.for %scan3A_25 = %scan3A_9 to %scan3A_11 step %scan3A_12  : i32 {
      "tpu.region"() ({
        %run_scoped3A = tpu.sem_alloc : memref<!tpu.dma_semaphore, #tpu.memory_space<semaphore_mem>>
        %dma_start3A_59 = arith.constant 0 : i32
        %dma_start3A_60 = arith.constant 0 : i32
        %dma_start3A_61 = tpu.memref_slice %arg4[%add3A, %scan3A_25, %dma_start3A_59, %dma_start3A_60] : memref<32x5x20x100xi32, #tpu.memory_space<hbm>> -> memref<1x1x20x100xi32, #tpu.memory_space<hbm>>
        %dma_start3A_62 = tpu.memref_squeeze %dma_start3A_61 : memref<1x1x20x100xi32, #tpu.memory_space<hbm>> -> memref<20x100xi32, #tpu.memory_space<hbm>>
        %dma_start3A_63 = arith.constant 0 : i32
        %dma_start3A_64 = arith.constant 0 : i32
        %dma_start3A_65 = tpu.memref_slice %arg4[%add3A, %scan3A_25, %dma_start3A_63, %dma_start3A_64] : memref<32x5x20x100xi32, #tpu.memory_space<hbm>> -> memref<1x1x20x100xi32, #tpu.memory_space<hbm>>
        %dma_start3A_66 = tpu.memref_squeeze %dma_start3A_65 : memref<1x1x20x100xi32, #tpu.memory_space<hbm>> -> memref<20x100xi32, #tpu.memory_space<hbm>>
        tpu.enqueue_dma source(%dma_start3A_66 : memref<20x100xi32, #tpu.memory_space<hbm>>) target(%arg13 : memref<20x100xi32, #tpu.memory_space<vmem>>) target_semaphore(%run_scoped3A : memref<!tpu.dma_semaphore, #tpu.memory_space<semaphore_mem>>)
        %dma_wait3A = arith.constant 0 : i32
        %dma_wait3A_67 = arith.constant 0 : i32
        %dma_wait3A_68 = tpu.memref_slice %arg4[%add3A, %scan3A_25, %dma_wait3A, %dma_wait3A_67] : memref<32x5x20x100xi32, #tpu.memory_space<hbm>> -> memref<1x1x20x100xi32, #tpu.memory_space<hbm>>
        %dma_wait3A_69 = tpu.memref_squeeze %dma_wait3A_68 : memref<1x1x20x100xi32, #tpu.memory_space<hbm>> -> memref<20x100xi32, #tpu.memory_space<hbm>>
        %dma_wait3A_70 = arith.constant 0 : i32
        %dma_wait3A_71 = arith.constant 0 : i32
        %dma_wait3A_72 = tpu.memref_slice %arg4[%add3A, %scan3A_25, %dma_wait3A_70, %dma_wait3A_71] : memref<32x5x20x100xi32, #tpu.memory_space<hbm>> -> memref<1x1x20x100xi32, #tpu.memory_space<hbm>>
        %dma_wait3A_73 = tpu.memref_squeeze %dma_wait3A_72 : memref<1x1x20x100xi32, #tpu.memory_space<hbm>> -> memref<20x100xi32, #tpu.memory_space<hbm>>
        tpu.wait_dma2 semaphore(%run_scoped3A : memref<!tpu.dma_semaphore, #tpu.memory_space<semaphore_mem>>) src(%dma_wait3A_73 : memref<20x100xi32, #tpu.memory_space<hbm>>) dst(%arg13 : memref<20x100xi32, #tpu.memory_space<vmem>>)
        tpu.yield
      }) : () -> ()
      "tpu.region"() ({
        %run_scoped3A = tpu.sem_alloc : memref<!tpu.dma_semaphore, #tpu.memory_space<semaphore_mem>>
        %dma_start3A_59 = arith.constant 0 : i32
        %dma_start3A_60 = arith.constant 0 : i32
        %dma_start3A_61 = tpu.memref_slice %arg5[%add3A, %scan3A_25, %dma_start3A_59, %dma_start3A_60] : memref<32x5x20x100xi32, #tpu.memory_space<hbm>> -> memref<1x1x20x100xi32, #tpu.memory_space<hbm>>
        %dma_start3A_62 = tpu.memref_squeeze %dma_start3A_61 : memref<1x1x20x100xi32, #tpu.memory_space<hbm>> -> memref<20x100xi32, #tpu.memory_space<hbm>>
        %dma_start3A_63 = arith.constant 0 : i32
        %dma_start3A_64 = arith.constant 0 : i32
        %dma_start3A_65 = tpu.memref_slice %arg5[%add3A, %scan3A_25, %dma_start3A_63, %dma_start3A_64] : memref<32x5x20x100xi32, #tpu.memory_space<hbm>> -> memref<1x1x20x100xi32, #tpu.memory_space<hbm>>
        %dma_start3A_66 = tpu.memref_squeeze %dma_start3A_65 : memref<1x1x20x100xi32, #tpu.memory_space<hbm>> -> memref<20x100xi32, #tpu.memory_space<hbm>>
        tpu.enqueue_dma source(%dma_start3A_66 : memref<20x100xi32, #tpu.memory_space<hbm>>) target(%arg14 : memref<20x100xi32, #tpu.memory_space<vmem>>) target_semaphore(%run_scoped3A : memref<!tpu.dma_semaphore, #tpu.memory_space<semaphore_mem>>)
        %dma_wait3A = arith.constant 0 : i32
        %dma_wait3A_67 = arith.constant 0 : i32
        %dma_wait3A_68 = tpu.memref_slice %arg5[%add3A, %scan3A_25, %dma_wait3A, %dma_wait3A_67] : memref<32x5x20x100xi32, #tpu.memory_space<hbm>> -> memref<1x1x20x100xi32, #tpu.memory_space<hbm>>
        %dma_wait3A_69 = tpu.memref_squeeze %dma_wait3A_68 : memref<1x1x20x100xi32, #tpu.memory_space<hbm>> -> memref<20x100xi32, #tpu.memory_space<hbm>>
        %dma_wait3A_70 = arith.constant 0 : i32
        %dma_wait3A_71 = arith.constant 0 : i32
        %dma_wait3A_72 = tpu.memref_slice %arg5[%add3A, %scan3A_25, %dma_wait3A_70, %dma_wait3A_71] : memref<32x5x20x100xi32, #tpu.memory_space<hbm>> -> memref<1x1x20x100xi32, #tpu.memory_space<hbm>>
        %dma_wait3A_73 = tpu.memref_squeeze %dma_wait3A_72 : memref<1x1x20x100xi32, #tpu.memory_space<hbm>> -> memref<20x100xi32, #tpu.memory_space<hbm>>
        tpu.wait_dma2 semaphore(%run_scoped3A : memref<!tpu.dma_semaphore, #tpu.memory_space<semaphore_mem>>) src(%dma_wait3A_73 : memref<20x100xi32, #tpu.memory_space<hbm>>) dst(%arg14 : memref<20x100xi32, #tpu.memory_space<vmem>>)
        tpu.yield
      }) : () -> ()
      %dma_start3A = arith.constant 0 : i32
      %dma_start3A_26 = arith.constant 0 : i32
      %dma_start3A_27 = tpu.memref_slice %arg13[%dma_start3A, %dma_start3A_26] : memref<20x100xi32, #tpu.memory_space<vmem>> -> memref<1x100xi32, #tpu.memory_space<vmem>>
      %dma_start3A_28 = tpu.memref_squeeze %dma_start3A_27 : memref<1x100xi32, #tpu.memory_space<vmem>> -> memref<100xi32, #tpu.memory_space<vmem>>
      %dma_start3A_29 = arith.constant 0 : i32
      %dma_start3A_30 = arith.constant 0 : i32
      %dma_start3A_31 = tpu.memref_slice %arg2[%dma_start3A_29, %dma_start3A_30] : memref<10000x32xf32, #tpu.memory_space<hbm>> -> memref<10000x32xf32, #tpu.memory_space<hbm>>
      tpu.enqueue_indirect_dma source(%dma_start3A_31 : memref<10000x32xf32, #tpu.memory_space<hbm>>) target(%arg9 : memref<100x32xf32, #tpu.memory_space<vmem>>) offsets(%dma_start3A_28 : memref<100xi32, #tpu.memory_space<vmem>>) semaphore(%arg17 : memref<!tpu.dma_semaphore, #tpu.memory_space<semaphore_mem>>)
      %dma_start3A_32 = arith.constant 0 : i32
      %dma_start3A_33 = arith.constant 0 : i32
      %dma_start3A_34 = tpu.memref_slice %arg14[%dma_start3A_32, %dma_start3A_33] : memref<20x100xi32, #tpu.memory_space<vmem>> -> memref<1x100xi32, #tpu.memory_space<vmem>>
      %dma_start3A_35 = tpu.memref_squeeze %dma_start3A_34 : memref<1x100xi32, #tpu.memory_space<vmem>> -> memref<100xi32, #tpu.memory_space<vmem>>
      %dma_start3A_36 = arith.constant 0 : i32
      %dma_start3A_37 = arith.constant 0 : i32
      %dma_start3A_38 = tpu.memref_slice %arg3[%dma_start3A_36, %dma_start3A_37] : memref<10000x16xf32, #tpu.memory_space<hbm>> -> memref<10000x16xf32, #tpu.memory_space<hbm>>
      tpu.enqueue_indirect_dma source(%dma_start3A_38 : memref<10000x16xf32, #tpu.memory_space<hbm>>) target(%arg11 : memref<100x16xf32, #tpu.memory_space<vmem>>) offsets(%dma_start3A_35 : memref<100xi32, #tpu.memory_space<vmem>>) semaphore(%arg19 : memref<!tpu.dma_semaphore, #tpu.memory_space<semaphore_mem>>)
      %dma_start3A_39 = arith.constant 1 : i32
      %dma_start3A_40 = arith.constant 0 : i32
      %dma_start3A_41 = tpu.memref_slice %arg13[%dma_start3A_39, %dma_start3A_40] : memref<20x100xi32, #tpu.memory_space<vmem>> -> memref<1x100xi32, #tpu.memory_space<vmem>>
      %dma_start3A_42 = tpu.memref_squeeze %dma_start3A_41 : memref<1x100xi32, #tpu.memory_space<vmem>> -> memref<100xi32, #tpu.memory_space<vmem>>
      %dma_start3A_43 = arith.constant 0 : i32
      %dma_start3A_44 = arith.constant 0 : i32
      %dma_start3A_45 = tpu.memref_slice %arg2[%dma_start3A_43, %dma_start3A_44] : memref<10000x32xf32, #tpu.memory_space<hbm>> -> memref<10000x32xf32, #tpu.memory_space<hbm>>
      tpu.enqueue_indirect_dma source(%dma_start3A_45 : memref<10000x32xf32, #tpu.memory_space<hbm>>) target(%arg10 : memref<100x32xf32, #tpu.memory_space<vmem>>) offsets(%dma_start3A_42 : memref<100xi32, #tpu.memory_space<vmem>>) semaphore(%arg18 : memref<!tpu.dma_semaphore, #tpu.memory_space<semaphore_mem>>)
      %dma_start3A_46 = arith.constant 1 : i32
      %dma_start3A_47 = arith.constant 0 : i32
      %dma_start3A_48 = tpu.memref_slice %arg14[%dma_start3A_46, %dma_start3A_47] : memref<20x100xi32, #tpu.memory_space<vmem>> -> memref<1x100xi32, #tpu.memory_space<vmem>>
      %dma_start3A_49 = tpu.memref_squeeze %dma_start3A_48 : memref<1x100xi32, #tpu.memory_space<vmem>> -> memref<100xi32, #tpu.memory_space<vmem>>
      %dma_start3A_50 = arith.constant 0 : i32
      %dma_start3A_51 = arith.constant 0 : i32
      %dma_start3A_52 = tpu.memref_slice %arg3[%dma_start3A_50, %dma_start3A_51] : memref<10000x16xf32, #tpu.memory_space<hbm>> -> memref<10000x16xf32, #tpu.memory_space<hbm>>
      tpu.enqueue_indirect_dma source(%dma_start3A_52 : memref<10000x16xf32, #tpu.memory_space<hbm>>) target(%arg12 : memref<100x16xf32, #tpu.memory_space<vmem>>) offsets(%dma_start3A_49 : memref<100xi32, #tpu.memory_space<vmem>>) semaphore(%arg20 : memref<!tpu.dma_semaphore, #tpu.memory_space<semaphore_mem>>)
      %scan3A_53 = arith.constant 0 : i32
      %scan3A_54 = arith.constant 0 : i32
      %scan3A_55 = arith.constant 10 : i32
      %scan3A_56 = arith.addi %scan3A_54, %scan3A_55 : i32
      %scan3A_57 = arith.constant 1 : i32
      scf.for %scan3A_59 = %scan3A_54 to %scan3A_56 step %scan3A_57  : i32 {
        %mul3A_60 = arith.constant 2 : i32
        %mul3A_61 = arith.muli %scan3A_59, %mul3A_60 : i32
        %dma_wait3A = arith.constant 0 : i32
        %dma_wait3A_62 = tpu.memref_slice %arg13[%mul3A_61, %dma_wait3A] : memref<20x100xi32, #tpu.memory_space<vmem>> -> memref<1x100xi32, #tpu.memory_space<vmem>>
        %dma_wait3A_63 = tpu.memref_squeeze %dma_wait3A_62 : memref<1x100xi32, #tpu.memory_space<vmem>> -> memref<100xi32, #tpu.memory_space<vmem>>
        %dma_wait3A_64 = arith.constant 0 : i32
        %dma_wait3A_65 = arith.constant 0 : i32
        %dma_wait3A_66 = tpu.memref_slice %arg2[%dma_wait3A_64, %dma_wait3A_65] : memref<10000x32xf32, #tpu.memory_space<hbm>> -> memref<10000x32xf32, #tpu.memory_space<hbm>>
        tpu.wait_indirect_dma semaphore(%arg17 : memref<!tpu.dma_semaphore, #tpu.memory_space<semaphore_mem>>) src(%dma_wait3A_66 : memref<10000x32xf32, #tpu.memory_space<hbm>>) dst(%arg9 : memref<100x32xf32, #tpu.memory_space<vmem>>)
        %dma_wait3A_67 = arith.constant 0 : i32
        %dma_wait3A_68 = tpu.memref_slice %arg14[%mul3A_61, %dma_wait3A_67] : memref<20x100xi32, #tpu.memory_space<vmem>> -> memref<1x100xi32, #tpu.memory_space<vmem>>
        %dma_wait3A_69 = tpu.memref_squeeze %dma_wait3A_68 : memref<1x100xi32, #tpu.memory_space<vmem>> -> memref<100xi32, #tpu.memory_space<vmem>>
        %dma_wait3A_70 = arith.constant 0 : i32
        %dma_wait3A_71 = arith.constant 0 : i32
        %dma_wait3A_72 = tpu.memref_slice %arg3[%dma_wait3A_70, %dma_wait3A_71] : memref<10000x16xf32, #tpu.memory_space<hbm>> -> memref<10000x16xf32, #tpu.memory_space<hbm>>
        tpu.wait_indirect_dma semaphore(%arg19 : memref<!tpu.dma_semaphore, #tpu.memory_space<semaphore_mem>>) src(%dma_wait3A_72 : memref<10000x16xf32, #tpu.memory_space<hbm>>) dst(%arg11 : memref<100x16xf32, #tpu.memory_space<vmem>>)
        %scan3A_73 = arith.constant 0 : i32
        %scan3A_74 = arith.constant 100 : i32
        %scan3A_75 = arith.addi %scan3A_73, %scan3A_74 : i32
        %scan3A_76 = arith.constant 4 : i32
        scf.for %scan3A_137 = %scan3A_73 to %scan3A_75 step %scan3A_76  : i32 {
          %mul3A_138 = arith.constant 1 : i32
          %mul3A_139 = arith.muli %scan3A_137, %mul3A_138 : i32
          %add3A_140 = arith.constant 0 : i32
          %add3A_141 = arith.addi %add3A_140, %mul3A_139 : i32
          %get3A_142 = arith.index_cast %add3A_141 : i32 to index
          %get3A_143 = arith.constant 16 : index
          %get3A_144 = tpu.vector_load %arg9[%get3A_142, %get3A_143] {strides = array<i32>} : memref<100x32xf32, #tpu.memory_space<vmem>>, vector<1x16xf32>,
          %get3A_145 = vector.shape_cast %get3A_144 : vector<1x16xf32> to vector<16xf32>
          %get3A_146 = arith.index_cast %add3A_141 : i32 to index
          %get3A_147 = arith.constant 0 : index
          %get3A_148 = tpu.vector_load %arg11[%get3A_146, %get3A_147] {strides = array<i32>} : memref<100x16xf32, #tpu.memory_space<vmem>>, vector<1x16xf32>,
          %get3A_149 = vector.shape_cast %get3A_148 : vector<1x16xf32> to vector<16xf32>
          %add3A_150 = arith.addf %get3A_145, %get3A_149 : vector<16xf32>
          %ge3A = arith.constant 0.000000e+00 : f32
          %ge3A_151 = vector.broadcast %ge3A : f32 to vector<16xf32>
          %ge3A_152 = arith.cmpf oge, %add3A_150, %ge3A_151 : vector<16xf32>
          %mul3A_153 = arith.constant 2.000000e-01 : f32
          %mul3A_154 = vector.broadcast %mul3A_153 : f32 to vector<16xf32>
          %mul3A_155 = arith.mulf %mul3A_154, %add3A_150 : vector<16xf32>
          %select_n3A = arith.select %ge3A_152, %add3A_150, %mul3A_155 : vector<16xi1>, vector<16xf32>
          %sub3A = arith.subf %select_n3A, %get3A_8 : vector<16xf32>
          %exp3A = math.exp %sub3A : vector<16xf32>
          %swap3A = arith.index_cast %add3A_141 : i32 to index
          %swap3A_156 = arith.constant 16 : index
          %swap3A_157 = tpu.vector_load %arg9[%swap3A, %swap3A_156] {strides = array<i32>} : memref<100x32xf32, #tpu.memory_space<vmem>>, vector<1x16xf32>,
          %swap3A_158 = vector.shape_cast %swap3A_157 : vector<1x16xf32> to vector<16xf32>
          %swap3A_159 = vector.shape_cast %exp3A : vector<16xf32> to vector<1x16xf32>
          tpu.vector_store %arg9[%swap3A, %swap3A_156], %swap3A_159 {strides = array<i32>} : memref<100x32xf32, #tpu.memory_space<vmem>>, vector<1x16xf32>,
          %get3A_160 = arith.index_cast %add3A_141 : i32 to index
          %get3A_161 = arith.constant 0 : index
          %get3A_162 = tpu.vector_load %arg9[%get3A_160, %get3A_161] {strides = array<i32>} : memref<100x32xf32, #tpu.memory_space<vmem>>, vector<1x16xf32>,
          %get3A_163 = vector.shape_cast %get3A_162 : vector<1x16xf32> to vector<16xf32>
          %slice3A = vector.extract_strided_slice %exp3A {offsets = [0], sizes = [1], strides = [1]} : vector<16xf32> to vector<1xf32>
          %squeeze3A = vector.extract %slice3A[0] : f32 from vector<1xf32>
          %mul3A_164 = vector.broadcast %squeeze3A : f32 to vector<16xf32>
          %mul3A_165 = arith.mulf %get3A_163, %mul3A_164 : vector<16xf32>
          %swap3A_166 = arith.index_cast %add3A_141 : i32 to index
          %swap3A_167 = arith.constant 0 : index
          %swap3A_168 = tpu.vector_load %arg9[%swap3A_166, %swap3A_167] {strides = array<i32>} : memref<100x32xf32, #tpu.memory_space<vmem>>, vector<1x16xf32>,
          %swap3A_169 = vector.shape_cast %swap3A_168 : vector<1x16xf32> to vector<16xf32>
          %swap3A_170 = vector.shape_cast %mul3A_165 : vector<16xf32> to vector<1x16xf32>
          tpu.vector_store %arg9[%swap3A_166, %swap3A_167], %swap3A_170 {strides = array<i32>} : memref<100x32xf32, #tpu.memory_space<vmem>>, vector<1x16xf32>,
          %scan3A_171 = arith.constant 1 : i32
          %scan3A_172 = arith.addi %scan3A_137, %scan3A_171 : i32
          %mul3A_173 = arith.constant 1 : i32
          %mul3A_174 = arith.muli %scan3A_172, %mul3A_173 : i32
          %add3A_175 = arith.constant 0 : i32
          %add3A_176 = arith.addi %add3A_175, %mul3A_174 : i32
          %get3A_177 = arith.index_cast %add3A_176 : i32 to index
          %get3A_178 = arith.constant 16 : index
          %get3A_179 = tpu.vector_load %arg9[%get3A_177, %get3A_178] {strides = array<i32>} : memref<100x32xf32, #tpu.memory_space<vmem>>, vector<1x16xf32>,
          %get3A_180 = vector.shape_cast %get3A_179 : vector<1x16xf32> to vector<16xf32>
          %get3A_181 = arith.index_cast %add3A_176 : i32 to index
          %get3A_182 = arith.constant 0 : index
          %get3A_183 = tpu.vector_load %arg11[%get3A_181, %get3A_182] {strides = array<i32>} : memref<100x16xf32, #tpu.memory_space<vmem>>, vector<1x16xf32>,
          %get3A_184 = vector.shape_cast %get3A_183 : vector<1x16xf32> to vector<16xf32>
          %add3A_185 = arith.addf %get3A_180, %get3A_184 : vector<16xf32>
          %ge3A_186 = arith.constant 0.000000e+00 : f32
          %ge3A_187 = vector.broadcast %ge3A_186 : f32 to vector<16xf32>
          %ge3A_188 = arith.cmpf oge, %add3A_185, %ge3A_187 : vector<16xf32>
          %mul3A_189 = arith.constant 2.000000e-01 : f32
          %mul3A_190 = vector.broadcast %mul3A_189 : f32 to vector<16xf32>
          %mul3A_191 = arith.mulf %mul3A_190, %add3A_185 : vector<16xf32>
          %select_n3A_192 = arith.select %ge3A_188, %add3A_185, %mul3A_191 : vector<16xi1>, vector<16xf32>
          %sub3A_193 = arith.subf %select_n3A_192, %get3A_8 : vector<16xf32>
          %exp3A_194 = math.exp %sub3A_193 : vector<16xf32>
          %swap3A_195 = arith.index_cast %add3A_176 : i32 to index
          %swap3A_196 = arith.constant 16 : index
          %swap3A_197 = tpu.vector_load %arg9[%swap3A_195, %swap3A_196] {strides = array<i32>} : memref<100x32xf32, #tpu.memory_space<vmem>>, vector<1x16xf32>,
          %swap3A_198 = vector.shape_cast %swap3A_197 : vector<1x16xf32> to vector<16xf32>
          %swap3A_199 = vector.shape_cast %exp3A_194 : vector<16xf32> to vector<1x16xf32>
          tpu.vector_store %arg9[%swap3A_195, %swap3A_196], %swap3A_199 {strides = array<i32>} : memref<100x32xf32, #tpu.memory_space<vmem>>, vector<1x16xf32>,
          %get3A_200 = arith.index_cast %add3A_176 : i32 to index
          %get3A_201 = arith.constant 0 : index
          %get3A_202 = tpu.vector_load %arg9[%get3A_200, %get3A_201] {strides = array<i32>} : memref<100x32xf32, #tpu.memory_space<vmem>>, vector<1x16xf32>,
          %get3A_203 = vector.shape_cast %get3A_202 : vector<1x16xf32> to vector<16xf32>
          %slice3A_204 = vector.extract_strided_slice %exp3A_194 {offsets = [0], sizes = [1], strides = [1]} : vector<16xf32> to vector<1xf32>
          %squeeze3A_205 = vector.extract %slice3A_204[0] : f32 from vector<1xf32>
          %mul3A_206 = vector.broadcast %squeeze3A_205 : f32 to vector<16xf32>
          %mul3A_207 = arith.mulf %get3A_203, %mul3A_206 : vector<16xf32>
          %swap3A_208 = arith.index_cast %add3A_176 : i32 to index
          %swap3A_209 = arith.constant 0 : index
          %swap3A_210 = tpu.vector_load %arg9[%swap3A_208, %swap3A_209] {strides = array<i32>} : memref<100x32xf32, #tpu.memory_space<vmem>>, vector<1x16xf32>,
          %swap3A_211 = vector.shape_cast %swap3A_210 : vector<1x16xf32> to vector<16xf32>
          %swap3A_212 = vector.shape_cast %mul3A_207 : vector<16xf32> to vector<1x16xf32>
          tpu.vector_store %arg9[%swap3A_208, %swap3A_209], %swap3A_212 {strides = array<i32>} : memref<100x32xf32, #tpu.memory_space<vmem>>, vector<1x16xf32>,
          %scan3A_213 = arith.constant 2 : i32
          %scan3A_214 = arith.addi %scan3A_137, %scan3A_213 : i32
          %mul3A_215 = arith.constant 1 : i32
          %mul3A_216 = arith.muli %scan3A_214, %mul3A_215 : i32
          %add3A_217 = arith.constant 0 : i32
          %add3A_218 = arith.addi %add3A_217, %mul3A_216 : i32
          %get3A_219 = arith.index_cast %add3A_218 : i32 to index
          %get3A_220 = arith.constant 16 : index
          %get3A_221 = tpu.vector_load %arg9[%get3A_219, %get3A_220] {strides = array<i32>} : memref<100x32xf32, #tpu.memory_space<vmem>>, vector<1x16xf32>,
          %get3A_222 = vector.shape_cast %get3A_221 : vector<1x16xf32> to vector<16xf32>
          %get3A_223 = arith.index_cast %add3A_218 : i32 to index
          %get3A_224 = arith.constant 0 : index
          %get3A_225 = tpu.vector_load %arg11[%get3A_223, %get3A_224] {strides = array<i32>} : memref<100x16xf32, #tpu.memory_space<vmem>>, vector<1x16xf32>,
          %get3A_226 = vector.shape_cast %get3A_225 : vector<1x16xf32> to vector<16xf32>
          %add3A_227 = arith.addf %get3A_222, %get3A_226 : vector<16xf32>
          %ge3A_228 = arith.constant 0.000000e+00 : f32
          %ge3A_229 = vector.broadcast %ge3A_228 : f32 to vector<16xf32>
          %ge3A_230 = arith.cmpf oge, %add3A_227, %ge3A_229 : vector<16xf32>
          %mul3A_231 = arith.constant 2.000000e-01 : f32
          %mul3A_232 = vector.broadcast %mul3A_231 : f32 to vector<16xf32>
          %mul3A_233 = arith.mulf %mul3A_232, %add3A_227 : vector<16xf32>
          %select_n3A_234 = arith.select %ge3A_230, %add3A_227, %mul3A_233 : vector<16xi1>, vector<16xf32>
          %sub3A_235 = arith.subf %select_n3A_234, %get3A_8 : vector<16xf32>
          %exp3A_236 = math.exp %sub3A_235 : vector<16xf32>
          %swap3A_237 = arith.index_cast %add3A_218 : i32 to index
          %swap3A_238 = arith.constant 16 : index
          %swap3A_239 = tpu.vector_load %arg9[%swap3A_237, %swap3A_238] {strides = array<i32>} : memref<100x32xf32, #tpu.memory_space<vmem>>, vector<1x16xf32>,
          %swap3A_240 = vector.shape_cast %swap3A_239 : vector<1x16xf32> to vector<16xf32>
          %swap3A_241 = vector.shape_cast %exp3A_236 : vector<16xf32> to vector<1x16xf32>
          tpu.vector_store %arg9[%swap3A_237, %swap3A_238], %swap3A_241 {strides = array<i32>} : memref<100x32xf32, #tpu.memory_space<vmem>>, vector<1x16xf32>,
          %get3A_242 = arith.index_cast %add3A_218 : i32 to index
          %get3A_243 = arith.constant 0 : index
          %get3A_244 = tpu.vector_load %arg9[%get3A_242, %get3A_243] {strides = array<i32>} : memref<100x32xf32, #tpu.memory_space<vmem>>, vector<1x16xf32>,
          %get3A_245 = vector.shape_cast %get3A_244 : vector<1x16xf32> to vector<16xf32>
          %slice3A_246 = vector.extract_strided_slice %exp3A_236 {offsets = [0], sizes = [1], strides = [1]} : vector<16xf32> to vector<1xf32>
          %squeeze3A_247 = vector.extract %slice3A_246[0] : f32 from vector<1xf32>
          %mul3A_248 = vector.broadcast %squeeze3A_247 : f32 to vector<16xf32>
          %mul3A_249 = arith.mulf %get3A_245, %mul3A_248 : vector<16xf32>
          %swap3A_250 = arith.index_cast %add3A_218 : i32 to index
          %swap3A_251 = arith.constant 0 : index
          %swap3A_252 = tpu.vector_load %arg9[%swap3A_250, %swap3A_251] {strides = array<i32>} : memref<100x32xf32, #tpu.memory_space<vmem>>, vector<1x16xf32>,
          %swap3A_253 = vector.shape_cast %swap3A_252 : vector<1x16xf32> to vector<16xf32>
          %swap3A_254 = vector.shape_cast %mul3A_249 : vector<16xf32> to vector<1x16xf32>
          tpu.vector_store %arg9[%swap3A_250, %swap3A_251], %swap3A_254 {strides = array<i32>} : memref<100x32xf32, #tpu.memory_space<vmem>>, vector<1x16xf32>,
          %scan3A_255 = arith.constant 3 : i32
          %scan3A_256 = arith.addi %scan3A_137, %scan3A_255 : i32
          %mul3A_257 = arith.constant 1 : i32
          %mul3A_258 = arith.muli %scan3A_256, %mul3A_257 : i32
          %add3A_259 = arith.constant 0 : i32
          %add3A_260 = arith.addi %add3A_259, %mul3A_258 : i32
          %get3A_261 = arith.index_cast %add3A_260 : i32 to index
          %get3A_262 = arith.constant 16 : index
          %get3A_263 = tpu.vector_load %arg9[%get3A_261, %get3A_262] {strides = array<i32>} : memref<100x32xf32, #tpu.memory_space<vmem>>, vector<1x16xf32>,
          %get3A_264 = vector.shape_cast %get3A_263 : vector<1x16xf32> to vector<16xf32>
          %get3A_265 = arith.index_cast %add3A_260 : i32 to index
          %get3A_266 = arith.constant 0 : index
          %get3A_267 = tpu.vector_load %arg11[%get3A_265, %get3A_266] {strides = array<i32>} : memref<100x16xf32, #tpu.memory_space<vmem>>, vector<1x16xf32>,
          %get3A_268 = vector.shape_cast %get3A_267 : vector<1x16xf32> to vector<16xf32>
          %add3A_269 = arith.addf %get3A_264, %get3A_268 : vector<16xf32>
          %ge3A_270 = arith.constant 0.000000e+00 : f32
          %ge3A_271 = vector.broadcast %ge3A_270 : f32 to vector<16xf32>
          %ge3A_272 = arith.cmpf oge, %add3A_269, %ge3A_271 : vector<16xf32>
          %mul3A_273 = arith.constant 2.000000e-01 : f32
          %mul3A_274 = vector.broadcast %mul3A_273 : f32 to vector<16xf32>
          %mul3A_275 = arith.mulf %mul3A_274, %add3A_269 : vector<16xf32>
          %select_n3A_276 = arith.select %ge3A_272, %add3A_269, %mul3A_275 : vector<16xi1>, vector<16xf32>
          %sub3A_277 = arith.subf %select_n3A_276, %get3A_8 : vector<16xf32>
          %exp3A_278 = math.exp %sub3A_277 : vector<16xf32>
          %swap3A_279 = arith.index_cast %add3A_260 : i32 to index
          %swap3A_280 = arith.constant 16 : index
          %swap3A_281 = tpu.vector_load %arg9[%swap3A_279, %swap3A_280] {strides = array<i32>} : memref<100x32xf32, #tpu.memory_space<vmem>>, vector<1x16xf32>,
          %swap3A_282 = vector.shape_cast %swap3A_281 : vector<1x16xf32> to vector<16xf32>
          %swap3A_283 = vector.shape_cast %exp3A_278 : vector<16xf32> to vector<1x16xf32>
          tpu.vector_store %arg9[%swap3A_279, %swap3A_280], %swap3A_283 {strides = array<i32>} : memref<100x32xf32, #tpu.memory_space<vmem>>, vector<1x16xf32>,
          %get3A_284 = arith.index_cast %add3A_260 : i32 to index
          %get3A_285 = arith.constant 0 : index
          %get3A_286 = tpu.vector_load %arg9[%get3A_284, %get3A_285] {strides = array<i32>} : memref<100x32xf32, #tpu.memory_space<vmem>>, vector<1x16xf32>,
          %get3A_287 = vector.shape_cast %get3A_286 : vector<1x16xf32> to vector<16xf32>
          %slice3A_288 = vector.extract_strided_slice %exp3A_278 {offsets = [0], sizes = [1], strides = [1]} : vector<16xf32> to vector<1xf32>
          %squeeze3A_289 = vector.extract %slice3A_288[0] : f32 from vector<1xf32>
          %mul3A_290 = vector.broadcast %squeeze3A_289 : f32 to vector<16xf32>
          %mul3A_291 = arith.mulf %get3A_287, %mul3A_290 : vector<16xf32>
          %swap3A_292 = arith.index_cast %add3A_260 : i32 to index
          %swap3A_293 = arith.constant 0 : index
          %swap3A_294 = tpu.vector_load %arg9[%swap3A_292, %swap3A_293] {strides = array<i32>} : memref<100x32xf32, #tpu.memory_space<vmem>>, vector<1x16xf32>,
          %swap3A_295 = vector.shape_cast %swap3A_294 : vector<1x16xf32> to vector<16xf32>
          %swap3A_296 = vector.shape_cast %mul3A_291 : vector<16xf32> to vector<1x16xf32>
          tpu.vector_store %arg9[%swap3A_292, %swap3A_293], %swap3A_296 {strides = array<i32>} : memref<100x32xf32, #tpu.memory_space<vmem>>, vector<1x16xf32>,
        }
        %scan3A_77 = arith.constant 100 : i32
        %dma_start3A_78 = arith.constant 0 : i32
        %dma_start3A_79 = tpu.memref_slice %arg14[%mul3A_61, %dma_start3A_78] : memref<20x100xi32, #tpu.memory_space<vmem>> -> memref<1x100xi32, #tpu.memory_space<vmem>>
        %dma_start3A_80 = tpu.memref_squeeze %dma_start3A_79 : memref<1x100xi32, #tpu.memory_space<vmem>> -> memref<100xi32, #tpu.memory_space<vmem>>
        %dma_start3A_81 = arith.constant 0 : i32
        %dma_start3A_82 = arith.constant 0 : i32
        %dma_start3A_83 = tpu.memref_slice %arg16[%dma_start3A_81, %dma_start3A_82] : memref<10000x32xf32, #tpu.memory_space<vmem_shared>> -> memref<10000x32xf32, #tpu.memory_space<vmem_shared>>
        tpu.enqueue_indirect_dma source(%arg9 : memref<100x32xf32, #tpu.memory_space<vmem>>) target(%dma_start3A_83 : memref<10000x32xf32, #tpu.memory_space<vmem_shared>>) offsets(%dma_start3A_80 : memref<100xi32, #tpu.memory_space<vmem>>) semaphore(%arg21 : memref<!tpu.dma_semaphore, #tpu.memory_space<semaphore_mem>>) {add = true}
        %add3A_84 = arith.constant 1 : i32
        %add3A_85 = arith.addi %mul3A_61, %add3A_84 : i32
        %dma_wait3A_86 = arith.constant 0 : i32
        %dma_wait3A_87 = tpu.memref_slice %arg13[%add3A_85, %dma_wait3A_86] : memref<20x100xi32, #tpu.memory_space<vmem>> -> memref<1x100xi32, #tpu.memory_space<vmem>>
        %dma_wait3A_88 = tpu.memref_squeeze %dma_wait3A_87 : memref<1x100xi32, #tpu.memory_space<vmem>> -> memref<100xi32, #tpu.memory_space<vmem>>
        %dma_wait3A_89 = arith.constant 0 : i32
        %dma_wait3A_90 = arith.constant 0 : i32
        %dma_wait3A_91 = tpu.memref_slice %arg2[%dma_wait3A_89, %dma_wait3A_90] : memref<10000x32xf32, #tpu.memory_space<hbm>> -> memref<10000x32xf32, #tpu.memory_space<hbm>>
        tpu.wait_indirect_dma semaphore(%arg18 : memref<!tpu.dma_semaphore, #tpu.memory_space<semaphore_mem>>) src(%dma_wait3A_91 : memref<10000x32xf32, #tpu.memory_space<hbm>>) dst(%arg10 : memref<100x32xf32, #tpu.memory_space<vmem>>)
        %dma_wait3A_92 = arith.constant 0 : i32
        %dma_wait3A_93 = tpu.memref_slice %arg14[%add3A_85, %dma_wait3A_92] : memref<20x100xi32, #tpu.memory_space<vmem>> -> memref<1x100xi32, #tpu.memory_space<vmem>>
        %dma_wait3A_94 = tpu.memref_squeeze %dma_wait3A_93 : memref<1x100xi32, #tpu.memory_space<vmem>> -> memref<100xi32, #tpu.memory_space<vmem>>
        %dma_wait3A_95 = arith.constant 0 : i32
        %dma_wait3A_96 = arith.constant 0 : i32
        %dma_wait3A_97 = tpu.memref_slice %arg3[%dma_wait3A_95, %dma_wait3A_96] : memref<10000x16xf32, #tpu.memory_space<hbm>> -> memref<10000x16xf32, #tpu.memory_space<hbm>>
        tpu.wait_indirect_dma semaphore(%arg20 : memref<!tpu.dma_semaphore, #tpu.memory_space<semaphore_mem>>) src(%dma_wait3A_97 : memref<10000x16xf32, #tpu.memory_space<hbm>>) dst(%arg12 : memref<100x16xf32, #tpu.memory_space<vmem>>)
        %scan3A_98 = arith.constant 0 : i32
        %scan3A_99 = arith.constant 100 : i32
        %scan3A_100 = arith.addi %scan3A_98, %scan3A_99 : i32
        %scan3A_101 = arith.constant 4 : i32
        scf.for %scan3A_137 = %scan3A_98 to %scan3A_100 step %scan3A_101  : i32 {
          %mul3A_138 = arith.constant 1 : i32
          %mul3A_139 = arith.muli %scan3A_137, %mul3A_138 : i32
          %add3A_140 = arith.constant 0 : i32
          %add3A_141 = arith.addi %add3A_140, %mul3A_139 : i32
          %get3A_142 = arith.index_cast %add3A_141 : i32 to index
          %get3A_143 = arith.constant 16 : index
          %get3A_144 = tpu.vector_load %arg10[%get3A_142, %get3A_143] {strides = array<i32>} : memref<100x32xf32, #tpu.memory_space<vmem>>, vector<1x16xf32>,
          %get3A_145 = vector.shape_cast %get3A_144 : vector<1x16xf32> to vector<16xf32>
          %get3A_146 = arith.index_cast %add3A_141 : i32 to index
          %get3A_147 = arith.constant 0 : index
          %get3A_148 = tpu.vector_load %arg12[%get3A_146, %get3A_147] {strides = array<i32>} : memref<100x16xf32, #tpu.memory_space<vmem>>, vector<1x16xf32>,
          %get3A_149 = vector.shape_cast %get3A_148 : vector<1x16xf32> to vector<16xf32>
          %add3A_150 = arith.addf %get3A_145, %get3A_149 : vector<16xf32>
          %ge3A = arith.constant 0.000000e+00 : f32
          %ge3A_151 = vector.broadcast %ge3A : f32 to vector<16xf32>
          %ge3A_152 = arith.cmpf oge, %add3A_150, %ge3A_151 : vector<16xf32>
          %mul3A_153 = arith.constant 2.000000e-01 : f32
          %mul3A_154 = vector.broadcast %mul3A_153 : f32 to vector<16xf32>
          %mul3A_155 = arith.mulf %mul3A_154, %add3A_150 : vector<16xf32>
          %select_n3A = arith.select %ge3A_152, %add3A_150, %mul3A_155 : vector<16xi1>, vector<16xf32>
          %sub3A = arith.subf %select_n3A, %get3A_8 : vector<16xf32>
          %exp3A = math.exp %sub3A : vector<16xf32>
          %swap3A = arith.index_cast %add3A_141 : i32 to index
          %swap3A_156 = arith.constant 16 : index
          %swap3A_157 = tpu.vector_load %arg10[%swap3A, %swap3A_156] {strides = array<i32>} : memref<100x32xf32, #tpu.memory_space<vmem>>, vector<1x16xf32>,
          %swap3A_158 = vector.shape_cast %swap3A_157 : vector<1x16xf32> to vector<16xf32>
          %swap3A_159 = vector.shape_cast %exp3A : vector<16xf32> to vector<1x16xf32>
          tpu.vector_store %arg10[%swap3A, %swap3A_156], %swap3A_159 {strides = array<i32>} : memref<100x32xf32, #tpu.memory_space<vmem>>, vector<1x16xf32>,
          %get3A_160 = arith.index_cast %add3A_141 : i32 to index
          %get3A_161 = arith.constant 0 : index
          %get3A_162 = tpu.vector_load %arg10[%get3A_160, %get3A_161] {strides = array<i32>} : memref<100x32xf32, #tpu.memory_space<vmem>>, vector<1x16xf32>,
          %get3A_163 = vector.shape_cast %get3A_162 : vector<1x16xf32> to vector<16xf32>
          %slice3A = vector.extract_strided_slice %exp3A {offsets = [0], sizes = [1], strides = [1]} : vector<16xf32> to vector<1xf32>
          %squeeze3A = vector.extract %slice3A[0] : f32 from vector<1xf32>
          %mul3A_164 = vector.broadcast %squeeze3A : f32 to vector<16xf32>
          %mul3A_165 = arith.mulf %get3A_163, %mul3A_164 : vector<16xf32>
          %swap3A_166 = arith.index_cast %add3A_141 : i32 to index
          %swap3A_167 = arith.constant 0 : index
          %swap3A_168 = tpu.vector_load %arg10[%swap3A_166, %swap3A_167] {strides = array<i32>} : memref<100x32xf32, #tpu.memory_space<vmem>>, vector<1x16xf32>,
          %swap3A_169 = vector.shape_cast %swap3A_168 : vector<1x16xf32> to vector<16xf32>
          %swap3A_170 = vector.shape_cast %mul3A_165 : vector<16xf32> to vector<1x16xf32>
          tpu.vector_store %arg10[%swap3A_166, %swap3A_167], %swap3A_170 {strides = array<i32>} : memref<100x32xf32, #tpu.memory_space<vmem>>, vector<1x16xf32>,
          %scan3A_171 = arith.constant 1 : i32
          %scan3A_172 = arith.addi %scan3A_137, %scan3A_171 : i32
          %mul3A_173 = arith.constant 1 : i32
          %mul3A_174 = arith.muli %scan3A_172, %mul3A_173 : i32
          %add3A_175 = arith.constant 0 : i32
          %add3A_176 = arith.addi %add3A_175, %mul3A_174 : i32
          %get3A_177 = arith.index_cast %add3A_176 : i32 to index
          %get3A_178 = arith.constant 16 : index
          %get3A_179 = tpu.vector_load %arg10[%get3A_177, %get3A_178] {strides = array<i32>} : memref<100x32xf32, #tpu.memory_space<vmem>>, vector<1x16xf32>,
          %get3A_180 = vector.shape_cast %get3A_179 : vector<1x16xf32> to vector<16xf32>
          %get3A_181 = arith.index_cast %add3A_176 : i32 to index
          %get3A_182 = arith.constant 0 : index
          %get3A_183 = tpu.vector_load %arg12[%get3A_181, %get3A_182] {strides = array<i32>} : memref<100x16xf32, #tpu.memory_space<vmem>>, vector<1x16xf32>,
          %get3A_184 = vector.shape_cast %get3A_183 : vector<1x16xf32> to vector<16xf32>
          %add3A_185 = arith.addf %get3A_180, %get3A_184 : vector<16xf32>
          %ge3A_186 = arith.constant 0.000000e+00 : f32
          %ge3A_187 = vector.broadcast %ge3A_186 : f32 to vector<16xf32>
          %ge3A_188 = arith.cmpf oge, %add3A_185, %ge3A_187 : vector<16xf32>
          %mul3A_189 = arith.constant 2.000000e-01 : f32
          %mul3A_190 = vector.broadcast %mul3A_189 : f32 to vector<16xf32>
          %mul3A_191 = arith.mulf %mul3A_190, %add3A_185 : vector<16xf32>
          %select_n3A_192 = arith.select %ge3A_188, %add3A_185, %mul3A_191 : vector<16xi1>, vector<16xf32>
          %sub3A_193 = arith.subf %select_n3A_192, %get3A_8 : vector<16xf32>
          %exp3A_194 = math.exp %sub3A_193 : vector<16xf32>
          %swap3A_195 = arith.index_cast %add3A_176 : i32 to index
          %swap3A_196 = arith.constant 16 : index
          %swap3A_197 = tpu.vector_load %arg10[%swap3A_195, %swap3A_196] {strides = array<i32>} : memref<100x32xf32, #tpu.memory_space<vmem>>, vector<1x16xf32>,
          %swap3A_198 = vector.shape_cast %swap3A_197 : vector<1x16xf32> to vector<16xf32>
          %swap3A_199 = vector.shape_cast %exp3A_194 : vector<16xf32> to vector<1x16xf32>
          tpu.vector_store %arg10[%swap3A_195, %swap3A_196], %swap3A_199 {strides = array<i32>} : memref<100x32xf32, #tpu.memory_space<vmem>>, vector<1x16xf32>,
          %get3A_200 = arith.index_cast %add3A_176 : i32 to index
          %get3A_201 = arith.constant 0 : index
          %get3A_202 = tpu.vector_load %arg10[%get3A_200, %get3A_201] {strides = array<i32>} : memref<100x32xf32, #tpu.memory_space<vmem>>, vector<1x16xf32>,
          %get3A_203 = vector.shape_cast %get3A_202 : vector<1x16xf32> to vector<16xf32>
          %slice3A_204 = vector.extract_strided_slice %exp3A_194 {offsets = [0], sizes = [1], strides = [1]} : vector<16xf32> to vector<1xf32>
          %squeeze3A_205 = vector.extract %slice3A_204[0] : f32 from vector<1xf32>
          %mul3A_206 = vector.broadcast %squeeze3A_205 : f32 to vector<16xf32>
          %mul3A_207 = arith.mulf %get3A_203, %mul3A_206 : vector<16xf32>
          %swap3A_208 = arith.index_cast %add3A_176 : i32 to index
          %swap3A_209 = arith.constant 0 : index
          %swap3A_210 = tpu.vector_load %arg10[%swap3A_208, %swap3A_209] {strides = array<i32>} : memref<100x32xf32, #tpu.memory_space<vmem>>, vector<1x16xf32>,
          %swap3A_211 = vector.shape_cast %swap3A_210 : vector<1x16xf32> to vector<16xf32>
          %swap3A_212 = vector.shape_cast %mul3A_207 : vector<16xf32> to vector<1x16xf32>
          tpu.vector_store %arg10[%swap3A_208, %swap3A_209], %swap3A_212 {strides = array<i32>} : memref<100x32xf32, #tpu.memory_space<vmem>>, vector<1x16xf32>,
          %scan3A_213 = arith.constant 2 : i32
          %scan3A_214 = arith.addi %scan3A_137, %scan3A_213 : i32
          %mul3A_215 = arith.constant 1 : i32
          %mul3A_216 = arith.muli %scan3A_214, %mul3A_215 : i32
          %add3A_217 = arith.constant 0 : i32
          %add3A_218 = arith.addi %add3A_217, %mul3A_216 : i32
          %get3A_219 = arith.index_cast %add3A_218 : i32 to index
          %get3A_220 = arith.constant 16 : index
          %get3A_221 = tpu.vector_load %arg10[%get3A_219, %get3A_220] {strides = array<i32>} : memref<100x32xf32, #tpu.memory_space<vmem>>, vector<1x16xf32>,
          %get3A_222 = vector.shape_cast %get3A_221 : vector<1x16xf32> to vector<16xf32>
          %get3A_223 = arith.index_cast %add3A_218 : i32 to index
          %get3A_224 = arith.constant 0 : index
          %get3A_225 = tpu.vector_load %arg12[%get3A_223, %get3A_224] {strides = array<i32>} : memref<100x16xf32, #tpu.memory_space<vmem>>, vector<1x16xf32>,
          %get3A_226 = vector.shape_cast %get3A_225 : vector<1x16xf32> to vector<16xf32>
          %add3A_227 = arith.addf %get3A_222, %get3A_226 : vector<16xf32>
          %ge3A_228 = arith.constant 0.000000e+00 : f32
          %ge3A_229 = vector.broadcast %ge3A_228 : f32 to vector<16xf32>
          %ge3A_230 = arith.cmpf oge, %add3A_227, %ge3A_229 : vector<16xf32>
          %mul3A_231 = arith.constant 2.000000e-01 : f32
          %mul3A_232 = vector.broadcast %mul3A_231 : f32 to vector<16xf32>
          %mul3A_233 = arith.mulf %mul3A_232, %add3A_227 : vector<16xf32>
          %select_n3A_234 = arith.select %ge3A_230, %add3A_227, %mul3A_233 : vector<16xi1>, vector<16xf32>
          %sub3A_235 = arith.subf %select_n3A_234, %get3A_8 : vector<16xf32>
          %exp3A_236 = math.exp %sub3A_235 : vector<16xf32>
          %swap3A_237 = arith.index_cast %add3A_218 : i32 to index
          %swap3A_238 = arith.constant 16 : index
          %swap3A_239 = tpu.vector_load %arg10[%swap3A_237, %swap3A_238] {strides = array<i32>} : memref<100x32xf32, #tpu.memory_space<vmem>>, vector<1x16xf32>,
          %swap3A_240 = vector.shape_cast %swap3A_239 : vector<1x16xf32> to vector<16xf32>
          %swap3A_241 = vector.shape_cast %exp3A_236 : vector<16xf32> to vector<1x16xf32>
          tpu.vector_store %arg10[%swap3A_237, %swap3A_238], %swap3A_241 {strides = array<i32>} : memref<100x32xf32, #tpu.memory_space<vmem>>, vector<1x16xf32>,
          %get3A_242 = arith.index_cast %add3A_218 : i32 to index
          %get3A_243 = arith.constant 0 : index
          %get3A_244 = tpu.vector_load %arg10[%get3A_242, %get3A_243] {strides = array<i32>} : memref<100x32xf32, #tpu.memory_space<vmem>>, vector<1x16xf32>,
          %get3A_245 = vector.shape_cast %get3A_244 : vector<1x16xf32> to vector<16xf32>
          %slice3A_246 = vector.extract_strided_slice %exp3A_236 {offsets = [0], sizes = [1], strides = [1]} : vector<16xf32> to vector<1xf32>
          %squeeze3A_247 = vector.extract %slice3A_246[0] : f32 from vector<1xf32>
          %mul3A_248 = vector.broadcast %squeeze3A_247 : f32 to vector<16xf32>
          %mul3A_249 = arith.mulf %get3A_245, %mul3A_248 : vector<16xf32>
          %swap3A_250 = arith.index_cast %add3A_218 : i32 to index
          %swap3A_251 = arith.constant 0 : index
          %swap3A_252 = tpu.vector_load %arg10[%swap3A_250, %swap3A_251] {strides = array<i32>} : memref<100x32xf32, #tpu.memory_space<vmem>>, vector<1x16xf32>,
          %swap3A_253 = vector.shape_cast %swap3A_252 : vector<1x16xf32> to vector<16xf32>
          %swap3A_254 = vector.shape_cast %mul3A_249 : vector<16xf32> to vector<1x16xf32>
          tpu.vector_store %arg10[%swap3A_250, %swap3A_251], %swap3A_254 {strides = array<i32>} : memref<100x32xf32, #tpu.memory_space<vmem>>, vector<1x16xf32>,
          %scan3A_255 = arith.constant 3 : i32
          %scan3A_256 = arith.addi %scan3A_137, %scan3A_255 : i32
          %mul3A_257 = arith.constant 1 : i32
          %mul3A_258 = arith.muli %scan3A_256, %mul3A_257 : i32
          %add3A_259 = arith.constant 0 : i32
          %add3A_260 = arith.addi %add3A_259, %mul3A_258 : i32
          %get3A_261 = arith.index_cast %add3A_260 : i32 to index
          %get3A_262 = arith.constant 16 : index
          %get3A_263 = tpu.vector_load %arg10[%get3A_261, %get3A_262] {strides = array<i32>} : memref<100x32xf32, #tpu.memory_space<vmem>>, vector<1x16xf32>,
          %get3A_264 = vector.shape_cast %get3A_263 : vector<1x16xf32> to vector<16xf32>
          %get3A_265 = arith.index_cast %add3A_260 : i32 to index
          %get3A_266 = arith.constant 0 : index
          %get3A_267 = tpu.vector_load %arg12[%get3A_265, %get3A_266] {strides = array<i32>} : memref<100x16xf32, #tpu.memory_space<vmem>>, vector<1x16xf32>,
          %get3A_268 = vector.shape_cast %get3A_267 : vector<1x16xf32> to vector<16xf32>
          %add3A_269 = arith.addf %get3A_264, %get3A_268 : vector<16xf32>
          %ge3A_270 = arith.constant 0.000000e+00 : f32
          %ge3A_271 = vector.broadcast %ge3A_270 : f32 to vector<16xf32>
          %ge3A_272 = arith.cmpf oge, %add3A_269, %ge3A_271 : vector<16xf32>
          %mul3A_273 = arith.constant 2.000000e-01 : f32
          %mul3A_274 = vector.broadcast %mul3A_273 : f32 to vector<16xf32>
          %mul3A_275 = arith.mulf %mul3A_274, %add3A_269 : vector<16xf32>
          %select_n3A_276 = arith.select %ge3A_272, %add3A_269, %mul3A_275 : vector<16xi1>, vector<16xf32>
          %sub3A_277 = arith.subf %select_n3A_276, %get3A_8 : vector<16xf32>
          %exp3A_278 = math.exp %sub3A_277 : vector<16xf32>
          %swap3A_279 = arith.index_cast %add3A_260 : i32 to index
          %swap3A_280 = arith.constant 16 : index
          %swap3A_281 = tpu.vector_load %arg10[%swap3A_279, %swap3A_280] {strides = array<i32>} : memref<100x32xf32, #tpu.memory_space<vmem>>, vector<1x16xf32>,
          %swap3A_282 = vector.shape_cast %swap3A_281 : vector<1x16xf32> to vector<16xf32>
          %swap3A_283 = vector.shape_cast %exp3A_278 : vector<16xf32> to vector<1x16xf32>
          tpu.vector_store %arg10[%swap3A_279, %swap3A_280], %swap3A_283 {strides = array<i32>} : memref<100x32xf32, #tpu.memory_space<vmem>>, vector<1x16xf32>,
          %get3A_284 = arith.index_cast %add3A_260 : i32 to index
          %get3A_285 = arith.constant 0 : index
          %get3A_286 = tpu.vector_load %arg10[%get3A_284, %get3A_285] {strides = array<i32>} : memref<100x32xf32, #tpu.memory_space<vmem>>, vector<1x16xf32>,
          %get3A_287 = vector.shape_cast %get3A_286 : vector<1x16xf32> to vector<16xf32>
          %slice3A_288 = vector.extract_strided_slice %exp3A_278 {offsets = [0], sizes = [1], strides = [1]} : vector<16xf32> to vector<1xf32>
          %squeeze3A_289 = vector.extract %slice3A_288[0] : f32 from vector<1xf32>
          %mul3A_290 = vector.broadcast %squeeze3A_289 : f32 to vector<16xf32>
          %mul3A_291 = arith.mulf %get3A_287, %mul3A_290 : vector<16xf32>
          %swap3A_292 = arith.index_cast %add3A_260 : i32 to index
          %swap3A_293 = arith.constant 0 : index
          %swap3A_294 = tpu.vector_load %arg10[%swap3A_292, %swap3A_293] {strides = array<i32>} : memref<100x32xf32, #tpu.memory_space<vmem>>, vector<1x16xf32>,
          %swap3A_295 = vector.shape_cast %swap3A_294 : vector<1x16xf32> to vector<16xf32>
          %swap3A_296 = vector.shape_cast %mul3A_291 : vector<16xf32> to vector<1x16xf32>
          tpu.vector_store %arg10[%swap3A_292, %swap3A_293], %swap3A_296 {strides = array<i32>} : memref<100x32xf32, #tpu.memory_space<vmem>>, vector<1x16xf32>,
        }
        %scan3A_102 = arith.constant 100 : i32
        %dma_start3A_103 = arith.constant 0 : i32
        %dma_start3A_104 = tpu.memref_slice %arg14[%add3A_85, %dma_start3A_103] : memref<20x100xi32, #tpu.memory_space<vmem>> -> memref<1x100xi32, #tpu.memory_space<vmem>>
        %dma_start3A_105 = tpu.memref_squeeze %dma_start3A_104 : memref<1x100xi32, #tpu.memory_space<vmem>> -> memref<100xi32, #tpu.memory_space<vmem>>
        %dma_start3A_106 = arith.constant 0 : i32
        %dma_start3A_107 = arith.constant 0 : i32
        %dma_start3A_108 = tpu.memref_slice %arg16[%dma_start3A_106, %dma_start3A_107] : memref<10000x32xf32, #tpu.memory_space<vmem_shared>> -> memref<10000x32xf32, #tpu.memory_space<vmem_shared>>
        tpu.enqueue_indirect_dma source(%arg10 : memref<100x32xf32, #tpu.memory_space<vmem>>) target(%dma_start3A_108 : memref<10000x32xf32, #tpu.memory_space<vmem_shared>>) offsets(%dma_start3A_105 : memref<100xi32, #tpu.memory_space<vmem>>) semaphore(%arg22 : memref<!tpu.dma_semaphore, #tpu.memory_space<semaphore_mem>>) {add = true}
        %dma_wait3A_109 = arith.constant 0 : i32
        %dma_wait3A_110 = tpu.memref_slice %arg14[%mul3A_61, %dma_wait3A_109] : memref<20x100xi32, #tpu.memory_space<vmem>> -> memref<1x100xi32, #tpu.memory_space<vmem>>
        %dma_wait3A_111 = tpu.memref_squeeze %dma_wait3A_110 : memref<1x100xi32, #tpu.memory_space<vmem>> -> memref<100xi32, #tpu.memory_space<vmem>>
        %dma_wait3A_112 = arith.constant 0 : i32
        %dma_wait3A_113 = arith.constant 0 : i32
        %dma_wait3A_114 = tpu.memref_slice %arg16[%dma_wait3A_112, %dma_wait3A_113] : memref<10000x32xf32, #tpu.memory_space<vmem_shared>> -> memref<10000x32xf32, #tpu.memory_space<vmem_shared>>
        tpu.wait_indirect_dma semaphore(%arg21 : memref<!tpu.dma_semaphore, #tpu.memory_space<semaphore_mem>>) src(%arg9 : memref<100x32xf32, #tpu.memory_space<vmem>>) dst(%dma_wait3A_114 : memref<10000x32xf32, #tpu.memory_space<vmem_shared>>)
        %add3A_115 = arith.constant 2 : i32
        %add3A_116 = arith.addi %mul3A_61, %add3A_115 : i32
        %lt3A_117 = arith.constant 20 : i32
        %lt3A_118 = arith.cmpi slt, %add3A_116, %lt3A_117 : i32
        %convert_element_type3A_119 = arith.extui %lt3A_118 : i1 to i32
        %cond3A_120 = arith.constant 0 : i32
        %cond3A_121 = arith.cmpi ne, %convert_element_type3A_119, %cond3A_120 : i32
        scf.if %cond3A_121 {
          %add3A_137 = arith.constant 2 : i32
          %add3A_138 = arith.addi %mul3A_61, %add3A_137 : i32
          %dma_start3A_139 = arith.constant 0 : i32
          %dma_start3A_140 = tpu.memref_slice %arg13[%add3A_138, %dma_start3A_139] : memref<20x100xi32, #tpu.memory_space<vmem>> -> memref<1x100xi32, #tpu.memory_space<vmem>>
          %dma_start3A_141 = tpu.memref_squeeze %dma_start3A_140 : memref<1x100xi32, #tpu.memory_space<vmem>> -> memref<100xi32, #tpu.memory_space<vmem>>
          %dma_start3A_142 = arith.constant 0 : i32
          %dma_start3A_143 = arith.constant 0 : i32
          %dma_start3A_144 = tpu.memref_slice %arg2[%dma_start3A_142, %dma_start3A_143] : memref<10000x32xf32, #tpu.memory_space<hbm>> -> memref<10000x32xf32, #tpu.memory_space<hbm>>
          tpu.enqueue_indirect_dma source(%dma_start3A_144 : memref<10000x32xf32, #tpu.memory_space<hbm>>) target(%arg9 : memref<100x32xf32, #tpu.memory_space<vmem>>) offsets(%dma_start3A_141 : memref<100xi32, #tpu.memory_space<vmem>>) semaphore(%arg17 : memref<!tpu.dma_semaphore, #tpu.memory_space<semaphore_mem>>)
          %dma_start3A_145 = arith.constant 0 : i32
          %dma_start3A_146 = tpu.memref_slice %arg14[%add3A_138, %dma_start3A_145] : memref<20x100xi32, #tpu.memory_space<vmem>> -> memref<1x100xi32, #tpu.memory_space<vmem>>
          %dma_start3A_147 = tpu.memref_squeeze %dma_start3A_146 : memref<1x100xi32, #tpu.memory_space<vmem>> -> memref<100xi32, #tpu.memory_space<vmem>>
          %dma_start3A_148 = arith.constant 0 : i32
          %dma_start3A_149 = arith.constant 0 : i32
          %dma_start3A_150 = tpu.memref_slice %arg3[%dma_start3A_148, %dma_start3A_149] : memref<10000x16xf32, #tpu.memory_space<hbm>> -> memref<10000x16xf32, #tpu.memory_space<hbm>>
          tpu.enqueue_indirect_dma source(%dma_start3A_150 : memref<10000x16xf32, #tpu.memory_space<hbm>>) target(%arg11 : memref<100x16xf32, #tpu.memory_space<vmem>>) offsets(%dma_start3A_147 : memref<100xi32, #tpu.memory_space<vmem>>) semaphore(%arg19 : memref<!tpu.dma_semaphore, #tpu.memory_space<semaphore_mem>>)
        } else {
        }
        %add3A_122 = arith.constant 1 : i32
        %add3A_123 = arith.addi %mul3A_61, %add3A_122 : i32
        %dma_wait3A_124 = arith.constant 0 : i32
        %dma_wait3A_125 = tpu.memref_slice %arg14[%add3A_123, %dma_wait3A_124] : memref<20x100xi32, #tpu.memory_space<vmem>> -> memref<1x100xi32, #tpu.memory_space<vmem>>
        %dma_wait3A_126 = tpu.memref_squeeze %dma_wait3A_125 : memref<1x100xi32, #tpu.memory_space<vmem>> -> memref<100xi32, #tpu.memory_space<vmem>>
        %dma_wait3A_127 = arith.constant 0 : i32
        %dma_wait3A_128 = arith.constant 0 : i32
        %dma_wait3A_129 = tpu.memref_slice %arg16[%dma_wait3A_127, %dma_wait3A_128] : memref<10000x32xf32, #tpu.memory_space<vmem_shared>> -> memref<10000x32xf32, #tpu.memory_space<vmem_shared>>
        tpu.wait_indirect_dma semaphore(%arg22 : memref<!tpu.dma_semaphore, #tpu.memory_space<semaphore_mem>>) src(%arg10 : memref<100x32xf32, #tpu.memory_space<vmem>>) dst(%dma_wait3A_129 : memref<10000x32xf32, #tpu.memory_space<vmem_shared>>)
        %add3A_130 = arith.constant 3 : i32
        %add3A_131 = arith.addi %mul3A_61, %add3A_130 : i32
        %lt3A_132 = arith.constant 20 : i32
        %lt3A_133 = arith.cmpi slt, %add3A_131, %lt3A_132 : i32
        %convert_element_type3A_134 = arith.extui %lt3A_133 : i1 to i32
        %cond3A_135 = arith.constant 0 : i32
        %cond3A_136 = arith.cmpi ne, %convert_element_type3A_134, %cond3A_135 : i32
        scf.if %cond3A_136 {
          %add3A_137 = arith.constant 3 : i32
          %add3A_138 = arith.addi %mul3A_61, %add3A_137 : i32
          %dma_start3A_139 = arith.constant 0 : i32
          %dma_start3A_140 = tpu.memref_slice %arg13[%add3A_138, %dma_start3A_139] : memref<20x100xi32, #tpu.memory_space<vmem>> -> memref<1x100xi32, #tpu.memory_space<vmem>>
          %dma_start3A_141 = tpu.memref_squeeze %dma_start3A_140 : memref<1x100xi32, #tpu.memory_space<vmem>> -> memref<100xi32, #tpu.memory_space<vmem>>
          %dma_start3A_142 = arith.constant 0 : i32
          %dma_start3A_143 = arith.constant 0 : i32
          %dma_start3A_144 = tpu.memref_slice %arg2[%dma_start3A_142, %dma_start3A_143] : memref<10000x32xf32, #tpu.memory_space<hbm>> -> memref<10000x32xf32, #tpu.memory_space<hbm>>
          tpu.enqueue_indirect_dma source(%dma_start3A_144 : memref<10000x32xf32, #tpu.memory_space<hbm>>) target(%arg10 : memref<100x32xf32, #tpu.memory_space<vmem>>) offsets(%dma_start3A_141 : memref<100xi32, #tpu.memory_space<vmem>>) semaphore(%arg18 : memref<!tpu.dma_semaphore, #tpu.memory_space<semaphore_mem>>)
          %dma_start3A_145 = arith.constant 0 : i32
          %dma_start3A_146 = tpu.memref_slice %arg14[%add3A_138, %dma_start3A_145] : memref<20x100xi32, #tpu.memory_space<vmem>> -> memref<1x100xi32, #tpu.memory_space<vmem>>
          %dma_start3A_147 = tpu.memref_squeeze %dma_start3A_146 : memref<1x100xi32, #tpu.memory_space<vmem>> -> memref<100xi32, #tpu.memory_space<vmem>>
          %dma_start3A_148 = arith.constant 0 : i32
          %dma_start3A_149 = arith.constant 0 : i32
          %dma_start3A_150 = tpu.memref_slice %arg3[%dma_start3A_148, %dma_start3A_149] : memref<10000x16xf32, #tpu.memory_space<hbm>> -> memref<10000x16xf32, #tpu.memory_space<hbm>>
          tpu.enqueue_indirect_dma source(%dma_start3A_150 : memref<10000x16xf32, #tpu.memory_space<hbm>>) target(%arg12 : memref<100x16xf32, #tpu.memory_space<vmem>>) offsets(%dma_start3A_147 : memref<100xi32, #tpu.memory_space<vmem>>) semaphore(%arg20 : memref<!tpu.dma_semaphore, #tpu.memory_space<semaphore_mem>>)
        } else {
        }
      }
      %scan3A_58 = arith.constant 10 : i32
    }
    %scan3A_13 = arith.constant 5 : i32
    %barrier3A_14 = arith.constant 0 : index
    tpu.barrier barrier_id(%barrier3A_14)
    %lt3A_15 = arith.constant 15 : i32
    %lt3A_16 = arith.cmpi slt, %arg1, %lt3A_15 : i32
    %convert_element_type3A_17 = arith.extui %lt3A_16 : i1 to i32
    %cond3A_18 = arith.constant 0 : i32
    %cond3A_19 = arith.cmpi ne, %convert_element_type3A_17, %cond3A_18 : i32
    scf.if %cond3A_19 {
      %mul3A_25 = arith.constant 624 : i32
      %mul3A_26 = arith.muli %arg1, %mul3A_25 : i32
      %mul3A_27 = arith.constant 624 : i32
      %mul3A_28 = arith.muli %arg1, %mul3A_27 : i32
      "tpu.region"() ({
        %run_scoped3A = tpu.sem_alloc : memref<!tpu.dma_semaphore, #tpu.memory_space<semaphore_mem>>
        %dma_start3A = arith.constant 0 : i32
        %dma_start3A_29 = tpu.memref_slice %arg8[%arg0, %mul3A_28, %dma_start3A] : memref<2x10000x32xf32, #tpu.memory_space<hbm>> -> memref<1x624x32xf32, #tpu.memory_space<hbm>>
        %dma_start3A_30 = tpu.memref_squeeze %dma_start3A_29 : memref<1x624x32xf32, #tpu.memory_space<hbm>> -> memref<624x32xf32, #tpu.memory_space<hbm>>
        %dma_start3A_31 = arith.constant 0 : i32
        %dma_start3A_32 = tpu.memref_slice %arg16[%mul3A_26, %dma_start3A_31] : memref<10000x32xf32, #tpu.memory_space<vmem_shared>> -> memref<624x32xf32, #tpu.memory_space<vmem_shared>>
        tpu.enqueue_dma source(%dma_start3A_32 : memref<624x32xf32, #tpu.memory_space<vmem_shared>>) target(%dma_start3A_30 : memref<624x32xf32, #tpu.memory_space<hbm>>) target_semaphore(%run_scoped3A : memref<!tpu.dma_semaphore, #tpu.memory_space<semaphore_mem>>)
        %dma_wait3A = arith.constant 0 : i32
        %dma_wait3A_33 = tpu.memref_slice %arg8[%arg0, %mul3A_28, %dma_wait3A] : memref<2x10000x32xf32, #tpu.memory_space<hbm>> -> memref<1x624x32xf32, #tpu.memory_space<hbm>>
        %dma_wait3A_34 = tpu.memref_squeeze %dma_wait3A_33 : memref<1x624x32xf32, #tpu.memory_space<hbm>> -> memref<624x32xf32, #tpu.memory_space<hbm>>
        %dma_wait3A_35 = arith.constant 0 : i32
        %dma_wait3A_36 = tpu.memref_slice %arg16[%mul3A_26, %dma_wait3A_35] : memref<10000x32xf32, #tpu.memory_space<vmem_shared>> -> memref<624x32xf32, #tpu.memory_space<vmem_shared>>
        tpu.wait_dma2 semaphore(%run_scoped3A : memref<!tpu.dma_semaphore, #tpu.memory_space<semaphore_mem>>) src(%dma_wait3A_36 : memref<624x32xf32, #tpu.memory_space<vmem_shared>>) dst(%dma_wait3A_34 : memref<624x32xf32, #tpu.memory_space<hbm>>)
        tpu.yield
      }) : () -> ()
    } else {
    }
    %eq3A_20 = arith.constant 15 : i32
    %eq3A_21 = arith.cmpi eq, %arg1, %eq3A_20 : i32
    %convert_element_type3A_22 = arith.extui %eq3A_21 : i1 to i32
    %cond3A_23 = arith.constant 0 : i32
    %cond3A_24 = arith.cmpi ne, %convert_element_type3A_22, %cond3A_23 : i32
    scf.if %cond3A_24 {
      "tpu.region"() ({
        %run_scoped3A = tpu.sem_alloc : memref<!tpu.dma_semaphore, #tpu.memory_space<semaphore_mem>>
        %dma_start3A = arith.constant 9360 : i32
        %dma_start3A_25 = arith.constant 0 : i32
        %dma_start3A_26 = tpu.memref_slice %arg8[%arg0, %dma_start3A, %dma_start3A_25] : memref<2x10000x32xf32, #tpu.memory_space<hbm>> -> memref<1x640x32xf32, #tpu.memory_space<hbm>>
        %dma_start3A_27 = tpu.memref_squeeze %dma_start3A_26 : memref<1x640x32xf32, #tpu.memory_space<hbm>> -> memref<640x32xf32, #tpu.memory_space<hbm>>
        %dma_start3A_28 = arith.constant 9360 : i32
        %dma_start3A_29 = arith.constant 0 : i32
        %dma_start3A_30 = tpu.memref_slice %arg16[%dma_start3A_28, %dma_start3A_29] : memref<10000x32xf32, #tpu.memory_space<vmem_shared>> -> memref<640x32xf32, #tpu.memory_space<vmem_shared>>
        tpu.enqueue_dma source(%dma_start3A_30 : memref<640x32xf32, #tpu.memory_space<vmem_shared>>) target(%dma_start3A_27 : memref<640x32xf32, #tpu.memory_space<hbm>>) target_semaphore(%run_scoped3A : memref<!tpu.dma_semaphore, #tpu.memory_space<semaphore_mem>>)
        %dma_wait3A = arith.constant 9360 : i32
        %dma_wait3A_31 = arith.constant 0 : i32
        %dma_wait3A_32 = tpu.memref_slice %arg8[%arg0, %dma_wait3A, %dma_wait3A_31] : memref<2x10000x32xf32, #tpu.memory_space<hbm>> -> memref<1x640x32xf32, #tpu.memory_space<hbm>>
        %dma_wait3A_33 = tpu.memref_squeeze %dma_wait3A_32 : memref<1x640x32xf32, #tpu.memory_space<hbm>> -> memref<640x32xf32, #tpu.memory_space<hbm>>
        %dma_wait3A_34 = arith.constant 9360 : i32
        %dma_wait3A_35 = arith.constant 0 : i32
        %dma_wait3A_36 = tpu.memref_slice %arg16[%dma_wait3A_34, %dma_wait3A_35] : memref<10000x32xf32, #tpu.memory_space<vmem_shared>> -> memref<640x32xf32, #tpu.memory_space<vmem_shared>>
        tpu.wait_dma2 semaphore(%run_scoped3A : memref<!tpu.dma_semaphore, #tpu.memory_space<semaphore_mem>>) src(%dma_wait3A_36 : memref<640x32xf32, #tpu.memory_space<vmem_shared>>) dst(%dma_wait3A_33 : memref<640x32xf32, #tpu.memory_space<hbm>>)
        tpu.yield
      }) : () -> ()
    } else {
    }
    return
  }
}

module attributes {stable_mosaic.version = 14 : i64} {
  func.func @_pre_first_body(%arg0: i32, %arg1: memref<400x128xf32, #tpu.memory_space<vmem>>, %arg2: memref<128x128xf32, #tpu.memory_space<vmem>>, %arg3: memref<8x16xf32, #tpu.memory_space<vmem>>, %arg4: memref<8x16xf32, #tpu.memory_space<vmem>>, %arg5: memref<400x144xf32, #tpu.memory_space<vmem>>, %arg6: memref<400x16xf32, #tpu.memory_space<vmem>>, %arg7: memref<1x16xf32, #tpu.memory_space<vmem>>) attributes {dimension_semantics = [#tpu.dimension_semantics<arbitrary>], iteration_bounds = array<i64: 25>, scalar_prefetch = 0 : i64, scratch_operands = 0 : i64, tpu.core_type = #tpu.core_type<tc>, window_params = [{transform_indices = @transform_0, window_bounds = array<i64: 400, 128>}, {pipeline_mode = #tpu.pipeline_mode<synchronous>, transform_indices = @transform_1, window_bounds = array<i64: 128, 128>}, {pipeline_mode = #tpu.pipeline_mode<synchronous>, transform_indices = @transform_2, window_bounds = array<i64: 8, 16>}, {pipeline_mode = #tpu.pipeline_mode<synchronous>, transform_indices = @transform_3, window_bounds = array<i64: 8, 16>}, {transform_indices = @transform_4, window_bounds = array<i64: 400, 144>}, {transform_indices = @transform_5, window_bounds = array<i64: 400, 16>}, {pipeline_mode = #tpu.pipeline_mode<synchronous>, transform_indices = @transform_6, window_bounds = array<i64: 1, 16>}]} {
    %get3A = arith.constant 0 : index
    %get3A_0 = arith.constant 0 : index
    %get3A_1 = vector.load %arg1[%get3A, %get3A_0] : memref<400x128xf32, #tpu.memory_space<vmem>>, vector<400x128xf32>
    %get3A_2 = arith.constant 0 : index
    %get3A_3 = arith.constant 0 : index
    %get3A_4 = vector.load %arg2[%get3A_2, %get3A_3] : memref<128x128xf32, #tpu.memory_space<vmem>>, vector<128x128xf32>
    %dot_general3A = arith.constant dense<0.000000e+00> : vector<400x128xf32>
    %dot_general3A_5 = tpu.matmul %get3A_1, %get3A_4, %dot_general3A {dimension_numbers = #tpu.dot_dimension_numbers<[1], [0], [0], [1], [0, 0, 1, 1], [], []>, transpose_lhs_hint = false} : vector<400x128xf32>, vector<128x128xf32>, vector<400x128xf32> -> vector<400x128xf32>
    %get3A_6 = arith.constant 0 : index
    %get3A_7 = arith.constant 0 : index
    %get3A_8 = vector.load %arg3[%get3A_6, %get3A_7] : memref<8x16xf32, #tpu.memory_space<vmem>>, vector<8x16xf32>
    %get3A_9 = arith.constant 0 : index
    %get3A_10 = arith.constant 0 : index
    %get3A_11 = vector.load %arg4[%get3A_9, %get3A_10] : memref<8x16xf32, #tpu.memory_space<vmem>>, vector<8x16xf32>
    %reshape3A = vector.shape_cast %dot_general3A_5 : vector<400x128xf32> to vector<400x8x16xf32>
    %broadcast_in_dim3A = vector.shape_cast %get3A_8 : vector<8x16xf32> to vector<1x8x16xf32>
    %mul3A = vector.broadcast %broadcast_in_dim3A : vector<1x8x16xf32> to vector<400x8x16xf32>
    %mul3A_12 = arith.mulf %reshape3A, %mul3A : vector<400x8x16xf32>
    %reduce_sum3A = arith.constant dense<0.000000e+00> : vector<400x8xf32>
    %reduce_sum3A_13 = vector.multi_reduction <add>, %mul3A_12, %reduce_sum3A [2] : vector<400x8x16xf32> to vector<400x8xf32>
    %broadcast_in_dim3A_14 = vector.shape_cast %get3A_11 : vector<8x16xf32> to vector<1x8x16xf32>
    %mul3A_15 = vector.broadcast %broadcast_in_dim3A_14 : vector<1x8x16xf32> to vector<400x8x16xf32>
    %mul3A_16 = arith.mulf %reshape3A, %mul3A_15 : vector<400x8x16xf32>
    %reduce_sum3A_17 = arith.constant dense<0.000000e+00> : vector<400x8xf32>
    %reduce_sum3A_18 = vector.multi_reduction <add>, %mul3A_16, %reduce_sum3A_17 [2] : vector<400x8x16xf32> to vector<400x8xf32>
    %broadcast_in_dim3A_19 = arith.constant 0.000000e+00 : f32
    %broadcast_in_dim3A_20 = vector.broadcast %broadcast_in_dim3A_19 : f32 to vector<400x8xf32>
    %concatenate3A = tpu.concatenate %dot_general3A_5, %reduce_sum3A_13, %broadcast_in_dim3A_20 in 1 : vector<400x128xf32>, vector<400x8xf32>, vector<400x8xf32> -> vector<400x144xf32>
    %swap3A = arith.constant 0 : index
    %swap3A_21 = arith.constant 0 : index
    %swap3A_22 = vector.load %arg5[%swap3A, %swap3A_21] : memref<400x144xf32, #tpu.memory_space<vmem>>, vector<400x144xf32>
    tpu.vector_store %arg5[%swap3A, %swap3A_21], %concatenate3A {strides = array<i32>} : memref<400x144xf32, #tpu.memory_space<vmem>>, vector<400x144xf32>,
    %concatenate3A_23 = tpu.concatenate %reduce_sum3A_18, %broadcast_in_dim3A_20 in 1 : vector<400x8xf32>, vector<400x8xf32> -> vector<400x16xf32>
    %swap3A_24 = arith.constant 0 : index
    %swap3A_25 = arith.constant 0 : index
    %swap3A_26 = vector.load %arg6[%swap3A_24, %swap3A_25] : memref<400x16xf32, #tpu.memory_space<vmem>>, vector<400x16xf32>
    tpu.vector_store %arg6[%swap3A_24, %swap3A_25], %concatenate3A_23 {strides = array<i32>} : memref<400x16xf32, #tpu.memory_space<vmem>>, vector<400x16xf32>,
    %reduce_max3A = arith.constant dense<0xFF800000> : vector<8xf32>
    %reduce_max3A_27 = vector.multi_reduction <maximumf>, %reduce_sum3A_13, %reduce_max3A [0] : vector<400x8xf32> to vector<8xf32>
    %reduce_max3A_28 = arith.constant dense<0xFF800000> : vector<8xf32>
    %reduce_max3A_29 = vector.multi_reduction <maximumf>, %reduce_sum3A_18, %reduce_max3A_28 [0] : vector<400x8xf32> to vector<8xf32>
    %concatenate3A_30 = tpu.concatenate %reduce_max3A_27, %reduce_max3A_29 in 0 : vector<8xf32>, vector<8xf32> -> vector<16xf32>
    %reshape3A_31 = vector.shape_cast %concatenate3A_30 : vector<16xf32> to vector<1x16xf32>
    %eq3A = arith.constant 0 : i32
    %eq3A_32 = arith.cmpi eq, %arg0, %eq3A : i32
    %convert_element_type3A = arith.extui %eq3A_32 : i1 to i32
    %cond3A = arith.constant 0 : i32
    %cond3A_33 = arith.cmpi ne, %convert_element_type3A, %cond3A : i32
    scf.if %cond3A_33 {
      %swap3A_38 = arith.constant 0 : index
      %swap3A_39 = arith.constant 0 : index
      %swap3A_40 = vector.load %arg7[%swap3A_38, %swap3A_39] : memref<1x16xf32, #tpu.memory_space<vmem>>, vector<1x16xf32>
      tpu.vector_store %arg7[%swap3A_38, %swap3A_39], %reshape3A_31 {strides = array<i32>} : memref<1x16xf32, #tpu.memory_space<vmem>>, vector<1x16xf32>,
    } else {
    }
    %gt3A = arith.constant 0 : i32
    %gt3A_34 = arith.cmpi sgt, %arg0, %gt3A : i32
    %convert_element_type3A_35 = arith.extui %gt3A_34 : i1 to i32
    %cond3A_36 = arith.constant 0 : i32
    %cond3A_37 = arith.cmpi ne, %convert_element_type3A_35, %cond3A_36 : i32
    scf.if %cond3A_37 {
      %get3A_38 = arith.constant 0 : index
      %get3A_39 = arith.constant 0 : index
      %get3A_40 = vector.load %arg7[%get3A_38, %get3A_39] : memref<1x16xf32, #tpu.memory_space<vmem>>, vector<1x16xf32>
      %max3A = arith.maximumf %get3A_40, %reshape3A_31 : vector<1x16xf32>
      %swap3A_41 = arith.constant 0 : index
      %swap3A_42 = arith.constant 0 : index
      %swap3A_43 = vector.load %arg7[%swap3A_41, %swap3A_42] : memref<1x16xf32, #tpu.memory_space<vmem>>, vector<1x16xf32>
      tpu.vector_store %arg7[%swap3A_41, %swap3A_42], %max3A {strides = array<i32>} : memref<1x16xf32, #tpu.memory_space<vmem>>, vector<1x16xf32>,
    } else {
    }
    return
  }
  func.func @transform_0(%arg0: i32) -> (i32, i32) {
    %c0_i32 = arith.constant 0 : i32
    %c0_i32_0 = arith.constant 0 : i32
    return %arg0, %c0_i32 : i32, i32
  }
  func.func @transform_1(%arg0: i32) -> (i32, i32) {
    %c0_i32 = arith.constant 0 : i32
    %c0_i32_0 = arith.constant 0 : i32
    %c0_i32_1 = arith.constant 0 : i32
    return %c0_i32, %c0_i32_0 : i32, i32
  }
  func.func @transform_2(%arg0: i32) -> (i32, i32) {
    %c0_i32 = arith.constant 0 : i32
    %c0_i32_0 = arith.constant 0 : i32
    %c0_i32_1 = arith.constant 0 : i32
    return %c0_i32, %c0_i32_0 : i32, i32
  }
  func.func @transform_3(%arg0: i32) -> (i32, i32) {
    %c0_i32 = arith.constant 0 : i32
    %c0_i32_0 = arith.constant 0 : i32
    %c0_i32_1 = arith.constant 0 : i32
    return %c0_i32, %c0_i32_0 : i32, i32
  }
  func.func @transform_4(%arg0: i32) -> (i32, i32) {
    %c0_i32 = arith.constant 0 : i32
    %c0_i32_0 = arith.constant 0 : i32
    return %arg0, %c0_i32 : i32, i32
  }
  func.func @transform_5(%arg0: i32) -> (i32, i32) {
    %c0_i32 = arith.constant 0 : i32
    %c0_i32_0 = arith.constant 0 : i32
    return %arg0, %c0_i32 : i32, i32
  }
  func.func @transform_6(%arg0: i32) -> (i32, i32) {
    %c0_i32 = arith.constant 0 : i32
    %c0_i32_0 = arith.constant 0 : i32
    %c0_i32_1 = arith.constant 0 : i32
    return %c0_i32, %c0_i32_0 : i32, i32
  }
}

module attributes {stable_mosaic.version = 14 : i64} {
  func.func @_pre_mid_body(%arg0: i32, %arg1: memref<2x400x144xf32, #tpu.memory_space<vmem>>, %arg2: memref<1x128xf32, #tpu.memory_space<vmem>>, %arg3: memref<128x128xf32, #tpu.memory_space<vmem>>, %arg4: memref<8x16xf32, #tpu.memory_space<vmem>>, %arg5: memref<8x16xf32, #tpu.memory_space<vmem>>, %arg6: memref<400x144xf32, #tpu.memory_space<vmem>>, %arg7: memref<400x16xf32, #tpu.memory_space<vmem>>, %arg8: memref<1x16xf32, #tpu.memory_space<vmem>>) attributes {dimension_semantics = [#tpu.dimension_semantics<arbitrary>], iteration_bounds = array<i64: 25>, scalar_prefetch = 0 : i64, scratch_operands = 0 : i64, tpu.core_type = #tpu.core_type<tc>, window_params = [{transform_indices = @transform_0, window_bounds = array<i64: 2, 400, 144>}, {pipeline_mode = #tpu.pipeline_mode<synchronous>, transform_indices = @transform_1, window_bounds = array<i64: 1, 128>}, {pipeline_mode = #tpu.pipeline_mode<synchronous>, transform_indices = @transform_2, window_bounds = array<i64: 128, 128>}, {pipeline_mode = #tpu.pipeline_mode<synchronous>, transform_indices = @transform_3, window_bounds = array<i64: 8, 16>}, {pipeline_mode = #tpu.pipeline_mode<synchronous>, transform_indices = @transform_4, window_bounds = array<i64: 8, 16>}, {transform_indices = @transform_5, window_bounds = array<i64: 400, 144>}, {transform_indices = @transform_6, window_bounds = array<i64: 400, 16>}, {pipeline_mode = #tpu.pipeline_mode<synchronous>, transform_indices = @transform_7, window_bounds = array<i64: 1, 16>}]} {
    %get3A = arith.constant 0 : index
    %get3A_0 = arith.constant 0 : index
    %get3A_1 = arith.constant 0 : index
    %get3A_2 = vector.load %arg1[%get3A, %get3A_0, %get3A_1] : memref<2x400x144xf32, #tpu.memory_space<vmem>>, vector<1x400x144xf32>
    %get3A_3 = vector.shape_cast %get3A_2 : vector<1x400x144xf32> to vector<400x144xf32>
    %get3A_4 = arith.constant 1 : index
    %get3A_5 = arith.constant 0 : index
    %get3A_6 = arith.constant 0 : index
    %get3A_7 = vector.load %arg1[%get3A_4, %get3A_5, %get3A_6] : memref<2x400x144xf32, #tpu.memory_space<vmem>>, vector<1x400x144xf32>
    %get3A_8 = vector.shape_cast %get3A_7 : vector<1x400x144xf32> to vector<400x144xf32>
    %add3A = arith.addf %get3A_3, %get3A_8 : vector<400x144xf32>
    %slice3A = vector.extract_strided_slice %add3A {offsets = [0, 128], sizes = [400, 8], strides = [1, 1]} : vector<400x144xf32> to vector<400x8xf32>
    %broadcast_in_dim3A = vector.shape_cast %slice3A : vector<400x8xf32> to vector<400x8x1xf32>
    %broadcast_in_dim3A_9 = vector.shape_cast %broadcast_in_dim3A : vector<400x8x1xf32> to vector<400x8x1xf32>
    %broadcast_in_dim3A_10 = vector.broadcast %broadcast_in_dim3A_9 : vector<400x8x1xf32> to vector<400x8x16xf32>
    %reshape3A = vector.shape_cast %broadcast_in_dim3A_10 : vector<400x8x16xf32> to vector<400x128xf32>
    %slice3A_11 = vector.extract_strided_slice %add3A {offsets = [0, 0], sizes = [400, 128], strides = [1, 1]} : vector<400x144xf32> to vector<400x128xf32>
    %add3A_12 = arith.constant 1.000000e-16 : f32
    %add3A_13 = vector.broadcast %add3A_12 : f32 to vector<400x128xf32>
    %add3A_14 = arith.addf %reshape3A, %add3A_13 : vector<400x128xf32>
    %div3A = arith.divf %slice3A_11, %add3A_14 : vector<400x128xf32>
    %get3A_15 = arith.constant 0 : index
    %get3A_16 = arith.constant 0 : index
    %get3A_17 = vector.load %arg2[%get3A_15, %get3A_16] : memref<1x128xf32, #tpu.memory_space<vmem>>, vector<1x128xf32>
    %add3A_18 = vector.broadcast %get3A_17 : vector<1x128xf32> to vector<400x128xf32>
    %add3A_19 = arith.addf %div3A, %add3A_18 : vector<400x128xf32>
    %gt3A = arith.constant 0.000000e+00 : f32
    %gt3A_20 = vector.broadcast %gt3A : f32 to vector<400x128xf32>
    %gt3A_21 = arith.cmpf ogt, %add3A_19, %gt3A_20 : vector<400x128xf32>
    %exp3A = math.exp %add3A_19 : vector<400x128xf32>
    %sub3A = arith.constant 1.000000e+00 : f32
    %sub3A_22 = vector.broadcast %sub3A : f32 to vector<400x128xf32>
    %sub3A_23 = arith.subf %exp3A, %sub3A_22 : vector<400x128xf32>
    %select_n3A = arith.select %gt3A_21, %add3A_19, %sub3A_23 : vector<400x128xi1>, vector<400x128xf32>
    %get3A_24 = arith.constant 0 : index
    %get3A_25 = arith.constant 0 : index
    %get3A_26 = vector.load %arg3[%get3A_24, %get3A_25] : memref<128x128xf32, #tpu.memory_space<vmem>>, vector<128x128xf32>
    %dot_general3A = arith.constant dense<0.000000e+00> : vector<400x128xf32>
    %dot_general3A_27 = tpu.matmul %select_n3A, %get3A_26, %dot_general3A {dimension_numbers = #tpu.dot_dimension_numbers<[1], [0], [0], [1], [0, 0, 1, 1], [], []>, transpose_lhs_hint = false} : vector<400x128xf32>, vector<128x128xf32>, vector<400x128xf32> -> vector<400x128xf32>
    %get3A_28 = arith.constant 0 : index
    %get3A_29 = arith.constant 0 : index
    %get3A_30 = vector.load %arg4[%get3A_28, %get3A_29] : memref<8x16xf32, #tpu.memory_space<vmem>>, vector<8x16xf32>
    %get3A_31 = arith.constant 0 : index
    %get3A_32 = arith.constant 0 : index
    %get3A_33 = vector.load %arg5[%get3A_31, %get3A_32] : memref<8x16xf32, #tpu.memory_space<vmem>>, vector<8x16xf32>
    %reshape3A_34 = vector.shape_cast %dot_general3A_27 : vector<400x128xf32> to vector<400x8x16xf32>
    %broadcast_in_dim3A_35 = vector.shape_cast %get3A_30 : vector<8x16xf32> to vector<1x8x16xf32>
    %mul3A = vector.broadcast %broadcast_in_dim3A_35 : vector<1x8x16xf32> to vector<400x8x16xf32>
    %mul3A_36 = arith.mulf %reshape3A_34, %mul3A : vector<400x8x16xf32>
    %reduce_sum3A = arith.constant dense<0.000000e+00> : vector<400x8xf32>
    %reduce_sum3A_37 = vector.multi_reduction <add>, %mul3A_36, %reduce_sum3A [2] : vector<400x8x16xf32> to vector<400x8xf32>
    %broadcast_in_dim3A_38 = vector.shape_cast %get3A_33 : vector<8x16xf32> to vector<1x8x16xf32>
    %mul3A_39 = vector.broadcast %broadcast_in_dim3A_38 : vector<1x8x16xf32> to vector<400x8x16xf32>
    %mul3A_40 = arith.mulf %reshape3A_34, %mul3A_39 : vector<400x8x16xf32>
    %reduce_sum3A_41 = arith.constant dense<0.000000e+00> : vector<400x8xf32>
    %reduce_sum3A_42 = vector.multi_reduction <add>, %mul3A_40, %reduce_sum3A_41 [2] : vector<400x8x16xf32> to vector<400x8xf32>
    %broadcast_in_dim3A_43 = arith.constant 0.000000e+00 : f32
    %broadcast_in_dim3A_44 = vector.broadcast %broadcast_in_dim3A_43 : f32 to vector<400x8xf32>
    %concatenate3A = tpu.concatenate %dot_general3A_27, %reduce_sum3A_37, %broadcast_in_dim3A_44 in 1 : vector<400x128xf32>, vector<400x8xf32>, vector<400x8xf32> -> vector<400x144xf32>
    %swap3A = arith.constant 0 : index
    %swap3A_45 = arith.constant 0 : index
    %swap3A_46 = vector.load %arg6[%swap3A, %swap3A_45] : memref<400x144xf32, #tpu.memory_space<vmem>>, vector<400x144xf32>
    tpu.vector_store %arg6[%swap3A, %swap3A_45], %concatenate3A {strides = array<i32>} : memref<400x144xf32, #tpu.memory_space<vmem>>, vector<400x144xf32>,
    %concatenate3A_47 = tpu.concatenate %reduce_sum3A_42, %broadcast_in_dim3A_44 in 1 : vector<400x8xf32>, vector<400x8xf32> -> vector<400x16xf32>
    %swap3A_48 = arith.constant 0 : index
    %swap3A_49 = arith.constant 0 : index
    %swap3A_50 = vector.load %arg7[%swap3A_48, %swap3A_49] : memref<400x16xf32, #tpu.memory_space<vmem>>, vector<400x16xf32>
    tpu.vector_store %arg7[%swap3A_48, %swap3A_49], %concatenate3A_47 {strides = array<i32>} : memref<400x16xf32, #tpu.memory_space<vmem>>, vector<400x16xf32>,
    %reduce_max3A = arith.constant dense<0xFF800000> : vector<8xf32>
    %reduce_max3A_51 = vector.multi_reduction <maximumf>, %reduce_sum3A_37, %reduce_max3A [0] : vector<400x8xf32> to vector<8xf32>
    %reduce_max3A_52 = arith.constant dense<0xFF800000> : vector<8xf32>
    %reduce_max3A_53 = vector.multi_reduction <maximumf>, %reduce_sum3A_42, %reduce_max3A_52 [0] : vector<400x8xf32> to vector<8xf32>
    %concatenate3A_54 = tpu.concatenate %reduce_max3A_51, %reduce_max3A_53 in 0 : vector<8xf32>, vector<8xf32> -> vector<16xf32>
    %reshape3A_55 = vector.shape_cast %concatenate3A_54 : vector<16xf32> to vector<1x16xf32>
    %eq3A = arith.constant 0 : i32
    %eq3A_56 = arith.cmpi eq, %arg0, %eq3A : i32
    %convert_element_type3A = arith.extui %eq3A_56 : i1 to i32
    %cond3A = arith.constant 0 : i32
    %cond3A_57 = arith.cmpi ne, %convert_element_type3A, %cond3A : i32
    scf.if %cond3A_57 {
      %swap3A_63 = arith.constant 0 : index
      %swap3A_64 = arith.constant 0 : index
      %swap3A_65 = vector.load %arg8[%swap3A_63, %swap3A_64] : memref<1x16xf32, #tpu.memory_space<vmem>>, vector<1x16xf32>
      tpu.vector_store %arg8[%swap3A_63, %swap3A_64], %reshape3A_55 {strides = array<i32>} : memref<1x16xf32, #tpu.memory_space<vmem>>, vector<1x16xf32>,
    } else {
    }
    %gt3A_58 = arith.constant 0 : i32
    %gt3A_59 = arith.cmpi sgt, %arg0, %gt3A_58 : i32
    %convert_element_type3A_60 = arith.extui %gt3A_59 : i1 to i32
    %cond3A_61 = arith.constant 0 : i32
    %cond3A_62 = arith.cmpi ne, %convert_element_type3A_60, %cond3A_61 : i32
    scf.if %cond3A_62 {
      %get3A_63 = arith.constant 0 : index
      %get3A_64 = arith.constant 0 : index
      %get3A_65 = vector.load %arg8[%get3A_63, %get3A_64] : memref<1x16xf32, #tpu.memory_space<vmem>>, vector<1x16xf32>
      %max3A = arith.maximumf %get3A_65, %reshape3A_55 : vector<1x16xf32>
      %swap3A_66 = arith.constant 0 : index
      %swap3A_67 = arith.constant 0 : index
      %swap3A_68 = vector.load %arg8[%swap3A_66, %swap3A_67] : memref<1x16xf32, #tpu.memory_space<vmem>>, vector<1x16xf32>
      tpu.vector_store %arg8[%swap3A_66, %swap3A_67], %max3A {strides = array<i32>} : memref<1x16xf32, #tpu.memory_space<vmem>>, vector<1x16xf32>,
    } else {
    }
    return
  }
  func.func @transform_0(%arg0: i32) -> (i32, i32, i32) {
    %c0_i32 = arith.constant 0 : i32
    %c0_i32_0 = arith.constant 0 : i32
    %c0_i32_1 = arith.constant 0 : i32
    return %c0_i32, %arg0, %c0_i32_0 : i32, i32, i32
  }
  func.func @transform_1(%arg0: i32) -> (i32, i32) {
    %c0_i32 = arith.constant 0 : i32
    %c0_i32_0 = arith.constant 0 : i32
    %c0_i32_1 = arith.constant 0 : i32
    return %c0_i32, %c0_i32_0 : i32, i32
  }
  func.func @transform_2(%arg0: i32) -> (i32, i32) {
    %c0_i32 = arith.constant 0 : i32
    %c0_i32_0 = arith.constant 0 : i32
    %c0_i32_1 = arith.constant 0 : i32
    return %c0_i32, %c0_i32_0 : i32, i32
  }
  func.func @transform_3(%arg0: i32) -> (i32, i32) {
    %c0_i32 = arith.constant 0 : i32
    %c0_i32_0 = arith.constant 0 : i32
    %c0_i32_1 = arith.constant 0 : i32
    return %c0_i32, %c0_i32_0 : i32, i32
  }
  func.func @transform_4(%arg0: i32) -> (i32, i32) {
    %c0_i32 = arith.constant 0 : i32
    %c0_i32_0 = arith.constant 0 : i32
    %c0_i32_1 = arith.constant 0 : i32
    return %c0_i32, %c0_i32_0 : i32, i32
  }
  func.func @transform_5(%arg0: i32) -> (i32, i32) {
    %c0_i32 = arith.constant 0 : i32
    %c0_i32_0 = arith.constant 0 : i32
    return %arg0, %c0_i32 : i32, i32
  }
  func.func @transform_6(%arg0: i32) -> (i32, i32) {
    %c0_i32 = arith.constant 0 : i32
    %c0_i32_0 = arith.constant 0 : i32
    return %arg0, %c0_i32 : i32, i32
  }
  func.func @transform_7(%arg0: i32) -> (i32, i32) {
    %c0_i32 = arith.constant 0 : i32
    %c0_i32_0 = arith.constant 0 : i32
    %c0_i32_1 = arith.constant 0 : i32
    return %c0_i32, %c0_i32_0 : i32, i32
  }
}

module attributes {stable_mosaic.version = 14 : i64} {
  func.func @_pre_mid_body(%arg0: i32, %arg1: memref<2x400x144xf32, #tpu.memory_space<vmem>>, %arg2: memref<1x128xf32, #tpu.memory_space<vmem>>, %arg3: memref<128x16xf32, #tpu.memory_space<vmem>>, %arg4: memref<1x16xf32, #tpu.memory_space<vmem>>, %arg5: memref<1x16xf32, #tpu.memory_space<vmem>>, %arg6: memref<400x32xf32, #tpu.memory_space<vmem>>, %arg7: memref<400x16xf32, #tpu.memory_space<vmem>>, %arg8: memref<1x16xf32, #tpu.memory_space<vmem>>) attributes {dimension_semantics = [#tpu.dimension_semantics<arbitrary>], iteration_bounds = array<i64: 25>, scalar_prefetch = 0 : i64, scratch_operands = 0 : i64, tpu.core_type = #tpu.core_type<tc>, window_params = [{transform_indices = @transform_0, window_bounds = array<i64: 2, 400, 144>}, {pipeline_mode = #tpu.pipeline_mode<synchronous>, transform_indices = @transform_1, window_bounds = array<i64: 1, 128>}, {pipeline_mode = #tpu.pipeline_mode<synchronous>, transform_indices = @transform_2, window_bounds = array<i64: 128, 16>}, {pipeline_mode = #tpu.pipeline_mode<synchronous>, transform_indices = @transform_3, window_bounds = array<i64: 1, 16>}, {pipeline_mode = #tpu.pipeline_mode<synchronous>, transform_indices = @transform_4, window_bounds = array<i64: 1, 16>}, {transform_indices = @transform_5, window_bounds = array<i64: 400, 32>}, {transform_indices = @transform_6, window_bounds = array<i64: 400, 16>}, {pipeline_mode = #tpu.pipeline_mode<synchronous>, transform_indices = @transform_7, window_bounds = array<i64: 1, 16>}]} {
    %get3A = arith.constant 0 : index
    %get3A_0 = arith.constant 0 : index
    %get3A_1 = arith.constant 0 : index
    %get3A_2 = vector.load %arg1[%get3A, %get3A_0, %get3A_1] : memref<2x400x144xf32, #tpu.memory_space<vmem>>, vector<1x400x144xf32>
    %get3A_3 = vector.shape_cast %get3A_2 : vector<1x400x144xf32> to vector<400x144xf32>
    %get3A_4 = arith.constant 1 : index
    %get3A_5 = arith.constant 0 : index
    %get3A_6 = arith.constant 0 : index
    %get3A_7 = vector.load %arg1[%get3A_4, %get3A_5, %get3A_6] : memref<2x400x144xf32, #tpu.memory_space<vmem>>, vector<1x400x144xf32>
    %get3A_8 = vector.shape_cast %get3A_7 : vector<1x400x144xf32> to vector<400x144xf32>
    %add3A = arith.addf %get3A_3, %get3A_8 : vector<400x144xf32>
    %slice3A = vector.extract_strided_slice %add3A {offsets = [0, 128], sizes = [400, 8], strides = [1, 1]} : vector<400x144xf32> to vector<400x8xf32>
    %broadcast_in_dim3A = vector.shape_cast %slice3A : vector<400x8xf32> to vector<400x8x1xf32>
    %broadcast_in_dim3A_9 = vector.shape_cast %broadcast_in_dim3A : vector<400x8x1xf32> to vector<400x8x1xf32>
    %broadcast_in_dim3A_10 = vector.broadcast %broadcast_in_dim3A_9 : vector<400x8x1xf32> to vector<400x8x16xf32>
    %reshape3A = vector.shape_cast %broadcast_in_dim3A_10 : vector<400x8x16xf32> to vector<400x128xf32>
    %slice3A_11 = vector.extract_strided_slice %add3A {offsets = [0, 0], sizes = [400, 128], strides = [1, 1]} : vector<400x144xf32> to vector<400x128xf32>
    %add3A_12 = arith.constant 1.000000e-16 : f32
    %add3A_13 = vector.broadcast %add3A_12 : f32 to vector<400x128xf32>
    %add3A_14 = arith.addf %reshape3A, %add3A_13 : vector<400x128xf32>
    %div3A = arith.divf %slice3A_11, %add3A_14 : vector<400x128xf32>
    %get3A_15 = arith.constant 0 : index
    %get3A_16 = arith.constant 0 : index
    %get3A_17 = vector.load %arg2[%get3A_15, %get3A_16] : memref<1x128xf32, #tpu.memory_space<vmem>>, vector<1x128xf32>
    %add3A_18 = vector.broadcast %get3A_17 : vector<1x128xf32> to vector<400x128xf32>
    %add3A_19 = arith.addf %div3A, %add3A_18 : vector<400x128xf32>
    %gt3A = arith.constant 0.000000e+00 : f32
    %gt3A_20 = vector.broadcast %gt3A : f32 to vector<400x128xf32>
    %gt3A_21 = arith.cmpf ogt, %add3A_19, %gt3A_20 : vector<400x128xf32>
    %exp3A = math.exp %add3A_19 : vector<400x128xf32>
    %sub3A = arith.constant 1.000000e+00 : f32
    %sub3A_22 = vector.broadcast %sub3A : f32 to vector<400x128xf32>
    %sub3A_23 = arith.subf %exp3A, %sub3A_22 : vector<400x128xf32>
    %select_n3A = arith.select %gt3A_21, %add3A_19, %sub3A_23 : vector<400x128xi1>, vector<400x128xf32>
    %get3A_24 = arith.constant 0 : index
    %get3A_25 = arith.constant 0 : index
    %get3A_26 = vector.load %arg3[%get3A_24, %get3A_25] : memref<128x16xf32, #tpu.memory_space<vmem>>, vector<128x16xf32>
    %dot_general3A = arith.constant dense<0.000000e+00> : vector<400x16xf32>
    %dot_general3A_27 = tpu.matmul %select_n3A, %get3A_26, %dot_general3A {dimension_numbers = #tpu.dot_dimension_numbers<[1], [0], [0], [1], [0, 0, 1, 1], [], []>, transpose_lhs_hint = false} : vector<400x128xf32>, vector<128x16xf32>, vector<400x16xf32> -> vector<400x16xf32>
    %get3A_28 = arith.constant 0 : index
    %get3A_29 = arith.constant 0 : index
    %get3A_30 = vector.load %arg4[%get3A_28, %get3A_29] : memref<1x16xf32, #tpu.memory_space<vmem>>, vector<1x16xf32>
    %get3A_31 = arith.constant 0 : index
    %get3A_32 = arith.constant 0 : index
    %get3A_33 = vector.load %arg5[%get3A_31, %get3A_32] : memref<1x16xf32, #tpu.memory_space<vmem>>, vector<1x16xf32>
    %reshape3A_34 = vector.shape_cast %dot_general3A_27 : vector<400x16xf32> to vector<400x1x16xf32>
    %broadcast_in_dim3A_35 = vector.shape_cast %get3A_30 : vector<1x16xf32> to vector<1x1x16xf32>
    %mul3A = vector.broadcast %broadcast_in_dim3A_35 : vector<1x1x16xf32> to vector<400x1x16xf32>
    %mul3A_36 = arith.mulf %reshape3A_34, %mul3A : vector<400x1x16xf32>
    %reduce_sum3A = arith.constant dense<0.000000e+00> : vector<400x1xf32>
    %reduce_sum3A_37 = vector.multi_reduction <add>, %mul3A_36, %reduce_sum3A [2] : vector<400x1x16xf32> to vector<400x1xf32>
    %broadcast_in_dim3A_38 = vector.shape_cast %get3A_33 : vector<1x16xf32> to vector<1x1x16xf32>
    %mul3A_39 = vector.broadcast %broadcast_in_dim3A_38 : vector<1x1x16xf32> to vector<400x1x16xf32>
    %mul3A_40 = arith.mulf %reshape3A_34, %mul3A_39 : vector<400x1x16xf32>
    %reduce_sum3A_41 = arith.constant dense<0.000000e+00> : vector<400x1xf32>
    %reduce_sum3A_42 = vector.multi_reduction <add>, %mul3A_40, %reduce_sum3A_41 [2] : vector<400x1x16xf32> to vector<400x1xf32>
    %broadcast_in_dim3A_43 = arith.constant 0.000000e+00 : f32
    %broadcast_in_dim3A_44 = vector.broadcast %broadcast_in_dim3A_43 : f32 to vector<400x15xf32>
    %concatenate3A = tpu.concatenate %dot_general3A_27, %reduce_sum3A_37, %broadcast_in_dim3A_44 in 1 : vector<400x16xf32>, vector<400x1xf32>, vector<400x15xf32> -> vector<400x32xf32>
    %swap3A = arith.constant 0 : index
    %swap3A_45 = arith.constant 0 : index
    %swap3A_46 = vector.load %arg6[%swap3A, %swap3A_45] : memref<400x32xf32, #tpu.memory_space<vmem>>, vector<400x32xf32>
    tpu.vector_store %arg6[%swap3A, %swap3A_45], %concatenate3A {strides = array<i32>} : memref<400x32xf32, #tpu.memory_space<vmem>>, vector<400x32xf32>,
    %concatenate3A_47 = tpu.concatenate %reduce_sum3A_42, %broadcast_in_dim3A_44 in 1 : vector<400x1xf32>, vector<400x15xf32> -> vector<400x16xf32>
    %swap3A_48 = arith.constant 0 : index
    %swap3A_49 = arith.constant 0 : index
    %swap3A_50 = vector.load %arg7[%swap3A_48, %swap3A_49] : memref<400x16xf32, #tpu.memory_space<vmem>>, vector<400x16xf32>
    tpu.vector_store %arg7[%swap3A_48, %swap3A_49], %concatenate3A_47 {strides = array<i32>} : memref<400x16xf32, #tpu.memory_space<vmem>>, vector<400x16xf32>,
    %broadcast_in_dim3A_51 = arith.constant 0.000000e+00 : f32
    %broadcast_in_dim3A_52 = vector.broadcast %broadcast_in_dim3A_51 : f32 to vector<7xf32>
    %reduce_max3A = arith.constant dense<0xFF800000> : vector<1xf32>
    %reduce_max3A_53 = vector.multi_reduction <maximumf>, %reduce_sum3A_37, %reduce_max3A [0] : vector<400x1xf32> to vector<1xf32>
    %reduce_max3A_54 = arith.constant dense<0xFF800000> : vector<1xf32>
    %reduce_max3A_55 = vector.multi_reduction <maximumf>, %reduce_sum3A_42, %reduce_max3A_54 [0] : vector<400x1xf32> to vector<1xf32>
    %concatenate3A_56 = tpu.concatenate %reduce_max3A_53, %broadcast_in_dim3A_52, %reduce_max3A_55, %broadcast_in_dim3A_52 in 0 : vector<1xf32>, vector<7xf32>, vector<1xf32>, vector<7xf32> -> vector<16xf32>
    %reshape3A_57 = vector.shape_cast %concatenate3A_56 : vector<16xf32> to vector<1x16xf32>
    %eq3A = arith.constant 0 : i32
    %eq3A_58 = arith.cmpi eq, %arg0, %eq3A : i32
    %convert_element_type3A = arith.extui %eq3A_58 : i1 to i32
    %cond3A = arith.constant 0 : i32
    %cond3A_59 = arith.cmpi ne, %convert_element_type3A, %cond3A : i32
    scf.if %cond3A_59 {
      %swap3A_65 = arith.constant 0 : index
      %swap3A_66 = arith.constant 0 : index
      %swap3A_67 = vector.load %arg8[%swap3A_65, %swap3A_66] : memref<1x16xf32, #tpu.memory_space<vmem>>, vector<1x16xf32>
      tpu.vector_store %arg8[%swap3A_65, %swap3A_66], %reshape3A_57 {strides = array<i32>} : memref<1x16xf32, #tpu.memory_space<vmem>>, vector<1x16xf32>,
    } else {
    }
    %gt3A_60 = arith.constant 0 : i32
    %gt3A_61 = arith.cmpi sgt, %arg0, %gt3A_60 : i32
    %convert_element_type3A_62 = arith.extui %gt3A_61 : i1 to i32
    %cond3A_63 = arith.constant 0 : i32
    %cond3A_64 = arith.cmpi ne, %convert_element_type3A_62, %cond3A_63 : i32
    scf.if %cond3A_64 {
      %get3A_65 = arith.constant 0 : index
      %get3A_66 = arith.constant 0 : index
      %get3A_67 = vector.load %arg8[%get3A_65, %get3A_66] : memref<1x16xf32, #tpu.memory_space<vmem>>, vector<1x16xf32>
      %max3A = arith.maximumf %get3A_67, %reshape3A_57 : vector<1x16xf32>
      %swap3A_68 = arith.constant 0 : index
      %swap3A_69 = arith.constant 0 : index
      %swap3A_70 = vector.load %arg8[%swap3A_68, %swap3A_69] : memref<1x16xf32, #tpu.memory_space<vmem>>, vector<1x16xf32>
      tpu.vector_store %arg8[%swap3A_68, %swap3A_69], %max3A {strides = array<i32>} : memref<1x16xf32, #tpu.memory_space<vmem>>, vector<1x16xf32>,
    } else {
    }
    return
  }
  func.func @transform_0(%arg0: i32) -> (i32, i32, i32) {
    %c0_i32 = arith.constant 0 : i32
    %c0_i32_0 = arith.constant 0 : i32
    %c0_i32_1 = arith.constant 0 : i32
    return %c0_i32, %arg0, %c0_i32_0 : i32, i32, i32
  }
  func.func @transform_1(%arg0: i32) -> (i32, i32) {
    %c0_i32 = arith.constant 0 : i32
    %c0_i32_0 = arith.constant 0 : i32
    %c0_i32_1 = arith.constant 0 : i32
    return %c0_i32, %c0_i32_0 : i32, i32
  }
  func.func @transform_2(%arg0: i32) -> (i32, i32) {
    %c0_i32 = arith.constant 0 : i32
    %c0_i32_0 = arith.constant 0 : i32
    %c0_i32_1 = arith.constant 0 : i32
    return %c0_i32, %c0_i32_0 : i32, i32
  }
  func.func @transform_3(%arg0: i32) -> (i32, i32) {
    %c0_i32 = arith.constant 0 : i32
    %c0_i32_0 = arith.constant 0 : i32
    %c0_i32_1 = arith.constant 0 : i32
    return %c0_i32, %c0_i32_0 : i32, i32
  }
  func.func @transform_4(%arg0: i32) -> (i32, i32) {
    %c0_i32 = arith.constant 0 : i32
    %c0_i32_0 = arith.constant 0 : i32
    %c0_i32_1 = arith.constant 0 : i32
    return %c0_i32, %c0_i32_0 : i32, i32
  }
  func.func @transform_5(%arg0: i32) -> (i32, i32) {
    %c0_i32 = arith.constant 0 : i32
    %c0_i32_0 = arith.constant 0 : i32
    return %arg0, %c0_i32 : i32, i32
  }
  func.func @transform_6(%arg0: i32) -> (i32, i32) {
    %c0_i32 = arith.constant 0 : i32
    %c0_i32_0 = arith.constant 0 : i32
    return %arg0, %c0_i32 : i32, i32
  }
  func.func @transform_7(%arg0: i32) -> (i32, i32) {
    %c0_i32 = arith.constant 0 : i32
    %c0_i32_0 = arith.constant 0 : i32
    %c0_i32_1 = arith.constant 0 : i32
    return %c0_i32, %c0_i32_0 : i32, i32
  }
}

module attributes {stable_mosaic.version = 14 : i64} {
  func.func @_fin_body(%arg0: i32, %arg1: memref<2x400x32xf32, #tpu.memory_space<vmem>>, %arg2: memref<1x16xf32, #tpu.memory_space<vmem>>, %arg3: memref<1x16xf32, #tpu.memory_space<vmem>>, %arg4: memref<1x1xf32, #tpu.memory_space<vmem>>, %arg5: memref<400x1xf32, #tpu.memory_space<vmem>>) attributes {dimension_semantics = [#tpu.dimension_semantics<arbitrary>], iteration_bounds = array<i64: 25>, scalar_prefetch = 0 : i64, scratch_operands = 0 : i64, tpu.core_type = #tpu.core_type<tc>, window_params = [{transform_indices = @transform_0, window_bounds = array<i64: 2, 400, 32>}, {pipeline_mode = #tpu.pipeline_mode<synchronous>, transform_indices = @transform_1, window_bounds = array<i64: 1, 16>}, {pipeline_mode = #tpu.pipeline_mode<synchronous>, transform_indices = @transform_2, window_bounds = array<i64: 1, 16>}, {pipeline_mode = #tpu.pipeline_mode<synchronous>, transform_indices = @transform_3, window_bounds = array<i64: 1, 1>}, {transform_indices = @transform_4, window_bounds = array<i64: 400, 1>}]} {
    %get3A = arith.constant 0 : index
    %get3A_0 = arith.constant 0 : index
    %get3A_1 = arith.constant 0 : index
    %get3A_2 = vector.load %arg1[%get3A, %get3A_0, %get3A_1] : memref<2x400x32xf32, #tpu.memory_space<vmem>>, vector<1x400x32xf32>
    %get3A_3 = vector.shape_cast %get3A_2 : vector<1x400x32xf32> to vector<400x32xf32>
    %get3A_4 = arith.constant 1 : index
    %get3A_5 = arith.constant 0 : index
    %get3A_6 = arith.constant 0 : index
    %get3A_7 = vector.load %arg1[%get3A_4, %get3A_5, %get3A_6] : memref<2x400x32xf32, #tpu.memory_space<vmem>>, vector<1x400x32xf32>
    %get3A_8 = vector.shape_cast %get3A_7 : vector<1x400x32xf32> to vector<400x32xf32>
    %add3A = arith.addf %get3A_3, %get3A_8 : vector<400x32xf32>
    %slice3A = vector.extract_strided_slice %add3A {offsets = [0, 16], sizes = [400, 1], strides = [1, 1]} : vector<400x32xf32> to vector<400x1xf32>
    %broadcast_in_dim3A = vector.shape_cast %slice3A : vector<400x1xf32> to vector<400x1xf32>
    %broadcast_in_dim3A_9 = vector.broadcast %broadcast_in_dim3A : vector<400x1xf32> to vector<400x16xf32>
    %slice3A_10 = vector.extract_strided_slice %add3A {offsets = [0, 0], sizes = [400, 16], strides = [1, 1]} : vector<400x32xf32> to vector<400x16xf32>
    %add3A_11 = arith.constant 1.000000e-16 : f32
    %add3A_12 = vector.broadcast %add3A_11 : f32 to vector<400x16xf32>
    %add3A_13 = arith.addf %broadcast_in_dim3A_9, %add3A_12 : vector<400x16xf32>
    %div3A = arith.divf %slice3A_10, %add3A_13 : vector<400x16xf32>
    %get3A_14 = arith.constant 0 : index
    %get3A_15 = arith.constant 0 : index
    %get3A_16 = vector.load %arg2[%get3A_14, %get3A_15] : memref<1x16xf32, #tpu.memory_space<vmem>>, vector<1x16xf32>
    %add3A_17 = vector.broadcast %get3A_16 : vector<1x16xf32> to vector<400x16xf32>
    %add3A_18 = arith.addf %div3A, %add3A_17 : vector<400x16xf32>
    %gt3A = arith.constant 0.000000e+00 : f32
    %gt3A_19 = vector.broadcast %gt3A : f32 to vector<400x16xf32>
    %gt3A_20 = arith.cmpf ogt, %add3A_18, %gt3A_19 : vector<400x16xf32>
    %exp3A = math.exp %add3A_18 : vector<400x16xf32>
    %sub3A = arith.constant 1.000000e+00 : f32
    %sub3A_21 = vector.broadcast %sub3A : f32 to vector<400x16xf32>
    %sub3A_22 = arith.subf %exp3A, %sub3A_21 : vector<400x16xf32>
    %select_n3A = arith.select %gt3A_20, %add3A_18, %sub3A_22 : vector<400x16xi1>, vector<400x16xf32>
    %get3A_23 = arith.constant 0 : index
    %get3A_24 = arith.constant 0 : index
    %get3A_25 = vector.load %arg3[%get3A_23, %get3A_24] : memref<1x16xf32, #tpu.memory_space<vmem>>, vector<1x16xf32>
    %mul3A = vector.broadcast %get3A_25 : vector<1x16xf32> to vector<400x16xf32>
    %mul3A_26 = arith.mulf %select_n3A, %mul3A : vector<400x16xf32>
    %reduce_sum3A = arith.constant dense<0.000000e+00> : vector<400xf32>
    %reduce_sum3A_27 = vector.multi_reduction <add>, %mul3A_26, %reduce_sum3A [1] : vector<400x16xf32> to vector<400xf32>
    %broadcast_in_dim3A_28 = vector.shape_cast %reduce_sum3A_27 : vector<400xf32> to vector<400x1xf32>
    %get3A_29 = arith.constant 0 : index
    %get3A_30 = arith.constant 0 : index
    %get3A_31 = vector.load %arg4[%get3A_29, %get3A_30] : memref<1x1xf32, #tpu.memory_space<vmem>>, vector<1x1xf32>
    %add3A_32 = vector.broadcast %get3A_31 : vector<1x1xf32> to vector<400x1xf32>
    %add3A_33 = arith.addf %broadcast_in_dim3A_28, %add3A_32 : vector<400x1xf32>
    %logistic3A = arith.negf %add3A_33 : vector<400x1xf32>
    %logistic3A_34 = math.exp %logistic3A : vector<400x1xf32>
    %logistic3A_35 = arith.constant 1.000000e+00 : f32
    %logistic3A_36 = vector.broadcast %logistic3A_35 : f32 to vector<400x1xf32>
    %logistic3A_37 = arith.addf %logistic3A_36, %logistic3A_34 : vector<400x1xf32>
    %logistic3A_38 = arith.divf %logistic3A_36, %logistic3A_37 : vector<400x1xf32>
    %swap3A = arith.constant 0 : index
    %swap3A_39 = arith.constant 0 : index
    %swap3A_40 = vector.load %arg5[%swap3A, %swap3A_39] : memref<400x1xf32, #tpu.memory_space<vmem>>, vector<400x1xf32>
    tpu.vector_store %arg5[%swap3A, %swap3A_39], %logistic3A_38 {strides = array<i32>} : memref<400x1xf32, #tpu.memory_space<vmem>>, vector<400x1xf32>,
    return
  }
  func.func @transform_0(%arg0: i32) -> (i32, i32, i32) {
    %c0_i32 = arith.constant 0 : i32
    %c0_i32_0 = arith.constant 0 : i32
    %c0_i32_1 = arith.constant 0 : i32
    return %c0_i32, %arg0, %c0_i32_0 : i32, i32, i32
  }
  func.func @transform_1(%arg0: i32) -> (i32, i32) {
    %c0_i32 = arith.constant 0 : i32
    %c0_i32_0 = arith.constant 0 : i32
    %c0_i32_1 = arith.constant 0 : i32
    return %c0_i32, %c0_i32_0 : i32, i32
  }
  func.func @transform_2(%arg0: i32) -> (i32, i32) {
    %c0_i32 = arith.constant 0 : i32
    %c0_i32_0 = arith.constant 0 : i32
    %c0_i32_1 = arith.constant 0 : i32
    return %c0_i32, %c0_i32_0 : i32, i32
  }
  func.func @transform_3(%arg0: i32) -> (i32, i32) {
    %c0_i32 = arith.constant 0 : i32
    %c0_i32_0 = arith.constant 0 : i32
    %c0_i32_1 = arith.constant 0 : i32
    return %c0_i32, %c0_i32_0 : i32, i32
  }
  func.func @transform_4(%arg0: i32) -> (i32, i32) {
    %c0_i32 = arith.constant 0 : i32
    %c0_i32_0 = arith.constant 0 : i32
    return %arg0, %c0_i32 : i32, i32
  }
}

</mosaic_0001>

<sc_bundles>
// kernel: kernel.12.cloned.1.call-start
scs
__scs_entry_jumppad:
0x0: {  	(pc) =	sbr.rel $0x88, $3  }
0x1: {  	(tag) =	ssettag $0x0;
	lr =	simm.s32 $0x1  }
0x2: {  	[smem:$0x3F91] =	sst lr;
	_ =	strace $0xD0000000  }
0x3: {  	_ = 	snop  }
0x4: {  	_ = 	snop  }
0x5: {  	_ = 	snop  }
0x6: {  	_ = 	snop  }
0x7: {  	_ = 	snop  }
__scs_overlays_trampoline_lowered:
0x8: {  	[smem:$0x3FA0] =	sst s0  }
0x9: {  	[smem:$0x3FA1] =	sst s1  }
0xa: {  	[smem:$0x3FA2] =	sst s2  }
0xb: {  	[smem:$0x3FA3] =	sst s3  }
0xc: {  	[smem:$0x3FA4] =	sst s4  }
0xd: {  	[smem:$0x3FA5] =	sst s5  }
0xe: {  	[smem:$0x3FA6] =	sst s6  }
0xf: {  	[smem:$0x3FA7] =	sst s7  }
0x10: {  	[smem:$0x3FA8] =	sst s8  }
0x11: {  	[smem:$0x3FA9] =	sst s9;
	s0 =	simm.s32 @!p0 $0x0  }
0x12: {  	s1 =	sld [smem:$0x3F8F];
	s0 =	simm.s32 @p0 $0x1  }
0x13: {  	[smem:$0x3FAA] =	sst s0;
	s0 =	simm.s32 @!p1 $0x0  }
0x14: {  	s2 =	sld [smem:$0x3F8E];
	s0 =	simm.s32 @p1 $0x1  }
0x15: {  	[smem:$0x3FAB] =	sst s0;
	s0 =	simm.s32 @!p2 $0x0  }
0x16: {  	s3 =	sld [smem:$0x3FDB];
	s0 =	simm.s32 @p2 $0x1  }
0x17: {  	s4 =	simm.s32 $0x1BF5;
	[smem:$0x3FAD] =	sst s0  }
0x18: {  	s0 =	sld [smem:$0x3F90];
	_ =	swait.ge [sflag:s4], $0x0  }
0x19: {  	s7 =	sld [smem:$0x3F91]  }
0x1a: {  	s8 =	sadd.s32 $0xFFFFE003, lr  }
0x1b: {  	s9 =	sadd.s32 $0xFFFFFEF7, lr;
	s5 =	simm.s32 $0xFFFFFFFF;
	p2 =	slt.u32 s8, $0xFFFFF086  }
0x1c: {  	p1 =	slt.u32 s9, $0xF7A;
	s5 =	simm.s32 @!p2 $0x0  }
0x1d: {  	s5 =	simm.s32 @p1 $0x1;
	p0 =	seq.s32 s7, s2  }
0x1e: {  	s7 =	smul.u32 @!p0 $0xF7A, s2;
	p2 =	seq.s32 @!p0 s5, $0x0  }
0x1f: {  	s9 =	smul.u32 $0xF7A, s1;
	s8 =	simm.s32 @!p0 $0x1BF5;
	p2 =	por !p2, p0  }
0x20: {  	[sflag:s8] =	ssyncset.s32 @!p0 $0xFFFFF086;
	s6 =	sadd.s32 @!p0 s3, s7;
	s7 =	simm.s32 @!p0 $0x108  }
0x21: {  	s3 =	sadd.s32 s3, s9;
	s6 =	sadd.s32 @!p0 $0x88, s6;
	s7 =	simm.s32 @p2 $0x1082  }
0x22: {  	[simem:s7], [sflag:s8] =	dma.local @!p0 [hbm:s6], $0xF7A  }
0x23: {  	s9 =	sor.u32 $0xD0000000, s2;
	s6 =	simm.s32 $0x108;
	_ =	swait.ge @!p0 [sflag:s8], $0x0  }
0x24: {  	s3 =	sadd.s32 $0x88, s3;
	s6 =	simm.s32 @!p1 $0x1082;
	[sflag:s4] =	ssyncset.s32 $0xFFFFF086  }
0x25: {  	[simem:s6], [sflag:s4] =	dma.local [hbm:s3], $0xF7A  }
0x26: {  	[smem:$0x3F91] =	sst s1;
	(tag) =	ssettag s2;
	_ =	strace s9  }
0x27: {  	s1 =	sld [smem:$0x3FA1]  }
0x28: {  	s2 =	sld [smem:$0x3FA2]  }
0x29: {  	s4 =	sld [smem:$0x3FA4]  }
0x2a: {  	p0 =	seq.s32 s5, $0x0;
	s5 =	sld [smem:$0x3FA5]  }
0x2b: {  	s6 =	sld [smem:$0x3FA6]  }
0x2c: {  	s7 =	sld [smem:$0x3FA7]  }
0x2d: {  	s3 =	simm.s32 $0x108;
	s8 =	sld [smem:$0x3FA8]  }
0x2e: {  	s3 =	simm.s32 @!p0 $0x1082;
	s9 =	sld [smem:$0x3FA9]  }
0x2f: {  	lr =	sadd.s32 s0, s3;
	s0 =	sld [smem:$0x3FA0]  }
0x30: {  	s3 =	sld [smem:$0x3FA3]  }
0x31: {  	[smem:$0x3FAC] =	sst s10  }
0x32: {  	s10 =	sld [smem:$0x3FAA];
	_ =	sdelay $0x3  }
0x33: {  	p0 =	seq.s32 s10, $0x1;
	s10 =	sld [smem:$0x3FAC];
	_ =	sdelay $0x3  }
0x34: {  	[smem:$0x3FAC] =	sst s10  }
0x35: {  	s10 =	sld [smem:$0x3FAB];
	_ =	sdelay $0x3  }
0x36: {  	p1 =	seq.s32 s10, $0x1;
	s10 =	sld [smem:$0x3FAC];
	_ =	sdelay $0x3  }
0x37: {  	[smem:$0x3FAC] =	sst s10  }
0x38: {  	s10 =	sld [smem:$0x3FAD]  }
0x39: {  	_ = 	snop;
	(pc) =	sbr.ind lr, $3  }
0x3a: {  	_ = 	snop  }
0x3b: {  	_ = 	snop  }
0x3c: {  	p2 =	seq.s32 s10, $0x1;
	s10 =	sld [smem:$0x3FAC]  }
0x3d: {  	_ =	shalt  }
0x3e: {  	_ =	shalt  }
0x3f: {  	_ =	shalt  }
0x40: {  	_ =	shalt  }
0x41: {  	_ =	shalt  }
0x42: {  	_ =	shalt  }
0x43: {  	_ =	shalt  }
0x44: {  	_ =	shalt  }
0x45: {  	_ =	shalt  }
0x46: {  	_ =	shalt  }
0x47: {  	_ =	shalt  }
0x48: {  	_ =	shalt  }
0x49: {  	_ =	shalt  }
0x4a: {  	_ =	shalt  }
0x4b: {  	_ =	shalt  }
0x4c: {  	_ =	shalt  }
0x4d: {  	_ =	shalt  }
0x4e: {  	_ =	shalt  }
0x4f: {  	_ =	shalt  }
0x50: {  	_ =	shalt  }
0x51: {  	_ =	shalt  }
0x52: {  	_ =	shalt  }
0x53: {  	_ =	shalt  }
0x54: {  	_ =	shalt  }
0x55: {  	_ =	shalt  }
0x56: {  	_ =	shalt  }
0x57: {  	_ =	shalt  }
0x58: {  	_ =	shalt  }
0x59: {  	_ =	shalt  }
0x5a: {  	_ =	shalt  }
0x5b: {  	_ =	shalt  }
0x5c: {  	_ =	shalt  }
0x5d: {  	_ =	shalt  }
0x5e: {  	_ =	shalt  }
0x5f: {  	_ =	shalt  }
0x60: {  	_ =	shalt  }
0x61: {  	_ =	shalt  }
0x62: {  	_ =	shalt  }
0x63: {  	_ =	shalt  }
0x64: {  	_ =	shalt  }
0x65: {  	_ =	shalt  }
0x66: {  	_ =	shalt  }
0x67: {  	_ =	shalt  }
0x68: {  	_ =	shalt  }
0x69: {  	_ =	shalt  }
0x6a: {  	_ =	shalt  }
0x6b: {  	_ =	shalt  }
0x6c: {  	_ =	shalt  }
0x6d: {  	_ =	shalt  }
0x6e: {  	_ =	shalt  }
0x6f: {  	_ =	shalt  }
0x70: {  	_ =	shalt  }
0x71: {  	_ =	shalt  }
0x72: {  	_ =	shalt  }
0x73: {  	_ =	shalt  }
0x74: {  	_ =	shalt  }
0x75: {  	_ =	shalt  }
0x76: {  	_ =	shalt  }
0x77: {  	_ =	shalt  }
0x78: {  	_ =	shalt  }
0x79: {  	_ =	shalt  }
0x7a: {  	_ =	shalt  }
0x7b: {  	_ =	shalt  }
0x7c: {  	_ =	shalt  }
0x7d: {  	_ =	shalt  }
0x7e: {  	_ =	shalt  }
0x7f: {  	_ =	shalt  }
0x80: {  	_ =	shalt  }
0x81: {  	_ =	shalt  }
0x82: {  	_ =	shalt  }
0x83: {  	_ =	shalt  }
0x84: {  	_ =	shalt  }
0x85: {  	_ =	shalt  }
0x86: {  	_ =	shalt  }
0x87: {  	_ =	shalt  }
.Lfunc_end0:
.L_simem_size_0:
called_computation.1_lowered:
.L_overlay_start_0:
0x88: {  	s2 =	sld [smem:$0x3FD9]  }
0x89: {  	s3 =	sld [smem:$0x3FFE];
	_ =	sdelay $0x1  }
0x8a: {  	s1 =	srdreg.scid  }
0x8b: {  	s0 =	sand.u32 $0x1, s1  }
0x8c: {  	s17 =	sshll.u32 s0, $0xA;
	s2 =	sadd.s32 s3, s2  }
0x8d: {  	s2 =	sadd.s32 s2, s17  }
0x8e: {  	[smem:$0x3FB8] =	sst s2  }
0x8f: {  	_ = 	snop  }
0x90: {  	s2 =	sld [smem:$0x3FD0];
	(tm) =	ssettm $0x1  }
0x91: {  	s18 =	sld [smem:$0x3FFB];
	_ =	sdelay $0x3  }
0x92: {  	_ =	strace s18  }
0x93: {  	s3 =	sld [smem:$0x3FFC];
	_ =	sdelay $0x3  }
0x94: {  	_ =	strace s3  }
0x95: {  	s3 =	sld [smem:$0x3FFD];
	_ =	sdelay $0x3  }
0x96: {  	_ =	strace s3  }
0x97: {  	_ =	strace $0x8FFFFFFF  }
0x98: {  	s19 =	sld [smem:$0x3FDB];
	_ =	sdelay $0x1  }
0x99: {  	s4 =	simm.s32 $_scs_section_size  }
0x9a: {  	s5 =	simm.s32 $_size__tile_overlayer_lowered;
	s6 =	simm.s32 $_tile_overlayer_lowered  }
0x9b: {  	s22 =	simm.s32 $0x1BFF;
	s21 =	sshll.u32 s6, $0x1;
	s3 =	sadd.s32 s4, s19  }
0x9c: {  	s7 =	simm.s32 $0x0;
	s20 =	sshll.u32 s5, $0x1;
	s5 =	sadd.s32 s21, s3  }
0x9d: {  	[timem:s7], [sflag:s22] =	dma.local [hbm:s5], s20  }
0x9e: {  	_ =	swait.ge [sflag:s22], s20  }
0x9f: {  	s4 =	ssub.s32 $0x0, s20;
	[sflag:s22] =	ssyncset.done $0x0  }
0xa0: {  	[sflag:s22] =	ssyncadd.s32 s4;
	_ =	sdelay $0x1  }
0xa1: {  	s23 =	simm.s32 $0x1B8B  }
0xa2: {  	_ =	swait.ge [sflag:s23], $0x1  }
0xa3: {  	[sflag:s23] =	ssyncset.done $0x0  }
0xa4: {  	s25 =	simm.s32 $0x1B8E;
	s24 =	sld [smem:$0x3FFE];
	[sflag:s23] =	ssyncadd.s32 $0xFFFFFFFF  }
0xa5: {  	s26 =	simm.s32 $execute0_lowered;
	[smem:$0x3FD2] =	sst s25  }
0xa6: {  	s5 =	sshll.u32 s26, $0x1;
	_ =	strace $0x80000049;
	[dreg:$0x1] =	wrdreg $0xFFFFFFFF  }
0xa7: {  	s28 =	simm.s32 $_size_execute0_lowered;
	s3 =	sadd.s32 s3, s5;
	[dreg:$0x0] =	wrdreg $0x0  }
0xa8: {  	s5 =	sshll.u32 s28, $0x1;
	[dreg:$0x2] =	wrdreg s3  }
0xa9: {  	[dreg:$0x3] =	wrdreg s5  }
0xaa: {  	[dreg:$0x4] =	wrdreg $0xC0  }
0xab: {  	_ =	task [dreg:s7], $0x5FFFF  }
0xac: {  	[dreg:$0x1] =	wrdreg $0xFFFFFFFF  }
0xad: {  	[dreg:$0x0] =	wrdreg $0x60  }
0xae: {  	[dreg:$0x2] =	wrdreg s24  }
0xaf: {  	[dreg:$0x3] =	wrdreg s2  }
0xb0: {  	[dreg:$0x4] =	wrdreg $0x8D500  }
0xb1: {  	[dreg:$0x5] =	wrdreg $0x9  }
0xb2: {  	_ =	task.clear_ibuf [dreg:s7], $0x6FFFF;
	_ =	strace $0x90000049  }
0xb3: {  	s29 =	simm.s32 $0x9;
	_ =	strace $0x8000004B  }
0xb4: {  	_ =	swait.ge [sflag:s29], $0x1  }
0xb5: {  	[sflag:s29] =	ssyncadd.s32 $0xFFFFFFFF  }
0xb6: {  	_ =	strace $0x9000004B  }
0xb7: {  	_ =	sfence  }
0xb8: {  	s30 =	sld [smem:$0x0];
	_ =	sdelay $0x2  }
0xb9: {  	s31 =	sshll.u32 s1, $0xD;
	s1 =	sshrl.u32 s1, $0x2  }
0xba: {  	s3 =	sand.u32 $0x4000, s31;
	s1 =	sadd.s32 s1, s30  }
0xbb: {  	s0 =	sor.u32 s3, s0;
	s1 =	sshll.u32 s1, $0x11  }
0xbc: {  	s0 =	sor.u32 s1, s0  }
0xbd: {  	s0 =	sadd.s32 $0x8F2B, s0  }
0xbe: {  	[sflag:s0] =	ssyncadd.remote.s32 $0x1  }
0xbf: {  	_ =	sfence.sel $0xFFFF  }
0xc0: {  	[dreg:$0x0] =	wrdreg $0xFFFFFFFF;
	(pc) =	sbr.abs _section_cstart, $3  }
0xc1: {  	[dreg:$0x1] =	wrdreg $0xFFFFFFFF  }
0xc2: {  	_ =	task.clear_ibuf [dreg:s7], $0x2FFFF;
	_ =	strace $0x9FFFFFFF  }
0xc3: {  	(tm) =	ssettm $0x7FFFFFFF  }
tec
execute0_lowered:
.L_overlay_start_1:
0x0: {  	(tag) =	ssettag $0x1  }
0x1: {  	s0 =	rddreg [dreg:$0x0]  }
0x2: {  	s2 =	rddreg [dreg:$0x2]  }
0x3: {  	s3 =	simm.s32 $0x0;
	s1 =	srdreg.scid;
	s15 =	stileid.u32  }
0x4: {  	s18 =	simm.s32 $0x7;
	s19 =	simm.s32 $0x7D00;
	s20 =	simm.s32 $0x8520  }
0x5: {  	s28 =	simm.s32 $0x76C0;
	s29 =	simm.s32 $0x1;
	s30 =	simm.s32 $0x3  }
0x6: {  	s31 =	simm.s32 $0x2;
	s17 =	simm.s32 $0x0;
	[smem:$0x7FF] =	sst s3  }
0x7: {  	s5 =	sadd.s32 $0x16E00, s0;
	s6 =	sadd.s32 $0x42E00, s0;
	s7 =	sadd.s32 $0xCA00, s0  }
0x8: {  	s1 =	sand.u32 $0x1, s1;
	s4 =	smul.u32 $0x57C00, s15;
	s8 =	sadd.s32 $0x2600, s0  }
0x9: {  	s10 =	sadd.s32 $0x47E00, s0;
	s12 =	smul.u32 $0x15F00, s15;
	s0 =	sadd.s32 $0x4AC00, s0  }
0xa: {  	s22 =	sshll.u32 s15, $0x1;
	s13 =	sadd.s32 $0x149100, s2;
	p0 =	seq.s32 s15, $0xF  }
0xb: {  	_ =	strace $0x8000004A;
	s9 =	ssub.s32 $0x2, s1;
	s11 =	smul.u32 $0x15F900, s1  }
0xc: {  	[dreg:$0x4] =	wrdreg s10;
	s1 =	sor.u32 s1, s22;
	s22 =	simm.s32 $0x7080  }
0xd: {  	s21 =	sshrl.u32 s9, $0x1;
	s4 =	sshrl.u32 s4, $0x2;
	s10 =	smul.u32 $0x28A0, s1  }
0xe: {  	s1 =	simm.s32 $0x6;
	s9 =	ssub.s32 s9, s21;
	s23 =	sadd.s32 s12, s11  }
0xf: {  	s4 =	sadd.s32 s4, s2;
	s25 =	sshrl.u32 s11, $0x3;
	s11 =	sadd.s32 s12, s2  }
0x10: {  	s12 =	sshrl.u32 @p0 s13, $0x3;
	s14 =	sshrl.u32 s23, $0x3;
	s26 =	smax.u32 s9, $0x1  }
0x11: {  	[dreg:$0x8] =	wrdreg s12;
	s24 =	sadd.s32 s0, s14;
	s0 =	sadd.s32 s0, s25  }
0x12: {  	s21 =	simm.s32 $0x64;
	[dreg:$0x7] =	wrdreg s26;
	s0 =	sadd.s32 $0x29220, s0  }
.Ltmp0:
0x13: {  	[dreg:$0x6] =	wrdreg s0;
	s0 =	sshll.u32 @!p0 s15, $0x6;
	(pc) =	sbr.rel .LBB2_1-.Ltmp0, $4  }
0x14: {  	[dreg:$0x5] =	wrdreg s24;
	s13 =	sor.u32 @!p0 $0x1C07, s0;
	s0 =	sshrl.u32 @!p0 s4, $0x3  }
0x15: {  	s23 =	simm.s32 $0x7D68;
	s26 =	simm.s32 $0x8588;
	[dreg:$0xa] =	wrdreg s0  }
0x16: {  	s24 =	simm.s32 $0x3840;
	s0 =	sshrl.u32 @!p0 s11, $0x3;
	[dreg:$0x9] =	wrdreg s13  }
0x17: {  	s4 =	simm.s32 $0x5;
	[dreg:$0xb] =	wrdreg s0;
	s0 =	simm.s32 $0x4  }
.LBB2_10:
0x18: {  	[bflag:$0x0] =	sbarrier.arrive $0xFFFF  }
0x19: {  	s11 =	rddreg [dreg:$0x6]  }
0x1a: {  	s9 =	simm.s32 @p0 $0x1FC7;
	s12 =	rddreg [dreg:$0x8]  }
0x1b: {  	[hbm:s11], [sflag:s9] =	dma.local @p0 [spmem:s12], $0x2D00  }
0x1c: {  	s9 =	simm.s32 @p0 $0x7  }
0x1d: {  	_ =	swait.ge @p0 [sflag:s9], $0x2D00  }
0x1e: {  	s13 =	rddreg [dreg:$0x9]  }
0x1f: {  	[sflag:s9] =	ssyncset.done @p0 $0x0;
	s11 =	rddreg [dreg:$0xb]  }
0x20: {  	[sflag:s9] =	ssyncadd.s32 @p0 $0xFFFFD300;
	s9 =	rddreg [dreg:$0x5]  }
0x21: {  	[hbm:s9], [sflag:s13] =	dma.local @!p0 [spmem:s11], $0x2BE0  }
0x22: {  	s9 =	simm.s32 @!p0 $0x7  }
0x23: {  	_ =	swait.ge @!p0 [sflag:s9], $0x2BE0  }
0x24: {  	s17 =	sadd.s32 $0x1, s17;
	s25 =	rddreg [dreg:$0x7]  }
0x25: {  	p1 =	sne.s32 s17, s25  }
.Ltmp1:
0x26: {  	_ = 	snop;
	(pc) =	sbr.rel @!p1 .LBB2_11-.Ltmp1, $3  }
0x27: {  	_ =	sdelay $0x1  }
0x28: {  	[sflag:s9] =	ssyncset.done @!p0 $0x0  }
0x29: {  	[sflag:s9] =	ssyncadd.s32 @!p0 $0xFFFFD420  }
.LBB2_1:
0x2a: {  	s9 =	simm.s32 @p0 $0x1FC7;
	s11 =	rddreg [dreg:$0x4]  }
0x2b: {  	[spmem:s12], [sflag:s9] =	dma.local @p0 [hbm:s11], $0x2D00  }
0x2c: {  	s9 =	simm.s32 @p0 $0x7  }
0x2d: {  	_ =	swait.ge @p0 [sflag:s9], $0x2D00  }
0x2e: {  	[sflag:s9] =	ssyncset.done @p0 $0x0  }
0x2f: {  	[sflag:s9] =	ssyncadd.s32 @p0 $0xFFFFD300;
	s9 =	rddreg [dreg:$0xa]  }
0x30: {  	[spmem:s9], [sflag:s13] =	dma.local @!p0 [hbm:s11], $0x2BE0  }
0x31: {  	s9 =	simm.s32 @!p0 $0x7  }
0x32: {  	_ =	swait.ge @!p0 [sflag:s9], $0x2BE0  }
0x33: {  	[sflag:s9] =	ssyncset.done @!p0 $0x0  }
0x34: {  	[sflag:s9] =	ssyncadd.s32 @!p0 $0xFFFFD420  }
0x35: {  	s25 =	simm.s32 $0x8D40;
	s9 =	rddreg [dreg:$0x1]  }
0x36: {  	[tilespmem:s25], [sflag:$0x7] =	stream.linear.gather [hbm4b:s9+s3], $0x10, $0x38;
	[tilespmem:$0x1ECE0] =	vst v63  }
.Ltmp2:
0x37: {  	_ =	swait.ge [sflag:s18], $0x10;
	(pc) =	sbr.rel .LBB2_2-.Ltmp2, $4  }
0x38: {  	[sflag:s18] =	ssyncset.done $0x0  }
0x39: {  	[sflag:s18] =	ssyncadd.s32 $0xFFFFFFF0  }
0x3a: {  	[bflag:$0x0] =	sbarrier.arrive $0xFFFF  }
0x3b: {  	s11 =	simm.s32 $0x0;
	v0 =	vld [tilespmem:$0x8D40]  }
.LBB2_9:
0x3c: {  	s11 =	sadd.s32 $0x1, s11  }
0x3d: {  	p1 =	sne.s32 s11, $0x5  }
.Ltmp3:
0x3e: {  	_ = 	snop;
	(pc) =	sbr.rel @!p1 .LBB2_10-.Ltmp3, $4  }
0x3f: {  	_ = 	snop  }
0x40: {  	_ =	swait.ge [sflag:s1], $0x3840  }
0x41: {  	[sflag:s1] =	ssyncset.done $0x0  }
0x42: {  	[sflag:s1] =	ssyncadd.s32 $0xFFFFC7C0  }
.LBB2_2:
0x43: {  	s9 =	smul.u32 $0x820, s11;
	_ =	sdelay $0x1  }
0x44: {  	s9 =	sadd.s32 s10, s9  }
0x45: {  	s9 =	sshrl.u32 s9, $0x3  }
0x46: {  	s12 =	simm.s32 $0x0;
	s13 =	sadd.s32 s7, s9  }
0x47: {  	[tilespmem:s19], [sflag:$0x7] =	stream.linear.gather [hbm4b:s13+s12], $0x820, $0x38;
	[tilespmem:$0x1ECE0] =	vst v63  }
0x48: {  	_ =	swait.ge [sflag:s18], $0x820  }
0x49: {  	[sflag:s18] =	ssyncset.done $0x0  }
0x4a: {  	s9 =	sadd.s32 s8, s9;
	[sflag:s18] =	ssyncadd.s32 $0xFFFFF7E0  }
0x4b: {  	[tilespmem:s20], [sflag:$0x7] =	stream.linear.gather [hbm4b:s9+s12], $0x820, $0x38;
	[tilespmem:$0x1ECE0] =	vst v63  }
0x4c: {  	_ =	swait.ge [sflag:s18], $0x820  }
0x4d: {  	[sflag:s18] =	ssyncset.done $0x0  }
0x4e: {  	[sflag:s18] =	ssyncadd.s32 $0xFFFFF7E0  }
0x4f: {  	[tilespmem:s12], [sflag:$0x1] =	stream.indirect.gather [hbm4b:s5+s21], $0x90, s19, s21, $0xb8;
	[tilespmem:$0x1ECE0] =	vst v63  }
0x50: {  	_ = 	snop  }
0x51: {  	[tilespmem:s22], [sflag:$0x3] =	stream.indirect.gather [hbm4b:s6+s21], $0x10, s20, s21, $0xb8;
	[tilespmem:$0x1ECE0] =	vst v63  }
0x52: {  	_ = 	snop  }
0x53: {  	[tilespmem:s24], [sflag:$0x2] =	stream.indirect.gather [hbm4b:s5+s21], $0x90, s23, s21, $0xb8;
	[tilespmem:$0x1ECE0] =	vst v63  }
0x54: {  	_ = 	snop  }
0x55: {  	[tilespmem:s28], [sflag:$0x4] =	stream.indirect.gather [hbm4b:s6+s21], $0x10, s26, s21, $0xb8;
	[tilespmem:$0x1ECE0] =	vst v63  }
.LBB2_3:
0x56: {  	_ =	swait.ge [sflag:s29], $0x3840  }
0x57: {  	[sflag:s29] =	ssyncset.done $0x0  }
0x58: {  	[sflag:s29] =	ssyncadd.s32 $0xFFFFC7C0  }
0x59: {  	_ =	swait.ge [sflag:s30], $0x640  }
0x5a: {  	[sflag:s30] =	ssyncset.done $0x0  }
0x5b: {  	s16 =	simm.s32 $0x120;
	[sflag:s30] =	ssyncadd.s32 $0xFFFFF9C0  }
0x5c: {  	s13 =	simm.s32 $0x70A0;
	v1 =	vld [tilespmem:s16+$0xFFFFFF60]  }
0x5d: {  	v2 =	vld [tilespmem:s13+$0xFFFFFFE0];
	_ =	sdelay $0x4  }
0x5e: {  	v1 =	vadd.f32 v2, v1;
	_ =	sdelay $0x1  }
0x5f: {  	v2 =	vmul.f32 $2.000000030e-01, v1  }
0x60: {  	vm0 =	vge.f32 v1, $0.0e+00  }
0x61: {  	v1 =	vsel vm0, v1, v2  }
0x62: {  	v1 =	vsub.f32 v1, v0;
	_ =	sdelay $0x1  }
0x63: {  	v1 =	vmul.f32 $1.442695020e+00, v1;
	_ =	sdelay $0x1  }
0x64: {  	(erf) = vpow2.f32 v1;
	_ =	sdelay $0x6  }
0x65: {  	v2 =	vld [tilespmem:s16+$0xFFFFFF00]  }
0x66: {  	v3 =	vld [tilespmem:s16+$0xFFFFFF10]  }
0x67: {  	v4 =	vld [tilespmem:s16+$0xFFFFFEE0];
	v5 =	vpop (erf)  }
0x68: {  	v6 =	vld [tilespmem:s16+$0xFFFFFEF0];
	v7 =	vbroadcast v5, $0x2  }
0x69: {  	v8 =	vld [tilespmem:s16+$0xFFFFFF50];
	v9 =	vbroadcast v5, $0x3  }
0x6a: {  	v34 =	vld [tilespmem:s16+$0xFFFFFF20];
	v10 =	vbroadcast v5, $0x0;
	v2 =	vmul.f32 v7, v2  }
0x6b: {  	v11 =	vld [tilespmem:s16+$0xFFFFFF30];
	[tilespmem:s16+$0xFFFFFF60] =	vst v5;
	v12 =	vbroadcast v5, $0x1;
	v3 =	vmul.f32 v3, v9  }
0x6c: {  	v1 =	vld [tilespmem:s16+$0xFFFFFF40];
	v35 =	vbroadcast v5, $0x7;
	v4 =	vmul.f32 v10, v4;
	[tilespmem:s16+$0xFFFFFF00] =	vst v2  }
0x6d: {  	v6 =	vmul.f32 v12, v6;
	v2 =	vbroadcast v5, $0x4;
	[tilespmem:s16+$0xFFFFFF10] =	vst v3  }
0x6e: {  	v36 =	vmul.f32 v8, v35;
	v3 =	vbroadcast v5, $0x5;
	[tilespmem:s16+$0xFFFFFEE0] =	vst v4  }
0x6f: {  	v5 =	vbroadcast v5, $0x6;
	[tilespmem:s16+$0xFFFFFEF0] =	vst v6;
	v2 =	vmul.f32 v34, v2  }
0x70: {  	[tilespmem:s16+$0xFFFFFF50] =	vst v36;
	v3 =	vmul.f32 v11, v3  }
0x71: {  	v1 =	vmul.f32 v1, v5;
	[tilespmem:s16+$0xFFFFFF20] =	vst v2  }
0x72: {  	[tilespmem:s16+$0xFFFFFF30] =	vst v3  }
0x73: {  	[tilespmem:s16+$0xFFFFFF40] =	vst v1;
	v1 =	vld [tilespmem:s16+$0xFFFFFFF0]  }
0x74: {  	v2 =	vld [tilespmem:s13+$0xFFFFFFF0];
	_ =	sdelay $0x4  }
0x75: {  	v1 =	vadd.f32 v2, v1;
	_ =	sdelay $0x1  }
0x76: {  	v2 =	vmul.f32 $2.000000030e-01, v1  }
0x77: {  	vm14 =	vge.f32 v1, $0.0e+00  }
0x78: {  	v1 =	vsel vm14, v1, v2  }
0x79: {  	v1 =	vsub.f32 v1, v0;
	_ =	sdelay $0x1  }
0x7a: {  	v1 =	vmul.f32 $1.442695020e+00, v1;
	_ =	sdelay $0x1  }
0x7b: {  	(erf) = vpow2.f32 v1;
	_ =	sdelay $0x6  }
0x7c: {  	v2 =	vld [tilespmem:s16+$0xFFFFFFE0]  }
0x7d: {  	v3 =	vld [tilespmem:s16+$0xFFFFFF90]  }
0x7e: {  	v37 =	vld [tilespmem:s16+$0xFFFFFFC0];
	v38 =	vpop (erf)  }
0x7f: {  	v43 =	vld [tilespmem:s16+$0xFFFFFF70];
	v40 =	vbroadcast v38, $0x7  }
0x80: {  	v1 =	vld [tilespmem:s16+$0xFFFFFFD0];
	v41 =	vbroadcast v38, $0x2  }
0x81: {  	v39 =	vld [tilespmem:s16+$0xFFFFFF80];
	v44 =	vbroadcast v38, $0x5;
	v2 =	vmul.f32 v2, v40  }
0x82: {  	v42 =	vld [tilespmem:s16+$0xFFFFFFA0];
	[tilespmem:s16+$0xFFFFFFF0] =	vst v38;
	v47 =	vbroadcast v38, $0x0;
	v3 =	vmul.f32 v41, v3  }
0x83: {  	v45 =	vld [tilespmem:s16+$0xFFFFFFB0];
	v49 =	vbroadcast v38, $0x6;
	v4 =	vmul.f32 v37, v44;
	[tilespmem:s16+$0xFFFFFFE0] =	vst v2  }
0x84: {  	v46 =	vbroadcast v38, $0x1;
	v50 =	vmul.f32 v47, v43;
	[tilespmem:s16+$0xFFFFFF90] =	vst v3  }
0x85: {  	v1 =	vmul.f32 v1, v49;
	v2 =	vbroadcast v38, $0x3;
	[tilespmem:s16+$0xFFFFFFC0] =	vst v4  }
0x86: {  	v48 =	vbroadcast v38, $0x4;
	v3 =	vmul.f32 v46, v39;
	[tilespmem:s16+$0xFFFFFF70] =	vst v50  }
0x87: {  	[tilespmem:s16+$0xFFFFFFD0] =	vst v1;
	v2 =	vmul.f32 v42, v2  }
0x88: {  	[tilespmem:s16+$0xFFFFFF80] =	vst v3;
	v3 =	vmul.f32 v45, v48  }
0x89: {  	[tilespmem:s16+$0xFFFFFFA0] =	vst v2  }
0x8a: {  	v1 =	vld [tilespmem:s16+$0x80];
	[tilespmem:s16+$0xFFFFFFB0] =	vst v3  }
0x8b: {  	v2 =	vld [tilespmem:s13+$0x0];
	_ =	sdelay $0x4  }
0x8c: {  	v1 =	vadd.f32 v2, v1;
	_ =	sdelay $0x1  }
0x8d: {  	v2 =	vmul.f32 $2.000000030e-01, v1  }
0x8e: {  	vm15 =	vge.f32 v1, $0.0e+00  }
0x8f: {  	v1 =	vsel vm15, v1, v2  }
0x90: {  	v1 =	vsub.f32 v1, v0;
	_ =	sdelay $0x1  }
0x91: {  	v1 =	vmul.f32 $1.442695020e+00, v1;
	_ =	sdelay $0x1  }
0x92: {  	(erf) = vpow2.f32 v1;
	_ =	sdelay $0x6  }
0x93: {  	v2 =	vld [tilespmem:s16+$0x40]  }
0x94: {  	v3 =	vld [tilespmem:s16+$0x0]  }
0x95: {  	v52 =	vld [tilespmem:s16+$0x20];
	v51 =	vpop (erf)  }
0x96: {  	v54 =	vld [tilespmem:s16+$0x70];
	v53 =	vbroadcast v51, $0x4  }
0x97: {  	v56 =	vld [tilespmem:s16+$0x30];
	v55 =	vbroadcast v51, $0x0  }
0x98: {  	v58 =	vld [tilespmem:s16+$0x10];
	v57 =	vbroadcast v51, $0x2;
	v2 =	vmul.f32 v2, v53  }
0x99: {  	v1 =	vld [tilespmem:s16+$0x50];
	[tilespmem:s16+$0x80] =	vst v51;
	v59 =	vbroadcast v51, $0x7;
	v3 =	vmul.f32 v55, v3  }
0x9a: {  	v60 =	vbroadcast v51, $0x3;
	v5 =	vmul.f32 v57, v52;
	[tilespmem:s16+$0x40] =	vst v2  }
0x9b: {  	v61 =	vbroadcast v51, $0x1;
	v7 =	vmul.f32 v54, v59;
	[tilespmem:s16+$0x0] =	vst v3;
	v3 =	vld [tilespmem:s16+$0x60]  }
0x9c: {  	v62 =	vmul.f32 v56, v60;
	v2 =	vbroadcast v51, $0x5;
	[tilespmem:s16+$0x20] =	vst v5  }
0x9d: {  	v63 =	vmul.f32 v61, v58;
	[tilespmem:s16+$0x70] =	vst v7  }
0x9e: {  	[tilespmem:s16+$0x30] =	vst v62;
	v1 =	vmul.f32 v1, v2;
	v2 =	vbroadcast v51, $0x6  }
0x9f: {  	[tilespmem:s16+$0x10] =	vst v63  }
0xa0: {  	s25 =	simm.s32 $0x0;
	s14 =	simm.s32 $0x120;
	s9 =	simm.s32 $0x70A0;
	[tilespmem:s16+$0x50] =	vst v1;
	v1 =	vmul.f32 v3, v2  }
.LBB2_4:
0xa1: {  	_ = 	snop  }
0xa2: {  	s25 =	sadd.s32 $0x4, s25;
	s14 =	sadd.s32 $0x240, s14;
	s13 =	sadd.s32 $0x40, s13;
	[tilespmem:s16+$0x60] =	vst v1;
	v1 =	vld [tilespmem:s16+$0x110]  }
0xa3: {  	p1 =	slt.u32 s25, $0x60;
	v2 =	vld [tilespmem:s9+$0x10];
	s9 =	smov.u32 s13;
	_ =	sdelay $0x4  }
0xa4: {  	v1 =	vadd.f32 v2, v1;
	_ =	sdelay $0x1  }
0xa5: {  	v2 =	vmul.f32 $2.000000030e-01, v1  }
0xa6: {  	vm0 =	vge.f32 v1, $0.0e+00  }
0xa7: {  	v1 =	vsel vm0, v1, v2  }
0xa8: {  	v1 =	vsub.f32 v1, v0;
	_ =	sdelay $0x1  }
0xa9: {  	v1 =	vmul.f32 $1.442695020e+00, v1;
	_ =	sdelay $0x1  }
0xaa: {  	(erf) = vpow2.f32 v1;
	_ =	sdelay $0x4  }
0xab: {  	v1 =	vld [tilespmem:s16+$0xB0]  }
0xac: {  	v2 =	vld [tilespmem:s16+$0x100]  }
0xad: {  	v3 =	vld [tilespmem:s16+$0xF0]  }
0xae: {  	v4 =	vld [tilespmem:s16+$0xC0]  }
0xaf: {  	v5 =	vld [tilespmem:s16+$0xD0];
	v6 =	vpop (erf)  }
0xb0: {  	[tilespmem:s16+$0x110] =	vst v6;
	v7 =	vbroadcast v6, $0x0;
	v8 =	vbroadcast v6, $0x1;
	v9 =	vld [tilespmem:s16+$0xE0]  }
0xb1: {  	v11 =	vbroadcast v6, $0x2;
	v12 =	vbroadcast v6, $0x3;
	v10 =	vld [tilespmem:s16+$0x90]  }
0xb2: {  	v14 =	vbroadcast v6, $0x4;
	v15 =	vbroadcast v6, $0x5;
	v13 =	vld [tilespmem:s16+$0xA0]  }
0xb3: {  	v4 =	vmul.f32 v4, v12;
	v12 =	vbroadcast v6, $0x6  }
0xb4: {  	v6 =	vbroadcast v6, $0x7;
	v5 =	vmul.f32 v5, v14  }
0xb5: {  	[tilespmem:s16+$0xC0] =	vst v4;
	v4 =	vmul.f32 v9, v15;
	v3 =	vmul.f32 v3, v12  }
0xb6: {  	v2 =	vmul.f32 v2, v6;
	v7 =	vmul.f32 v7, v10;
	[tilespmem:s16+$0xD0] =	vst v5  }
0xb7: {  	v1 =	vmul.f32 v11, v1;
	v5 =	vmul.f32 v8, v13;
	[tilespmem:s16+$0xE0] =	vst v4  }
0xb8: {  	[tilespmem:s16+$0x100] =	vst v2  }
0xb9: {  	[tilespmem:s16+$0xF0] =	vst v3  }
0xba: {  	[tilespmem:s16+$0x90] =	vst v7  }
0xbb: {  	[tilespmem:s16+$0xB0] =	vst v1  }
0xbc: {  	v1 =	vld [tilespmem:s14+$0xFFFFFF60];
	[tilespmem:s16+$0xA0] =	vst v5;
	s16 =	smov.u32 s14  }
0xbd: {  	v2 =	vld [tilespmem:s13+$0xFFFFFFE0];
	_ =	sdelay $0x4  }
0xbe: {  	v1 =	vadd.f32 v2, v1;
	_ =	sdelay $0x1  }
0xbf: {  	v2 =	vmul.f32 $2.000000030e-01, v1  }
0xc0: {  	vm0 =	vge.f32 v1, $0.0e+00  }
0xc1: {  	v1 =	vsel vm0, v1, v2  }
0xc2: {  	v1 =	vsub.f32 v1, v0;
	_ =	sdelay $0x1  }
0xc3: {  	v1 =	vmul.f32 $1.442695020e+00, v1;
	_ =	sdelay $0x1  }
0xc4: {  	(erf) = vpow2.f32 v1;
	_ =	sdelay $0x4  }
0xc5: {  	v1 =	vld [tilespmem:s14+$0xFFFFFF40]  }
0xc6: {  	v2 =	vld [tilespmem:s14+$0xFFFFFF50]  }
0xc7: {  	v3 =	vld [tilespmem:s14+$0xFFFFFF00]  }
0xc8: {  	v4 =	vld [tilespmem:s14+$0xFFFFFF10]  }
0xc9: {  	v5 =	vld [tilespmem:s14+$0xFFFFFEE0];
	v6 =	vpop (erf)  }
0xca: {  	[tilespmem:s14+$0xFFFFFF60] =	vst v6;
	v7 =	vld [tilespmem:s14+$0xFFFFFEF0];
	v8 =	vbroadcast v6, $0x2;
	v9 =	vbroadcast v6, $0x3  }
0xcb: {  	v10 =	vbroadcast v6, $0x0;
	v12 =	vbroadcast v6, $0x7;
	v11 =	vld [tilespmem:s14+$0xFFFFFF30]  }
0xcc: {  	v13 =	vbroadcast v6, $0x4;
	v3 =	vmul.f32 v8, v3;
	v8 =	vld [tilespmem:s14+$0xFFFFFF20]  }
0xcd: {  	v14 =	vbroadcast v6, $0x1;
	v4 =	vmul.f32 v4, v9  }
0xce: {  	v5 =	vmul.f32 v10, v5;
	[tilespmem:s14+$0xFFFFFF00] =	vst v3;
	v3 =	vbroadcast v6, $0x5  }
0xcf: {  	v7 =	vmul.f32 v14, v7;
	[tilespmem:s14+$0xFFFFFF10] =	vst v4;
	v4 =	vbroadcast v6, $0x6  }
0xd0: {  	v2 =	vmul.f32 v2, v12;
	[tilespmem:s14+$0xFFFFFEE0] =	vst v5;
	v3 =	vmul.f32 v11, v3  }
0xd1: {  	[tilespmem:s14+$0xFFFFFEF0] =	vst v7;
	v5 =	vmul.f32 v8, v13;
	v1 =	vmul.f32 v1, v4  }
0xd2: {  	[tilespmem:s14+$0xFFFFFF50] =	vst v2  }
0xd3: {  	[tilespmem:s14+$0xFFFFFF20] =	vst v5  }
0xd4: {  	[tilespmem:s14+$0xFFFFFF30] =	vst v3  }
0xd5: {  	[tilespmem:s14+$0xFFFFFF40] =	vst v1;
	v1 =	vld [tilespmem:s14+$0xFFFFFFF0]  }
0xd6: {  	v2 =	vld [tilespmem:s13+$0xFFFFFFF0];
	_ =	sdelay $0x4  }
0xd7: {  	v1 =	vadd.f32 v2, v1;
	_ =	sdelay $0x1  }
0xd8: {  	v2 =	vmul.f32 $2.000000030e-01, v1  }
0xd9: {  	vm0 =	vge.f32 v1, $0.0e+00  }
0xda: {  	v1 =	vsel vm0, v1, v2  }
0xdb: {  	v1 =	vsub.f32 v1, v0;
	_ =	sdelay $0x1  }
0xdc: {  	v1 =	vmul.f32 $1.442695020e+00, v1;
	_ =	sdelay $0x1  }
0xdd: {  	(erf) = vpow2.f32 v1;
	_ =	sdelay $0x4  }
0xde: {  	v1 =	vld [tilespmem:s14+$0xFFFFFFB0]  }
0xdf: {  	v2 =	vld [tilespmem:s14+$0xFFFFFFD0]  }
0xe0: {  	v3 =	vld [tilespmem:s14+$0xFFFFFFE0]  }
0xe1: {  	v4 =	vld [tilespmem:s14+$0xFFFFFF90]  }
0xe2: {  	v5 =	vld [tilespmem:s14+$0xFFFFFFC0];
	v6 =	vpop (erf)  }
0xe3: {  	[tilespmem:s14+$0xFFFFFFF0] =	vst v6;
	v7 =	vbroadcast v6, $0x0;
	v8 =	vld [tilespmem:s14+$0xFFFFFF80];
	v9 =	vbroadcast v6, $0x7  }
0xe4: {  	v11 =	vbroadcast v6, $0x2;
	v12 =	vbroadcast v6, $0x6;
	v10 =	vld [tilespmem:s14+$0xFFFFFF70]  }
0xe5: {  	v14 =	vbroadcast v6, $0x5;
	v13 =	vld [tilespmem:s14+$0xFFFFFFA0];
	v3 =	vmul.f32 v3, v9  }
0xe6: {  	v2 =	vmul.f32 v2, v12;
	v4 =	vmul.f32 v11, v4  }
0xe7: {  	v9 =	vbroadcast v6, $0x1;
	v5 =	vmul.f32 v5, v14;
	[tilespmem:s14+$0xFFFFFFE0] =	vst v3  }
0xe8: {  	v3 =	vbroadcast v6, $0x3;
	[tilespmem:s14+$0xFFFFFF90] =	vst v4;
	v4 =	vbroadcast v6, $0x4  }
0xe9: {  	v6 =	vmul.f32 v7, v10;
	v7 =	vmul.f32 v9, v8;
	[tilespmem:s14+$0xFFFFFFC0] =	vst v5  }
0xea: {  	v3 =	vmul.f32 v13, v3;
	v1 =	vmul.f32 v1, v4  }
0xeb: {  	[tilespmem:s14+$0xFFFFFF80] =	vst v7  }
0xec: {  	[tilespmem:s14+$0xFFFFFFA0] =	vst v3  }
0xed: {  	[tilespmem:s14+$0xFFFFFF70] =	vst v6  }
0xee: {  	[tilespmem:s14+$0xFFFFFFB0] =	vst v1  }
0xef: {  	[tilespmem:s14+$0xFFFFFFD0] =	vst v2;
	v1 =	vld [tilespmem:s14+$0x80]  }
0xf0: {  	v2 =	vld [tilespmem:s13+$0x0];
	_ =	sdelay $0x4  }
0xf1: {  	v1 =	vadd.f32 v2, v1;
	_ =	sdelay $0x1  }
0xf2: {  	v2 =	vmul.f32 $2.000000030e-01, v1  }
0xf3: {  	vm0 =	vge.f32 v1, $0.0e+00  }
0xf4: {  	v1 =	vsel vm0, v1, v2  }
0xf5: {  	v1 =	vsub.f32 v1, v0;
	_ =	sdelay $0x1  }
0xf6: {  	v1 =	vmul.f32 $1.442695020e+00, v1;
	_ =	sdelay $0x1  }
0xf7: {  	(erf) = vpow2.f32 v1;
	_ =	sdelay $0x5  }
0xf8: {  	v1 =	vld [tilespmem:s14+$0x50]  }
0xf9: {  	v2 =	vld [tilespmem:s14+$0x40]  }
0xfa: {  	v3 =	vld [tilespmem:s14+$0x0]  }
0xfb: {  	v4 =	vld [tilespmem:s14+$0x20];
	v5 =	vpop (erf)  }
0xfc: {  	[tilespmem:s14+$0x80] =	vst v5;
	v6 =	vbroadcast v5, $0x0;
	v7 =	vbroadcast v5, $0x4;
	v8 =	vld [tilespmem:s14+$0x70]  }
0xfd: {  	v9 =	vbroadcast v5, $0x1;
	v11 =	vbroadcast v5, $0x3;
	v10 =	vld [tilespmem:s14+$0x30]  }
0xfe: {  	v13 =	vbroadcast v5, $0x2;
	v12 =	vld [tilespmem:s14+$0x10];
	v2 =	vmul.f32 v2, v7  }
0xff: {  	v3 =	vmul.f32 v6, v3;
	v6 =	vbroadcast v5, $0x7  }
0x100: {  	v4 =	vmul.f32 v13, v4;
	[tilespmem:s14+$0x40] =	vst v2;
	v2 =	vbroadcast v5, $0x5  }
0x101: {  	v5 =	vbroadcast v5, $0x6;
	[tilespmem:s14+$0x0] =	vst v3;
	v3 =	vld [tilespmem:s14+$0x60];
	v6 =	vmul.f32 v8, v6  }
.Ltmp4:
0x102: {  	[tilespmem:s14+$0x20] =	vst v4;
	v4 =	vmul.f32 v10, v11;
	(pc) =	sbr.rel @p1 .LBB2_4-.Ltmp4, $4  }
0x103: {  	v1 =	vmul.f32 v1, v2;
	v7 =	vmul.f32 v9, v12;
	[tilespmem:s14+$0x70] =	vst v6  }
0x104: {  	[tilespmem:s14+$0x30] =	vst v4  }
0x105: {  	[tilespmem:s14+$0x50] =	vst v1  }
0x106: {  	[tilespmem:s14+$0x10] =	vst v7;
	v1 =	vmul.f32 v3, v5  }
0x107: {  	_ = 	snop  }
0x108: {  	[tilespmem:s16+$0x60] =	vst v1;
	v1 =	vld [tilespmem:s16+$0x110]  }
0x109: {  	v2 =	vld [tilespmem:s9+$0x10];
	_ =	sdelay $0x4  }
0x10a: {  	v1 =	vadd.f32 v2, v1;
	_ =	sdelay $0x1  }
0x10b: {  	v2 =	vmul.f32 $2.000000030e-01, v1  }
0x10c: {  	vm0 =	vge.f32 v1, $0.0e+00  }
0x10d: {  	v1 =	vsel vm0, v1, v2  }
0x10e: {  	v1 =	vsub.f32 v1, v0;
	_ =	sdelay $0x1  }
0x10f: {  	v1 =	vmul.f32 $1.442695020e+00, v1;
	_ =	sdelay $0x1  }
0x110: {  	(erf) = vpow2.f32 v1;
	_ =	sdelay $0x6  }
0x111: {  	v3 =	vld [tilespmem:s16+$0xC0]  }
0x112: {  	v5 =	vld [tilespmem:s16+$0xD0]  }
0x113: {  	v1 =	vld [tilespmem:s16+$0x100];
	v4 =	vpop (erf)  }
0x114: {  	v6 =	vld [tilespmem:s16+$0xE0];
	v7 =	vbroadcast v4, $0x3  }
0x115: {  	v2 =	vld [tilespmem:s16+$0xF0];
	v9 =	vbroadcast v4, $0x4  }
0x116: {  	v10 =	vld [tilespmem:s16+$0x90];
	v21 =	vbroadcast v4, $0x7;
	v3 =	vmul.f32 v3, v7  }
0x117: {  	v8 =	vld [tilespmem:s16+$0xB0];
	[tilespmem:s16+$0x110] =	vst v4;
	v11 =	vbroadcast v4, $0x5;
	v5 =	vmul.f32 v5, v9  }
0x118: {  	v20 =	vld [tilespmem:s16+$0xA0];
	v12 =	vbroadcast v4, $0x6;
	v1 =	vmul.f32 v1, v21;
	[tilespmem:s16+$0xC0] =	vst v3  }
0x119: {  	v22 =	vbroadcast v4, $0x0;
	v3 =	vmul.f32 v6, v11;
	[tilespmem:s16+$0xD0] =	vst v5  }
0x11a: {  	v23 =	vbroadcast v4, $0x2;
	v2 =	vmul.f32 v2, v12;
	[tilespmem:s16+$0x100] =	vst v1  }
0x11b: {  	v24 =	vmul.f32 v22, v10;
	[tilespmem:s16+$0xE0] =	vst v3;
	v3 =	vbroadcast v4, $0x1  }
0x11c: {  	s25 =	smul.u32 $0x340, s12;
	v1 =	vmul.f32 v23, v8;
	[tilespmem:s16+$0xF0] =	vst v2  }
0x11d: {  	[tilespmem:s16+$0x90] =	vst v24;
	v2 =	vmul.f32 v3, v20  }
0x11e: {  	s13 =	sshra.s32 s25, $0x2;
	[tilespmem:s16+$0xB0] =	vst v1  }
0x11f: {  	s9 =	sadd.s32 $0x8520, s13;
	[tilespmem:s16+$0xA0] =	vst v2  }
0x120: {  	[spmem:s2] =	stream.indirect.scatter.add.f32 [tilespmem:s3], [sflag:$0x5], $0x90, s9, s21, $0xb8;
	[tilespmem:$0x1ECE0] =	vst v63  }
0x121: {  	_ =	swait.ge [sflag:s31], $0x3840  }
0x122: {  	[sflag:s31] =	ssyncset.done $0x0  }
0x123: {  	[sflag:s31] =	ssyncadd.s32 $0xFFFFC7C0  }
0x124: {  	_ =	swait.ge [sflag:s0], $0x640  }
0x125: {  	[sflag:s0] =	ssyncset.done $0x0  }
0x126: {  	s16 =	simm.s32 $0x3960;
	[sflag:s0] =	ssyncadd.s32 $0xFFFFF9C0  }
0x127: {  	s25 =	simm.s32 $0x76E0;
	v1 =	vld [tilespmem:s16+$0xFFFFFF60]  }
0x128: {  	v2 =	vld [tilespmem:s25+$0xFFFFFFE0];
	_ =	sdelay $0x4  }
0x129: {  	v1 =	vadd.f32 v2, v1;
	_ =	sdelay $0x1  }
0x12a: {  	v2 =	vmul.f32 $2.000000030e-01, v1  }
0x12b: {  	vm13 =	vge.f32 v1, $0.0e+00  }
0x12c: {  	v1 =	vsel vm13, v1, v2  }
0x12d: {  	v1 =	vsub.f32 v1, v0;
	_ =	sdelay $0x1  }
0x12e: {  	v1 =	vmul.f32 $1.442695020e+00, v1;
	_ =	sdelay $0x1  }
0x12f: {  	(erf) = vpow2.f32 v1;
	_ =	sdelay $0x6  }
0x130: {  	v2 =	vld [tilespmem:s16+$0xFFFFFF00]  }
0x131: {  	v3 =	vld [tilespmem:s16+$0xFFFFFF10]  }
0x132: {  	v25 =	vld [tilespmem:s16+$0xFFFFFEE0];
	v26 =	vpop (erf)  }
0x133: {  	v27 =	vld [tilespmem:s16+$0xFFFFFEF0];
	v28 =	vbroadcast v26, $0x2  }
0x134: {  	v29 =	vld [tilespmem:s16+$0xFFFFFF50];
	v30 =	vbroadcast v26, $0x3  }
0x135: {  	v1 =	vld [tilespmem:s16+$0xFFFFFF40];
	v31 =	vbroadcast v26, $0x0;
	v2 =	vmul.f32 v28, v2  }
0x136: {  	v32 =	vld [tilespmem:s16+$0xFFFFFF20];
	[tilespmem:s16+$0xFFFFFF60] =	vst v26;
	v34 =	vbroadcast v26, $0x1;
	v3 =	vmul.f32 v3, v30  }
0x137: {  	v33 =	vld [tilespmem:s16+$0xFFFFFF30];
	v35 =	vbroadcast v26, $0x7;
	v4 =	vmul.f32 v31, v25;
	[tilespmem:s16+$0xFFFFFF00] =	vst v2  }
0x138: {  	v5 =	vbroadcast v26, $0x6;
	v6 =	vmul.f32 v34, v27;
	[tilespmem:s16+$0xFFFFFF10] =	vst v3  }
0x139: {  	v36 =	vmul.f32 v29, v35;
	v2 =	vbroadcast v26, $0x4;
	[tilespmem:s16+$0xFFFFFEE0] =	vst v4  }
0x13a: {  	v1 =	vmul.f32 v1, v5;
	v3 =	vbroadcast v26, $0x5;
	[tilespmem:s16+$0xFFFFFEF0] =	vst v6  }
0x13b: {  	[tilespmem:s16+$0xFFFFFF50] =	vst v36;
	v2 =	vmul.f32 v32, v2  }
0x13c: {  	[tilespmem:s16+$0xFFFFFF40] =	vst v1;
	v3 =	vmul.f32 v33, v3  }
0x13d: {  	[tilespmem:s16+$0xFFFFFF20] =	vst v2  }
0x13e: {  	v1 =	vld [tilespmem:s16+$0xFFFFFFF0];
	[tilespmem:s16+$0xFFFFFF30] =	vst v3  }
0x13f: {  	v2 =	vld [tilespmem:s25+$0xFFFFFFF0];
	_ =	sdelay $0x4  }
0x140: {  	v1 =	vadd.f32 v2, v1;
	_ =	sdelay $0x1  }
0x141: {  	v2 =	vmul.f32 $2.000000030e-01, v1  }
0x142: {  	vm14 =	vge.f32 v1, $0.0e+00  }
0x143: {  	v1 =	vsel vm14, v1, v2  }
0x144: {  	v1 =	vsub.f32 v1, v0;
	_ =	sdelay $0x1  }
0x145: {  	v1 =	vmul.f32 $1.442695020e+00, v1;
	_ =	sdelay $0x1  }
0x146: {  	(erf) = vpow2.f32 v1;
	_ =	sdelay $0x6  }
0x147: {  	v2 =	vld [tilespmem:s16+$0xFFFFFFE0]  }
0x148: {  	v3 =	vld [tilespmem:s16+$0xFFFFFF90]  }
0x149: {  	v37 =	vld [tilespmem:s16+$0xFFFFFFC0];
	v38 =	vpop (erf)  }
0x14a: {  	v43 =	vld [tilespmem:s16+$0xFFFFFF70];
	v40 =	vbroadcast v38, $0x7  }
0x14b: {  	v1 =	vld [tilespmem:s16+$0xFFFFFFD0];
	v41 =	vbroadcast v38, $0x2  }
0x14c: {  	v39 =	vld [tilespmem:s16+$0xFFFFFF80];
	v44 =	vbroadcast v38, $0x5;
	v2 =	vmul.f32 v2, v40  }
0x14d: {  	v42 =	vld [tilespmem:s16+$0xFFFFFFA0];
	[tilespmem:s16+$0xFFFFFFF0] =	vst v38;
	v47 =	vbroadcast v38, $0x0;
	v3 =	vmul.f32 v41, v3  }
0x14e: {  	v45 =	vld [tilespmem:s16+$0xFFFFFFB0];
	v49 =	vbroadcast v38, $0x6;
	v4 =	vmul.f32 v37, v44;
	[tilespmem:s16+$0xFFFFFFE0] =	vst v2  }
0x14f: {  	v46 =	vbroadcast v38, $0x1;
	v50 =	vmul.f32 v47, v43;
	[tilespmem:s16+$0xFFFFFF90] =	vst v3  }
0x150: {  	v1 =	vmul.f32 v1, v49;
	v2 =	vbroadcast v38, $0x3;
	[tilespmem:s16+$0xFFFFFFC0] =	vst v4  }
0x151: {  	v48 =	vbroadcast v38, $0x4;
	v3 =	vmul.f32 v46, v39;
	[tilespmem:s16+$0xFFFFFF70] =	vst v50  }
0x152: {  	[tilespmem:s16+$0xFFFFFFD0] =	vst v1;
	v2 =	vmul.f32 v42, v2  }
0x153: {  	[tilespmem:s16+$0xFFFFFF80] =	vst v3;
	v3 =	vmul.f32 v45, v48  }
0x154: {  	[tilespmem:s16+$0xFFFFFFA0] =	vst v2  }
0x155: {  	v1 =	vld [tilespmem:s16+$0x80];
	[tilespmem:s16+$0xFFFFFFB0] =	vst v3  }
0x156: {  	v2 =	vld [tilespmem:s25+$0x0];
	_ =	sdelay $0x4  }
0x157: {  	v1 =	vadd.f32 v2, v1;
	_ =	sdelay $0x1  }
0x158: {  	v2 =	vmul.f32 $2.000000030e-01, v1  }
0x159: {  	vm15 =	vge.f32 v1, $0.0e+00  }
0x15a: {  	v1 =	vsel vm15, v1, v2  }
0x15b: {  	v1 =	vsub.f32 v1, v0;
	_ =	sdelay $0x1  }
0x15c: {  	v1 =	vmul.f32 $1.442695020e+00, v1;
	_ =	sdelay $0x1  }
0x15d: {  	(erf) = vpow2.f32 v1;
	_ =	sdelay $0x6  }
0x15e: {  	v2 =	vld [tilespmem:s16+$0x40]  }
0x15f: {  	v3 =	vld [tilespmem:s16+$0x0]  }
0x160: {  	v52 =	vld [tilespmem:s16+$0x20];
	v51 =	vpop (erf)  }
0x161: {  	v54 =	vld [tilespmem:s16+$0x70];
	v53 =	vbroadcast v51, $0x4  }
0x162: {  	v56 =	vld [tilespmem:s16+$0x30];
	v55 =	vbroadcast v51, $0x0  }
0x163: {  	v58 =	vld [tilespmem:s16+$0x10];
	v57 =	vbroadcast v51, $0x2;
	v2 =	vmul.f32 v2, v53  }
0x164: {  	v1 =	vld [tilespmem:s16+$0x50];
	[tilespmem:s16+$0x80] =	vst v51;
	v59 =	vbroadcast v51, $0x7;
	v3 =	vmul.f32 v55, v3  }
0x165: {  	v60 =	vbroadcast v51, $0x3;
	v5 =	vmul.f32 v57, v52;
	[tilespmem:s16+$0x40] =	vst v2  }
0x166: {  	v61 =	vbroadcast v51, $0x1;
	v7 =	vmul.f32 v54, v59;
	[tilespmem:s16+$0x0] =	vst v3;
	v3 =	vld [tilespmem:s16+$0x60]  }
0x167: {  	v62 =	vmul.f32 v56, v60;
	v2 =	vbroadcast v51, $0x5;
	[tilespmem:s16+$0x20] =	vst v5  }
0x168: {  	v63 =	vmul.f32 v61, v58;
	[tilespmem:s16+$0x70] =	vst v7  }
0x169: {  	[tilespmem:s16+$0x30] =	vst v62;
	v1 =	vmul.f32 v1, v2;
	v2 =	vbroadcast v51, $0x6  }
0x16a: {  	[tilespmem:s16+$0x10] =	vst v63  }
0x16b: {  	s15 =	simm.s32 $0x3960;
	s14 =	simm.s32 $0x76E0;
	s9 =	simm.s32 $0x0;
	[tilespmem:s16+$0x50] =	vst v1;
	v1 =	vmul.f32 v3, v2  }
.LBB2_6:
0x16c: {  	_ = 	snop  }
0x16d: {  	s9 =	sadd.s32 $0x4, s9;
	s15 =	sadd.s32 $0x240, s15;
	s25 =	sadd.s32 $0x40, s25;
	[tilespmem:s16+$0x60] =	vst v1;
	v1 =	vld [tilespmem:s16+$0x110]  }
0x16e: {  	p1 =	slt.u32 s9, $0x60;
	v2 =	vld [tilespmem:s14+$0x10];
	s14 =	smov.u32 s25;
	_ =	sdelay $0x4  }
0x16f: {  	v1 =	vadd.f32 v2, v1;
	_ =	sdelay $0x1  }
0x170: {  	v2 =	vmul.f32 $2.000000030e-01, v1  }
0x171: {  	vm0 =	vge.f32 v1, $0.0e+00  }
0x172: {  	v1 =	vsel vm0, v1, v2  }
0x173: {  	v1 =	vsub.f32 v1, v0;
	_ =	sdelay $0x1  }
0x174: {  	v1 =	vmul.f32 $1.442695020e+00, v1;
	_ =	sdelay $0x1  }
0x175: {  	(erf) = vpow2.f32 v1;
	_ =	sdelay $0x4  }
0x176: {  	v1 =	vld [tilespmem:s16+$0xB0]  }
0x177: {  	v2 =	vld [tilespmem:s16+$0x100]  }
0x178: {  	v3 =	vld [tilespmem:s16+$0xF0]  }
0x179: {  	v4 =	vld [tilespmem:s16+$0xC0]  }
0x17a: {  	v5 =	vld [tilespmem:s16+$0xD0];
	v6 =	vpop (erf)  }
0x17b: {  	[tilespmem:s16+$0x110] =	vst v6;
	v7 =	vbroadcast v6, $0x0;
	v8 =	vbroadcast v6, $0x1;
	v9 =	vld [tilespmem:s16+$0xE0]  }
0x17c: {  	v11 =	vbroadcast v6, $0x2;
	v12 =	vbroadcast v6, $0x3;
	v10 =	vld [tilespmem:s16+$0x90]  }
0x17d: {  	v14 =	vbroadcast v6, $0x4;
	v15 =	vbroadcast v6, $0x5;
	v13 =	vld [tilespmem:s16+$0xA0]  }
0x17e: {  	v4 =	vmul.f32 v4, v12;
	v12 =	vbroadcast v6, $0x6  }
0x17f: {  	v6 =	vbroadcast v6, $0x7;
	v5 =	vmul.f32 v5, v14  }
0x180: {  	[tilespmem:s16+$0xC0] =	vst v4;
	v4 =	vmul.f32 v9, v15;
	v3 =	vmul.f32 v3, v12  }
0x181: {  	v2 =	vmul.f32 v2, v6;
	v7 =	vmul.f32 v7, v10;
	[tilespmem:s16+$0xD0] =	vst v5  }
0x182: {  	v1 =	vmul.f32 v11, v1;
	v5 =	vmul.f32 v8, v13;
	[tilespmem:s16+$0xE0] =	vst v4  }
0x183: {  	[tilespmem:s16+$0x100] =	vst v2  }
0x184: {  	[tilespmem:s16+$0xF0] =	vst v3  }
0x185: {  	[tilespmem:s16+$0x90] =	vst v7  }
0x186: {  	[tilespmem:s16+$0xB0] =	vst v1  }
0x187: {  	v1 =	vld [tilespmem:s15+$0xFFFFFF60];
	[tilespmem:s16+$0xA0] =	vst v5;
	s16 =	smov.u32 s15  }
0x188: {  	v2 =	vld [tilespmem:s25+$0xFFFFFFE0];
	_ =	sdelay $0x4  }
0x189: {  	v1 =	vadd.f32 v2, v1;
	_ =	sdelay $0x1  }
0x18a: {  	v2 =	vmul.f32 $2.000000030e-01, v1  }
0x18b: {  	vm0 =	vge.f32 v1, $0.0e+00  }
0x18c: {  	v1 =	vsel vm0, v1, v2  }
0x18d: {  	v1 =	vsub.f32 v1, v0;
	_ =	sdelay $0x1  }
0x18e: {  	v1 =	vmul.f32 $1.442695020e+00, v1;
	_ =	sdelay $0x1  }
0x18f: {  	(erf) = vpow2.f32 v1;
	_ =	sdelay $0x4  }
0x190: {  	v1 =	vld [tilespmem:s15+$0xFFFFFF40]  }
0x191: {  	v2 =	vld [tilespmem:s15+$0xFFFFFF50]  }
0x192: {  	v3 =	vld [tilespmem:s15+$0xFFFFFF00]  }
0x193: {  	v4 =	vld [tilespmem:s15+$0xFFFFFF10]  }
0x194: {  	v5 =	vld [tilespmem:s15+$0xFFFFFEE0];
	v6 =	vpop (erf)  }
0x195: {  	[tilespmem:s15+$0xFFFFFF60] =	vst v6;
	v7 =	vld [tilespmem:s15+$0xFFFFFEF0];
	v8 =	vbroadcast v6, $0x2;
	v9 =	vbroadcast v6, $0x3  }
0x196: {  	v10 =	vbroadcast v6, $0x0;
	v12 =	vbroadcast v6, $0x7;
	v11 =	vld [tilespmem:s15+$0xFFFFFF30]  }
0x197: {  	v13 =	vbroadcast v6, $0x4;
	v3 =	vmul.f32 v8, v3;
	v8 =	vld [tilespmem:s15+$0xFFFFFF20]  }
0x198: {  	v14 =	vbroadcast v6, $0x1;
	v4 =	vmul.f32 v4, v9  }
0x199: {  	v5 =	vmul.f32 v10, v5;
	[tilespmem:s15+$0xFFFFFF00] =	vst v3;
	v3 =	vbroadcast v6, $0x5  }
0x19a: {  	v7 =	vmul.f32 v14, v7;
	[tilespmem:s15+$0xFFFFFF10] =	vst v4;
	v4 =	vbroadcast v6, $0x6  }
0x19b: {  	v2 =	vmul.f32 v2, v12;
	[tilespmem:s15+$0xFFFFFEE0] =	vst v5;
	v3 =	vmul.f32 v11, v3  }
0x19c: {  	[tilespmem:s15+$0xFFFFFEF0] =	vst v7;
	v5 =	vmul.f32 v8, v13;
	v1 =	vmul.f32 v1, v4  }
0x19d: {  	[tilespmem:s15+$0xFFFFFF50] =	vst v2  }
0x19e: {  	[tilespmem:s15+$0xFFFFFF20] =	vst v5  }
0x19f: {  	[tilespmem:s15+$0xFFFFFF30] =	vst v3  }
0x1a0: {  	[tilespmem:s15+$0xFFFFFF40] =	vst v1;
	v1 =	vld [tilespmem:s15+$0xFFFFFFF0]  }
0x1a1: {  	v2 =	vld [tilespmem:s25+$0xFFFFFFF0];
	_ =	sdelay $0x4  }
0x1a2: {  	v1 =	vadd.f32 v2, v1;
	_ =	sdelay $0x1  }
0x1a3: {  	v2 =	vmul.f32 $2.000000030e-01, v1  }
0x1a4: {  	vm0 =	vge.f32 v1, $0.0e+00  }
0x1a5: {  	v1 =	vsel vm0, v1, v2  }
0x1a6: {  	v1 =	vsub.f32 v1, v0;
	_ =	sdelay $0x1  }
0x1a7: {  	v1 =	vmul.f32 $1.442695020e+00, v1;
	_ =	sdelay $0x1  }
0x1a8: {  	(erf) = vpow2.f32 v1;
	_ =	sdelay $0x4  }
0x1a9: {  	v1 =	vld [tilespmem:s15+$0xFFFFFFB0]  }
0x1aa: {  	v2 =	vld [tilespmem:s15+$0xFFFFFFD0]  }
0x1ab: {  	v3 =	vld [tilespmem:s15+$0xFFFFFFE0]  }
0x1ac: {  	v4 =	vld [tilespmem:s15+$0xFFFFFF90]  }
0x1ad: {  	v5 =	vld [tilespmem:s15+$0xFFFFFFC0];
	v6 =	vpop (erf)  }
0x1ae: {  	[tilespmem:s15+$0xFFFFFFF0] =	vst v6;
	v7 =	vbroadcast v6, $0x0;
	v8 =	vld [tilespmem:s15+$0xFFFFFF80];
	v9 =	vbroadcast v6, $0x7  }
0x1af: {  	v11 =	vbroadcast v6, $0x2;
	v12 =	vbroadcast v6, $0x6;
	v10 =	vld [tilespmem:s15+$0xFFFFFF70]  }
0x1b0: {  	v14 =	vbroadcast v6, $0x5;
	v13 =	vld [tilespmem:s15+$0xFFFFFFA0];
	v3 =	vmul.f32 v3, v9  }
0x1b1: {  	v2 =	vmul.f32 v2, v12;
	v4 =	vmul.f32 v11, v4  }
0x1b2: {  	v9 =	vbroadcast v6, $0x1;
	v5 =	vmul.f32 v5, v14;
	[tilespmem:s15+$0xFFFFFFE0] =	vst v3  }
0x1b3: {  	v3 =	vbroadcast v6, $0x3;
	[tilespmem:s15+$0xFFFFFF90] =	vst v4;
	v4 =	vbroadcast v6, $0x4  }
0x1b4: {  	v6 =	vmul.f32 v7, v10;
	v7 =	vmul.f32 v9, v8;
	[tilespmem:s15+$0xFFFFFFC0] =	vst v5  }
0x1b5: {  	v3 =	vmul.f32 v13, v3;
	v1 =	vmul.f32 v1, v4  }
0x1b6: {  	[tilespmem:s15+$0xFFFFFF80] =	vst v7  }
0x1b7: {  	[tilespmem:s15+$0xFFFFFFA0] =	vst v3  }
0x1b8: {  	[tilespmem:s15+$0xFFFFFF70] =	vst v6  }
0x1b9: {  	[tilespmem:s15+$0xFFFFFFB0] =	vst v1  }
0x1ba: {  	[tilespmem:s15+$0xFFFFFFD0] =	vst v2;
	v1 =	vld [tilespmem:s15+$0x80]  }
0x1bb: {  	v2 =	vld [tilespmem:s25+$0x0];
	_ =	sdelay $0x4  }
0x1bc: {  	v1 =	vadd.f32 v2, v1;
	_ =	sdelay $0x1  }
0x1bd: {  	v2 =	vmul.f32 $2.000000030e-01, v1  }
0x1be: {  	vm0 =	vge.f32 v1, $0.0e+00  }
0x1bf: {  	v1 =	vsel vm0, v1, v2  }
0x1c0: {  	v1 =	vsub.f32 v1, v0;
	_ =	sdelay $0x1  }
0x1c1: {  	v1 =	vmul.f32 $1.442695020e+00, v1;
	_ =	sdelay $0x1  }
0x1c2: {  	(erf) = vpow2.f32 v1;
	_ =	sdelay $0x5  }
0x1c3: {  	v1 =	vld [tilespmem:s15+$0x50]  }
0x1c4: {  	v2 =	vld [tilespmem:s15+$0x40]  }
0x1c5: {  	v3 =	vld [tilespmem:s15+$0x0]  }
0x1c6: {  	v4 =	vld [tilespmem:s15+$0x20];
	v5 =	vpop (erf)  }
0x1c7: {  	[tilespmem:s15+$0x80] =	vst v5;
	v6 =	vbroadcast v5, $0x0;
	v7 =	vbroadcast v5, $0x4;
	v8 =	vld [tilespmem:s15+$0x70]  }
0x1c8: {  	v9 =	vbroadcast v5, $0x1;
	v11 =	vbroadcast v5, $0x3;
	v10 =	vld [tilespmem:s15+$0x30]  }
0x1c9: {  	v13 =	vbroadcast v5, $0x2;
	v12 =	vld [tilespmem:s15+$0x10];
	v2 =	vmul.f32 v2, v7  }
0x1ca: {  	v3 =	vmul.f32 v6, v3;
	v6 =	vbroadcast v5, $0x7  }
0x1cb: {  	v4 =	vmul.f32 v13, v4;
	[tilespmem:s15+$0x40] =	vst v2;
	v2 =	vbroadcast v5, $0x5  }
0x1cc: {  	v5 =	vbroadcast v5, $0x6;
	[tilespmem:s15+$0x0] =	vst v3;
	v3 =	vld [tilespmem:s15+$0x60];
	v6 =	vmul.f32 v8, v6  }
.Ltmp5:
0x1cd: {  	[tilespmem:s15+$0x20] =	vst v4;
	v4 =	vmul.f32 v10, v11;
	(pc) =	sbr.rel @p1 .LBB2_6-.Ltmp5, $4  }
0x1ce: {  	v1 =	vmul.f32 v1, v2;
	v7 =	vmul.f32 v9, v12;
	[tilespmem:s15+$0x70] =	vst v6  }
0x1cf: {  	[tilespmem:s15+$0x30] =	vst v4  }
0x1d0: {  	[tilespmem:s15+$0x50] =	vst v1  }
0x1d1: {  	[tilespmem:s15+$0x10] =	vst v7;
	v1 =	vmul.f32 v3, v5  }
0x1d2: {  	_ = 	snop  }
0x1d3: {  	[tilespmem:s16+$0x60] =	vst v1;
	v1 =	vld [tilespmem:s16+$0x110]  }
0x1d4: {  	v2 =	vld [tilespmem:s14+$0x10];
	_ =	sdelay $0x4  }
0x1d5: {  	v1 =	vadd.f32 v2, v1;
	_ =	sdelay $0x1  }
0x1d6: {  	v2 =	vmul.f32 $2.000000030e-01, v1  }
0x1d7: {  	vm0 =	vge.f32 v1, $0.0e+00  }
0x1d8: {  	v1 =	vsel vm0, v1, v2  }
0x1d9: {  	v1 =	vsub.f32 v1, v0;
	_ =	sdelay $0x1  }
0x1da: {  	v1 =	vmul.f32 $1.442695020e+00, v1;
	_ =	sdelay $0x1  }
0x1db: {  	(erf) = vpow2.f32 v1;
	_ =	sdelay $0x6  }
0x1dc: {  	v3 =	vld [tilespmem:s16+$0xC0]  }
0x1dd: {  	v5 =	vld [tilespmem:s16+$0xD0]  }
0x1de: {  	v1 =	vld [tilespmem:s16+$0x100];
	v4 =	vpop (erf)  }
0x1df: {  	v6 =	vld [tilespmem:s16+$0xE0];
	v7 =	vbroadcast v4, $0x3  }
0x1e0: {  	v2 =	vld [tilespmem:s16+$0xF0];
	v9 =	vbroadcast v4, $0x4  }
0x1e1: {  	v10 =	vld [tilespmem:s16+$0x90];
	v60 =	vbroadcast v4, $0x7;
	v3 =	vmul.f32 v3, v7  }
0x1e2: {  	v8 =	vld [tilespmem:s16+$0xB0];
	[tilespmem:s16+$0x110] =	vst v4;
	v11 =	vbroadcast v4, $0x5;
	v5 =	vmul.f32 v5, v9  }
0x1e3: {  	v59 =	vld [tilespmem:s16+$0xA0];
	v12 =	vbroadcast v4, $0x6;
	v1 =	vmul.f32 v1, v60;
	[tilespmem:s16+$0xC0] =	vst v3  }
0x1e4: {  	v61 =	vbroadcast v4, $0x0;
	v3 =	vmul.f32 v6, v11;
	[tilespmem:s16+$0xD0] =	vst v5  }
0x1e5: {  	v62 =	vbroadcast v4, $0x2;
	v2 =	vmul.f32 v2, v12;
	[tilespmem:s16+$0x100] =	vst v1  }
0x1e6: {  	v63 =	vmul.f32 v61, v10;
	[tilespmem:s16+$0xE0] =	vst v3;
	v3 =	vbroadcast v4, $0x1  }
0x1e7: {  	v1 =	vmul.f32 v62, v8;
	[tilespmem:s16+$0xF0] =	vst v2  }
0x1e8: {  	[tilespmem:s16+$0x90] =	vst v63;
	v2 =	vmul.f32 v3, v59  }
0x1e9: {  	p1 =	seq.s32 s12, $0x9;
	[tilespmem:s16+$0xB0] =	vst v1  }
.Ltmp6:
0x1ea: {  	s9 =	sadd.s32 $0x8588, s13;
	[tilespmem:s16+$0xA0] =	vst v2;
	(pc) =	sbr.rel @p1 .LBB2_9-.Ltmp6, $4  }
0x1eb: {  	[spmem:s2] =	stream.indirect.scatter.add.f32 [tilespmem:s24], [sflag:$0x6], $0x90, s9, s21, $0xb8;
	[tilespmem:$0x1ECE0] =	vst v63  }
0x1ec: {  	_ =	swait.ge [sflag:s4], $0x3840  }
0x1ed: {  	[sflag:s4] =	ssyncset.done $0x0  }
0x1ee: {  	[sflag:s4] =	ssyncadd.s32 $0xFFFFC7C0  }
0x1ef: {  	s9 =	smul.u32 $0xD0, s12;
	_ =	sdelay $0x1  }
0x1f0: {  	s13 =	sadd.s32 $0x7DD0, s9  }
0x1f1: {  	[tilespmem:s3], [sflag:$0x1] =	stream.indirect.gather [hbm4b:s5+s21], $0x90, s13, s21, $0xb8;
	[tilespmem:$0x1ECE0] =	vst v63  }
0x1f2: {  	s16 =	sadd.s32 $0x85F0, s9  }
0x1f3: {  	[tilespmem:s22], [sflag:$0x3] =	stream.indirect.gather [hbm4b:s6+s21], $0x10, s16, s21, $0xb8;
	[tilespmem:$0x1ECE0] =	vst v63  }
0x1f4: {  	_ =	swait.ge [sflag:s1], $0x3840  }
.Ltmp7:
0x1f5: {  	[sflag:s1] =	ssyncset.done $0x0;
	(pc) =	sbr.rel .LBB2_3-.Ltmp7, $4  }
0x1f6: {  	s25 =	sadd.s32 $0x7E38, s9;
	[sflag:s1] =	ssyncadd.s32 $0xFFFFC7C0  }
0x1f7: {  	[tilespmem:s24], [sflag:$0x2] =	stream.indirect.gather [hbm4b:s5+s21], $0x90, s25, s21, $0xb8;
	[tilespmem:$0x1ECE0] =	vst v63  }
0x1f8: {  	s12 =	sadd.s32 $0x1, s12;
	s9 =	sadd.s32 $0x8658, s9  }
0x1f9: {  	[tilespmem:s28], [sflag:$0x4] =	stream.indirect.gather [hbm4b:s6+s21], $0x10, s9, s21, $0xb8;
	[tilespmem:$0x1ECE0] =	vst v63  }
.LBB2_11:
0x1fa: {  	_ =	sfence.sel $0x180000  }
0x1fb: {  	[bflag:$0x0] =	sbarrier.arrive $0xFFFF  }
0x1fc: {  	_ =	strace $0x9000004A  }
0x1fd: {  	s0 =	stileid.u32;
	[bflag:$0x2] =	sbarrier.arrive $0xFFFF  }
0x1fe: {  	p0 =	sne.s32 s0, $0x0;
	s0 =	rddreg [dreg:$0x3]  }
0x1ff: {  	s0 =	sadd.s32 @!p0 $0x100000, s0  }
0x200: {  	[sflag:s0] =	ssyncadd.tile.s32 @!p0 $0x1;
	_ =	shalt  }
.Lfunc_end2:
_tile_overlayer_lowered:
.L_overlay_start_2:
0x201: {  	(tag) =	ssettag $0x2  }
0x202: {  	s0 =	rddreg [dreg:$0x0];
	s2 =	stileid.u32  }
0x203: {  	s1 =	rddreg [dreg:$0x1];
	p0 =	sne.s32 s2, $0x0  }
0x204: {  	s3 =	rddreg [dreg:$0x2];
	[bflag:$0x3] =	sbarrier.arrive $0xFFFF;
	s2 =	simm.s32 @!p0 $0x1C07  }
0x205: {  	[timem:s3], [sflag:s2] =	dma.local @!p0 [hbm:s0], s1  }
0x206: {  	s0 =	simm.s32 @!p0 $0x7  }
0x207: {  	_ =	swait.ge @!p0 [sflag:s0], s1  }
0x208: {  	s1 =	ssub.s32 @!p0 $0x0, s1;
	[sflag:s0] =	ssyncset.done @!p0 $0x0  }
0x209: {  	[sflag:s0] =	ssyncadd.s32 @!p0 s1  }
0x20a: {  	[bflag:$0x3] =	sbarrier.arrive $0xFFFF  }
0x20b: {  	_ =	shalt  }

// kernel: kernel.15.cloned.1.call-start
scs
__scs_entry_jumppad:
0x0: {  	(pc) =	sbr.rel $0x88, $3  }
0x1: {  	(tag) =	ssettag $0x0;
	lr =	simm.s32 $0x1  }
0x2: {  	[smem:$0x3F91] =	sst lr;
	_ =	strace $0xD0000000  }
0x3: {  	_ = 	snop  }
0x4: {  	_ = 	snop  }
0x5: {  	_ = 	snop  }
0x6: {  	_ = 	snop  }
0x7: {  	_ = 	snop  }
__scs_overlays_trampoline_lowered:
0x8: {  	[smem:$0x3FA0] =	sst s0  }
0x9: {  	[smem:$0x3FA1] =	sst s1  }
0xa: {  	[smem:$0x3FA2] =	sst s2  }
0xb: {  	[smem:$0x3FA3] =	sst s3  }
0xc: {  	[smem:$0x3FA4] =	sst s4  }
0xd: {  	[smem:$0x3FA5] =	sst s5  }
0xe: {  	[smem:$0x3FA6] =	sst s6  }
0xf: {  	[smem:$0x3FA7] =	sst s7  }
0x10: {  	[smem:$0x3FA8] =	sst s8  }
0x11: {  	[smem:$0x3FA9] =	sst s9;
	s0 =	simm.s32 @!p0 $0x0  }
0x12: {  	s1 =	sld [smem:$0x3F8F];
	s0 =	simm.s32 @p0 $0x1  }
0x13: {  	[smem:$0x3FAA] =	sst s0;
	s0 =	simm.s32 @!p1 $0x0  }
0x14: {  	s2 =	sld [smem:$0x3F8E];
	s0 =	simm.s32 @p1 $0x1  }
0x15: {  	[smem:$0x3FAB] =	sst s0;
	s0 =	simm.s32 @!p2 $0x0  }
0x16: {  	s3 =	sld [smem:$0x3FDB];
	s0 =	simm.s32 @p2 $0x1  }
0x17: {  	s4 =	simm.s32 $0x1BF5;
	[smem:$0x3FAD] =	sst s0  }
0x18: {  	s0 =	sld [smem:$0x3F90];
	_ =	swait.ge [sflag:s4], $0x0  }
0x19: {  	s7 =	sld [smem:$0x3F91]  }
0x1a: {  	s8 =	sadd.s32 $0xFFFFE003, lr  }
0x1b: {  	s9 =	sadd.s32 $0xFFFFFEF7, lr;
	s5 =	simm.s32 $0xFFFFFFFF;
	p2 =	slt.u32 s8, $0xFFFFF086  }
0x1c: {  	p1 =	slt.u32 s9, $0xF7A;
	s5 =	simm.s32 @!p2 $0x0  }
0x1d: {  	s5 =	simm.s32 @p1 $0x1;
	p0 =	seq.s32 s7, s2  }
0x1e: {  	s7 =	smul.u32 @!p0 $0xF7A, s2;
	p2 =	seq.s32 @!p0 s5, $0x0  }
0x1f: {  	s9 =	smul.u32 $0xF7A, s1;
	s8 =	simm.s32 @!p0 $0x1BF5;
	p2 =	por !p2, p0  }
0x20: {  	[sflag:s8] =	ssyncset.s32 @!p0 $0xFFFFF086;
	s6 =	sadd.s32 @!p0 s3, s7;
	s7 =	simm.s32 @!p0 $0x108  }
0x21: {  	s3 =	sadd.s32 s3, s9;
	s6 =	sadd.s32 @!p0 $0x88, s6;
	s7 =	simm.s32 @p2 $0x1082  }
0x22: {  	[simem:s7], [sflag:s8] =	dma.local @!p0 [hbm:s6], $0xF7A  }
0x23: {  	s9 =	sor.u32 $0xD0000000, s2;
	s6 =	simm.s32 $0x108;
	_ =	swait.ge @!p0 [sflag:s8], $0x0  }
0x24: {  	s3 =	sadd.s32 $0x88, s3;
	s6 =	simm.s32 @!p1 $0x1082;
	[sflag:s4] =	ssyncset.s32 $0xFFFFF086  }
0x25: {  	[simem:s6], [sflag:s4] =	dma.local [hbm:s3], $0xF7A  }
0x26: {  	[smem:$0x3F91] =	sst s1;
	(tag) =	ssettag s2;
	_ =	strace s9  }
0x27: {  	s1 =	sld [smem:$0x3FA1]  }
0x28: {  	s2 =	sld [smem:$0x3FA2]  }
0x29: {  	s4 =	sld [smem:$0x3FA4]  }
0x2a: {  	p0 =	seq.s32 s5, $0x0;
	s5 =	sld [smem:$0x3FA5]  }
0x2b: {  	s6 =	sld [smem:$0x3FA6]  }
0x2c: {  	s7 =	sld [smem:$0x3FA7]  }
0x2d: {  	s3 =	simm.s32 $0x108;
	s8 =	sld [smem:$0x3FA8]  }
0x2e: {  	s3 =	simm.s32 @!p0 $0x1082;
	s9 =	sld [smem:$0x3FA9]  }
0x2f: {  	lr =	sadd.s32 s0, s3;
	s0 =	sld [smem:$0x3FA0]  }
0x30: {  	s3 =	sld [smem:$0x3FA3]  }
0x31: {  	[smem:$0x3FAC] =	sst s10  }
0x32: {  	s10 =	sld [smem:$0x3FAA];
	_ =	sdelay $0x3  }
0x33: {  	p0 =	seq.s32 s10, $0x1;
	s10 =	sld [smem:$0x3FAC];
	_ =	sdelay $0x3  }
0x34: {  	[smem:$0x3FAC] =	sst s10  }
0x35: {  	s10 =	sld [smem:$0x3FAB];
	_ =	sdelay $0x3  }
0x36: {  	p1 =	seq.s32 s10, $0x1;
	s10 =	sld [smem:$0x3FAC];
	_ =	sdelay $0x3  }
0x37: {  	[smem:$0x3FAC] =	sst s10  }
0x38: {  	s10 =	sld [smem:$0x3FAD]  }
0x39: {  	_ = 	snop;
	(pc) =	sbr.ind lr, $3  }
0x3a: {  	_ = 	snop  }
0x3b: {  	_ = 	snop  }
0x3c: {  	p2 =	seq.s32 s10, $0x1;
	s10 =	sld [smem:$0x3FAC]  }
0x3d: {  	_ =	shalt  }
0x3e: {  	_ =	shalt  }
0x3f: {  	_ =	shalt  }
0x40: {  	_ =	shalt  }
0x41: {  	_ =	shalt  }
0x42: {  	_ =	shalt  }
0x43: {  	_ =	shalt  }
0x44: {  	_ =	shalt  }
0x45: {  	_ =	shalt  }
0x46: {  	_ =	shalt  }
0x47: {  	_ =	shalt  }
0x48: {  	_ =	shalt  }
0x49: {  	_ =	shalt  }
0x4a: {  	_ =	shalt  }
0x4b: {  	_ =	shalt  }
0x4c: {  	_ =	shalt  }
0x4d: {  	_ =	shalt  }
0x4e: {  	_ =	shalt  }
0x4f: {  	_ =	shalt  }
0x50: {  	_ =	shalt  }
0x51: {  	_ =	shalt  }
0x52: {  	_ =	shalt  }
0x53: {  	_ =	shalt  }
0x54: {  	_ =	shalt  }
0x55: {  	_ =	shalt  }
0x56: {  	_ =	shalt  }
0x57: {  	_ =	shalt  }
0x58: {  	_ =	shalt  }
0x59: {  	_ =	shalt  }
0x5a: {  	_ =	shalt  }
0x5b: {  	_ =	shalt  }
0x5c: {  	_ =	shalt  }
0x5d: {  	_ =	shalt  }
0x5e: {  	_ =	shalt  }
0x5f: {  	_ =	shalt  }
0x60: {  	_ =	shalt  }
0x61: {  	_ =	shalt  }
0x62: {  	_ =	shalt  }
0x63: {  	_ =	shalt  }
0x64: {  	_ =	shalt  }
0x65: {  	_ =	shalt  }
0x66: {  	_ =	shalt  }
0x67: {  	_ =	shalt  }
0x68: {  	_ =	shalt  }
0x69: {  	_ =	shalt  }
0x6a: {  	_ =	shalt  }
0x6b: {  	_ =	shalt  }
0x6c: {  	_ =	shalt  }
0x6d: {  	_ =	shalt  }
0x6e: {  	_ =	shalt  }
0x6f: {  	_ =	shalt  }
0x70: {  	_ =	shalt  }
0x71: {  	_ =	shalt  }
0x72: {  	_ =	shalt  }
0x73: {  	_ =	shalt  }
0x74: {  	_ =	shalt  }
0x75: {  	_ =	shalt  }
0x76: {  	_ =	shalt  }
0x77: {  	_ =	shalt  }
0x78: {  	_ =	shalt  }
0x79: {  	_ =	shalt  }
0x7a: {  	_ =	shalt  }
0x7b: {  	_ =	shalt  }
0x7c: {  	_ =	shalt  }
0x7d: {  	_ =	shalt  }
0x7e: {  	_ =	shalt  }
0x7f: {  	_ =	shalt  }
0x80: {  	_ =	shalt  }
0x81: {  	_ =	shalt  }
0x82: {  	_ =	shalt  }
0x83: {  	_ =	shalt  }
0x84: {  	_ =	shalt  }
0x85: {  	_ =	shalt  }
0x86: {  	_ =	shalt  }
0x87: {  	_ =	shalt  }
.Lfunc_end0:
.L_simem_size_0:
called_computation.2_lowered:
.L_overlay_start_0:
0x88: {  	s2 =	sld [smem:$0x3FD9]  }
0x89: {  	s3 =	sld [smem:$0x3FFE];
	_ =	sdelay $0x1  }
0x8a: {  	s1 =	srdreg.scid  }
0x8b: {  	s0 =	sand.u32 $0x1, s1  }
0x8c: {  	s17 =	sshll.u32 s0, $0xA;
	s2 =	sadd.s32 s3, s2  }
0x8d: {  	s2 =	sadd.s32 s2, s17  }
0x8e: {  	[smem:$0x3FB8] =	sst s2  }
0x8f: {  	_ = 	snop  }
0x90: {  	s2 =	sld [smem:$0x3FD0];
	(tm) =	ssettm $0x1  }
0x91: {  	s18 =	sld [smem:$0x3FFB];
	_ =	sdelay $0x3  }
0x92: {  	_ =	strace s18  }
0x93: {  	s3 =	sld [smem:$0x3FFC];
	_ =	sdelay $0x3  }
0x94: {  	_ =	strace s3  }
0x95: {  	s3 =	sld [smem:$0x3FFD];
	_ =	sdelay $0x3  }
0x96: {  	_ =	strace s3  }
0x97: {  	_ =	strace $0x8FFFFFFF  }
0x98: {  	s19 =	sld [smem:$0x3FDB];
	_ =	sdelay $0x1  }
0x99: {  	s4 =	simm.s32 $_scs_section_size  }
0x9a: {  	s5 =	simm.s32 $_size__tile_overlayer_lowered;
	s6 =	simm.s32 $_tile_overlayer_lowered  }
0x9b: {  	s22 =	simm.s32 $0x1BFF;
	s21 =	sshll.u32 s6, $0x1;
	s3 =	sadd.s32 s4, s19  }
0x9c: {  	s7 =	simm.s32 $0x0;
	s20 =	sshll.u32 s5, $0x1;
	s5 =	sadd.s32 s21, s3  }
0x9d: {  	[timem:s7], [sflag:s22] =	dma.local [hbm:s5], s20  }
0x9e: {  	_ =	swait.ge [sflag:s22], s20  }
0x9f: {  	s4 =	ssub.s32 $0x0, s20;
	[sflag:s22] =	ssyncset.done $0x0  }
0xa0: {  	[sflag:s22] =	ssyncadd.s32 s4;
	_ =	sdelay $0x1  }
0xa1: {  	s23 =	simm.s32 $0x1B8B  }
0xa2: {  	_ =	swait.ge [sflag:s23], $0x1  }
0xa3: {  	[sflag:s23] =	ssyncset.done $0x0  }
0xa4: {  	s25 =	simm.s32 $0x1B8E;
	s24 =	sld [smem:$0x3FFE];
	[sflag:s23] =	ssyncadd.s32 $0xFFFFFFFF  }
0xa5: {  	s26 =	simm.s32 $execute0_lowered;
	[smem:$0x3FD2] =	sst s25  }
0xa6: {  	s5 =	sshll.u32 s26, $0x1;
	_ =	strace $0x8000004C;
	[dreg:$0x1] =	wrdreg $0xFFFFFFFF  }
0xa7: {  	s28 =	simm.s32 $_size_execute0_lowered;
	s3 =	sadd.s32 s3, s5;
	[dreg:$0x0] =	wrdreg $0x0  }
0xa8: {  	s5 =	sshll.u32 s28, $0x1;
	[dreg:$0x2] =	wrdreg s3  }
0xa9: {  	[dreg:$0x3] =	wrdreg s5  }
0xaa: {  	[dreg:$0x4] =	wrdreg $0xC0  }
0xab: {  	_ =	task [dreg:s7], $0x5FFFF  }
0xac: {  	[dreg:$0x1] =	wrdreg $0xFFFFFFFF  }
0xad: {  	[dreg:$0x0] =	wrdreg $0x60  }
0xae: {  	[dreg:$0x2] =	wrdreg s24  }
0xaf: {  	[dreg:$0x3] =	wrdreg s2  }
0xb0: {  	[dreg:$0x4] =	wrdreg $0x35D00  }
0xb1: {  	[dreg:$0x5] =	wrdreg $0x9  }
0xb2: {  	_ =	task.clear_ibuf [dreg:s7], $0x6FFFF;
	_ =	strace $0x9000004C  }
0xb3: {  	s29 =	simm.s32 $0x9;
	_ =	strace $0x8000004E  }
0xb4: {  	_ =	swait.ge [sflag:s29], $0x1  }
0xb5: {  	[sflag:s29] =	ssyncadd.s32 $0xFFFFFFFF  }
0xb6: {  	_ =	strace $0x9000004E  }
0xb7: {  	_ =	sfence  }
0xb8: {  	s30 =	sld [smem:$0x0];
	_ =	sdelay $0x2  }
0xb9: {  	s31 =	sshll.u32 s1, $0xD;
	s1 =	sshrl.u32 s1, $0x2  }
0xba: {  	s3 =	sand.u32 $0x4000, s31;
	s1 =	sadd.s32 s1, s30  }
0xbb: {  	s0 =	sor.u32 s3, s0;
	s1 =	sshll.u32 s1, $0x11  }
0xbc: {  	s0 =	sor.u32 s1, s0  }
0xbd: {  	s0 =	sadd.s32 $0x8F2B, s0  }
0xbe: {  	[sflag:s0] =	ssyncadd.remote.s32 $0x1  }
0xbf: {  	_ =	sfence.sel $0xFFFF  }
0xc0: {  	[dreg:$0x0] =	wrdreg $0xFFFFFFFF;
	(pc) =	sbr.abs _section_cstart, $3  }
0xc1: {  	[dreg:$0x1] =	wrdreg $0xFFFFFFFF  }
0xc2: {  	_ =	task.clear_ibuf [dreg:s7], $0x2FFFF;
	_ =	strace $0x9FFFFFFF  }
0xc3: {  	(tm) =	ssettm $0x7FFFFFFF  }
tec
execute0_lowered:
.L_overlay_start_1:
0x0: {  	(tag) =	ssettag $0x1  }
0x1: {  	s0 =	rddreg [dreg:$0x0]  }
0x2: {  	s2 =	rddreg [dreg:$0x2];
	s3 =	simm.s32 $0x0;
	s1 =	srdreg.scid  }
0x3: {  	s15 =	stileid.u32;
	s18 =	simm.s32 $0x7;
	s19 =	simm.s32 $0x2580  }
0x4: {  	s20 =	simm.s32 $0x2DA0;
	s28 =	simm.s32 $0x1F40;
	s29 =	simm.s32 $0x1  }
0x5: {  	s30 =	simm.s32 $0x3;
	s31 =	simm.s32 $0x2;
	s17 =	simm.s32 $0x0  }
0x6: {  	[smem:$0x7FF] =	sst s3;
	s5 =	sadd.s32 $0x16E00, s0;
	s6 =	sadd.s32 $0x20C00, s0  }
0x7: {  	s7 =	sadd.s32 $0xCA00, s0;
	s1 =	sand.u32 $0x1, s1;
	s4 =	smul.u32 $0x13800, s15  }
0x8: {  	s8 =	sadd.s32 $0x2600, s0;
	s10 =	sadd.s32 $0x25C00, s0;
	s12 =	smul.u32 $0x4E00, s15  }
0x9: {  	s0 =	sadd.s32 $0x26600, s0;
	s22 =	sshll.u32 s15, $0x1;
	s13 =	sadd.s32 $0x49200, s2  }
0xa: {  	p0 =	seq.s32 s15, $0xF;
	_ =	strace $0x8000004D;
	s9 =	ssub.s32 $0x2, s1  }
0xb: {  	s11 =	smul.u32 $0x4E200, s1;
	[dreg:$0x4] =	wrdreg s10;
	s1 =	sor.u32 s1, s22  }
0xc: {  	s22 =	simm.s32 $0x1900;
	s21 =	sshrl.u32 s9, $0x1;
	s4 =	sshrl.u32 s4, $0x2  }
0xd: {  	s10 =	smul.u32 $0x28A0, s1;
	s1 =	simm.s32 $0x6;
	s9 =	ssub.s32 s9, s21  }
0xe: {  	s23 =	sadd.s32 s12, s11;
	s4 =	sadd.s32 s4, s2;
	s25 =	sshrl.u32 s11, $0x3  }
0xf: {  	s11 =	sadd.s32 s12, s2;
	s12 =	sshrl.u32 @p0 s13, $0x3;
	s14 =	sshrl.u32 s23, $0x3  }
0x10: {  	s26 =	smax.u32 s9, $0x1;
	s24 =	sadd.s32 s0, s14;
	s0 =	sadd.s32 s0, s25  }
0x11: {  	s21 =	simm.s32 $0x64;
	[dreg:$0x7] =	wrdreg s26;
	s0 =	sadd.s32 $0x9240, s0  }
.Ltmp0:
0x12: {  	[dreg:$0x6] =	wrdreg s0;
	s0 =	sshll.u32 @!p0 s15, $0x6;
	(pc) =	sbr.rel .LBB2_1-.Ltmp0, $4  }
0x13: {  	[dreg:$0x5] =	wrdreg s24;
	s13 =	sor.u32 @!p0 $0x1C07, s0;
	s0 =	sshrl.u32 @!p0 s4, $0x3  }
0x14: {  	s23 =	simm.s32 $0x25E8;
	s26 =	simm.s32 $0x2E08;
	[dreg:$0x9] =	wrdreg s0  }
0x15: {  	s24 =	simm.s32 $0xC80;
	s0 =	sshrl.u32 @!p0 s11, $0x3;
	[dreg:$0x8] =	wrdreg s13  }
0x16: {  	s4 =	simm.s32 $0x5;
	[dreg:$0xa] =	wrdreg s0;
	s0 =	simm.s32 $0x4  }
.LBB2_10:
0x17: {  	[bflag:$0x0] =	sbarrier.arrive $0xFFFF  }
0x18: {  	s9 =	simm.s32 @p0 $0x1FC7;
	s11 =	rddreg [dreg:$0x6]  }
0x19: {  	[hbm:s11], [sflag:s9] =	dma.local @p0 [spmem:s15], $0xA00  }
0x1a: {  	s9 =	simm.s32 @p0 $0x7  }
0x1b: {  	_ =	swait.ge @p0 [sflag:s9], $0xA00  }
0x1c: {  	s13 =	rddreg [dreg:$0x8]  }
0x1d: {  	[sflag:s9] =	ssyncset.done @p0 $0x0;
	s11 =	rddreg [dreg:$0xa]  }
0x1e: {  	[sflag:s9] =	ssyncadd.s32 @p0 $0xFFFFF600;
	s9 =	rddreg [dreg:$0x5]  }
0x1f: {  	[hbm:s9], [sflag:s13] =	dma.local @!p0 [spmem:s11], $0x9C0  }
0x20: {  	s9 =	simm.s32 @!p0 $0x7  }
0x21: {  	_ =	swait.ge @!p0 [sflag:s9], $0x9C0  }
0x22: {  	s17 =	sadd.s32 $0x1, s17;
	s25 =	rddreg [dreg:$0x7]  }
0x23: {  	p1 =	sne.s32 s17, s25  }
.Ltmp1:
0x24: {  	_ = 	snop;
	(pc) =	sbr.rel @!p1 .LBB2_11-.Ltmp1, $3  }
0x25: {  	_ =	sdelay $0x1  }
0x26: {  	[sflag:s9] =	ssyncset.done @!p0 $0x0  }
0x27: {  	s12 =	smov.u32 s15;
	[sflag:s9] =	ssyncadd.s32 @!p0 $0xFFFFF640  }
.LBB2_1:
0x28: {  	s9 =	simm.s32 @p0 $0x1FC7;
	s11 =	rddreg [dreg:$0x4]  }
0x29: {  	[spmem:s12], [sflag:s9] =	dma.local @p0 [hbm:s11], $0xA00  }
0x2a: {  	s9 =	simm.s32 @p0 $0x7  }
0x2b: {  	_ =	swait.ge @p0 [sflag:s9], $0xA00  }
0x2c: {  	[sflag:s9] =	ssyncset.done @p0 $0x0  }
0x2d: {  	[sflag:s9] =	ssyncadd.s32 @p0 $0xFFFFF600;
	s9 =	rddreg [dreg:$0x9]  }
0x2e: {  	[spmem:s9], [sflag:s13] =	dma.local @!p0 [hbm:s11], $0x9C0  }
0x2f: {  	s9 =	simm.s32 @!p0 $0x7  }
0x30: {  	_ =	swait.ge @!p0 [sflag:s9], $0x9C0  }
0x31: {  	[sflag:s9] =	ssyncset.done @!p0 $0x0  }
0x32: {  	[sflag:s9] =	ssyncadd.s32 @!p0 $0xFFFFF640  }
0x33: {  	s25 =	simm.s32 $0x35C0;
	s9 =	rddreg [dreg:$0x1]  }
0x34: {  	[tilespmem:s25], [sflag:$0x7] =	stream.linear.gather [hbm4b:s9+s3], $0x10, $0x38;
	[tilespmem:$0x83F0] =	vst v63  }
.Ltmp2:
0x35: {  	_ =	swait.ge [sflag:s18], $0x10;
	(pc) =	sbr.rel .LBB2_2-.Ltmp2, $4  }
0x36: {  	[sflag:s18] =	ssyncset.done $0x0  }
0x37: {  	[sflag:s18] =	ssyncadd.s32 $0xFFFFFFF0  }
0x38: {  	[bflag:$0x0] =	sbarrier.arrive $0xFFFF  }
0x39: {  	s15 =	smov.u32 s12;
	s11 =	simm.s32 $0x0;
	v0 =	vld [tilespmem:$0x35C0]  }
.LBB2_9:
0x3a: {  	s11 =	sadd.s32 $0x1, s11  }
0x3b: {  	p1 =	sne.s32 s11, $0x5  }
.Ltmp3:
0x3c: {  	_ = 	snop;
	(pc) =	sbr.rel @!p1 .LBB2_10-.Ltmp3, $4  }
0x3d: {  	_ = 	snop  }
0x3e: {  	_ =	swait.ge [sflag:s1], $0xC80  }
0x3f: {  	[sflag:s1] =	ssyncset.done $0x0  }
0x40: {  	[sflag:s1] =	ssyncadd.s32 $0xFFFFF380  }
.LBB2_2:
0x41: {  	s9 =	smul.u32 $0x820, s11;
	_ =	sdelay $0x1  }
0x42: {  	s9 =	sadd.s32 s10, s9  }
0x43: {  	s9 =	sshrl.u32 s9, $0x3  }
0x44: {  	s12 =	simm.s32 $0x0;
	s13 =	sadd.s32 s7, s9  }
0x45: {  	[tilespmem:s19], [sflag:$0x7] =	stream.linear.gather [hbm4b:s13+s12], $0x820, $0x38;
	[tilespmem:$0x83F0] =	vst v63  }
0x46: {  	_ =	swait.ge [sflag:s18], $0x820  }
0x47: {  	[sflag:s18] =	ssyncset.done $0x0  }
0x48: {  	s9 =	sadd.s32 s8, s9;
	[sflag:s18] =	ssyncadd.s32 $0xFFFFF7E0  }
0x49: {  	[tilespmem:s20], [sflag:$0x7] =	stream.linear.gather [hbm4b:s9+s12], $0x820, $0x38;
	[tilespmem:$0x83F0] =	vst v63  }
0x4a: {  	_ =	swait.ge [sflag:s18], $0x820  }
0x4b: {  	[sflag:s18] =	ssyncset.done $0x0  }
0x4c: {  	[sflag:s18] =	ssyncadd.s32 $0xFFFFF7E0  }
0x4d: {  	[tilespmem:s12], [sflag:$0x1] =	stream.indirect.gather [hbm4b:s5+s21], $0x20, s19, s21, $0xb8;
	[tilespmem:$0x83F0] =	vst v63  }
0x4e: {  	_ = 	snop  }
0x4f: {  	[tilespmem:s22], [sflag:$0x3] =	stream.indirect.gather [hbm4b:s6+s21], $0x10, s20, s21, $0xb8;
	[tilespmem:$0x83F0] =	vst v63  }
0x50: {  	_ = 	snop  }
0x51: {  	[tilespmem:s24], [sflag:$0x2] =	stream.indirect.gather [hbm4b:s5+s21], $0x20, s23, s21, $0xb8;
	[tilespmem:$0x83F0] =	vst v63  }
0x52: {  	_ = 	snop  }
0x53: {  	[tilespmem:s28], [sflag:$0x4] =	stream.indirect.gather [hbm4b:s6+s21], $0x10, s26, s21, $0xb8;
	[tilespmem:$0x83F0] =	vst v63  }
.LBB2_3:
0x54: {  	_ =	swait.ge [sflag:s29], $0xC80  }
0x55: {  	[sflag:s29] =	ssyncset.done $0x0  }
0x56: {  	[sflag:s29] =	ssyncadd.s32 $0xFFFFF380  }
0x57: {  	_ =	swait.ge [sflag:s30], $0x640  }
0x58: {  	[sflag:s30] =	ssyncset.done $0x0  }
0x59: {  	s16 =	simm.s32 $0x40;
	[sflag:s30] =	ssyncadd.s32 $0xFFFFF9C0  }
0x5a: {  	s13 =	simm.s32 $0x1920;
	v1 =	vld [tilespmem:s16+$0xFFFFFFD0]  }
0x5b: {  	v2 =	vld [tilespmem:s13+$0xFFFFFFE0];
	_ =	sdelay $0x4  }
0x5c: {  	v1 =	vadd.f32 v2, v1;
	_ =	sdelay $0x1  }
0x5d: {  	v2 =	vmul.f32 $2.000000030e-01, v1  }
0x5e: {  	vm0 =	vge.f32 v1, $0.0e+00  }
0x5f: {  	v1 =	vsel vm0, v1, v2  }
0x60: {  	v1 =	vsub.f32 v1, v0;
	_ =	sdelay $0x1  }
0x61: {  	v1 =	vmul.f32 $1.442695020e+00, v1;
	_ =	sdelay $0x1  }
0x62: {  	(erf) = vpow2.f32 v1;
	_ =	sdelay $0x6  }
0x63: {  	v1 =	vld [tilespmem:s16+$0xFFFFFFC0];
	_ =	sdelay $0x1  }
0x64: {  	v2 =	vpop (erf)  }
0x65: {  	v3 =	vbroadcast v2, $0x0;
	_ =	sdelay $0x1  }
0x66: {  	v1 =	vmul.f32 v3, v1  }
0x67: {  	[tilespmem:s16+$0xFFFFFFD0] =	vst v2  }
0x68: {  	[tilespmem:s16+$0xFFFFFFC0] =	vst v1;
	v1 =	vld [tilespmem:s16+$0xFFFFFFF0]  }
0x69: {  	v2 =	vld [tilespmem:s13+$0xFFFFFFF0];
	_ =	sdelay $0x4  }
0x6a: {  	v1 =	vadd.f32 v2, v1;
	_ =	sdelay $0x1  }
0x6b: {  	v2 =	vmul.f32 $2.000000030e-01, v1  }
0x6c: {  	vm13 =	vge.f32 v1, $0.0e+00  }
0x6d: {  	v1 =	vsel vm13, v1, v2  }
0x6e: {  	v1 =	vsub.f32 v1, v0;
	_ =	sdelay $0x1  }
0x6f: {  	v1 =	vmul.f32 $1.442695020e+00, v1;
	_ =	sdelay $0x1  }
0x70: {  	(erf) = vpow2.f32 v1;
	_ =	sdelay $0x6  }
0x71: {  	v1 =	vld [tilespmem:s16+$0xFFFFFFE0];
	_ =	sdelay $0x1  }
0x72: {  	v2 =	vpop (erf)  }
0x73: {  	v3 =	vbroadcast v2, $0x0;
	_ =	sdelay $0x1  }
0x74: {  	v1 =	vmul.f32 v3, v1  }
0x75: {  	[tilespmem:s16+$0xFFFFFFF0] =	vst v2  }
0x76: {  	[tilespmem:s16+$0xFFFFFFE0] =	vst v1;
	v1 =	vld [tilespmem:s16+$0x10]  }
0x77: {  	v2 =	vld [tilespmem:s13+$0x0];
	_ =	sdelay $0x4  }
0x78: {  	v1 =	vadd.f32 v2, v1;
	_ =	sdelay $0x1  }
0x79: {  	v2 =	vmul.f32 $2.000000030e-01, v1  }
0x7a: {  	vm14 =	vge.f32 v1, $0.0e+00  }
0x7b: {  	v1 =	vsel vm14, v1, v2  }
0x7c: {  	v1 =	vsub.f32 v1, v0;
	_ =	sdelay $0x1  }
0x7d: {  	v1 =	vmul.f32 $1.442695020e+00, v1;
	_ =	sdelay $0x1  }
0x7e: {  	(erf) = vpow2.f32 v1;
	_ =	sdelay $0x6  }
0x7f: {  	v1 =	vld [tilespmem:s16+$0x0];
	_ =	sdelay $0x1  }
0x80: {  	v2 =	vpop (erf)  }
0x81: {  	v3 =	vbroadcast v2, $0x0;
	_ =	sdelay $0x1  }
0x82: {  	v1 =	vmul.f32 v3, v1  }
0x83: {  	[tilespmem:s16+$0x10] =	vst v2  }
0x84: {  	[tilespmem:s16+$0x0] =	vst v1;
	v1 =	vld [tilespmem:s16+$0x30]  }
0x85: {  	v2 =	vld [tilespmem:s13+$0x10];
	_ =	sdelay $0x4  }
0x86: {  	v1 =	vadd.f32 v2, v1;
	_ =	sdelay $0x1  }
0x87: {  	v2 =	vmul.f32 $2.000000030e-01, v1  }
0x88: {  	vm15 =	vge.f32 v1, $0.0e+00  }
0x89: {  	v1 =	vsel vm15, v1, v2  }
0x8a: {  	v1 =	vsub.f32 v1, v0;
	_ =	sdelay $0x1  }
0x8b: {  	v1 =	vmul.f32 $1.442695020e+00, v1;
	_ =	sdelay $0x1  }
0x8c: {  	(erf) = vpow2.f32 v1;
	_ =	sdelay $0x6  }
0x8d: {  	v1 =	vld [tilespmem:s16+$0x20];
	_ =	sdelay $0x1  }
0x8e: {  	v2 =	vpop (erf)  }
0x8f: {  	v3 =	vbroadcast v2, $0x0;
	_ =	sdelay $0x1  }
0x90: {  	v1 =	vmul.f32 v3, v1  }
0x91: {  	s25 =	simm.s32 $0x0;
	s9 =	simm.s32 $0xC0;
	[tilespmem:s16+$0x30] =	vst v2  }
.LBB2_4:
0x92: {  	v2 =	vld [tilespmem:s9+$0xFFFFFFD0];
	[tilespmem:s16+$0x20] =	vst v1;
	s13 =	sadd.s32 $0x40, s13;
	s16 =	smov.u32 s9  }
0x93: {  	s25 =	sadd.s32 $0x4, s25;
	v1 =	vld [tilespmem:s13+$0xFFFFFFE0]  }
0x94: {  	p1 =	slt.u32 s25, $0x60;
	_ =	sdelay $0x3  }
0x95: {  	v1 =	vadd.f32 v1, v2;
	_ =	sdelay $0x1  }
0x96: {  	v2 =	vmul.f32 $2.000000030e-01, v1  }
0x97: {  	vm0 =	vge.f32 v1, $0.0e+00  }
0x98: {  	v1 =	vsel vm0, v1, v2  }
0x99: {  	v1 =	vsub.f32 v1, v0;
	_ =	sdelay $0x1  }
0x9a: {  	v1 =	vmul.f32 $1.442695020e+00, v1;
	_ =	sdelay $0x1  }
0x9b: {  	(erf) = vpow2.f32 v1;
	_ =	sdelay $0x6  }
0x9c: {  	v1 =	vld [tilespmem:s9+$0xFFFFFFC0];
	_ =	sdelay $0x1  }
0x9d: {  	v2 =	vpop (erf)  }
0x9e: {  	[tilespmem:s9+$0xFFFFFFD0] =	vst v2;
	v2 =	vbroadcast v2, $0x0;
	_ =	sdelay $0x1  }
0x9f: {  	v1 =	vmul.f32 v2, v1;
	_ =	sdelay $0x1  }
0xa0: {  	[tilespmem:s9+$0xFFFFFFC0] =	vst v1;
	v1 =	vld [tilespmem:s9+$0xFFFFFFF0]  }
0xa1: {  	v2 =	vld [tilespmem:s13+$0xFFFFFFF0];
	_ =	sdelay $0x4  }
0xa2: {  	v1 =	vadd.f32 v2, v1;
	_ =	sdelay $0x1  }
0xa3: {  	v2 =	vmul.f32 $2.000000030e-01, v1  }
0xa4: {  	vm0 =	vge.f32 v1, $0.0e+00  }
0xa5: {  	v1 =	vsel vm0, v1, v2  }
0xa6: {  	v1 =	vsub.f32 v1, v0;
	_ =	sdelay $0x1  }
0xa7: {  	v1 =	vmul.f32 $1.442695020e+00, v1;
	_ =	sdelay $0x1  }
0xa8: {  	(erf) = vpow2.f32 v1;
	_ =	sdelay $0x6  }
0xa9: {  	v1 =	vld [tilespmem:s9+$0xFFFFFFE0];
	_ =	sdelay $0x1  }
0xaa: {  	v2 =	vpop (erf)  }
0xab: {  	[tilespmem:s9+$0xFFFFFFF0] =	vst v2;
	v2 =	vbroadcast v2, $0x0;
	_ =	sdelay $0x1  }
0xac: {  	v1 =	vmul.f32 v2, v1;
	_ =	sdelay $0x1  }
0xad: {  	[tilespmem:s9+$0xFFFFFFE0] =	vst v1;
	v1 =	vld [tilespmem:s9+$0x10]  }
0xae: {  	v2 =	vld [tilespmem:s13+$0x0];
	_ =	sdelay $0x4  }
0xaf: {  	v1 =	vadd.f32 v2, v1;
	_ =	sdelay $0x1  }
0xb0: {  	v2 =	vmul.f32 $2.000000030e-01, v1  }
0xb1: {  	vm0 =	vge.f32 v1, $0.0e+00  }
0xb2: {  	v1 =	vsel vm0, v1, v2  }
0xb3: {  	v1 =	vsub.f32 v1, v0;
	_ =	sdelay $0x1  }
0xb4: {  	v1 =	vmul.f32 $1.442695020e+00, v1;
	_ =	sdelay $0x1  }
0xb5: {  	(erf) = vpow2.f32 v1;
	_ =	sdelay $0x6  }
0xb6: {  	v1 =	vld [tilespmem:s9+$0x0];
	_ =	sdelay $0x1  }
0xb7: {  	v2 =	vpop (erf)  }
0xb8: {  	[tilespmem:s9+$0x10] =	vst v2;
	v2 =	vbroadcast v2, $0x0;
	_ =	sdelay $0x1  }
0xb9: {  	v1 =	vmul.f32 v2, v1;
	_ =	sdelay $0x1  }
0xba: {  	[tilespmem:s9+$0x0] =	vst v1;
	v1 =	vld [tilespmem:s9+$0x30]  }
0xbb: {  	v2 =	vld [tilespmem:s13+$0x10];
	_ =	sdelay $0x4  }
0xbc: {  	v1 =	vadd.f32 v2, v1;
	_ =	sdelay $0x1  }
0xbd: {  	v2 =	vmul.f32 $2.000000030e-01, v1  }
0xbe: {  	vm0 =	vge.f32 v1, $0.0e+00  }
0xbf: {  	v1 =	vsel vm0, v1, v2  }
0xc0: {  	v1 =	vsub.f32 v1, v0;
	_ =	sdelay $0x1  }
0xc1: {  	v1 =	vmul.f32 $1.442695020e+00, v1;
	_ =	sdelay $0x1  }
0xc2: {  	(erf) = vpow2.f32 v1;
	_ =	sdelay $0x6  }
0xc3: {  	v1 =	vld [tilespmem:s9+$0x20];
	_ =	sdelay $0x1  }
.Ltmp4:
0xc4: {  	v2 =	vpop (erf);
	(pc) =	sbr.rel @p1 .LBB2_4-.Ltmp4, $3  }
0xc5: {  	[tilespmem:s9+$0x30] =	vst v2;
	v2 =	vbroadcast v2, $0x0;
	_ =	sdelay $0x1  }
0xc6: {  	v1 =	vmul.f32 v2, v1  }
0xc7: {  	s9 =	sadd.s32 $0x80, s9  }
0xc8: {  	s9 =	smul.u32 $0x340, s12;
	_ =	sdelay $0x1  }
0xc9: {  	s13 =	sshra.s32 s9, $0x2  }
0xca: {  	[tilespmem:s16+$0x20] =	vst v1;
	s9 =	sadd.s32 $0x2DA0, s13  }
0xcb: {  	[spmem:s2] =	stream.indirect.scatter.add.f32 [tilespmem:s3], [sflag:$0x5], $0x20, s9, s21, $0xb8;
	[tilespmem:$0x83F0] =	vst v63  }
0xcc: {  	_ =	swait.ge [sflag:s31], $0xC80  }
0xcd: {  	[sflag:s31] =	ssyncset.done $0x0  }
0xce: {  	[sflag:s31] =	ssyncadd.s32 $0xFFFFF380  }
0xcf: {  	_ =	swait.ge [sflag:s0], $0x640  }
0xd0: {  	[sflag:s0] =	ssyncset.done $0x0  }
0xd1: {  	s16 =	simm.s32 $0xCC0;
	[sflag:s0] =	ssyncadd.s32 $0xFFFFF9C0  }
0xd2: {  	s25 =	simm.s32 $0x1F60;
	v1 =	vld [tilespmem:s16+$0xFFFFFFD0]  }
0xd3: {  	v2 =	vld [tilespmem:s25+$0xFFFFFFE0];
	_ =	sdelay $0x4  }
0xd4: {  	v1 =	vadd.f32 v2, v1;
	_ =	sdelay $0x1  }
0xd5: {  	v2 =	vmul.f32 $2.000000030e-01, v1  }
0xd6: {  	vm0 =	vge.f32 v1, $0.0e+00  }
0xd7: {  	v1 =	vsel vm0, v1, v2  }
0xd8: {  	v1 =	vsub.f32 v1, v0;
	_ =	sdelay $0x1  }
0xd9: {  	v1 =	vmul.f32 $1.442695020e+00, v1;
	_ =	sdelay $0x1  }
0xda: {  	(erf) = vpow2.f32 v1;
	_ =	sdelay $0x6  }
0xdb: {  	v1 =	vld [tilespmem:s16+$0xFFFFFFC0];
	_ =	sdelay $0x1  }
0xdc: {  	v2 =	vpop (erf)  }
0xdd: {  	v3 =	vbroadcast v2, $0x0;
	_ =	sdelay $0x1  }
0xde: {  	v1 =	vmul.f32 v3, v1  }
0xdf: {  	[tilespmem:s16+$0xFFFFFFD0] =	vst v2  }
0xe0: {  	[tilespmem:s16+$0xFFFFFFC0] =	vst v1;
	v1 =	vld [tilespmem:s16+$0xFFFFFFF0]  }
0xe1: {  	v2 =	vld [tilespmem:s25+$0xFFFFFFF0];
	_ =	sdelay $0x4  }
0xe2: {  	v1 =	vadd.f32 v2, v1;
	_ =	sdelay $0x1  }
0xe3: {  	v2 =	vmul.f32 $2.000000030e-01, v1  }
0xe4: {  	vm13 =	vge.f32 v1, $0.0e+00  }
0xe5: {  	v1 =	vsel vm13, v1, v2  }
0xe6: {  	v1 =	vsub.f32 v1, v0;
	_ =	sdelay $0x1  }
0xe7: {  	v1 =	vmul.f32 $1.442695020e+00, v1;
	_ =	sdelay $0x1  }
0xe8: {  	(erf) = vpow2.f32 v1;
	_ =	sdelay $0x6  }
0xe9: {  	v1 =	vld [tilespmem:s16+$0xFFFFFFE0];
	_ =	sdelay $0x1  }
0xea: {  	v2 =	vpop (erf)  }
0xeb: {  	v3 =	vbroadcast v2, $0x0;
	_ =	sdelay $0x1  }
0xec: {  	v1 =	vmul.f32 v3, v1  }
0xed: {  	[tilespmem:s16+$0xFFFFFFF0] =	vst v2  }
0xee: {  	[tilespmem:s16+$0xFFFFFFE0] =	vst v1;
	v1 =	vld [tilespmem:s16+$0x10]  }
0xef: {  	v2 =	vld [tilespmem:s25+$0x0];
	_ =	sdelay $0x4  }
0xf0: {  	v1 =	vadd.f32 v2, v1;
	_ =	sdelay $0x1  }
0xf1: {  	v2 =	vmul.f32 $2.000000030e-01, v1  }
0xf2: {  	vm14 =	vge.f32 v1, $0.0e+00  }
0xf3: {  	v1 =	vsel vm14, v1, v2  }
0xf4: {  	v1 =	vsub.f32 v1, v0;
	_ =	sdelay $0x1  }
0xf5: {  	v1 =	vmul.f32 $1.442695020e+00, v1;
	_ =	sdelay $0x1  }
0xf6: {  	(erf) = vpow2.f32 v1;
	_ =	sdelay $0x6  }
0xf7: {  	v1 =	vld [tilespmem:s16+$0x0];
	_ =	sdelay $0x1  }
0xf8: {  	v2 =	vpop (erf)  }
0xf9: {  	v3 =	vbroadcast v2, $0x0;
	_ =	sdelay $0x1  }
0xfa: {  	v1 =	vmul.f32 v3, v1  }
0xfb: {  	[tilespmem:s16+$0x10] =	vst v2  }
0xfc: {  	[tilespmem:s16+$0x0] =	vst v1;
	v1 =	vld [tilespmem:s16+$0x30]  }
0xfd: {  	v2 =	vld [tilespmem:s25+$0x10];
	_ =	sdelay $0x4  }
0xfe: {  	v1 =	vadd.f32 v2, v1;
	_ =	sdelay $0x1  }
0xff: {  	v2 =	vmul.f32 $2.000000030e-01, v1  }
0x100: {  	vm15 =	vge.f32 v1, $0.0e+00  }
0x101: {  	v1 =	vsel vm15, v1, v2  }
0x102: {  	v1 =	vsub.f32 v1, v0;
	_ =	sdelay $0x1  }
0x103: {  	v1 =	vmul.f32 $1.442695020e+00, v1;
	_ =	sdelay $0x1  }
0x104: {  	(erf) = vpow2.f32 v1;
	_ =	sdelay $0x6  }
0x105: {  	v1 =	vld [tilespmem:s16+$0x20];
	_ =	sdelay $0x1  }
0x106: {  	v2 =	vpop (erf)  }
0x107: {  	v3 =	vbroadcast v2, $0x0;
	_ =	sdelay $0x1  }
0x108: {  	v1 =	vmul.f32 v3, v1  }
0x109: {  	s14 =	simm.s32 $0xD40;
	s9 =	simm.s32 $0x0;
	[tilespmem:s16+$0x30] =	vst v2  }
.LBB2_6:
0x10a: {  	v2 =	vld [tilespmem:s14+$0xFFFFFFD0];
	[tilespmem:s16+$0x20] =	vst v1;
	s25 =	sadd.s32 $0x40, s25;
	s16 =	smov.u32 s14  }
0x10b: {  	s9 =	sadd.s32 $0x4, s9;
	v1 =	vld [tilespmem:s25+$0xFFFFFFE0]  }
0x10c: {  	p1 =	slt.u32 s9, $0x60;
	_ =	sdelay $0x3  }
0x10d: {  	v1 =	vadd.f32 v1, v2;
	_ =	sdelay $0x1  }
0x10e: {  	v2 =	vmul.f32 $2.000000030e-01, v1  }
0x10f: {  	vm0 =	vge.f32 v1, $0.0e+00  }
0x110: {  	v1 =	vsel vm0, v1, v2  }
0x111: {  	v1 =	vsub.f32 v1, v0;
	_ =	sdelay $0x1  }
0x112: {  	v1 =	vmul.f32 $1.442695020e+00, v1;
	_ =	sdelay $0x1  }
0x113: {  	(erf) = vpow2.f32 v1;
	_ =	sdelay $0x6  }
0x114: {  	v1 =	vld [tilespmem:s14+$0xFFFFFFC0];
	_ =	sdelay $0x1  }
0x115: {  	v2 =	vpop (erf)  }
0x116: {  	[tilespmem:s14+$0xFFFFFFD0] =	vst v2;
	v2 =	vbroadcast v2, $0x0;
	_ =	sdelay $0x1  }
0x117: {  	v1 =	vmul.f32 v2, v1;
	_ =	sdelay $0x1  }
0x118: {  	[tilespmem:s14+$0xFFFFFFC0] =	vst v1;
	v1 =	vld [tilespmem:s14+$0xFFFFFFF0]  }
0x119: {  	v2 =	vld [tilespmem:s25+$0xFFFFFFF0];
	_ =	sdelay $0x4  }
0x11a: {  	v1 =	vadd.f32 v2, v1;
	_ =	sdelay $0x1  }
0x11b: {  	v2 =	vmul.f32 $2.000000030e-01, v1  }
0x11c: {  	vm0 =	vge.f32 v1, $0.0e+00  }
0x11d: {  	v1 =	vsel vm0, v1, v2  }
0x11e: {  	v1 =	vsub.f32 v1, v0;
	_ =	sdelay $0x1  }
0x11f: {  	v1 =	vmul.f32 $1.442695020e+00, v1;
	_ =	sdelay $0x1  }
0x120: {  	(erf) = vpow2.f32 v1;
	_ =	sdelay $0x6  }
0x121: {  	v1 =	vld [tilespmem:s14+$0xFFFFFFE0];
	_ =	sdelay $0x1  }
0x122: {  	v2 =	vpop (erf)  }
0x123: {  	[tilespmem:s14+$0xFFFFFFF0] =	vst v2;
	v2 =	vbroadcast v2, $0x0;
	_ =	sdelay $0x1  }
0x124: {  	v1 =	vmul.f32 v2, v1;
	_ =	sdelay $0x1  }
0x125: {  	[tilespmem:s14+$0xFFFFFFE0] =	vst v1;
	v1 =	vld [tilespmem:s14+$0x10]  }
0x126: {  	v2 =	vld [tilespmem:s25+$0x0];
	_ =	sdelay $0x4  }
0x127: {  	v1 =	vadd.f32 v2, v1;
	_ =	sdelay $0x1  }
0x128: {  	v2 =	vmul.f32 $2.000000030e-01, v1  }
0x129: {  	vm0 =	vge.f32 v1, $0.0e+00  }
0x12a: {  	v1 =	vsel vm0, v1, v2  }
0x12b: {  	v1 =	vsub.f32 v1, v0;
	_ =	sdelay $0x1  }
0x12c: {  	v1 =	vmul.f32 $1.442695020e+00, v1;
	_ =	sdelay $0x1  }
0x12d: {  	(erf) = vpow2.f32 v1;
	_ =	sdelay $0x6  }
0x12e: {  	v1 =	vld [tilespmem:s14+$0x0];
	_ =	sdelay $0x1  }
0x12f: {  	v2 =	vpop (erf)  }
0x130: {  	[tilespmem:s14+$0x10] =	vst v2;
	v2 =	vbroadcast v2, $0x0;
	_ =	sdelay $0x1  }
0x131: {  	v1 =	vmul.f32 v2, v1;
	_ =	sdelay $0x1  }
0x132: {  	[tilespmem:s14+$0x0] =	vst v1;
	v1 =	vld [tilespmem:s14+$0x30]  }
0x133: {  	v2 =	vld [tilespmem:s25+$0x10];
	_ =	sdelay $0x4  }
0x134: {  	v1 =	vadd.f32 v2, v1;
	_ =	sdelay $0x1  }
0x135: {  	v2 =	vmul.f32 $2.000000030e-01, v1  }
0x136: {  	vm0 =	vge.f32 v1, $0.0e+00  }
0x137: {  	v1 =	vsel vm0, v1, v2  }
0x138: {  	v1 =	vsub.f32 v1, v0;
	_ =	sdelay $0x1  }
0x139: {  	v1 =	vmul.f32 $1.442695020e+00, v1;
	_ =	sdelay $0x1  }
0x13a: {  	(erf) = vpow2.f32 v1;
	_ =	sdelay $0x6  }
0x13b: {  	v1 =	vld [tilespmem:s14+$0x20];
	_ =	sdelay $0x1  }
.Ltmp5:
0x13c: {  	v2 =	vpop (erf);
	(pc) =	sbr.rel @p1 .LBB2_6-.Ltmp5, $3  }
0x13d: {  	[tilespmem:s14+$0x30] =	vst v2;
	v2 =	vbroadcast v2, $0x0;
	_ =	sdelay $0x1  }
0x13e: {  	v1 =	vmul.f32 v2, v1  }
0x13f: {  	s14 =	sadd.s32 $0x80, s14  }
0x140: {  	p1 =	seq.s32 s12, $0x9  }
.Ltmp6:
0x141: {  	[tilespmem:s16+$0x20] =	vst v1;
	s9 =	sadd.s32 $0x2E08, s13;
	(pc) =	sbr.rel @p1 .LBB2_9-.Ltmp6, $4  }
0x142: {  	[spmem:s2] =	stream.indirect.scatter.add.f32 [tilespmem:s24], [sflag:$0x6], $0x20, s9, s21, $0xb8;
	[tilespmem:$0x83F0] =	vst v63  }
0x143: {  	_ =	swait.ge [sflag:s4], $0xC80  }
0x144: {  	[sflag:s4] =	ssyncset.done $0x0  }
0x145: {  	[sflag:s4] =	ssyncadd.s32 $0xFFFFF380  }
0x146: {  	s9 =	smul.u32 $0xD0, s12;
	_ =	sdelay $0x1  }
0x147: {  	s13 =	sadd.s32 $0x2650, s9  }
0x148: {  	[tilespmem:s3], [sflag:$0x1] =	stream.indirect.gather [hbm4b:s5+s21], $0x20, s13, s21, $0xb8;
	[tilespmem:$0x83F0] =	vst v63  }
0x149: {  	s16 =	sadd.s32 $0x2E70, s9  }
0x14a: {  	[tilespmem:s22], [sflag:$0x3] =	stream.indirect.gather [hbm4b:s6+s21], $0x10, s16, s21, $0xb8;
	[tilespmem:$0x83F0] =	vst v63  }
0x14b: {  	_ =	swait.ge [sflag:s1], $0xC80  }
.Ltmp7:
0x14c: {  	[sflag:s1] =	ssyncset.done $0x0;
	(pc) =	sbr.rel .LBB2_3-.Ltmp7, $4  }
0x14d: {  	s25 =	sadd.s32 $0x26B8, s9;
	[sflag:s1] =	ssyncadd.s32 $0xFFFFF380  }
0x14e: {  	[tilespmem:s24], [sflag:$0x2] =	stream.indirect.gather [hbm4b:s5+s21], $0x20, s25, s21, $0xb8;
	[tilespmem:$0x83F0] =	vst v63  }
0x14f: {  	s12 =	sadd.s32 $0x1, s12;
	s9 =	sadd.s32 $0x2ED8, s9  }
0x150: {  	[tilespmem:s28], [sflag:$0x4] =	stream.indirect.gather [hbm4b:s6+s21], $0x10, s9, s21, $0xb8;
	[tilespmem:$0x83F0] =	vst v63  }
.LBB2_11:
0x151: {  	_ =	sfence.sel $0x180000  }
0x152: {  	[bflag:$0x0] =	sbarrier.arrive $0xFFFF  }
0x153: {  	_ =	strace $0x9000004D  }
0x154: {  	s0 =	stileid.u32;
	[bflag:$0x2] =	sbarrier.arrive $0xFFFF  }
0x155: {  	p0 =	sne.s32 s0, $0x0;
	s0 =	rddreg [dreg:$0x3]  }
0x156: {  	s0 =	sadd.s32 @!p0 $0x100000, s0  }
0x157: {  	[sflag:s0] =	ssyncadd.tile.s32 @!p0 $0x1;
	_ =	shalt  }
.Lfunc_end2:
_tile_overlayer_lowered:
.L_overlay_start_2:
0x158: {  	(tag) =	ssettag $0x2  }
0x159: {  	s0 =	rddreg [dreg:$0x0];
	s2 =	stileid.u32  }
0x15a: {  	s1 =	rddreg [dreg:$0x1];
	p0 =	sne.s32 s2, $0x0  }
0x15b: {  	s3 =	rddreg [dreg:$0x2];
	[bflag:$0x3] =	sbarrier.arrive $0xFFFF;
	s2 =	simm.s32 @!p0 $0x1C07  }
0x15c: {  	[timem:s3], [sflag:s2] =	dma.local @!p0 [hbm:s0], s1  }
0x15d: {  	s0 =	simm.s32 @!p0 $0x7  }
0x15e: {  	_ =	swait.ge @!p0 [sflag:s0], s1  }
0x15f: {  	s1 =	ssub.s32 @!p0 $0x0, s1;
	[sflag:s0] =	ssyncset.done @!p0 $0x0  }
0x160: {  	[sflag:s0] =	ssyncadd.s32 @!p0 s1  }
0x161: {  	[bflag:$0x3] =	sbarrier.arrive $0xFFFF  }
0x162: {  	_ =	shalt  }

// kernel: kernel.9.cloned.1.call-start
scs
__scs_entry_jumppad:
0x0: {  	(pc) =	sbr.rel $0x88, $3  }
0x1: {  	(tag) =	ssettag $0x0;
	lr =	simm.s32 $0x1  }
0x2: {  	[smem:$0x3F91] =	sst lr;
	_ =	strace $0xD0000000  }
0x3: {  	_ = 	snop  }
0x4: {  	_ = 	snop  }
0x5: {  	_ = 	snop  }
0x6: {  	_ = 	snop  }
0x7: {  	_ = 	snop  }
__scs_overlays_trampoline_lowered:
0x8: {  	[smem:$0x3FA0] =	sst s0  }
0x9: {  	[smem:$0x3FA1] =	sst s1  }
0xa: {  	[smem:$0x3FA2] =	sst s2  }
0xb: {  	[smem:$0x3FA3] =	sst s3  }
0xc: {  	[smem:$0x3FA4] =	sst s4  }
0xd: {  	[smem:$0x3FA5] =	sst s5  }
0xe: {  	[smem:$0x3FA6] =	sst s6  }
0xf: {  	[smem:$0x3FA7] =	sst s7  }
0x10: {  	[smem:$0x3FA8] =	sst s8  }
0x11: {  	[smem:$0x3FA9] =	sst s9;
	s0 =	simm.s32 @!p0 $0x0  }
0x12: {  	s1 =	sld [smem:$0x3F8F];
	s0 =	simm.s32 @p0 $0x1  }
0x13: {  	[smem:$0x3FAA] =	sst s0;
	s0 =	simm.s32 @!p1 $0x0  }
0x14: {  	s2 =	sld [smem:$0x3F8E];
	s0 =	simm.s32 @p1 $0x1  }
0x15: {  	[smem:$0x3FAB] =	sst s0;
	s0 =	simm.s32 @!p2 $0x0  }
0x16: {  	s3 =	sld [smem:$0x3FDB];
	s0 =	simm.s32 @p2 $0x1  }
0x17: {  	s4 =	simm.s32 $0x1BF5;
	[smem:$0x3FAD] =	sst s0  }
0x18: {  	s0 =	sld [smem:$0x3F90];
	_ =	swait.ge [sflag:s4], $0x0  }
0x19: {  	s7 =	sld [smem:$0x3F91]  }
0x1a: {  	s8 =	sadd.s32 $0xFFFFE003, lr  }
0x1b: {  	s9 =	sadd.s32 $0xFFFFFEF7, lr;
	s5 =	simm.s32 $0xFFFFFFFF;
	p2 =	slt.u32 s8, $0xFFFFF086  }
0x1c: {  	p1 =	slt.u32 s9, $0xF7A;
	s5 =	simm.s32 @!p2 $0x0  }
0x1d: {  	s5 =	simm.s32 @p1 $0x1;
	p0 =	seq.s32 s7, s2  }
0x1e: {  	s7 =	smul.u32 @!p0 $0xF7A, s2;
	p2 =	seq.s32 @!p0 s5, $0x0  }
0x1f: {  	s9 =	smul.u32 $0xF7A, s1;
	s8 =	simm.s32 @!p0 $0x1BF5;
	p2 =	por !p2, p0  }
0x20: {  	[sflag:s8] =	ssyncset.s32 @!p0 $0xFFFFF086;
	s6 =	sadd.s32 @!p0 s3, s7;
	s7 =	simm.s32 @!p0 $0x108  }
0x21: {  	s3 =	sadd.s32 s3, s9;
	s6 =	sadd.s32 @!p0 $0x88, s6;
	s7 =	simm.s32 @p2 $0x1082  }
0x22: {  	[simem:s7], [sflag:s8] =	dma.local @!p0 [hbm:s6], $0xF7A  }
0x23: {  	s9 =	sor.u32 $0xD0000000, s2;
	s6 =	simm.s32 $0x108;
	_ =	swait.ge @!p0 [sflag:s8], $0x0  }
0x24: {  	s3 =	sadd.s32 $0x88, s3;
	s6 =	simm.s32 @!p1 $0x1082;
	[sflag:s4] =	ssyncset.s32 $0xFFFFF086  }
0x25: {  	[simem:s6], [sflag:s4] =	dma.local [hbm:s3], $0xF7A  }
0x26: {  	[smem:$0x3F91] =	sst s1;
	(tag) =	ssettag s2;
	_ =	strace s9  }
0x27: {  	s1 =	sld [smem:$0x3FA1]  }
0x28: {  	s2 =	sld [smem:$0x3FA2]  }
0x29: {  	s4 =	sld [smem:$0x3FA4]  }
0x2a: {  	p0 =	seq.s32 s5, $0x0;
	s5 =	sld [smem:$0x3FA5]  }
0x2b: {  	s6 =	sld [smem:$0x3FA6]  }
0x2c: {  	s7 =	sld [smem:$0x3FA7]  }
0x2d: {  	s3 =	simm.s32 $0x108;
	s8 =	sld [smem:$0x3FA8]  }
0x2e: {  	s3 =	simm.s32 @!p0 $0x1082;
	s9 =	sld [smem:$0x3FA9]  }
0x2f: {  	lr =	sadd.s32 s0, s3;
	s0 =	sld [smem:$0x3FA0]  }
0x30: {  	s3 =	sld [smem:$0x3FA3]  }
0x31: {  	[smem:$0x3FAC] =	sst s10  }
0x32: {  	s10 =	sld [smem:$0x3FAA];
	_ =	sdelay $0x3  }
0x33: {  	p0 =	seq.s32 s10, $0x1;
	s10 =	sld [smem:$0x3FAC];
	_ =	sdelay $0x3  }
0x34: {  	[smem:$0x3FAC] =	sst s10  }
0x35: {  	s10 =	sld [smem:$0x3FAB];
	_ =	sdelay $0x3  }
0x36: {  	p1 =	seq.s32 s10, $0x1;
	s10 =	sld [smem:$0x3FAC];
	_ =	sdelay $0x3  }
0x37: {  	[smem:$0x3FAC] =	sst s10  }
0x38: {  	s10 =	sld [smem:$0x3FAD]  }
0x39: {  	_ = 	snop;
	(pc) =	sbr.ind lr, $3  }
0x3a: {  	_ = 	snop  }
0x3b: {  	_ = 	snop  }
0x3c: {  	p2 =	seq.s32 s10, $0x1;
	s10 =	sld [smem:$0x3FAC]  }
0x3d: {  	_ =	shalt  }
0x3e: {  	_ =	shalt  }
0x3f: {  	_ =	shalt  }
0x40: {  	_ =	shalt  }
0x41: {  	_ =	shalt  }
0x42: {  	_ =	shalt  }
0x43: {  	_ =	shalt  }
0x44: {  	_ =	shalt  }
0x45: {  	_ =	shalt  }
0x46: {  	_ =	shalt  }
0x47: {  	_ =	shalt  }
0x48: {  	_ =	shalt  }
0x49: {  	_ =	shalt  }
0x4a: {  	_ =	shalt  }
0x4b: {  	_ =	shalt  }
0x4c: {  	_ =	shalt  }
0x4d: {  	_ =	shalt  }
0x4e: {  	_ =	shalt  }
0x4f: {  	_ =	shalt  }
0x50: {  	_ =	shalt  }
0x51: {  	_ =	shalt  }
0x52: {  	_ =	shalt  }
0x53: {  	_ =	shalt  }
0x54: {  	_ =	shalt  }
0x55: {  	_ =	shalt  }
0x56: {  	_ =	shalt  }
0x57: {  	_ =	shalt  }
0x58: {  	_ =	shalt  }
0x59: {  	_ =	shalt  }
0x5a: {  	_ =	shalt  }
0x5b: {  	_ =	shalt  }
0x5c: {  	_ =	shalt  }
0x5d: {  	_ =	shalt  }
0x5e: {  	_ =	shalt  }
0x5f: {  	_ =	shalt  }
0x60: {  	_ =	shalt  }
0x61: {  	_ =	shalt  }
0x62: {  	_ =	shalt  }
0x63: {  	_ =	shalt  }
0x64: {  	_ =	shalt  }
0x65: {  	_ =	shalt  }
0x66: {  	_ =	shalt  }
0x67: {  	_ =	shalt  }
0x68: {  	_ =	shalt  }
0x69: {  	_ =	shalt  }
0x6a: {  	_ =	shalt  }
0x6b: {  	_ =	shalt  }
0x6c: {  	_ =	shalt  }
0x6d: {  	_ =	shalt  }
0x6e: {  	_ =	shalt  }
0x6f: {  	_ =	shalt  }
0x70: {  	_ =	shalt  }
0x71: {  	_ =	shalt  }
0x72: {  	_ =	shalt  }
0x73: {  	_ =	shalt  }
0x74: {  	_ =	shalt  }
0x75: {  	_ =	shalt  }
0x76: {  	_ =	shalt  }
0x77: {  	_ =	shalt  }
0x78: {  	_ =	shalt  }
0x79: {  	_ =	shalt  }
0x7a: {  	_ =	shalt  }
0x7b: {  	_ =	shalt  }
0x7c: {  	_ =	shalt  }
0x7d: {  	_ =	shalt  }
0x7e: {  	_ =	shalt  }
0x7f: {  	_ =	shalt  }
0x80: {  	_ =	shalt  }
0x81: {  	_ =	shalt  }
0x82: {  	_ =	shalt  }
0x83: {  	_ =	shalt  }
0x84: {  	_ =	shalt  }
0x85: {  	_ =	shalt  }
0x86: {  	_ =	shalt  }
0x87: {  	_ =	shalt  }
.Lfunc_end0:
.L_simem_size_0:
called_computation_lowered:
.L_overlay_start_0:
0x88: {  	s2 =	sld [smem:$0x3FD9]  }
0x89: {  	s3 =	sld [smem:$0x3FFE];
	_ =	sdelay $0x1  }
0x8a: {  	s1 =	srdreg.scid  }
0x8b: {  	s0 =	sand.u32 $0x1, s1  }
0x8c: {  	s17 =	sshll.u32 s0, $0xA;
	s2 =	sadd.s32 s3, s2  }
0x8d: {  	s2 =	sadd.s32 s2, s17  }
0x8e: {  	[smem:$0x3FB8] =	sst s2  }
0x8f: {  	_ = 	snop  }
0x90: {  	s2 =	sld [smem:$0x3FD0];
	(tm) =	ssettm $0x1  }
0x91: {  	s18 =	sld [smem:$0x3FFB];
	_ =	sdelay $0x3  }
0x92: {  	_ =	strace s18  }
0x93: {  	s3 =	sld [smem:$0x3FFC];
	_ =	sdelay $0x3  }
0x94: {  	_ =	strace s3  }
0x95: {  	s3 =	sld [smem:$0x3FFD];
	_ =	sdelay $0x3  }
0x96: {  	_ =	strace s3  }
0x97: {  	_ =	strace $0x8FFFFFFF  }
0x98: {  	s19 =	sld [smem:$0x3FDB];
	_ =	sdelay $0x1  }
0x99: {  	s4 =	simm.s32 $_scs_section_size  }
0x9a: {  	s5 =	simm.s32 $_size__tile_overlayer_lowered;
	s6 =	simm.s32 $_tile_overlayer_lowered  }
0x9b: {  	s22 =	simm.s32 $0x1BFF;
	s21 =	sshll.u32 s6, $0x1;
	s3 =	sadd.s32 s4, s19  }
0x9c: {  	s7 =	simm.s32 $0x0;
	s20 =	sshll.u32 s5, $0x1;
	s5 =	sadd.s32 s21, s3  }
0x9d: {  	[timem:s7], [sflag:s22] =	dma.local [hbm:s5], s20  }
0x9e: {  	_ =	swait.ge [sflag:s22], s20  }
0x9f: {  	s4 =	ssub.s32 $0x0, s20;
	[sflag:s22] =	ssyncset.done $0x0  }
0xa0: {  	[sflag:s22] =	ssyncadd.s32 s4;
	_ =	sdelay $0x1  }
0xa1: {  	s23 =	simm.s32 $0x1B8B  }
0xa2: {  	_ =	swait.ge [sflag:s23], $0x1  }
0xa3: {  	[sflag:s23] =	ssyncset.done $0x0  }
0xa4: {  	s25 =	simm.s32 $0x1B8E;
	s24 =	sld [smem:$0x3FFE];
	[sflag:s23] =	ssyncadd.s32 $0xFFFFFFFF  }
0xa5: {  	s26 =	simm.s32 $execute0_lowered;
	[smem:$0x3FD2] =	sst s25  }
0xa6: {  	s5 =	sshll.u32 s26, $0x1;
	_ =	strace $0x80000046;
	[dreg:$0x1] =	wrdreg $0xFFFFFFFF  }
0xa7: {  	s28 =	simm.s32 $_size_execute0_lowered;
	s3 =	sadd.s32 s3, s5;
	[dreg:$0x0] =	wrdreg $0x0  }
0xa8: {  	s5 =	sshll.u32 s28, $0x1;
	[dreg:$0x2] =	wrdreg s3  }
0xa9: {  	[dreg:$0x3] =	wrdreg s5  }
0xaa: {  	[dreg:$0x4] =	wrdreg $0xC0  }
0xab: {  	_ =	task [dreg:s7], $0x5FFFF  }
0xac: {  	[dreg:$0x1] =	wrdreg $0xFFFFFFFF  }
0xad: {  	[dreg:$0x0] =	wrdreg $0x60  }
0xae: {  	[dreg:$0x2] =	wrdreg s24  }
0xaf: {  	[dreg:$0x3] =	wrdreg s2  }
0xb0: {  	[dreg:$0x4] =	wrdreg $0x8D500  }
0xb1: {  	[dreg:$0x5] =	wrdreg $0x9  }
0xb2: {  	_ =	task.clear_ibuf [dreg:s7], $0x6FFFF;
	_ =	strace $0x90000046  }
0xb3: {  	s29 =	simm.s32 $0x9;
	_ =	strace $0x80000048  }
0xb4: {  	_ =	swait.ge [sflag:s29], $0x1  }
0xb5: {  	[sflag:s29] =	ssyncadd.s32 $0xFFFFFFFF  }
0xb6: {  	_ =	strace $0x90000048  }
0xb7: {  	_ =	sfence  }
0xb8: {  	s30 =	sld [smem:$0x0];
	_ =	sdelay $0x2  }
0xb9: {  	s31 =	sshll.u32 s1, $0xD;
	s1 =	sshrl.u32 s1, $0x2  }
0xba: {  	s3 =	sand.u32 $0x4000, s31;
	s1 =	sadd.s32 s1, s30  }
0xbb: {  	s0 =	sor.u32 s3, s0;
	s1 =	sshll.u32 s1, $0x11  }
0xbc: {  	s0 =	sor.u32 s1, s0  }
0xbd: {  	s0 =	sadd.s32 $0x8F2B, s0  }
0xbe: {  	[sflag:s0] =	ssyncadd.remote.s32 $0x1  }
0xbf: {  	_ =	sfence.sel $0xFFFF  }
0xc0: {  	[dreg:$0x0] =	wrdreg $0xFFFFFFFF;
	(pc) =	sbr.abs _section_cstart, $3  }
0xc1: {  	[dreg:$0x1] =	wrdreg $0xFFFFFFFF  }
0xc2: {  	_ =	task.clear_ibuf [dreg:s7], $0x2FFFF;
	_ =	strace $0x9FFFFFFF  }
0xc3: {  	(tm) =	ssettm $0x7FFFFFFF  }
tec
execute0_lowered:
.L_overlay_start_1:
0x0: {  	(tag) =	ssettag $0x1  }
0x1: {  	s0 =	rddreg [dreg:$0x0]  }
0x2: {  	s2 =	rddreg [dreg:$0x2]  }
0x3: {  	s3 =	simm.s32 $0x0;
	s1 =	srdreg.scid;
	s15 =	stileid.u32  }
0x4: {  	s18 =	simm.s32 $0x7;
	s19 =	simm.s32 $0x7D00;
	s20 =	simm.s32 $0x8520  }
0x5: {  	s28 =	simm.s32 $0x76C0;
	s29 =	simm.s32 $0x1;
	s30 =	simm.s32 $0x3  }
0x6: {  	s31 =	simm.s32 $0x2;
	s17 =	simm.s32 $0x0;
	[smem:$0x7FF] =	sst s3  }
0x7: {  	s5 =	sadd.s32 $0x16E00, s0;
	s6 =	sadd.s32 $0x42E00, s0;
	s7 =	sadd.s32 $0xCA00, s0  }
0x8: {  	s1 =	sand.u32 $0x1, s1;
	s4 =	smul.u32 $0x57C00, s15;
	s8 =	sadd.s32 $0x2600, s0  }
0x9: {  	s10 =	sadd.s32 $0x47E00, s0;
	s12 =	smul.u32 $0x15F00, s15;
	s0 =	sadd.s32 $0x4AC00, s0  }
0xa: {  	s22 =	sshll.u32 s15, $0x1;
	s13 =	sadd.s32 $0x149100, s2;
	p0 =	seq.s32 s15, $0xF  }
0xb: {  	_ =	strace $0x80000047;
	s9 =	ssub.s32 $0x2, s1;
	s11 =	smul.u32 $0x15F900, s1  }
0xc: {  	[dreg:$0x4] =	wrdreg s10;
	s1 =	sor.u32 s1, s22;
	s22 =	simm.s32 $0x7080  }
0xd: {  	s21 =	sshrl.u32 s9, $0x1;
	s4 =	sshrl.u32 s4, $0x2;
	s10 =	smul.u32 $0x28A0, s1  }
0xe: {  	s1 =	simm.s32 $0x6;
	s9 =	ssub.s32 s9, s21;
	s23 =	sadd.s32 s12, s11  }
0xf: {  	s4 =	sadd.s32 s4, s2;
	s25 =	sshrl.u32 s11, $0x3;
	s11 =	sadd.s32 s12, s2  }
0x10: {  	s12 =	sshrl.u32 @p0 s13, $0x3;
	s14 =	sshrl.u32 s23, $0x3;
	s26 =	smax.u32 s9, $0x1  }
0x11: {  	[dreg:$0x8] =	wrdreg s12;
	s24 =	sadd.s32 s0, s14;
	s0 =	sadd.s32 s0, s25  }
0x12: {  	s21 =	simm.s32 $0x64;
	[dreg:$0x7] =	wrdreg s26;
	s0 =	sadd.s32 $0x29220, s0  }
.Ltmp0:
0x13: {  	[dreg:$0x6] =	wrdreg s0;
	s0 =	sshll.u32 @!p0 s15, $0x6;
	(pc) =	sbr.rel .LBB2_1-.Ltmp0, $4  }
0x14: {  	[dreg:$0x5] =	wrdreg s24;
	s13 =	sor.u32 @!p0 $0x1C07, s0;
	s0 =	sshrl.u32 @!p0 s4, $0x3  }
0x15: {  	s23 =	simm.s32 $0x7D68;
	s26 =	simm.s32 $0x8588;
	[dreg:$0xa] =	wrdreg s0  }
0x16: {  	s24 =	simm.s32 $0x3840;
	s0 =	sshrl.u32 @!p0 s11, $0x3;
	[dreg:$0x9] =	wrdreg s13  }
0x17: {  	s4 =	simm.s32 $0x5;
	[dreg:$0xb] =	wrdreg s0;
	s0 =	simm.s32 $0x4  }
.LBB2_10:
0x18: {  	[bflag:$0x0] =	sbarrier.arrive $0xFFFF  }
0x19: {  	s11 =	rddreg [dreg:$0x6]  }
0x1a: {  	s9 =	simm.s32 @p0 $0x1FC7;
	s12 =	rddreg [dreg:$0x8]  }
0x1b: {  	[hbm:s11], [sflag:s9] =	dma.local @p0 [spmem:s12], $0x2D00  }
0x1c: {  	s9 =	simm.s32 @p0 $0x7  }
0x1d: {  	_ =	swait.ge @p0 [sflag:s9], $0x2D00  }
0x1e: {  	s13 =	rddreg [dreg:$0x9]  }
0x1f: {  	[sflag:s9] =	ssyncset.done @p0 $0x0;
	s11 =	rddreg [dreg:$0xb]  }
0x20: {  	[sflag:s9] =	ssyncadd.s32 @p0 $0xFFFFD300;
	s9 =	rddreg [dreg:$0x5]  }
0x21: {  	[hbm:s9], [sflag:s13] =	dma.local @!p0 [spmem:s11], $0x2BE0  }
0x22: {  	s9 =	simm.s32 @!p0 $0x7  }
0x23: {  	_ =	swait.ge @!p0 [sflag:s9], $0x2BE0  }
0x24: {  	s17 =	sadd.s32 $0x1, s17;
	s25 =	rddreg [dreg:$0x7]  }
0x25: {  	p1 =	sne.s32 s17, s25  }
.Ltmp1:
0x26: {  	_ = 	snop;
	(pc) =	sbr.rel @!p1 .LBB2_11-.Ltmp1, $3  }
0x27: {  	_ =	sdelay $0x1  }
0x28: {  	[sflag:s9] =	ssyncset.done @!p0 $0x0  }
0x29: {  	[sflag:s9] =	ssyncadd.s32 @!p0 $0xFFFFD420  }
.LBB2_1:
0x2a: {  	s9 =	simm.s32 @p0 $0x1FC7;
	s11 =	rddreg [dreg:$0x4]  }
0x2b: {  	[spmem:s12], [sflag:s9] =	dma.local @p0 [hbm:s11], $0x2D00  }
0x2c: {  	s9 =	simm.s32 @p0 $0x7  }
0x2d: {  	_ =	swait.ge @p0 [sflag:s9], $0x2D00  }
0x2e: {  	[sflag:s9] =	ssyncset.done @p0 $0x0  }
0x2f: {  	[sflag:s9] =	ssyncadd.s32 @p0 $0xFFFFD300;
	s9 =	rddreg [dreg:$0xa]  }
0x30: {  	[spmem:s9], [sflag:s13] =	dma.local @!p0 [hbm:s11], $0x2BE0  }
0x31: {  	s9 =	simm.s32 @!p0 $0x7  }
0x32: {  	_ =	swait.ge @!p0 [sflag:s9], $0x2BE0  }
0x33: {  	[sflag:s9] =	ssyncset.done @!p0 $0x0  }
0x34: {  	[sflag:s9] =	ssyncadd.s32 @!p0 $0xFFFFD420  }
0x35: {  	s25 =	simm.s32 $0x8D40;
	s9 =	rddreg [dreg:$0x1]  }
0x36: {  	[tilespmem:s25], [sflag:$0x7] =	stream.linear.gather [hbm4b:s9+s3], $0x10, $0x38;
	[tilespmem:$0x1ECE0] =	vst v63  }
.Ltmp2:
0x37: {  	_ =	swait.ge [sflag:s18], $0x10;
	(pc) =	sbr.rel .LBB2_2-.Ltmp2, $4  }
0x38: {  	[sflag:s18] =	ssyncset.done $0x0  }
0x39: {  	[sflag:s18] =	ssyncadd.s32 $0xFFFFFFF0  }
0x3a: {  	[bflag:$0x0] =	sbarrier.arrive $0xFFFF  }
0x3b: {  	s11 =	simm.s32 $0x0;
	v0 =	vld [tilespmem:$0x8D40]  }
.LBB2_9:
0x3c: {  	s11 =	sadd.s32 $0x1, s11  }
0x3d: {  	p1 =	sne.s32 s11, $0x5  }
.Ltmp3:
0x3e: {  	_ = 	snop;
	(pc) =	sbr.rel @!p1 .LBB2_10-.Ltmp3, $4  }
0x3f: {  	_ = 	snop  }
0x40: {  	_ =	swait.ge [sflag:s1], $0x3840  }
0x41: {  	[sflag:s1] =	ssyncset.done $0x0  }
0x42: {  	[sflag:s1] =	ssyncadd.s32 $0xFFFFC7C0  }
.LBB2_2:
0x43: {  	s9 =	smul.u32 $0x820, s11;
	_ =	sdelay $0x1  }
0x44: {  	s9 =	sadd.s32 s10, s9  }
0x45: {  	s9 =	sshrl.u32 s9, $0x3  }
0x46: {  	s12 =	simm.s32 $0x0;
	s13 =	sadd.s32 s7, s9  }
0x47: {  	[tilespmem:s19], [sflag:$0x7] =	stream.linear.gather [hbm4b:s13+s12], $0x820, $0x38;
	[tilespmem:$0x1ECE0] =	vst v63  }
0x48: {  	_ =	swait.ge [sflag:s18], $0x820  }
0x49: {  	[sflag:s18] =	ssyncset.done $0x0  }
0x4a: {  	s9 =	sadd.s32 s8, s9;
	[sflag:s18] =	ssyncadd.s32 $0xFFFFF7E0  }
0x4b: {  	[tilespmem:s20], [sflag:$0x7] =	stream.linear.gather [hbm4b:s9+s12], $0x820, $0x38;
	[tilespmem:$0x1ECE0] =	vst v63  }
0x4c: {  	_ =	swait.ge [sflag:s18], $0x820  }
0x4d: {  	[sflag:s18] =	ssyncset.done $0x0  }
0x4e: {  	[sflag:s18] =	ssyncadd.s32 $0xFFFFF7E0  }
0x4f: {  	[tilespmem:s12], [sflag:$0x1] =	stream.indirect.gather [hbm4b:s5+s21], $0x90, s19, s21, $0xb8;
	[tilespmem:$0x1ECE0] =	vst v63  }
0x50: {  	_ = 	snop  }
0x51: {  	[tilespmem:s22], [sflag:$0x3] =	stream.indirect.gather [hbm4b:s6+s21], $0x10, s20, s21, $0xb8;
	[tilespmem:$0x1ECE0] =	vst v63  }
0x52: {  	_ = 	snop  }
0x53: {  	[tilespmem:s24], [sflag:$0x2] =	stream.indirect.gather [hbm4b:s5+s21], $0x90, s23, s21, $0xb8;
	[tilespmem:$0x1ECE0] =	vst v63  }
0x54: {  	_ = 	snop  }
0x55: {  	[tilespmem:s28], [sflag:$0x4] =	stream.indirect.gather [hbm4b:s6+s21], $0x10, s26, s21, $0xb8;
	[tilespmem:$0x1ECE0] =	vst v63  }
.LBB2_3:
0x56: {  	_ =	swait.ge [sflag:s29], $0x3840  }
0x57: {  	[sflag:s29] =	ssyncset.done $0x0  }
0x58: {  	[sflag:s29] =	ssyncadd.s32 $0xFFFFC7C0  }
0x59: {  	_ =	swait.ge [sflag:s30], $0x640  }
0x5a: {  	[sflag:s30] =	ssyncset.done $0x0  }
0x5b: {  	s16 =	simm.s32 $0x120;
	[sflag:s30] =	ssyncadd.s32 $0xFFFFF9C0  }
0x5c: {  	s13 =	simm.s32 $0x70A0;
	v1 =	vld [tilespmem:s16+$0xFFFFFF60]  }
0x5d: {  	v2 =	vld [tilespmem:s13+$0xFFFFFFE0];
	_ =	sdelay $0x4  }
0x5e: {  	v1 =	vadd.f32 v2, v1;
	_ =	sdelay $0x1  }
0x5f: {  	v2 =	vmul.f32 $2.000000030e-01, v1  }
0x60: {  	vm0 =	vge.f32 v1, $0.0e+00  }
0x61: {  	v1 =	vsel vm0, v1, v2  }
0x62: {  	v1 =	vsub.f32 v1, v0;
	_ =	sdelay $0x1  }
0x63: {  	v1 =	vmul.f32 $1.442695020e+00, v1;
	_ =	sdelay $0x1  }
0x64: {  	(erf) = vpow2.f32 v1;
	_ =	sdelay $0x6  }
0x65: {  	v2 =	vld [tilespmem:s16+$0xFFFFFF00]  }
0x66: {  	v3 =	vld [tilespmem:s16+$0xFFFFFF10]  }
0x67: {  	v4 =	vld [tilespmem:s16+$0xFFFFFEE0];
	v5 =	vpop (erf)  }
0x68: {  	v6 =	vld [tilespmem:s16+$0xFFFFFEF0];
	v7 =	vbroadcast v5, $0x2  }
0x69: {  	v8 =	vld [tilespmem:s16+$0xFFFFFF50];
	v9 =	vbroadcast v5, $0x3  }
0x6a: {  	v34 =	vld [tilespmem:s16+$0xFFFFFF20];
	v10 =	vbroadcast v5, $0x0;
	v2 =	vmul.f32 v7, v2  }
0x6b: {  	v11 =	vld [tilespmem:s16+$0xFFFFFF30];
	[tilespmem:s16+$0xFFFFFF60] =	vst v5;
	v12 =	vbroadcast v5, $0x1;
	v3 =	vmul.f32 v3, v9  }
0x6c: {  	v1 =	vld [tilespmem:s16+$0xFFFFFF40];
	v35 =	vbroadcast v5, $0x7;
	v4 =	vmul.f32 v10, v4;
	[tilespmem:s16+$0xFFFFFF00] =	vst v2  }
0x6d: {  	v6 =	vmul.f32 v12, v6;
	v2 =	vbroadcast v5, $0x4;
	[tilespmem:s16+$0xFFFFFF10] =	vst v3  }
0x6e: {  	v36 =	vmul.f32 v8, v35;
	v3 =	vbroadcast v5, $0x5;
	[tilespmem:s16+$0xFFFFFEE0] =	vst v4  }
0x6f: {  	v5 =	vbroadcast v5, $0x6;
	[tilespmem:s16+$0xFFFFFEF0] =	vst v6;
	v2 =	vmul.f32 v34, v2  }
0x70: {  	[tilespmem:s16+$0xFFFFFF50] =	vst v36;
	v3 =	vmul.f32 v11, v3  }
0x71: {  	v1 =	vmul.f32 v1, v5;
	[tilespmem:s16+$0xFFFFFF20] =	vst v2  }
0x72: {  	[tilespmem:s16+$0xFFFFFF30] =	vst v3  }
0x73: {  	[tilespmem:s16+$0xFFFFFF40] =	vst v1;
	v1 =	vld [tilespmem:s16+$0xFFFFFFF0]  }
0x74: {  	v2 =	vld [tilespmem:s13+$0xFFFFFFF0];
	_ =	sdelay $0x4  }
0x75: {  	v1 =	vadd.f32 v2, v1;
	_ =	sdelay $0x1  }
0x76: {  	v2 =	vmul.f32 $2.000000030e-01, v1  }
0x77: {  	vm14 =	vge.f32 v1, $0.0e+00  }
0x78: {  	v1 =	vsel vm14, v1, v2  }
0x79: {  	v1 =	vsub.f32 v1, v0;
	_ =	sdelay $0x1  }
0x7a: {  	v1 =	vmul.f32 $1.442695020e+00, v1;
	_ =	sdelay $0x1  }
0x7b: {  	(erf) = vpow2.f32 v1;
	_ =	sdelay $0x6  }
0x7c: {  	v2 =	vld [tilespmem:s16+$0xFFFFFFE0]  }
0x7d: {  	v3 =	vld [tilespmem:s16+$0xFFFFFF90]  }
0x7e: {  	v37 =	vld [tilespmem:s16+$0xFFFFFFC0];
	v38 =	vpop (erf)  }
0x7f: {  	v43 =	vld [tilespmem:s16+$0xFFFFFF70];
	v40 =	vbroadcast v38, $0x7  }
0x80: {  	v1 =	vld [tilespmem:s16+$0xFFFFFFD0];
	v41 =	vbroadcast v38, $0x2  }
0x81: {  	v39 =	vld [tilespmem:s16+$0xFFFFFF80];
	v44 =	vbroadcast v38, $0x5;
	v2 =	vmul.f32 v2, v40  }
0x82: {  	v42 =	vld [tilespmem:s16+$0xFFFFFFA0];
	[tilespmem:s16+$0xFFFFFFF0] =	vst v38;
	v47 =	vbroadcast v38, $0x0;
	v3 =	vmul.f32 v41, v3  }
0x83: {  	v45 =	vld [tilespmem:s16+$0xFFFFFFB0];
	v49 =	vbroadcast v38, $0x6;
	v4 =	vmul.f32 v37, v44;
	[tilespmem:s16+$0xFFFFFFE0] =	vst v2  }
0x84: {  	v46 =	vbroadcast v38, $0x1;
	v50 =	vmul.f32 v47, v43;
	[tilespmem:s16+$0xFFFFFF90] =	vst v3  }
0x85: {  	v1 =	vmul.f32 v1, v49;
	v2 =	vbroadcast v38, $0x3;
	[tilespmem:s16+$0xFFFFFFC0] =	vst v4  }
0x86: {  	v48 =	vbroadcast v38, $0x4;
	v3 =	vmul.f32 v46, v39;
	[tilespmem:s16+$0xFFFFFF70] =	vst v50  }
0x87: {  	[tilespmem:s16+$0xFFFFFFD0] =	vst v1;
	v2 =	vmul.f32 v42, v2  }
0x88: {  	[tilespmem:s16+$0xFFFFFF80] =	vst v3;
	v3 =	vmul.f32 v45, v48  }
0x89: {  	[tilespmem:s16+$0xFFFFFFA0] =	vst v2  }
0x8a: {  	v1 =	vld [tilespmem:s16+$0x80];
	[tilespmem:s16+$0xFFFFFFB0] =	vst v3  }
0x8b: {  	v2 =	vld [tilespmem:s13+$0x0];
	_ =	sdelay $0x4  }
0x8c: {  	v1 =	vadd.f32 v2, v1;
	_ =	sdelay $0x1  }
0x8d: {  	v2 =	vmul.f32 $2.000000030e-01, v1  }
0x8e: {  	vm15 =	vge.f32 v1, $0.0e+00  }
0x8f: {  	v1 =	vsel vm15, v1, v2  }
0x90: {  	v1 =	vsub.f32 v1, v0;
	_ =	sdelay $0x1  }
0x91: {  	v1 =	vmul.f32 $1.442695020e+00, v1;
	_ =	sdelay $0x1  }
0x92: {  	(erf) = vpow2.f32 v1;
	_ =	sdelay $0x6  }
0x93: {  	v2 =	vld [tilespmem:s16+$0x40]  }
0x94: {  	v3 =	vld [tilespmem:s16+$0x0]  }
0x95: {  	v52 =	vld [tilespmem:s16+$0x20];
	v51 =	vpop (erf)  }
0x96: {  	v54 =	vld [tilespmem:s16+$0x70];
	v53 =	vbroadcast v51, $0x4  }
0x97: {  	v56 =	vld [tilespmem:s16+$0x30];
	v55 =	vbroadcast v51, $0x0  }
0x98: {  	v58 =	vld [tilespmem:s16+$0x10];
	v57 =	vbroadcast v51, $0x2;
	v2 =	vmul.f32 v2, v53  }
0x99: {  	v1 =	vld [tilespmem:s16+$0x50];
	[tilespmem:s16+$0x80] =	vst v51;
	v59 =	vbroadcast v51, $0x7;
	v3 =	vmul.f32 v55, v3  }
0x9a: {  	v60 =	vbroadcast v51, $0x3;
	v5 =	vmul.f32 v57, v52;
	[tilespmem:s16+$0x40] =	vst v2  }
0x9b: {  	v61 =	vbroadcast v51, $0x1;
	v7 =	vmul.f32 v54, v59;
	[tilespmem:s16+$0x0] =	vst v3;
	v3 =	vld [tilespmem:s16+$0x60]  }
0x9c: {  	v62 =	vmul.f32 v56, v60;
	v2 =	vbroadcast v51, $0x5;
	[tilespmem:s16+$0x20] =	vst v5  }
0x9d: {  	v63 =	vmul.f32 v61, v58;
	[tilespmem:s16+$0x70] =	vst v7  }
0x9e: {  	[tilespmem:s16+$0x30] =	vst v62;
	v1 =	vmul.f32 v1, v2;
	v2 =	vbroadcast v51, $0x6  }
0x9f: {  	[tilespmem:s16+$0x10] =	vst v63  }
0xa0: {  	s25 =	simm.s32 $0x0;
	s14 =	simm.s32 $0x120;
	s9 =	simm.s32 $0x70A0;
	[tilespmem:s16+$0x50] =	vst v1;
	v1 =	vmul.f32 v3, v2  }
.LBB2_4:
0xa1: {  	_ = 	snop  }
0xa2: {  	s25 =	sadd.s32 $0x4, s25;
	s14 =	sadd.s32 $0x240, s14;
	s13 =	sadd.s32 $0x40, s13;
	[tilespmem:s16+$0x60] =	vst v1;
	v1 =	vld [tilespmem:s16+$0x110]  }
0xa3: {  	p1 =	slt.u32 s25, $0x60;
	v2 =	vld [tilespmem:s9+$0x10];
	s9 =	smov.u32 s13;
	_ =	sdelay $0x4  }
0xa4: {  	v1 =	vadd.f32 v2, v1;
	_ =	sdelay $0x1  }
0xa5: {  	v2 =	vmul.f32 $2.000000030e-01, v1  }
0xa6: {  	vm0 =	vge.f32 v1, $0.0e+00  }
0xa7: {  	v1 =	vsel vm0, v1, v2  }
0xa8: {  	v1 =	vsub.f32 v1, v0;
	_ =	sdelay $0x1  }
0xa9: {  	v1 =	vmul.f32 $1.442695020e+00, v1;
	_ =	sdelay $0x1  }
0xaa: {  	(erf) = vpow2.f32 v1;
	_ =	sdelay $0x4  }
0xab: {  	v1 =	vld [tilespmem:s16+$0xB0]  }
0xac: {  	v2 =	vld [tilespmem:s16+$0x100]  }
0xad: {  	v3 =	vld [tilespmem:s16+$0xF0]  }
0xae: {  	v4 =	vld [tilespmem:s16+$0xC0]  }
0xaf: {  	v5 =	vld [tilespmem:s16+$0xD0];
	v6 =	vpop (erf)  }
0xb0: {  	[tilespmem:s16+$0x110] =	vst v6;
	v7 =	vbroadcast v6, $0x0;
	v8 =	vbroadcast v6, $0x1;
	v9 =	vld [tilespmem:s16+$0xE0]  }
0xb1: {  	v11 =	vbroadcast v6, $0x2;
	v12 =	vbroadcast v6, $0x3;
	v10 =	vld [tilespmem:s16+$0x90]  }
0xb2: {  	v14 =	vbroadcast v6, $0x4;
	v15 =	vbroadcast v6, $0x5;
	v13 =	vld [tilespmem:s16+$0xA0]  }
0xb3: {  	v4 =	vmul.f32 v4, v12;
	v12 =	vbroadcast v6, $0x6  }
0xb4: {  	v6 =	vbroadcast v6, $0x7;
	v5 =	vmul.f32 v5, v14  }
0xb5: {  	[tilespmem:s16+$0xC0] =	vst v4;
	v4 =	vmul.f32 v9, v15;
	v3 =	vmul.f32 v3, v12  }
0xb6: {  	v2 =	vmul.f32 v2, v6;
	v7 =	vmul.f32 v7, v10;
	[tilespmem:s16+$0xD0] =	vst v5  }
0xb7: {  	v1 =	vmul.f32 v11, v1;
	v5 =	vmul.f32 v8, v13;
	[tilespmem:s16+$0xE0] =	vst v4  }
0xb8: {  	[tilespmem:s16+$0x100] =	vst v2  }
0xb9: {  	[tilespmem:s16+$0xF0] =	vst v3  }
0xba: {  	[tilespmem:s16+$0x90] =	vst v7  }
0xbb: {  	[tilespmem:s16+$0xB0] =	vst v1  }
0xbc: {  	v1 =	vld [tilespmem:s14+$0xFFFFFF60];
	[tilespmem:s16+$0xA0] =	vst v5;
	s16 =	smov.u32 s14  }
0xbd: {  	v2 =	vld [tilespmem:s13+$0xFFFFFFE0];
	_ =	sdelay $0x4  }
0xbe: {  	v1 =	vadd.f32 v2, v1;
	_ =	sdelay $0x1  }
0xbf: {  	v2 =	vmul.f32 $2.000000030e-01, v1  }
0xc0: {  	vm0 =	vge.f32 v1, $0.0e+00  }
0xc1: {  	v1 =	vsel vm0, v1, v2  }
0xc2: {  	v1 =	vsub.f32 v1, v0;
	_ =	sdelay $0x1  }
0xc3: {  	v1 =	vmul.f32 $1.442695020e+00, v1;
	_ =	sdelay $0x1  }
0xc4: {  	(erf) = vpow2.f32 v1;
	_ =	sdelay $0x4  }
0xc5: {  	v1 =	vld [tilespmem:s14+$0xFFFFFF40]  }
0xc6: {  	v2 =	vld [tilespmem:s14+$0xFFFFFF50]  }
0xc7: {  	v3 =	vld [tilespmem:s14+$0xFFFFFF00]  }
0xc8: {  	v4 =	vld [tilespmem:s14+$0xFFFFFF10]  }
0xc9: {  	v5 =	vld [tilespmem:s14+$0xFFFFFEE0];
	v6 =	vpop (erf)  }
0xca: {  	[tilespmem:s14+$0xFFFFFF60] =	vst v6;
	v7 =	vld [tilespmem:s14+$0xFFFFFEF0];
	v8 =	vbroadcast v6, $0x2;
	v9 =	vbroadcast v6, $0x3  }
0xcb: {  	v10 =	vbroadcast v6, $0x0;
	v12 =	vbroadcast v6, $0x7;
	v11 =	vld [tilespmem:s14+$0xFFFFFF30]  }
0xcc: {  	v13 =	vbroadcast v6, $0x4;
	v3 =	vmul.f32 v8, v3;
	v8 =	vld [tilespmem:s14+$0xFFFFFF20]  }
0xcd: {  	v14 =	vbroadcast v6, $0x1;
	v4 =	vmul.f32 v4, v9  }
0xce: {  	v5 =	vmul.f32 v10, v5;
	[tilespmem:s14+$0xFFFFFF00] =	vst v3;
	v3 =	vbroadcast v6, $0x5  }
0xcf: {  	v7 =	vmul.f32 v14, v7;
	[tilespmem:s14+$0xFFFFFF10] =	vst v4;
	v4 =	vbroadcast v6, $0x6  }
0xd0: {  	v2 =	vmul.f32 v2, v12;
	[tilespmem:s14+$0xFFFFFEE0] =	vst v5;
	v3 =	vmul.f32 v11, v3  }
0xd1: {  	[tilespmem:s14+$0xFFFFFEF0] =	vst v7;
	v5 =	vmul.f32 v8, v13;
	v1 =	vmul.f32 v1, v4  }
0xd2: {  	[tilespmem:s14+$0xFFFFFF50] =	vst v2  }
0xd3: {  	[tilespmem:s14+$0xFFFFFF20] =	vst v5  }
0xd4: {  	[tilespmem:s14+$0xFFFFFF30] =	vst v3  }
0xd5: {  	[tilespmem:s14+$0xFFFFFF40] =	vst v1;
	v1 =	vld [tilespmem:s14+$0xFFFFFFF0]  }
0xd6: {  	v2 =	vld [tilespmem:s13+$0xFFFFFFF0];
	_ =	sdelay $0x4  }
0xd7: {  	v1 =	vadd.f32 v2, v1;
	_ =	sdelay $0x1  }
0xd8: {  	v2 =	vmul.f32 $2.000000030e-01, v1  }
0xd9: {  	vm0 =	vge.f32 v1, $0.0e+00  }
0xda: {  	v1 =	vsel vm0, v1, v2  }
0xdb: {  	v1 =	vsub.f32 v1, v0;
	_ =	sdelay $0x1  }
0xdc: {  	v1 =	vmul.f32 $1.442695020e+00, v1;
	_ =	sdelay $0x1  }
0xdd: {  	(erf) = vpow2.f32 v1;
	_ =	sdelay $0x4  }
0xde: {  	v1 =	vld [tilespmem:s14+$0xFFFFFFB0]  }
0xdf: {  	v2 =	vld [tilespmem:s14+$0xFFFFFFD0]  }
0xe0: {  	v3 =	vld [tilespmem:s14+$0xFFFFFFE0]  }
0xe1: {  	v4 =	vld [tilespmem:s14+$0xFFFFFF90]  }
0xe2: {  	v5 =	vld [tilespmem:s14+$0xFFFFFFC0];
	v6 =	vpop (erf)  }
0xe3: {  	[tilespmem:s14+$0xFFFFFFF0] =	vst v6;
	v7 =	vbroadcast v6, $0x0;
	v8 =	vld [tilespmem:s14+$0xFFFFFF80];
	v9 =	vbroadcast v6, $0x7  }
0xe4: {  	v11 =	vbroadcast v6, $0x2;
	v12 =	vbroadcast v6, $0x6;
	v10 =	vld [tilespmem:s14+$0xFFFFFF70]  }
0xe5: {  	v14 =	vbroadcast v6, $0x5;
	v13 =	vld [tilespmem:s14+$0xFFFFFFA0];
	v3 =	vmul.f32 v3, v9  }
0xe6: {  	v2 =	vmul.f32 v2, v12;
	v4 =	vmul.f32 v11, v4  }
0xe7: {  	v9 =	vbroadcast v6, $0x1;
	v5 =	vmul.f32 v5, v14;
	[tilespmem:s14+$0xFFFFFFE0] =	vst v3  }
0xe8: {  	v3 =	vbroadcast v6, $0x3;
	[tilespmem:s14+$0xFFFFFF90] =	vst v4;
	v4 =	vbroadcast v6, $0x4  }
0xe9: {  	v6 =	vmul.f32 v7, v10;
	v7 =	vmul.f32 v9, v8;
	[tilespmem:s14+$0xFFFFFFC0] =	vst v5  }
0xea: {  	v3 =	vmul.f32 v13, v3;
	v1 =	vmul.f32 v1, v4  }
0xeb: {  	[tilespmem:s14+$0xFFFFFF80] =	vst v7  }
0xec: {  	[tilespmem:s14+$0xFFFFFFA0] =	vst v3  }
0xed: {  	[tilespmem:s14+$0xFFFFFF70] =	vst v6  }
0xee: {  	[tilespmem:s14+$0xFFFFFFB0] =	vst v1  }
0xef: {  	[tilespmem:s14+$0xFFFFFFD0] =	vst v2;
	v1 =	vld [tilespmem:s14+$0x80]  }
0xf0: {  	v2 =	vld [tilespmem:s13+$0x0];
	_ =	sdelay $0x4  }
0xf1: {  	v1 =	vadd.f32 v2, v1;
	_ =	sdelay $0x1  }
0xf2: {  	v2 =	vmul.f32 $2.000000030e-01, v1  }
0xf3: {  	vm0 =	vge.f32 v1, $0.0e+00  }
0xf4: {  	v1 =	vsel vm0, v1, v2  }
0xf5: {  	v1 =	vsub.f32 v1, v0;
	_ =	sdelay $0x1  }
0xf6: {  	v1 =	vmul.f32 $1.442695020e+00, v1;
	_ =	sdelay $0x1  }
0xf7: {  	(erf) = vpow2.f32 v1;
	_ =	sdelay $0x5  }
0xf8: {  	v1 =	vld [tilespmem:s14+$0x50]  }
0xf9: {  	v2 =	vld [tilespmem:s14+$0x40]  }
0xfa: {  	v3 =	vld [tilespmem:s14+$0x0]  }
0xfb: {  	v4 =	vld [tilespmem:s14+$0x20];
	v5 =	vpop (erf)  }
0xfc: {  	[tilespmem:s14+$0x80] =	vst v5;
	v6 =	vbroadcast v5, $0x0;
	v7 =	vbroadcast v5, $0x4;
	v8 =	vld [tilespmem:s14+$0x70]  }
0xfd: {  	v9 =	vbroadcast v5, $0x1;
	v11 =	vbroadcast v5, $0x3;
	v10 =	vld [tilespmem:s14+$0x30]  }
0xfe: {  	v13 =	vbroadcast v5, $0x2;
	v12 =	vld [tilespmem:s14+$0x10];
	v2 =	vmul.f32 v2, v7  }
0xff: {  	v3 =	vmul.f32 v6, v3;
	v6 =	vbroadcast v5, $0x7  }
0x100: {  	v4 =	vmul.f32 v13, v4;
	[tilespmem:s14+$0x40] =	vst v2;
	v2 =	vbroadcast v5, $0x5  }
0x101: {  	v5 =	vbroadcast v5, $0x6;
	[tilespmem:s14+$0x0] =	vst v3;
	v3 =	vld [tilespmem:s14+$0x60];
	v6 =	vmul.f32 v8, v6  }
.Ltmp4:
0x102: {  	[tilespmem:s14+$0x20] =	vst v4;
	v4 =	vmul.f32 v10, v11;
	(pc) =	sbr.rel @p1 .LBB2_4-.Ltmp4, $4  }
0x103: {  	v1 =	vmul.f32 v1, v2;
	v7 =	vmul.f32 v9, v12;
	[tilespmem:s14+$0x70] =	vst v6  }
0x104: {  	[tilespmem:s14+$0x30] =	vst v4  }
0x105: {  	[tilespmem:s14+$0x50] =	vst v1  }
0x106: {  	[tilespmem:s14+$0x10] =	vst v7;
	v1 =	vmul.f32 v3, v5  }
0x107: {  	_ = 	snop  }
0x108: {  	[tilespmem:s16+$0x60] =	vst v1;
	v1 =	vld [tilespmem:s16+$0x110]  }
0x109: {  	v2 =	vld [tilespmem:s9+$0x10];
	_ =	sdelay $0x4  }
0x10a: {  	v1 =	vadd.f32 v2, v1;
	_ =	sdelay $0x1  }
0x10b: {  	v2 =	vmul.f32 $2.000000030e-01, v1  }
0x10c: {  	vm0 =	vge.f32 v1, $0.0e+00  }
0x10d: {  	v1 =	vsel vm0, v1, v2  }
0x10e: {  	v1 =	vsub.f32 v1, v0;
	_ =	sdelay $0x1  }
0x10f: {  	v1 =	vmul.f32 $1.442695020e+00, v1;
	_ =	sdelay $0x1  }
0x110: {  	(erf) = vpow2.f32 v1;
	_ =	sdelay $0x6  }
0x111: {  	v3 =	vld [tilespmem:s16+$0xC0]  }
0x112: {  	v5 =	vld [tilespmem:s16+$0xD0]  }
0x113: {  	v1 =	vld [tilespmem:s16+$0x100];
	v4 =	vpop (erf)  }
0x114: {  	v6 =	vld [tilespmem:s16+$0xE0];
	v7 =	vbroadcast v4, $0x3  }
0x115: {  	v2 =	vld [tilespmem:s16+$0xF0];
	v9 =	vbroadcast v4, $0x4  }
0x116: {  	v10 =	vld [tilespmem:s16+$0x90];
	v21 =	vbroadcast v4, $0x7;
	v3 =	vmul.f32 v3, v7  }
0x117: {  	v8 =	vld [tilespmem:s16+$0xB0];
	[tilespmem:s16+$0x110] =	vst v4;
	v11 =	vbroadcast v4, $0x5;
	v5 =	vmul.f32 v5, v9  }
0x118: {  	v20 =	vld [tilespmem:s16+$0xA0];
	v12 =	vbroadcast v4, $0x6;
	v1 =	vmul.f32 v1, v21;
	[tilespmem:s16+$0xC0] =	vst v3  }
0x119: {  	v22 =	vbroadcast v4, $0x0;
	v3 =	vmul.f32 v6, v11;
	[tilespmem:s16+$0xD0] =	vst v5  }
0x11a: {  	v23 =	vbroadcast v4, $0x2;
	v2 =	vmul.f32 v2, v12;
	[tilespmem:s16+$0x100] =	vst v1  }
0x11b: {  	v24 =	vmul.f32 v22, v10;
	[tilespmem:s16+$0xE0] =	vst v3;
	v3 =	vbroadcast v4, $0x1  }
0x11c: {  	s25 =	smul.u32 $0x340, s12;
	v1 =	vmul.f32 v23, v8;
	[tilespmem:s16+$0xF0] =	vst v2  }
0x11d: {  	[tilespmem:s16+$0x90] =	vst v24;
	v2 =	vmul.f32 v3, v20  }
0x11e: {  	s13 =	sshra.s32 s25, $0x2;
	[tilespmem:s16+$0xB0] =	vst v1  }
0x11f: {  	s9 =	sadd.s32 $0x8520, s13;
	[tilespmem:s16+$0xA0] =	vst v2  }
0x120: {  	[spmem:s2] =	stream.indirect.scatter.add.f32 [tilespmem:s3], [sflag:$0x5], $0x90, s9, s21, $0xb8;
	[tilespmem:$0x1ECE0] =	vst v63  }
0x121: {  	_ =	swait.ge [sflag:s31], $0x3840  }
0x122: {  	[sflag:s31] =	ssyncset.done $0x0  }
0x123: {  	[sflag:s31] =	ssyncadd.s32 $0xFFFFC7C0  }
0x124: {  	_ =	swait.ge [sflag:s0], $0x640  }
0x125: {  	[sflag:s0] =	ssyncset.done $0x0  }
0x126: {  	s16 =	simm.s32 $0x3960;
	[sflag:s0] =	ssyncadd.s32 $0xFFFFF9C0  }
0x127: {  	s25 =	simm.s32 $0x76E0;
	v1 =	vld [tilespmem:s16+$0xFFFFFF60]  }
0x128: {  	v2 =	vld [tilespmem:s25+$0xFFFFFFE0];
	_ =	sdelay $0x4  }
0x129: {  	v1 =	vadd.f32 v2, v1;
	_ =	sdelay $0x1  }
0x12a: {  	v2 =	vmul.f32 $2.000000030e-01, v1  }
0x12b: {  	vm13 =	vge.f32 v1, $0.0e+00  }
0x12c: {  	v1 =	vsel vm13, v1, v2  }
0x12d: {  	v1 =	vsub.f32 v1, v0;
	_ =	sdelay $0x1  }
0x12e: {  	v1 =	vmul.f32 $1.442695020e+00, v1;
	_ =	sdelay $0x1  }
0x12f: {  	(erf) = vpow2.f32 v1;
	_ =	sdelay $0x6  }
0x130: {  	v2 =	vld [tilespmem:s16+$0xFFFFFF00]  }
0x131: {  	v3 =	vld [tilespmem:s16+$0xFFFFFF10]  }
0x132: {  	v25 =	vld [tilespmem:s16+$0xFFFFFEE0];
	v26 =	vpop (erf)  }
0x133: {  	v27 =	vld [tilespmem:s16+$0xFFFFFEF0];
	v28 =	vbroadcast v26, $0x2  }
0x134: {  	v29 =	vld [tilespmem:s16+$0xFFFFFF50];
	v30 =	vbroadcast v26, $0x3  }
0x135: {  	v1 =	vld [tilespmem:s16+$0xFFFFFF40];
	v31 =	vbroadcast v26, $0x0;
	v2 =	vmul.f32 v28, v2  }
0x136: {  	v32 =	vld [tilespmem:s16+$0xFFFFFF20];
	[tilespmem:s16+$0xFFFFFF60] =	vst v26;
	v34 =	vbroadcast v26, $0x1;
	v3 =	vmul.f32 v3, v30  }
0x137: {  	v33 =	vld [tilespmem:s16+$0xFFFFFF30];
	v35 =	vbroadcast v26, $0x7;
	v4 =	vmul.f32 v31, v25;
	[tilespmem:s16+$0xFFFFFF00] =	vst v2  }
0x138: {  	v5 =	vbroadcast v26, $0x6;
	v6 =	vmul.f32 v34, v27;
	[tilespmem:s16+$0xFFFFFF10] =	vst v3  }
0x139: {  	v36 =	vmul.f32 v29, v35;
	v2 =	vbroadcast v26, $0x4;
	[tilespmem:s16+$0xFFFFFEE0] =	vst v4  }
0x13a: {  	v1 =	vmul.f32 v1, v5;
	v3 =	vbroadcast v26, $0x5;
	[tilespmem:s16+$0xFFFFFEF0] =	vst v6  }
0x13b: {  	[tilespmem:s16+$0xFFFFFF50] =	vst v36;
	v2 =	vmul.f32 v32, v2  }
0x13c: {  	[tilespmem:s16+$0xFFFFFF40] =	vst v1;
	v3 =	vmul.f32 v33, v3  }
0x13d: {  	[tilespmem:s16+$0xFFFFFF20] =	vst v2  }
0x13e: {  	v1 =	vld [tilespmem:s16+$0xFFFFFFF0];
	[tilespmem:s16+$0xFFFFFF30] =	vst v3  }
0x13f: {  	v2 =	vld [tilespmem:s25+$0xFFFFFFF0];
	_ =	sdelay $0x4  }
0x140: {  	v1 =	vadd.f32 v2, v1;
	_ =	sdelay $0x1  }
0x141: {  	v2 =	vmul.f32 $2.000000030e-01, v1  }
0x142: {  	vm14 =	vge.f32 v1, $0.0e+00  }
0x143: {  	v1 =	vsel vm14, v1, v2  }
0x144: {  	v1 =	vsub.f32 v1, v0;
	_ =	sdelay $0x1  }
0x145: {  	v1 =	vmul.f32 $1.442695020e+00, v1;
	_ =	sdelay $0x1  }
0x146: {  	(erf) = vpow2.f32 v1;
	_ =	sdelay $0x6  }
0x147: {  	v2 =	vld [tilespmem:s16+$0xFFFFFFE0]  }
0x148: {  	v3 =	vld [tilespmem:s16+$0xFFFFFF90]  }
0x149: {  	v37 =	vld [tilespmem:s16+$0xFFFFFFC0];
	v38 =	vpop (erf)  }
0x14a: {  	v43 =	vld [tilespmem:s16+$0xFFFFFF70];
	v40 =	vbroadcast v38, $0x7  }
0x14b: {  	v1 =	vld [tilespmem:s16+$0xFFFFFFD0];
	v41 =	vbroadcast v38, $0x2  }
0x14c: {  	v39 =	vld [tilespmem:s16+$0xFFFFFF80];
	v44 =	vbroadcast v38, $0x5;
	v2 =	vmul.f32 v2, v40  }
0x14d: {  	v42 =	vld [tilespmem:s16+$0xFFFFFFA0];
	[tilespmem:s16+$0xFFFFFFF0] =	vst v38;
	v47 =	vbroadcast v38, $0x0;
	v3 =	vmul.f32 v41, v3  }
0x14e: {  	v45 =	vld [tilespmem:s16+$0xFFFFFFB0];
	v49 =	vbroadcast v38, $0x6;
	v4 =	vmul.f32 v37, v44;
	[tilespmem:s16+$0xFFFFFFE0] =	vst v2  }
0x14f: {  	v46 =	vbroadcast v38, $0x1;
	v50 =	vmul.f32 v47, v43;
	[tilespmem:s16+$0xFFFFFF90] =	vst v3  }
0x150: {  	v1 =	vmul.f32 v1, v49;
	v2 =	vbroadcast v38, $0x3;
	[tilespmem:s16+$0xFFFFFFC0] =	vst v4  }
0x151: {  	v48 =	vbroadcast v38, $0x4;
	v3 =	vmul.f32 v46, v39;
	[tilespmem:s16+$0xFFFFFF70] =	vst v50  }
0x152: {  	[tilespmem:s16+$0xFFFFFFD0] =	vst v1;
	v2 =	vmul.f32 v42, v2  }
0x153: {  	[tilespmem:s16+$0xFFFFFF80] =	vst v3;
	v3 =	vmul.f32 v45, v48  }
0x154: {  	[tilespmem:s16+$0xFFFFFFA0] =	vst v2  }
0x155: {  	v1 =	vld [tilespmem:s16+$0x80];
	[tilespmem:s16+$0xFFFFFFB0] =	vst v3  }
0x156: {  	v2 =	vld [tilespmem:s25+$0x0];
	_ =	sdelay $0x4  }
0x157: {  	v1 =	vadd.f32 v2, v1;
	_ =	sdelay $0x1  }
0x158: {  	v2 =	vmul.f32 $2.000000030e-01, v1  }
0x159: {  	vm15 =	vge.f32 v1, $0.0e+00  }
0x15a: {  	v1 =	vsel vm15, v1, v2  }
0x15b: {  	v1 =	vsub.f32 v1, v0;
	_ =	sdelay $0x1  }
0x15c: {  	v1 =	vmul.f32 $1.442695020e+00, v1;
	_ =	sdelay $0x1  }
0x15d: {  	(erf) = vpow2.f32 v1;
	_ =	sdelay $0x6  }
0x15e: {  	v2 =	vld [tilespmem:s16+$0x40]  }
0x15f: {  	v3 =	vld [tilespmem:s16+$0x0]  }
0x160: {  	v52 =	vld [tilespmem:s16+$0x20];
	v51 =	vpop (erf)  }
0x161: {  	v54 =	vld [tilespmem:s16+$0x70];
	v53 =	vbroadcast v51, $0x4  }
0x162: {  	v56 =	vld [tilespmem:s16+$0x30];
	v55 =	vbroadcast v51, $0x0  }
0x163: {  	v58 =	vld [tilespmem:s16+$0x10];
	v57 =	vbroadcast v51, $0x2;
	v2 =	vmul.f32 v2, v53  }
0x164: {  	v1 =	vld [tilespmem:s16+$0x50];
	[tilespmem:s16+$0x80] =	vst v51;
	v59 =	vbroadcast v51, $0x7;
	v3 =	vmul.f32 v55, v3  }
0x165: {  	v60 =	vbroadcast v51, $0x3;
	v5 =	vmul.f32 v57, v52;
	[tilespmem:s16+$0x40] =	vst v2  }
0x166: {  	v61 =	vbroadcast v51, $0x1;
	v7 =	vmul.f32 v54, v59;
	[tilespmem:s16+$0x0] =	vst v3;
	v3 =	vld [tilespmem:s16+$0x60]  }
0x167: {  	v62 =	vmul.f32 v56, v60;
	v2 =	vbroadcast v51, $0x5;
	[tilespmem:s16+$0x20] =	vst v5  }
0x168: {  	v63 =	vmul.f32 v61, v58;
	[tilespmem:s16+$0x70] =	vst v7  }
0x169: {  	[tilespmem:s16+$0x30] =	vst v62;
	v1 =	vmul.f32 v1, v2;
	v2 =	vbroadcast v51, $0x6  }
0x16a: {  	[tilespmem:s16+$0x10] =	vst v63  }
0x16b: {  	s15 =	simm.s32 $0x3960;
	s14 =	simm.s32 $0x76E0;
	s9 =	simm.s32 $0x0;
	[tilespmem:s16+$0x50] =	vst v1;
	v1 =	vmul.f32 v3, v2  }
.LBB2_6:
0x16c: {  	_ = 	snop  }
0x16d: {  	s9 =	sadd.s32 $0x4, s9;
	s15 =	sadd.s32 $0x240, s15;
	s25 =	sadd.s32 $0x40, s25;
	[tilespmem:s16+$0x60] =	vst v1;
	v1 =	vld [tilespmem:s16+$0x110]  }
0x16e: {  	p1 =	slt.u32 s9, $0x60;
	v2 =	vld [tilespmem:s14+$0x10];
	s14 =	smov.u32 s25;
	_ =	sdelay $0x4  }
0x16f: {  	v1 =	vadd.f32 v2, v1;
	_ =	sdelay $0x1  }
0x170: {  	v2 =	vmul.f32 $2.000000030e-01, v1  }
0x171: {  	vm0 =	vge.f32 v1, $0.0e+00  }
0x172: {  	v1 =	vsel vm0, v1, v2  }
0x173: {  	v1 =	vsub.f32 v1, v0;
	_ =	sdelay $0x1  }
0x174: {  	v1 =	vmul.f32 $1.442695020e+00, v1;
	_ =	sdelay $0x1  }
0x175: {  	(erf) = vpow2.f32 v1;
	_ =	sdelay $0x4  }
0x176: {  	v1 =	vld [tilespmem:s16+$0xB0]  }
0x177: {  	v2 =	vld [tilespmem:s16+$0x100]  }
0x178: {  	v3 =	vld [tilespmem:s16+$0xF0]  }
0x179: {  	v4 =	vld [tilespmem:s16+$0xC0]  }
0x17a: {  	v5 =	vld [tilespmem:s16+$0xD0];
	v6 =	vpop (erf)  }
0x17b: {  	[tilespmem:s16+$0x110] =	vst v6;
	v7 =	vbroadcast v6, $0x0;
	v8 =	vbroadcast v6, $0x1;
	v9 =	vld [tilespmem:s16+$0xE0]  }
0x17c: {  	v11 =	vbroadcast v6, $0x2;
	v12 =	vbroadcast v6, $0x3;
	v10 =	vld [tilespmem:s16+$0x90]  }
0x17d: {  	v14 =	vbroadcast v6, $0x4;
	v15 =	vbroadcast v6, $0x5;
	v13 =	vld [tilespmem:s16+$0xA0]  }
0x17e: {  	v4 =	vmul.f32 v4, v12;
	v12 =	vbroadcast v6, $0x6  }
0x17f: {  	v6 =	vbroadcast v6, $0x7;
	v5 =	vmul.f32 v5, v14  }
0x180: {  	[tilespmem:s16+$0xC0] =	vst v4;
	v4 =	vmul.f32 v9, v15;
	v3 =	vmul.f32 v3, v12  }
0x181: {  	v2 =	vmul.f32 v2, v6;
	v7 =	vmul.f32 v7, v10;
	[tilespmem:s16+$0xD0] =	vst v5  }
0x182: {  	v1 =	vmul.f32 v11, v1;
	v5 =	vmul.f32 v8, v13;
	[tilespmem:s16+$0xE0] =	vst v4  }
0x183: {  	[tilespmem:s16+$0x100] =	vst v2  }
0x184: {  	[tilespmem:s16+$0xF0] =	vst v3  }
0x185: {  	[tilespmem:s16+$0x90] =	vst v7  }
0x186: {  	[tilespmem:s16+$0xB0] =	vst v1  }
0x187: {  	v1 =	vld [tilespmem:s15+$0xFFFFFF60];
	[tilespmem:s16+$0xA0] =	vst v5;
	s16 =	smov.u32 s15  }
0x188: {  	v2 =	vld [tilespmem:s25+$0xFFFFFFE0];
	_ =	sdelay $0x4  }
0x189: {  	v1 =	vadd.f32 v2, v1;
	_ =	sdelay $0x1  }
0x18a: {  	v2 =	vmul.f32 $2.000000030e-01, v1  }
0x18b: {  	vm0 =	vge.f32 v1, $0.0e+00  }
0x18c: {  	v1 =	vsel vm0, v1, v2  }
0x18d: {  	v1 =	vsub.f32 v1, v0;
	_ =	sdelay $0x1  }
0x18e: {  	v1 =	vmul.f32 $1.442695020e+00, v1;
	_ =	sdelay $0x1  }
0x18f: {  	(erf) = vpow2.f32 v1;
	_ =	sdelay $0x4  }
0x190: {  	v1 =	vld [tilespmem:s15+$0xFFFFFF40]  }
0x191: {  	v2 =	vld [tilespmem:s15+$0xFFFFFF50]  }
0x192: {  	v3 =	vld [tilespmem:s15+$0xFFFFFF00]  }
0x193: {  	v4 =	vld [tilespmem:s15+$0xFFFFFF10]  }
0x194: {  	v5 =	vld [tilespmem:s15+$0xFFFFFEE0];
	v6 =	vpop (erf)  }
0x195: {  	[tilespmem:s15+$0xFFFFFF60] =	vst v6;
	v7 =	vld [tilespmem:s15+$0xFFFFFEF0];
	v8 =	vbroadcast v6, $0x2;
	v9 =	vbroadcast v6, $0x3  }
0x196: {  	v10 =	vbroadcast v6, $0x0;
	v12 =	vbroadcast v6, $0x7;
	v11 =	vld [tilespmem:s15+$0xFFFFFF30]  }
0x197: {  	v13 =	vbroadcast v6, $0x4;
	v3 =	vmul.f32 v8, v3;
	v8 =	vld [tilespmem:s15+$0xFFFFFF20]  }
0x198: {  	v14 =	vbroadcast v6, $0x1;
	v4 =	vmul.f32 v4, v9  }
0x199: {  	v5 =	vmul.f32 v10, v5;
	[tilespmem:s15+$0xFFFFFF00] =	vst v3;
	v3 =	vbroadcast v6, $0x5  }
0x19a: {  	v7 =	vmul.f32 v14, v7;
	[tilespmem:s15+$0xFFFFFF10] =	vst v4;
	v4 =	vbroadcast v6, $0x6  }
0x19b: {  	v2 =	vmul.f32 v2, v12;
	[tilespmem:s15+$0xFFFFFEE0] =	vst v5;
	v3 =	vmul.f32 v11, v3  }
0x19c: {  	[tilespmem:s15+$0xFFFFFEF0] =	vst v7;
	v5 =	vmul.f32 v8, v13;
	v1 =	vmul.f32 v1, v4  }
0x19d: {  	[tilespmem:s15+$0xFFFFFF50] =	vst v2  }
0x19e: {  	[tilespmem:s15+$0xFFFFFF20] =	vst v5  }
0x19f: {  	[tilespmem:s15+$0xFFFFFF30] =	vst v3  }
0x1a0: {  	[tilespmem:s15+$0xFFFFFF40] =	vst v1;
	v1 =	vld [tilespmem:s15+$0xFFFFFFF0]  }
0x1a1: {  	v2 =	vld [tilespmem:s25+$0xFFFFFFF0];
	_ =	sdelay $0x4  }
0x1a2: {  	v1 =	vadd.f32 v2, v1;
	_ =	sdelay $0x1  }
0x1a3: {  	v2 =	vmul.f32 $2.000000030e-01, v1  }
0x1a4: {  	vm0 =	vge.f32 v1, $0.0e+00  }
0x1a5: {  	v1 =	vsel vm0, v1, v2  }
0x1a6: {  	v1 =	vsub.f32 v1, v0;
	_ =	sdelay $0x1  }
0x1a7: {  	v1 =	vmul.f32 $1.442695020e+00, v1;
	_ =	sdelay $0x1  }
0x1a8: {  	(erf) = vpow2.f32 v1;
	_ =	sdelay $0x4  }
0x1a9: {  	v1 =	vld [tilespmem:s15+$0xFFFFFFB0]  }
0x1aa: {  	v2 =	vld [tilespmem:s15+$0xFFFFFFD0]  }
0x1ab: {  	v3 =	vld [tilespmem:s15+$0xFFFFFFE0]  }
0x1ac: {  	v4 =	vld [tilespmem:s15+$0xFFFFFF90]  }
0x1ad: {  	v5 =	vld [tilespmem:s15+$0xFFFFFFC0];
	v6 =	vpop (erf)  }
0x1ae: {  	[tilespmem:s15+$0xFFFFFFF0] =	vst v6;
	v7 =	vbroadcast v6, $0x0;
	v8 =	vld [tilespmem:s15+$0xFFFFFF80];
	v9 =	vbroadcast v6, $0x7  }
0x1af: {  	v11 =	vbroadcast v6, $0x2;
	v12 =	vbroadcast v6, $0x6;
	v10 =	vld [tilespmem:s15+$0xFFFFFF70]  }
0x1b0: {  	v14 =	vbroadcast v6, $0x5;
	v13 =	vld [tilespmem:s15+$0xFFFFFFA0];
	v3 =	vmul.f32 v3, v9  }
0x1b1: {  	v2 =	vmul.f32 v2, v12;
	v4 =	vmul.f32 v11, v4  }
0x1b2: {  	v9 =	vbroadcast v6, $0x1;
	v5 =	vmul.f32 v5, v14;
	[tilespmem:s15+$0xFFFFFFE0] =	vst v3  }
0x1b3: {  	v3 =	vbroadcast v6, $0x3;
	[tilespmem:s15+$0xFFFFFF90] =	vst v4;
	v4 =	vbroadcast v6, $0x4  }
0x1b4: {  	v6 =	vmul.f32 v7, v10;
	v7 =	vmul.f32 v9, v8;
	[tilespmem:s15+$0xFFFFFFC0] =	vst v5  }
0x1b5: {  	v3 =	vmul.f32 v13, v3;
	v1 =	vmul.f32 v1, v4  }
0x1b6: {  	[tilespmem:s15+$0xFFFFFF80] =	vst v7  }
0x1b7: {  	[tilespmem:s15+$0xFFFFFFA0] =	vst v3  }
0x1b8: {  	[tilespmem:s15+$0xFFFFFF70] =	vst v6  }
0x1b9: {  	[tilespmem:s15+$0xFFFFFFB0] =	vst v1  }
0x1ba: {  	[tilespmem:s15+$0xFFFFFFD0] =	vst v2;
	v1 =	vld [tilespmem:s15+$0x80]  }
0x1bb: {  	v2 =	vld [tilespmem:s25+$0x0];
	_ =	sdelay $0x4  }
0x1bc: {  	v1 =	vadd.f32 v2, v1;
	_ =	sdelay $0x1  }
0x1bd: {  	v2 =	vmul.f32 $2.000000030e-01, v1  }
0x1be: {  	vm0 =	vge.f32 v1, $0.0e+00  }
0x1bf: {  	v1 =	vsel vm0, v1, v2  }
0x1c0: {  	v1 =	vsub.f32 v1, v0;
	_ =	sdelay $0x1  }
0x1c1: {  	v1 =	vmul.f32 $1.442695020e+00, v1;
	_ =	sdelay $0x1  }
0x1c2: {  	(erf) = vpow2.f32 v1;
	_ =	sdelay $0x5  }
0x1c3: {  	v1 =	vld [tilespmem:s15+$0x50]  }
0x1c4: {  	v2 =	vld [tilespmem:s15+$0x40]  }
0x1c5: {  	v3 =	vld [tilespmem:s15+$0x0]  }
0x1c6: {  	v4 =	vld [tilespmem:s15+$0x20];
	v5 =	vpop (erf)  }
0x1c7: {  	[tilespmem:s15+$0x80] =	vst v5;
	v6 =	vbroadcast v5, $0x0;
	v7 =	vbroadcast v5, $0x4;
	v8 =	vld [tilespmem:s15+$0x70]  }
0x1c8: {  	v9 =	vbroadcast v5, $0x1;
	v11 =	vbroadcast v5, $0x3;
	v10 =	vld [tilespmem:s15+$0x30]  }
0x1c9: {  	v13 =	vbroadcast v5, $0x2;
	v12 =	vld [tilespmem:s15+$0x10];
	v2 =	vmul.f32 v2, v7  }
0x1ca: {  	v3 =	vmul.f32 v6, v3;
	v6 =	vbroadcast v5, $0x7  }
0x1cb: {  	v4 =	vmul.f32 v13, v4;
	[tilespmem:s15+$0x40] =	vst v2;
	v2 =	vbroadcast v5, $0x5  }
0x1cc: {  	v5 =	vbroadcast v5, $0x6;
	[tilespmem:s15+$0x0] =	vst v3;
	v3 =	vld [tilespmem:s15+$0x60];
	v6 =	vmul.f32 v8, v6  }
.Ltmp5:
0x1cd: {  	[tilespmem:s15+$0x20] =	vst v4;
	v4 =	vmul.f32 v10, v11;
	(pc) =	sbr.rel @p1 .LBB2_6-.Ltmp5, $4  }
0x1ce: {  	v1 =	vmul.f32 v1, v2;
	v7 =	vmul.f32 v9, v12;
	[tilespmem:s15+$0x70] =	vst v6  }
0x1cf: {  	[tilespmem:s15+$0x30] =	vst v4  }
0x1d0: {  	[tilespmem:s15+$0x50] =	vst v1  }
0x1d1: {  	[tilespmem:s15+$0x10] =	vst v7;
	v1 =	vmul.f32 v3, v5  }
0x1d2: {  	_ = 	snop  }
0x1d3: {  	[tilespmem:s16+$0x60] =	vst v1;
	v1 =	vld [tilespmem:s16+$0x110]  }
0x1d4: {  	v2 =	vld [tilespmem:s14+$0x10];
	_ =	sdelay $0x4  }
0x1d5: {  	v1 =	vadd.f32 v2, v1;
	_ =	sdelay $0x1  }
0x1d6: {  	v2 =	vmul.f32 $2.000000030e-01, v1  }
0x1d7: {  	vm0 =	vge.f32 v1, $0.0e+00  }
0x1d8: {  	v1 =	vsel vm0, v1, v2  }
0x1d9: {  	v1 =	vsub.f32 v1, v0;
	_ =	sdelay $0x1  }
0x1da: {  	v1 =	vmul.f32 $1.442695020e+00, v1;
	_ =	sdelay $0x1  }
0x1db: {  	(erf) = vpow2.f32 v1;
	_ =	sdelay $0x6  }
0x1dc: {  	v3 =	vld [tilespmem:s16+$0xC0]  }
0x1dd: {  	v5 =	vld [tilespmem:s16+$0xD0]  }
0x1de: {  	v1 =	vld [tilespmem:s16+$0x100];
	v4 =	vpop (erf)  }
0x1df: {  	v6 =	vld [tilespmem:s16+$0xE0];
	v7 =	vbroadcast v4, $0x3  }
0x1e0: {  	v2 =	vld [tilespmem:s16+$0xF0];
	v9 =	vbroadcast v4, $0x4  }
0x1e1: {  	v10 =	vld [tilespmem:s16+$0x90];
	v60 =	vbroadcast v4, $0x7;
	v3 =	vmul.f32 v3, v7  }
0x1e2: {  	v8 =	vld [tilespmem:s16+$0xB0];
	[tilespmem:s16+$0x110] =	vst v4;
	v11 =	vbroadcast v4, $0x5;
	v5 =	vmul.f32 v5, v9  }
0x1e3: {  	v59 =	vld [tilespmem:s16+$0xA0];
	v12 =	vbroadcast v4, $0x6;
	v1 =	vmul.f32 v1, v60;
	[tilespmem:s16+$0xC0] =	vst v3  }
0x1e4: {  	v61 =	vbroadcast v4, $0x0;
	v3 =	vmul.f32 v6, v11;
	[tilespmem:s16+$0xD0] =	vst v5  }
0x1e5: {  	v62 =	vbroadcast v4, $0x2;
	v2 =	vmul.f32 v2, v12;
	[tilespmem:s16+$0x100] =	vst v1  }
0x1e6: {  	v63 =	vmul.f32 v61, v10;
	[tilespmem:s16+$0xE0] =	vst v3;
	v3 =	vbroadcast v4, $0x1  }
0x1e7: {  	v1 =	vmul.f32 v62, v8;
	[tilespmem:s16+$0xF0] =	vst v2  }
0x1e8: {  	[tilespmem:s16+$0x90] =	vst v63;
	v2 =	vmul.f32 v3, v59  }
0x1e9: {  	p1 =	seq.s32 s12, $0x9;
	[tilespmem:s16+$0xB0] =	vst v1  }
.Ltmp6:
0x1ea: {  	s9 =	sadd.s32 $0x8588, s13;
	[tilespmem:s16+$0xA0] =	vst v2;
	(pc) =	sbr.rel @p1 .LBB2_9-.Ltmp6, $4  }
0x1eb: {  	[spmem:s2] =	stream.indirect.scatter.add.f32 [tilespmem:s24], [sflag:$0x6], $0x90, s9, s21, $0xb8;
	[tilespmem:$0x1ECE0] =	vst v63  }
0x1ec: {  	_ =	swait.ge [sflag:s4], $0x3840  }
0x1ed: {  	[sflag:s4] =	ssyncset.done $0x0  }
0x1ee: {  	[sflag:s4] =	ssyncadd.s32 $0xFFFFC7C0  }
0x1ef: {  	s9 =	smul.u32 $0xD0, s12;
	_ =	sdelay $0x1  }
0x1f0: {  	s13 =	sadd.s32 $0x7DD0, s9  }
0x1f1: {  	[tilespmem:s3], [sflag:$0x1] =	stream.indirect.gather [hbm4b:s5+s21], $0x90, s13, s21, $0xb8;
	[tilespmem:$0x1ECE0] =	vst v63  }
0x1f2: {  	s16 =	sadd.s32 $0x85F0, s9  }
0x1f3: {  	[tilespmem:s22], [sflag:$0x3] =	stream.indirect.gather [hbm4b:s6+s21], $0x10, s16, s21, $0xb8;
	[tilespmem:$0x1ECE0] =	vst v63  }
0x1f4: {  	_ =	swait.ge [sflag:s1], $0x3840  }
.Ltmp7:
0x1f5: {  	[sflag:s1] =	ssyncset.done $0x0;
	(pc) =	sbr.rel .LBB2_3-.Ltmp7, $4  }
0x1f6: {  	s25 =	sadd.s32 $0x7E38, s9;
	[sflag:s1] =	ssyncadd.s32 $0xFFFFC7C0  }
0x1f7: {  	[tilespmem:s24], [sflag:$0x2] =	stream.indirect.gather [hbm4b:s5+s21], $0x90, s25, s21, $0xb8;
	[tilespmem:$0x1ECE0] =	vst v63  }
0x1f8: {  	s12 =	sadd.s32 $0x1, s12;
	s9 =	sadd.s32 $0x8658, s9  }
0x1f9: {  	[tilespmem:s28], [sflag:$0x4] =	stream.indirect.gather [hbm4b:s6+s21], $0x10, s9, s21, $0xb8;
	[tilespmem:$0x1ECE0] =	vst v63  }
.LBB2_11:
0x1fa: {  	_ =	sfence.sel $0x180000  }
0x1fb: {  	[bflag:$0x0] =	sbarrier.arrive $0xFFFF  }
0x1fc: {  	_ =	strace $0x90000047  }
0x1fd: {  	s0 =	stileid.u32;
	[bflag:$0x2] =	sbarrier.arrive $0xFFFF  }
0x1fe: {  	p0 =	sne.s32 s0, $0x0;
	s0 =	rddreg [dreg:$0x3]  }
0x1ff: {  	s0 =	sadd.s32 @!p0 $0x100000, s0  }
0x200: {  	[sflag:s0] =	ssyncadd.tile.s32 @!p0 $0x1;
	_ =	shalt  }
.Lfunc_end2:
_tile_overlayer_lowered:
.L_overlay_start_2:
0x201: {  	(tag) =	ssettag $0x2  }
0x202: {  	s0 =	rddreg [dreg:$0x0];
	s2 =	stileid.u32  }
0x203: {  	s1 =	rddreg [dreg:$0x1];
	p0 =	sne.s32 s2, $0x0  }
0x204: {  	s3 =	rddreg [dreg:$0x2];
	[bflag:$0x3] =	sbarrier.arrive $0xFFFF;
	s2 =	simm.s32 @!p0 $0x1C07  }
0x205: {  	[timem:s3], [sflag:s2] =	dma.local @!p0 [hbm:s0], s1  }
0x206: {  	s0 =	simm.s32 @!p0 $0x7  }
0x207: {  	_ =	swait.ge @!p0 [sflag:s0], s1  }
0x208: {  	s1 =	ssub.s32 @!p0 $0x0, s1;
	[sflag:s0] =	ssyncset.done @!p0 $0x0  }
0x209: {  	[sflag:s0] =	ssyncadd.s32 @!p0 s1  }
0x20a: {  	[bflag:$0x3] =	sbarrier.arrive $0xFFFF  }
0x20b: {  	_ =	shalt  }

</sc_bundles>
